<compile_context>
chip_gen: v7x
topology: tpu7x:2x2x1
jax: 0.10.2.dev20260603
libtpu: 0.0.44.dev20260713+nightly
codegen_flags: <defaults>
</compile_context>

<pallas_src>
import functools

import jax
import jax.numpy as jnp
from jax import lax
from jax.experimental import pallas as pl
from jax.experimental.pallas import tpu as pltpu
from jax.experimental.pallas import tpu_sc as plsc

N_NODES = 10000
N_EDGES = 320000
F = 128

NC = 2
NS = 16
NW = NC * NS
CHUNK = 96
CPW = 105
NQ = 5
QC = CPW // NQ
E_PAD = NW * CPW * CHUNK
ACC_ROWS = 10112
RPT_Z = ACC_ROWS // NS
RPT_O = 624
TAIL_O = N_NODES - NS * RPT_O
ROW_BLK = N_NODES // 10


def _matmul_body(x_ref, w_ref, o_ref):
    o_ref[...] = jnp.dot(x_ref[...], w_ref[...],
                         preferred_element_type=jnp.float32)


def _matmul(x, w):
    return pl.pallas_call(
        _matmul_body,
        grid=(10,),
        in_specs=[
            pl.BlockSpec((ROW_BLK, F), lambda i: (i, 0)),
            pl.BlockSpec((F, F), lambda i: (0, 0)),
        ],
        out_specs=pl.BlockSpec((ROW_BLK, F), lambda i: (i, 0)),
        out_shape=jax.ShapeDtypeStruct((N_NODES, F), jnp.float32),
    )(x, w)


def _combine_body(p_ref, b_ref, o_ref):
    o_ref[...] = p_ref[0] + p_ref[1] + b_ref[...]


def _combine(p, b2d):
    return pl.pallas_call(
        _combine_body,
        grid=(10,),
        in_specs=[
            pl.BlockSpec((NC, ROW_BLK, F), lambda i: (0, i, 0)),
            pl.BlockSpec((1, F), lambda i: (0, 0)),
        ],
        out_specs=pl.BlockSpec((ROW_BLK, F), lambda i: (i, 0)),
        out_shape=jax.ShapeDtypeStruct((N_NODES, F), jnp.float32),
    )(p, b2d)


NBUF = 3
NGRP_Q = QC // NBUF


def _sc_scatter(h, sd2d, zeros):
    mesh = plsc.VectorSubcoreMesh(core_axis_name="c", subcore_axis_name="s")

    @functools.partial(
        pl.kernel,
        mesh=mesh,
        out_type=jax.ShapeDtypeStruct((NC, N_NODES, F), jnp.float32),
        scratch_types=[
            pltpu.VMEM((2, QC, 2, CHUNK), jnp.int32),
            pltpu.VMEM((NBUF, CHUNK, F), jnp.float32),
            pltpu.VMEM_SHARED((ACC_ROWS, F), jnp.float32),
            [pltpu.SemaphoreType.DMA] * NBUF,
            pltpu.SemaphoreType.DMA,
        ],
    )
    def k(h_hbm, sd_hbm, z_hbm, out_hbm, idx_v, rows_v, acc, gsem, isem):
        cid = lax.axis_index("c")
        sid = lax.axis_index("s")
        wid = sid * NC + cid

        pltpu.sync_copy(z_hbm, acc.at[pl.ds(sid * RPT_Z, RPT_Z)])
        plsc.subcore_barrier()

        def _gather(ip, c, b):
            return pltpu.make_async_copy(h_hbm.at[idx_v.at[ip, c, 0]],
                                         rows_v.at[b], gsem[b])

        def _idx_load(q, ip):
            return pltpu.make_async_copy(
                sd_hbm.at[pl.ds(wid * CPW + q * QC, QC)], idx_v.at[ip], isem)

        _idx_load(0, 0).start()
        _idx_load(0, 0).wait()
        for b in range(NBUF):
            _gather(0, b, b).start()

        for q in range(NQ):
            ip, ipn = q % 2, (q + 1) % 2
            if q + 1 < NQ:
                _idx_load(q + 1, ipn).start()

            def body(g, carry):
                c0 = g * NBUF
                for b in range(NBUF):
                    _gather(ip, c0 + b, b).wait()
                    pltpu.sync_copy(rows_v.at[b],
                                    acc.at[idx_v.at[ip, c0 + b, 1]], add=True)

                    if q + 1 < NQ:
                        @pl.when(g + 1 < NGRP_Q)
                        def _():
                            _gather(ip, c0 + NBUF + b, b).start()

                        @pl.when(g + 1 == NGRP_Q)
                        def _():
                            if b == 0:
                                _idx_load(q + 1, ipn).wait()
                            _gather(ipn, b, b).start()
                    else:
                        @pl.when(g + 1 < NGRP_Q)
                        def _():
                            _gather(ip, c0 + NBUF + b, b).start()

                return carry

            lax.fori_loop(0, NGRP_Q, body, None)

        plsc.subcore_barrier()

        pltpu.sync_copy(acc.at[pl.ds(sid * RPT_O, RPT_O)],
                        out_hbm.at[cid, pl.ds(sid * RPT_O, RPT_O)])

        @pl.when(sid == 0)
        def _():
            pltpu.sync_copy(acc.at[pl.ds(NS * RPT_O, TAIL_O)],
                            out_hbm.at[cid, pl.ds(NS * RPT_O, TAIL_O)])

    return k(h, sd2d, zeros)


def kernel(edge_index, features, weight, bias):
    ei = edge_index.astype(jnp.int32)
    pad = E_PAD - N_EDGES
    src = jnp.concatenate([ei[0], jnp.arange(pad, dtype=jnp.int32) % N_NODES])
    dst = jnp.concatenate([ei[1], jnp.full((pad,), N_NODES, jnp.int32)])
    sd2d = jnp.stack([src.reshape(NW * CPW, CHUNK),
                      dst.reshape(NW * CPW, CHUNK)], axis=1)
    h = _matmul(features, weight)
    zeros = jnp.zeros((RPT_Z, F), jnp.float32)
    p = _sc_scatter(h, sd2d, zeros)
    return _combine(p, bias.reshape(1, F))

# --- scband reference (transcript-rebuilt; emitter-appended) ---
"""Pipeline reference for scband-gcnlayer-17523466568234 (READ-ONLY COPY).

The authoritative reference and input builder live on the scoring server;
editing this copy changes nothing except your own understanding.
"""

import jax, jax.numpy as jnp
import numpy as np

N_NODES = 10000
N_EDGES = 320000
IN_FEATS = 128
OUT_FEATS = 128

def setup_inputs(seed: int = 0) -> dict:
    key = jax.random.key(seed)
    k1, k2, k3 = jax.random.split(key, 3)
    edge_index = jax.random.randint(k1, (2, N_EDGES), 0, N_NODES, dtype=jnp.int64) if jax.config.jax_enable_x64 else jax.random.randint(k1, (2, N_EDGES), 0, N_NODES).astype(jnp.int32)
    features = jax.random.normal(k2, (N_NODES, IN_FEATS), dtype=jnp.float32)
    weight = jax.random.normal(k3, (IN_FEATS, OUT_FEATS), dtype=jnp.float32) * 0.01
    bias = jnp.zeros((OUT_FEATS,), dtype=jnp.float32)
    return {"edge_index": edge_index, "features": features, "weight": weight, "bias": bias}

def reference(edge_index, features, weight, bias):
    # h = features @ W
    h = jnp.matmul(features, weight)
    # DGL update_all(copy_u('h','m'), sum('m','h')): for each edge (src,dst),
    # gather h[src] and scatter-add into dst.
    src = edge_index[0]
    dst = edge_index[1]
    msgs = jnp.take(h, src, axis=0)
    h_agg = jax.ops.segment_sum(msgs, dst, num_segments=N_NODES)
    return h_agg + bias

if __name__ == "__main__":
    import jax
    _d = setup_inputs()
    print(jax.jit(kernel)(*tuple(_d.values())))

</pallas_src>

<mosaic_0001>
#map = affine_map<(d0, d1) -> (0, 0)>
#map1 = affine_map<(d0, d1) -> (0, 0, 0)>
module attributes {stable_mosaic.version = 14 : i64} {
  func.func @k(%arg0: i32, %arg1: i32, %arg2: memref<10000x128xf32, #tpu.memory_space<hbm>>, %arg3: memref<3360x2x96xi32, #tpu.memory_space<hbm>>, %arg4: memref<632x128xf32, #tpu.memory_space<hbm>>, %arg5: memref<2x10000x128xf32, #tpu.memory_space<hbm>>, %arg6: memref<2x21x2x96xi32, #tpu.memory_space<vmem>>, %arg7: memref<3x96x128xf32, #tpu.memory_space<vmem>>, %arg8: memref<10112x128xf32, #tpu.memory_space<vmem_shared>>, %arg9: memref<!tpu.dma_semaphore, #tpu.memory_space<semaphore_mem>>, %arg10: memref<!tpu.dma_semaphore, #tpu.memory_space<semaphore_mem>>, %arg11: memref<!tpu.dma_semaphore, #tpu.memory_space<semaphore_mem>>, %arg12: memref<!tpu.dma_semaphore, #tpu.memory_space<semaphore_mem>>) attributes {dimension_semantics = [#tpu.dimension_semantics<core_parallel>, #tpu.dimension_semantics<subcore_parallel>], iteration_bounds = array<i64: 2, 16>, scalar_prefetch = 0 : i64, scratch_operands = 7 : i64, tpu.core_type = #tpu.core_type<sc_vector_subcore>, window_params = [{transform_indices = #map}, {transform_indices = #map1}, {transform_indices = #map}, {transform_indices = #map1}]} {
    %mul3A = arith.constant 2 : i32
    %mul3A_0 = arith.muli %arg1, %mul3A : i32
    %add3A = arith.addi %mul3A_0, %arg0 : i32
    %mul3A_1 = arith.constant 632 : i32
    %mul3A_2 = arith.muli %arg1, %mul3A_1 : i32
    "tpu.region"() ({
      %run_scoped3A = tpu.sem_alloc : memref<!tpu.dma_semaphore, #tpu.memory_space<semaphore_mem>>
      %dma_start3A_200 = arith.constant 0 : i32
      %dma_start3A_201 = tpu.memref_slice %arg8[%mul3A_2, %dma_start3A_200] : memref<10112x128xf32, #tpu.memory_space<vmem_shared>> -> memref<632x128xf32, #tpu.memory_space<vmem_shared>>
      tpu.enqueue_dma source(%arg4 : memref<632x128xf32, #tpu.memory_space<hbm>>) target(%dma_start3A_201 : memref<632x128xf32, #tpu.memory_space<vmem_shared>>) target_semaphore(%run_scoped3A : memref<!tpu.dma_semaphore, #tpu.memory_space<semaphore_mem>>)
      %dma_wait3A_202 = arith.constant 0 : i32
      %dma_wait3A_203 = tpu.memref_slice %arg8[%mul3A_2, %dma_wait3A_202] : memref<10112x128xf32, #tpu.memory_space<vmem_shared>> -> memref<632x128xf32, #tpu.memory_space<vmem_shared>>
      tpu.wait_dma2 semaphore(%run_scoped3A : memref<!tpu.dma_semaphore, #tpu.memory_space<semaphore_mem>>) src(%arg4 : memref<632x128xf32, #tpu.memory_space<hbm>>) dst(%dma_wait3A_203 : memref<632x128xf32, #tpu.memory_space<vmem_shared>>)
      tpu.yield
    }) : () -> ()
    %barrier3A = arith.constant 0 : index
    tpu.barrier barrier_id(%barrier3A)
    %mul3A_3 = arith.constant 105 : i32
    %mul3A_4 = arith.muli %add3A, %mul3A_3 : i32
    %add3A_5 = arith.constant 0 : i32
    %add3A_6 = arith.addi %mul3A_4, %add3A_5 : i32
    %dma_start3A = arith.constant 0 : i32
    %dma_start3A_7 = arith.constant 0 : i32
    %dma_start3A_8 = arith.constant 0 : i32
    %dma_start3A_9 = arith.constant 0 : i32
    %dma_start3A_10 = tpu.memref_slice %arg6[%dma_start3A, %dma_start3A_7, %dma_start3A_8, %dma_start3A_9] : memref<2x21x2x96xi32, #tpu.memory_space<vmem>> -> memref<1x21x2x96xi32, #tpu.memory_space<vmem>>
    %dma_start3A_11 = tpu.memref_squeeze %dma_start3A_10 : memref<1x21x2x96xi32, #tpu.memory_space<vmem>> -> memref<21x2x96xi32, #tpu.memory_space<vmem>>
    %dma_start3A_12 = arith.constant 0 : i32
    %dma_start3A_13 = arith.constant 0 : i32
    %dma_start3A_14 = tpu.memref_slice %arg3[%add3A_6, %dma_start3A_12, %dma_start3A_13] : memref<3360x2x96xi32, #tpu.memory_space<hbm>> -> memref<21x2x96xi32, #tpu.memory_space<hbm>>
    %dma_start3A_15 = arith.constant 0 : i32
    %dma_start3A_16 = arith.constant 0 : i32
    %dma_start3A_17 = arith.constant 0 : i32
    %dma_start3A_18 = tpu.memref_slice %arg6[%dma_start3A, %dma_start3A_15, %dma_start3A_16, %dma_start3A_17] : memref<2x21x2x96xi32, #tpu.memory_space<vmem>> -> memref<1x21x2x96xi32, #tpu.memory_space<vmem>>
    %dma_start3A_19 = tpu.memref_squeeze %dma_start3A_18 : memref<1x21x2x96xi32, #tpu.memory_space<vmem>> -> memref<21x2x96xi32, #tpu.memory_space<vmem>>
    %dma_start3A_20 = arith.constant 0 : i32
    %dma_start3A_21 = arith.constant 0 : i32
    %dma_start3A_22 = tpu.memref_slice %arg3[%add3A_6, %dma_start3A_20, %dma_start3A_21] : memref<3360x2x96xi32, #tpu.memory_space<hbm>> -> memref<21x2x96xi32, #tpu.memory_space<hbm>>
    tpu.enqueue_dma source(%dma_start3A_22 : memref<21x2x96xi32, #tpu.memory_space<hbm>>) target(%dma_start3A_19 : memref<21x2x96xi32, #tpu.memory_space<vmem>>) target_semaphore(%arg12 : memref<!tpu.dma_semaphore, #tpu.memory_space<semaphore_mem>>)
    %mul3A_23 = arith.constant 105 : i32
    %mul3A_24 = arith.muli %add3A, %mul3A_23 : i32
    %add3A_25 = arith.constant 0 : i32
    %add3A_26 = arith.addi %mul3A_24, %add3A_25 : i32
    %dma_wait3A = arith.constant 0 : i32
    %dma_wait3A_27 = arith.constant 0 : i32
    %dma_wait3A_28 = arith.constant 0 : i32
    %dma_wait3A_29 = arith.constant 0 : i32
    %dma_wait3A_30 = tpu.memref_slice %arg6[%dma_wait3A, %dma_wait3A_27, %dma_wait3A_28, %dma_wait3A_29] : memref<2x21x2x96xi32, #tpu.memory_space<vmem>> -> memref<1x21x2x96xi32, #tpu.memory_space<vmem>>
    %dma_wait3A_31 = tpu.memref_squeeze %dma_wait3A_30 : memref<1x21x2x96xi32, #tpu.memory_space<vmem>> -> memref<21x2x96xi32, #tpu.memory_space<vmem>>
    %dma_wait3A_32 = arith.constant 0 : i32
    %dma_wait3A_33 = arith.constant 0 : i32
    %dma_wait3A_34 = tpu.memref_slice %arg3[%add3A_26, %dma_wait3A_32, %dma_wait3A_33] : memref<3360x2x96xi32, #tpu.memory_space<hbm>> -> memref<21x2x96xi32, #tpu.memory_space<hbm>>
    %dma_wait3A_35 = arith.constant 0 : i32
    %dma_wait3A_36 = arith.constant 0 : i32
    %dma_wait3A_37 = arith.constant 0 : i32
    %dma_wait3A_38 = tpu.memref_slice %arg6[%dma_wait3A, %dma_wait3A_35, %dma_wait3A_36, %dma_wait3A_37] : memref<2x21x2x96xi32, #tpu.memory_space<vmem>> -> memref<1x21x2x96xi32, #tpu.memory_space<vmem>>
    %dma_wait3A_39 = tpu.memref_squeeze %dma_wait3A_38 : memref<1x21x2x96xi32, #tpu.memory_space<vmem>> -> memref<21x2x96xi32, #tpu.memory_space<vmem>>
    %dma_wait3A_40 = arith.constant 0 : i32
    %dma_wait3A_41 = arith.constant 0 : i32
    %dma_wait3A_42 = tpu.memref_slice %arg3[%add3A_26, %dma_wait3A_40, %dma_wait3A_41] : memref<3360x2x96xi32, #tpu.memory_space<hbm>> -> memref<21x2x96xi32, #tpu.memory_space<hbm>>
    tpu.wait_dma2 semaphore(%arg12 : memref<!tpu.dma_semaphore, #tpu.memory_space<semaphore_mem>>) src(%dma_wait3A_42 : memref<21x2x96xi32, #tpu.memory_space<hbm>>) dst(%dma_wait3A_39 : memref<21x2x96xi32, #tpu.memory_space<vmem>>)
    %dma_start3A_43 = arith.constant 0 : i32
    %dma_start3A_44 = arith.constant 0 : i32
    %dma_start3A_45 = arith.constant 0 : i32
    %dma_start3A_46 = arith.constant 0 : i32
    %dma_start3A_47 = arith.constant 0 : i32
    %dma_start3A_48 = arith.constant 0 : i32
    %dma_start3A_49 = tpu.memref_slice %arg7[%dma_start3A_46, %dma_start3A_47, %dma_start3A_48] : memref<3x96x128xf32, #tpu.memory_space<vmem>> -> memref<1x96x128xf32, #tpu.memory_space<vmem>>
    %dma_start3A_50 = tpu.memref_squeeze %dma_start3A_49 : memref<1x96x128xf32, #tpu.memory_space<vmem>> -> memref<96x128xf32, #tpu.memory_space<vmem>>
    %dma_start3A_51 = arith.constant 0 : i32
    %dma_start3A_52 = tpu.memref_slice %arg6[%dma_start3A_43, %dma_start3A_44, %dma_start3A_45, %dma_start3A_51] : memref<2x21x2x96xi32, #tpu.memory_space<vmem>> -> memref<1x1x1x96xi32, #tpu.memory_space<vmem>>
    %dma_start3A_53 = tpu.memref_squeeze %dma_start3A_52 : memref<1x1x1x96xi32, #tpu.memory_space<vmem>> -> memref<96xi32, #tpu.memory_space<vmem>>
    %dma_start3A_54 = arith.constant 0 : i32
    %dma_start3A_55 = arith.constant 0 : i32
    %dma_start3A_56 = tpu.memref_slice %arg2[%dma_start3A_54, %dma_start3A_55] : memref<10000x128xf32, #tpu.memory_space<hbm>> -> memref<10000x128xf32, #tpu.memory_space<hbm>>
    tpu.enqueue_indirect_dma source(%dma_start3A_56 : memref<10000x128xf32, #tpu.memory_space<hbm>>) target(%dma_start3A_50 : memref<96x128xf32, #tpu.memory_space<vmem>>) offsets(%dma_start3A_53 : memref<96xi32, #tpu.memory_space<vmem>>) semaphore(%arg9 : memref<!tpu.dma_semaphore, #tpu.memory_space<semaphore_mem>>)
    %dma_start3A_57 = arith.constant 0 : i32
    %dma_start3A_58 = arith.constant 1 : i32
    %dma_start3A_59 = arith.constant 0 : i32
    %dma_start3A_60 = arith.constant 1 : i32
    %dma_start3A_61 = arith.constant 0 : i32
    %dma_start3A_62 = arith.constant 0 : i32
    %dma_start3A_63 = tpu.memref_slice %arg7[%dma_start3A_60, %dma_start3A_61, %dma_start3A_62] : memref<3x96x128xf32, #tpu.memory_space<vmem>> -> memref<1x96x128xf32, #tpu.memory_space<vmem>>
    %dma_start3A_64 = tpu.memref_squeeze %dma_start3A_63 : memref<1x96x128xf32, #tpu.memory_space<vmem>> -> memref<96x128xf32, #tpu.memory_space<vmem>>
    %dma_start3A_65 = arith.constant 0 : i32
    %dma_start3A_66 = tpu.memref_slice %arg6[%dma_start3A_57, %dma_start3A_58, %dma_start3A_59, %dma_start3A_65] : memref<2x21x2x96xi32, #tpu.memory_space<vmem>> -> memref<1x1x1x96xi32, #tpu.memory_space<vmem>>
    %dma_start3A_67 = tpu.memref_squeeze %dma_start3A_66 : memref<1x1x1x96xi32, #tpu.memory_space<vmem>> -> memref<96xi32, #tpu.memory_space<vmem>>
    %dma_start3A_68 = arith.constant 0 : i32
    %dma_start3A_69 = arith.constant 0 : i32
    %dma_start3A_70 = tpu.memref_slice %arg2[%dma_start3A_68, %dma_start3A_69] : memref<10000x128xf32, #tpu.memory_space<hbm>> -> memref<10000x128xf32, #tpu.memory_space<hbm>>
    tpu.enqueue_indirect_dma source(%dma_start3A_70 : memref<10000x128xf32, #tpu.memory_space<hbm>>) target(%dma_start3A_64 : memref<96x128xf32, #tpu.memory_space<vmem>>) offsets(%dma_start3A_67 : memref<96xi32, #tpu.memory_space<vmem>>) semaphore(%arg10 : memref<!tpu.dma_semaphore, #tpu.memory_space<semaphore_mem>>)
    %dma_start3A_71 = arith.constant 0 : i32
    %dma_start3A_72 = arith.constant 2 : i32
    %dma_start3A_73 = arith.constant 0 : i32
    %dma_start3A_74 = arith.constant 2 : i32
    %dma_start3A_75 = arith.constant 0 : i32
    %dma_start3A_76 = arith.constant 0 : i32
    %dma_start3A_77 = tpu.memref_slice %arg7[%dma_start3A_74, %dma_start3A_75, %dma_start3A_76] : memref<3x96x128xf32, #tpu.memory_space<vmem>> -> memref<1x96x128xf32, #tpu.memory_space<vmem>>
    %dma_start3A_78 = tpu.memref_squeeze %dma_start3A_77 : memref<1x96x128xf32, #tpu.memory_space<vmem>> -> memref<96x128xf32, #tpu.memory_space<vmem>>
    %dma_start3A_79 = arith.constant 0 : i32
    %dma_start3A_80 = tpu.memref_slice %arg6[%dma_start3A_71, %dma_start3A_72, %dma_start3A_73, %dma_start3A_79] : memref<2x21x2x96xi32, #tpu.memory_space<vmem>> -> memref<1x1x1x96xi32, #tpu.memory_space<vmem>>
    %dma_start3A_81 = tpu.memref_squeeze %dma_start3A_80 : memref<1x1x1x96xi32, #tpu.memory_space<vmem>> -> memref<96xi32, #tpu.memory_space<vmem>>
    %dma_start3A_82 = arith.constant 0 : i32
    %dma_start3A_83 = arith.constant 0 : i32
    %dma_start3A_84 = tpu.memref_slice %arg2[%dma_start3A_82, %dma_start3A_83] : memref<10000x128xf32, #tpu.memory_space<hbm>> -> memref<10000x128xf32, #tpu.memory_space<hbm>>
    tpu.enqueue_indirect_dma source(%dma_start3A_84 : memref<10000x128xf32, #tpu.memory_space<hbm>>) target(%dma_start3A_78 : memref<96x128xf32, #tpu.memory_space<vmem>>) offsets(%dma_start3A_81 : memref<96xi32, #tpu.memory_space<vmem>>) semaphore(%arg11 : memref<!tpu.dma_semaphore, #tpu.memory_space<semaphore_mem>>)
    %mul3A_85 = arith.constant 105 : i32
    %mul3A_86 = arith.muli %add3A, %mul3A_85 : i32
    %add3A_87 = arith.constant 21 : i32
    %add3A_88 = arith.addi %mul3A_86, %add3A_87 : i32
    %dma_start3A_89 = arith.constant 1 : i32
    %dma_start3A_90 = arith.constant 0 : i32
    %dma_start3A_91 = arith.constant 0 : i32
    %dma_start3A_92 = arith.constant 0 : i32
    %dma_start3A_93 = tpu.memref_slice %arg6[%dma_start3A_89, %dma_start3A_90, %dma_start3A_91, %dma_start3A_92] : memref<2x21x2x96xi32, #tpu.memory_space<vmem>> -> memref<1x21x2x96xi32, #tpu.memory_space<vmem>>
    %dma_start3A_94 = tpu.memref_squeeze %dma_start3A_93 : memref<1x21x2x96xi32, #tpu.memory_space<vmem>> -> memref<21x2x96xi32, #tpu.memory_space<vmem>>
    %dma_start3A_95 = arith.constant 0 : i32
    %dma_start3A_96 = arith.constant 0 : i32
    %dma_start3A_97 = tpu.memref_slice %arg3[%add3A_88, %dma_start3A_95, %dma_start3A_96] : memref<3360x2x96xi32, #tpu.memory_space<hbm>> -> memref<21x2x96xi32, #tpu.memory_space<hbm>>
    %dma_start3A_98 = arith.constant 0 : i32
    %dma_start3A_99 = arith.constant 0 : i32
    %dma_start3A_100 = arith.constant 0 : i32
    %dma_start3A_101 = tpu.memref_slice %arg6[%dma_start3A_89, %dma_start3A_98, %dma_start3A_99, %dma_start3A_100] : memref<2x21x2x96xi32, #tpu.memory_space<vmem>> -> memref<1x21x2x96xi32, #tpu.memory_space<vmem>>
    %dma_start3A_102 = tpu.memref_squeeze %dma_start3A_101 : memref<1x21x2x96xi32, #tpu.memory_space<vmem>> -> memref<21x2x96xi32, #tpu.memory_space<vmem>>
    %dma_start3A_103 = arith.constant 0 : i32
    %dma_start3A_104 = arith.constant 0 : i32
    %dma_start3A_105 = tpu.memref_slice %arg3[%add3A_88, %dma_start3A_103, %dma_start3A_104] : memref<3360x2x96xi32, #tpu.memory_space<hbm>> -> memref<21x2x96xi32, #tpu.memory_space<hbm>>
    tpu.enqueue_dma source(%dma_start3A_105 : memref<21x2x96xi32, #tpu.memory_space<hbm>>) target(%dma_start3A_102 : memref<21x2x96xi32, #tpu.memory_space<vmem>>) target_semaphore(%arg12 : memref<!tpu.dma_semaphore, #tpu.memory_space<semaphore_mem>>)
    %scan3A = arith.constant 0 : i32
    %scan3A_106 = arith.constant 7 : i32
    %scan3A_107 = arith.addi %scan3A, %scan3A_106 : i32
    %scan3A_108 = arith.constant 1 : i32
    scf.for %scan3A_200 = %scan3A to %scan3A_107 step %scan3A_108  : i32 {
      %mul3A_201 = arith.constant 3 : i32
      %mul3A_202 = arith.muli %scan3A_200, %mul3A_201 : i32
      %add3A_203 = arith.constant 0 : i32
      %add3A_204 = arith.addi %mul3A_202, %add3A_203 : i32
      %dma_wait3A_205 = arith.constant 0 : i32
      %dma_wait3A_206 = arith.constant 0 : i32
      %dma_wait3A_207 = arith.constant 0 : i32
      %dma_wait3A_208 = arith.constant 0 : i32
      %dma_wait3A_209 = arith.constant 0 : i32
      %dma_wait3A_210 = tpu.memref_slice %arg7[%dma_wait3A_207, %dma_wait3A_208, %dma_wait3A_209] : memref<3x96x128xf32, #tpu.memory_space<vmem>> -> memref<1x96x128xf32, #tpu.memory_space<vmem>>
      %dma_wait3A_211 = tpu.memref_squeeze %dma_wait3A_210 : memref<1x96x128xf32, #tpu.memory_space<vmem>> -> memref<96x128xf32, #tpu.memory_space<vmem>>
      %dma_wait3A_212 = arith.constant 0 : i32
      %dma_wait3A_213 = tpu.memref_slice %arg6[%dma_wait3A_205, %add3A_204, %dma_wait3A_206, %dma_wait3A_212] : memref<2x21x2x96xi32, #tpu.memory_space<vmem>> -> memref<1x1x1x96xi32, #tpu.memory_space<vmem>>
      %dma_wait3A_214 = tpu.memref_squeeze %dma_wait3A_213 : memref<1x1x1x96xi32, #tpu.memory_space<vmem>> -> memref<96xi32, #tpu.memory_space<vmem>>
      %dma_wait3A_215 = arith.constant 0 : i32
      %dma_wait3A_216 = arith.constant 0 : i32
      %dma_wait3A_217 = tpu.memref_slice %arg2[%dma_wait3A_215, %dma_wait3A_216] : memref<10000x128xf32, #tpu.memory_space<hbm>> -> memref<10000x128xf32, #tpu.memory_space<hbm>>
      tpu.wait_indirect_dma semaphore(%arg9 : memref<!tpu.dma_semaphore, #tpu.memory_space<semaphore_mem>>) src(%dma_wait3A_217 : memref<10000x128xf32, #tpu.memory_space<hbm>>) dst(%dma_wait3A_211 : memref<96x128xf32, #tpu.memory_space<vmem>>)
      %add3A_218 = arith.constant 0 : i32
      %add3A_219 = arith.addi %mul3A_202, %add3A_218 : i32
      %run_scoped3A = arith.constant 0 : i32
      %run_scoped3A_220 = arith.constant 0 : i32
      %run_scoped3A_221 = arith.constant 1 : i32
      "tpu.region"() ({
        %run_scoped3A_303 = tpu.sem_alloc : memref<!tpu.dma_semaphore, #tpu.memory_space<semaphore_mem>>
        %dma_start3A_304 = arith.constant 0 : i32
        %dma_start3A_305 = arith.constant 0 : i32
        %dma_start3A_306 = tpu.memref_slice %arg7[%run_scoped3A, %dma_start3A_304, %dma_start3A_305] : memref<3x96x128xf32, #tpu.memory_space<vmem>> -> memref<1x96x128xf32, #tpu.memory_space<vmem>>
        %dma_start3A_307 = tpu.memref_squeeze %dma_start3A_306 : memref<1x96x128xf32, #tpu.memory_space<vmem>> -> memref<96x128xf32, #tpu.memory_space<vmem>>
        %dma_start3A_308 = arith.constant 0 : i32
        %dma_start3A_309 = tpu.memref_slice %arg6[%run_scoped3A_220, %add3A_219, %run_scoped3A_221, %dma_start3A_308] : memref<2x21x2x96xi32, #tpu.memory_space<vmem>> -> memref<1x1x1x96xi32, #tpu.memory_space<vmem>>
        %dma_start3A_310 = tpu.memref_squeeze %dma_start3A_309 : memref<1x1x1x96xi32, #tpu.memory_space<vmem>> -> memref<96xi32, #tpu.memory_space<vmem>>
        %dma_start3A_311 = arith.constant 0 : i32
        %dma_start3A_312 = arith.constant 0 : i32
        %dma_start3A_313 = tpu.memref_slice %arg8[%dma_start3A_311, %dma_start3A_312] : memref<10112x128xf32, #tpu.memory_space<vmem_shared>> -> memref<10112x128xf32, #tpu.memory_space<vmem_shared>>
        tpu.enqueue_indirect_dma source(%dma_start3A_307 : memref<96x128xf32, #tpu.memory_space<vmem>>) target(%dma_start3A_313 : memref<10112x128xf32, #tpu.memory_space<vmem_shared>>) offsets(%dma_start3A_310 : memref<96xi32, #tpu.memory_space<vmem>>) semaphore(%run_scoped3A_303 : memref<!tpu.dma_semaphore, #tpu.memory_space<semaphore_mem>>) {add = true}
        %dma_wait3A_314 = arith.constant 0 : i32
        %dma_wait3A_315 = arith.constant 0 : i32
        %dma_wait3A_316 = tpu.memref_slice %arg7[%run_scoped3A, %dma_wait3A_314, %dma_wait3A_315] : memref<3x96x128xf32, #tpu.memory_space<vmem>> -> memref<1x96x128xf32, #tpu.memory_space<vmem>>
        %dma_wait3A_317 = tpu.memref_squeeze %dma_wait3A_316 : memref<1x96x128xf32, #tpu.memory_space<vmem>> -> memref<96x128xf32, #tpu.memory_space<vmem>>
        %dma_wait3A_318 = arith.constant 0 : i32
        %dma_wait3A_319 = tpu.memref_slice %arg6[%run_scoped3A_220, %add3A_219, %run_scoped3A_221, %dma_wait3A_318] : memref<2x21x2x96xi32, #tpu.memory_space<vmem>> -> memref<1x1x1x96xi32, #tpu.memory_space<vmem>>
        %dma_wait3A_320 = tpu.memref_squeeze %dma_wait3A_319 : memref<1x1x1x96xi32, #tpu.memory_space<vmem>> -> memref<96xi32, #tpu.memory_space<vmem>>
        %dma_wait3A_321 = arith.constant 0 : i32
        %dma_wait3A_322 = arith.constant 0 : i32
        %dma_wait3A_323 = tpu.memref_slice %arg8[%dma_wait3A_321, %dma_wait3A_322] : memref<10112x128xf32, #tpu.memory_space<vmem_shared>> -> memref<10112x128xf32, #tpu.memory_space<vmem_shared>>
        tpu.wait_indirect_dma semaphore(%run_scoped3A_303 : memref<!tpu.dma_semaphore, #tpu.memory_space<semaphore_mem>>) src(%dma_wait3A_317 : memref<96x128xf32, #tpu.memory_space<vmem>>) dst(%dma_wait3A_323 : memref<10112x128xf32, #tpu.memory_space<vmem_shared>>)
        tpu.yield
      }) : () -> ()
      %add3A_222 = arith.constant 1 : i32
      %add3A_223 = arith.addi %scan3A_200, %add3A_222 : i32
      %lt3A = arith.constant 7 : i32
      %lt3A_224 = arith.cmpi slt, %add3A_223, %lt3A : i32
      %convert_element_type3A_225 = arith.extui %lt3A_224 : i1 to i32
      %cond3A_226 = arith.constant 0 : i32
      %cond3A_227 = arith.cmpi ne, %convert_element_type3A_225, %cond3A_226 : i32
      scf.if %cond3A_227 {
        %add3A_303 = arith.constant 3 : i32
        %add3A_304 = arith.addi %mul3A_202, %add3A_303 : i32
        %add3A_305 = arith.constant 0 : i32
        %add3A_306 = arith.addi %add3A_304, %add3A_305 : i32
        %dma_start3A_307 = arith.constant 0 : i32
        %dma_start3A_308 = arith.constant 0 : i32
        %dma_start3A_309 = arith.constant 0 : i32
        %dma_start3A_310 = arith.constant 0 : i32
        %dma_start3A_311 = arith.constant 0 : i32
        %dma_start3A_312 = tpu.memref_slice %arg7[%dma_start3A_309, %dma_start3A_310, %dma_start3A_311] : memref<3x96x128xf32, #tpu.memory_space<vmem>> -> memref<1x96x128xf32, #tpu.memory_space<vmem>>
        %dma_start3A_313 = tpu.memref_squeeze %dma_start3A_312 : memref<1x96x128xf32, #tpu.memory_space<vmem>> -> memref<96x128xf32, #tpu.memory_space<vmem>>
        %dma_start3A_314 = arith.constant 0 : i32
        %dma_start3A_315 = tpu.memref_slice %arg6[%dma_start3A_307, %add3A_306, %dma_start3A_308, %dma_start3A_314] : memref<2x21x2x96xi32, #tpu.memory_space<vmem>> -> memref<1x1x1x96xi32, #tpu.memory_space<vmem>>
        %dma_start3A_316 = tpu.memref_squeeze %dma_start3A_315 : memref<1x1x1x96xi32, #tpu.memory_space<vmem>> -> memref<96xi32, #tpu.memory_space<vmem>>
        %dma_start3A_317 = arith.constant 0 : i32
        %dma_start3A_318 = arith.constant 0 : i32
        %dma_start3A_319 = tpu.memref_slice %arg2[%dma_start3A_317, %dma_start3A_318] : memref<10000x128xf32, #tpu.memory_space<hbm>> -> memref<10000x128xf32, #tpu.memory_space<hbm>>
        tpu.enqueue_indirect_dma source(%dma_start3A_319 : memref<10000x128xf32, #tpu.memory_space<hbm>>) target(%dma_start3A_313 : memref<96x128xf32, #tpu.memory_space<vmem>>) offsets(%dma_start3A_316 : memref<96xi32, #tpu.memory_space<vmem>>) semaphore(%arg9 : memref<!tpu.dma_semaphore, #tpu.memory_space<semaphore_mem>>)
      } else {
      }
      %add3A_228 = arith.constant 1 : i32
      %add3A_229 = arith.addi %scan3A_200, %add3A_228 : i32
      %eq3A_230 = arith.constant 7 : i32
      %eq3A_231 = arith.cmpi eq, %add3A_229, %eq3A_230 : i32
      %convert_element_type3A_232 = arith.extui %eq3A_231 : i1 to i32
      %cond3A_233 = arith.constant 0 : i32
      %cond3A_234 = arith.cmpi ne, %convert_element_type3A_232, %cond3A_233 : i32
      scf.if %cond3A_234 {
        %mul3A_303 = arith.constant 105 : i32
        %mul3A_304 = arith.muli %add3A, %mul3A_303 : i32
        %add3A_305 = arith.constant 21 : i32
        %add3A_306 = arith.addi %mul3A_304, %add3A_305 : i32
        %dma_wait3A_307 = arith.constant 1 : i32
        %dma_wait3A_308 = arith.constant 0 : i32
        %dma_wait3A_309 = arith.constant 0 : i32
        %dma_wait3A_310 = arith.constant 0 : i32
        %dma_wait3A_311 = tpu.memref_slice %arg6[%dma_wait3A_307, %dma_wait3A_308, %dma_wait3A_309, %dma_wait3A_310] : memref<2x21x2x96xi32, #tpu.memory_space<vmem>> -> memref<1x21x2x96xi32, #tpu.memory_space<vmem>>
        %dma_wait3A_312 = tpu.memref_squeeze %dma_wait3A_311 : memref<1x21x2x96xi32, #tpu.memory_space<vmem>> -> memref<21x2x96xi32, #tpu.memory_space<vmem>>
        %dma_wait3A_313 = arith.constant 0 : i32
        %dma_wait3A_314 = arith.constant 0 : i32
        %dma_wait3A_315 = tpu.memref_slice %arg3[%add3A_306, %dma_wait3A_313, %dma_wait3A_314] : memref<3360x2x96xi32, #tpu.memory_space<hbm>> -> memref<21x2x96xi32, #tpu.memory_space<hbm>>
        %dma_wait3A_316 = arith.constant 0 : i32
        %dma_wait3A_317 = arith.constant 0 : i32
        %dma_wait3A_318 = arith.constant 0 : i32
        %dma_wait3A_319 = tpu.memref_slice %arg6[%dma_wait3A_307, %dma_wait3A_316, %dma_wait3A_317, %dma_wait3A_318] : memref<2x21x2x96xi32, #tpu.memory_space<vmem>> -> memref<1x21x2x96xi32, #tpu.memory_space<vmem>>
        %dma_wait3A_320 = tpu.memref_squeeze %dma_wait3A_319 : memref<1x21x2x96xi32, #tpu.memory_space<vmem>> -> memref<21x2x96xi32, #tpu.memory_space<vmem>>
        %dma_wait3A_321 = arith.constant 0 : i32
        %dma_wait3A_322 = arith.constant 0 : i32
        %dma_wait3A_323 = tpu.memref_slice %arg3[%add3A_306, %dma_wait3A_321, %dma_wait3A_322] : memref<3360x2x96xi32, #tpu.memory_space<hbm>> -> memref<21x2x96xi32, #tpu.memory_space<hbm>>
        tpu.wait_dma2 semaphore(%arg12 : memref<!tpu.dma_semaphore, #tpu.memory_space<semaphore_mem>>) src(%dma_wait3A_323 : memref<21x2x96xi32, #tpu.memory_space<hbm>>) dst(%dma_wait3A_320 : memref<21x2x96xi32, #tpu.memory_space<vmem>>)
        %dma_start3A_324 = arith.constant 1 : i32
        %dma_start3A_325 = arith.constant 0 : i32
        %dma_start3A_326 = arith.constant 0 : i32
        %dma_start3A_327 = arith.constant 0 : i32
        %dma_start3A_328 = arith.constant 0 : i32
        %dma_start3A_329 = arith.constant 0 : i32
        %dma_start3A_330 = tpu.memref_slice %arg7[%dma_start3A_327, %dma_start3A_328, %dma_start3A_329] : memref<3x96x128xf32, #tpu.memory_space<vmem>> -> memref<1x96x128xf32, #tpu.memory_space<vmem>>
        %dma_start3A_331 = tpu.memref_squeeze %dma_start3A_330 : memref<1x96x128xf32, #tpu.memory_space<vmem>> -> memref<96x128xf32, #tpu.memory_space<vmem>>
        %dma_start3A_332 = arith.constant 0 : i32
        %dma_start3A_333 = tpu.memref_slice %arg6[%dma_start3A_324, %dma_start3A_325, %dma_start3A_326, %dma_start3A_332] : memref<2x21x2x96xi32, #tpu.memory_space<vmem>> -> memref<1x1x1x96xi32, #tpu.memory_space<vmem>>
        %dma_start3A_334 = tpu.memref_squeeze %dma_start3A_333 : memref<1x1x1x96xi32, #tpu.memory_space<vmem>> -> memref<96xi32, #tpu.memory_space<vmem>>
        %dma_start3A_335 = arith.constant 0 : i32
        %dma_start3A_336 = arith.constant 0 : i32
        %dma_start3A_337 = tpu.memref_slice %arg2[%dma_start3A_335, %dma_start3A_336] : memref<10000x128xf32, #tpu.memory_space<hbm>> -> memref<10000x128xf32, #tpu.memory_space<hbm>>
        tpu.enqueue_indirect_dma source(%dma_start3A_337 : memref<10000x128xf32, #tpu.memory_space<hbm>>) target(%dma_start3A_331 : memref<96x128xf32, #tpu.memory_space<vmem>>) offsets(%dma_start3A_334 : memref<96xi32, #tpu.memory_space<vmem>>) semaphore(%arg9 : memref<!tpu.dma_semaphore, #tpu.memory_space<semaphore_mem>>)
      } else {
      }
      %add3A_235 = arith.constant 1 : i32
      %add3A_236 = arith.addi %mul3A_202, %add3A_235 : i32
      %dma_wait3A_237 = arith.constant 0 : i32
      %dma_wait3A_238 = arith.constant 0 : i32
      %dma_wait3A_239 = arith.constant 1 : i32
      %dma_wait3A_240 = arith.constant 0 : i32
      %dma_wait3A_241 = arith.constant 0 : i32
      %dma_wait3A_242 = tpu.memref_slice %arg7[%dma_wait3A_239, %dma_wait3A_240, %dma_wait3A_241] : memref<3x96x128xf32, #tpu.memory_space<vmem>> -> memref<1x96x128xf32, #tpu.memory_space<vmem>>
      %dma_wait3A_243 = tpu.memref_squeeze %dma_wait3A_242 : memref<1x96x128xf32, #tpu.memory_space<vmem>> -> memref<96x128xf32, #tpu.memory_space<vmem>>
      %dma_wait3A_244 = arith.constant 0 : i32
      %dma_wait3A_245 = tpu.memref_slice %arg6[%dma_wait3A_237, %add3A_236, %dma_wait3A_238, %dma_wait3A_244] : memref<2x21x2x96xi32, #tpu.memory_space<vmem>> -> memref<1x1x1x96xi32, #tpu.memory_space<vmem>>
      %dma_wait3A_246 = tpu.memref_squeeze %dma_wait3A_245 : memref<1x1x1x96xi32, #tpu.memory_space<vmem>> -> memref<96xi32, #tpu.memory_space<vmem>>
      %dma_wait3A_247 = arith.constant 0 : i32
      %dma_wait3A_248 = arith.constant 0 : i32
      %dma_wait3A_249 = tpu.memref_slice %arg2[%dma_wait3A_247, %dma_wait3A_248] : memref<10000x128xf32, #tpu.memory_space<hbm>> -> memref<10000x128xf32, #tpu.memory_space<hbm>>
      tpu.wait_indirect_dma semaphore(%arg10 : memref<!tpu.dma_semaphore, #tpu.memory_space<semaphore_mem>>) src(%dma_wait3A_249 : memref<10000x128xf32, #tpu.memory_space<hbm>>) dst(%dma_wait3A_243 : memref<96x128xf32, #tpu.memory_space<vmem>>)
      %add3A_250 = arith.constant 1 : i32
      %add3A_251 = arith.addi %mul3A_202, %add3A_250 : i32
      %run_scoped3A_252 = arith.constant 1 : i32
      %run_scoped3A_253 = arith.constant 0 : i32
      %run_scoped3A_254 = arith.constant 1 : i32
      "tpu.region"() ({
        %run_scoped3A_303 = tpu.sem_alloc : memref<!tpu.dma_semaphore, #tpu.memory_space<semaphore_mem>>
        %dma_start3A_304 = arith.constant 0 : i32
        %dma_start3A_305 = arith.constant 0 : i32
        %dma_start3A_306 = tpu.memref_slice %arg7[%run_scoped3A_252, %dma_start3A_304, %dma_start3A_305] : memref<3x96x128xf32, #tpu.memory_space<vmem>> -> memref<1x96x128xf32, #tpu.memory_space<vmem>>
        %dma_start3A_307 = tpu.memref_squeeze %dma_start3A_306 : memref<1x96x128xf32, #tpu.memory_space<vmem>> -> memref<96x128xf32, #tpu.memory_space<vmem>>
        %dma_start3A_308 = arith.constant 0 : i32
        %dma_start3A_309 = tpu.memref_slice %arg6[%run_scoped3A_253, %add3A_251, %run_scoped3A_254, %dma_start3A_308] : memref<2x21x2x96xi32, #tpu.memory_space<vmem>> -> memref<1x1x1x96xi32, #tpu.memory_space<vmem>>
        %dma_start3A_310 = tpu.memref_squeeze %dma_start3A_309 : memref<1x1x1x96xi32, #tpu.memory_space<vmem>> -> memref<96xi32, #tpu.memory_space<vmem>>
        %dma_start3A_311 = arith.constant 0 : i32
        %dma_start3A_312 = arith.constant 0 : i32
        %dma_start3A_313 = tpu.memref_slice %arg8[%dma_start3A_311, %dma_start3A_312] : memref<10112x128xf32, #tpu.memory_space<vmem_shared>> -> memref<10112x128xf32, #tpu.memory_space<vmem_shared>>
        tpu.enqueue_indirect_dma source(%dma_start3A_307 : memref<96x128xf32, #tpu.memory_space<vmem>>) target(%dma_start3A_313 : memref<10112x128xf32, #tpu.memory_space<vmem_shared>>) offsets(%dma_start3A_310 : memref<96xi32, #tpu.memory_space<vmem>>) semaphore(%run_scoped3A_303 : memref<!tpu.dma_semaphore, #tpu.memory_space<semaphore_mem>>) {add = true}
        %dma_wait3A_314 = arith.constant 0 : i32
        %dma_wait3A_315 = arith.constant 0 : i32
        %dma_wait3A_316 = tpu.memref_slice %arg7[%run_scoped3A_252, %dma_wait3A_314, %dma_wait3A_315] : memref<3x96x128xf32, #tpu.memory_space<vmem>> -> memref<1x96x128xf32, #tpu.memory_space<vmem>>
        %dma_wait3A_317 = tpu.memref_squeeze %dma_wait3A_316 : memref<1x96x128xf32, #tpu.memory_space<vmem>> -> memref<96x128xf32, #tpu.memory_space<vmem>>
        %dma_wait3A_318 = arith.constant 0 : i32
        %dma_wait3A_319 = tpu.memref_slice %arg6[%run_scoped3A_253, %add3A_251, %run_scoped3A_254, %dma_wait3A_318] : memref<2x21x2x96xi32, #tpu.memory_space<vmem>> -> memref<1x1x1x96xi32, #tpu.memory_space<vmem>>
        %dma_wait3A_320 = tpu.memref_squeeze %dma_wait3A_319 : memref<1x1x1x96xi32, #tpu.memory_space<vmem>> -> memref<96xi32, #tpu.memory_space<vmem>>
        %dma_wait3A_321 = arith.constant 0 : i32
        %dma_wait3A_322 = arith.constant 0 : i32
        %dma_wait3A_323 = tpu.memref_slice %arg8[%dma_wait3A_321, %dma_wait3A_322] : memref<10112x128xf32, #tpu.memory_space<vmem_shared>> -> memref<10112x128xf32, #tpu.memory_space<vmem_shared>>
        tpu.wait_indirect_dma semaphore(%run_scoped3A_303 : memref<!tpu.dma_semaphore, #tpu.memory_space<semaphore_mem>>) src(%dma_wait3A_317 : memref<96x128xf32, #tpu.memory_space<vmem>>) dst(%dma_wait3A_323 : memref<10112x128xf32, #tpu.memory_space<vmem_shared>>)
        tpu.yield
      }) : () -> ()
      %add3A_255 = arith.constant 1 : i32
      %add3A_256 = arith.addi %scan3A_200, %add3A_255 : i32
      %lt3A_257 = arith.constant 7 : i32
      %lt3A_258 = arith.cmpi slt, %add3A_256, %lt3A_257 : i32
      %convert_element_type3A_259 = arith.extui %lt3A_258 : i1 to i32
      %cond3A_260 = arith.constant 0 : i32
      %cond3A_261 = arith.cmpi ne, %convert_element_type3A_259, %cond3A_260 : i32
      scf.if %cond3A_261 {
        %add3A_303 = arith.constant 3 : i32
        %add3A_304 = arith.addi %mul3A_202, %add3A_303 : i32
        %add3A_305 = arith.constant 1 : i32
        %add3A_306 = arith.addi %add3A_304, %add3A_305 : i32
        %dma_start3A_307 = arith.constant 0 : i32
        %dma_start3A_308 = arith.constant 0 : i32
        %dma_start3A_309 = arith.constant 1 : i32
        %dma_start3A_310 = arith.constant 0 : i32
        %dma_start3A_311 = arith.constant 0 : i32
        %dma_start3A_312 = tpu.memref_slice %arg7[%dma_start3A_309, %dma_start3A_310, %dma_start3A_311] : memref<3x96x128xf32, #tpu.memory_space<vmem>> -> memref<1x96x128xf32, #tpu.memory_space<vmem>>
        %dma_start3A_313 = tpu.memref_squeeze %dma_start3A_312 : memref<1x96x128xf32, #tpu.memory_space<vmem>> -> memref<96x128xf32, #tpu.memory_space<vmem>>
        %dma_start3A_314 = arith.constant 0 : i32
        %dma_start3A_315 = tpu.memref_slice %arg6[%dma_start3A_307, %add3A_306, %dma_start3A_308, %dma_start3A_314] : memref<2x21x2x96xi32, #tpu.memory_space<vmem>> -> memref<1x1x1x96xi32, #tpu.memory_space<vmem>>
        %dma_start3A_316 = tpu.memref_squeeze %dma_start3A_315 : memref<1x1x1x96xi32, #tpu.memory_space<vmem>> -> memref<96xi32, #tpu.memory_space<vmem>>
        %dma_start3A_317 = arith.constant 0 : i32
        %dma_start3A_318 = arith.constant 0 : i32
        %dma_start3A_319 = tpu.memref_slice %arg2[%dma_start3A_317, %dma_start3A_318] : memref<10000x128xf32, #tpu.memory_space<hbm>> -> memref<10000x128xf32, #tpu.memory_space<hbm>>
        tpu.enqueue_indirect_dma source(%dma_start3A_319 : memref<10000x128xf32, #tpu.memory_space<hbm>>) target(%dma_start3A_313 : memref<96x128xf32, #tpu.memory_space<vmem>>) offsets(%dma_start3A_316 : memref<96xi32, #tpu.memory_space<vmem>>) semaphore(%arg10 : memref<!tpu.dma_semaphore, #tpu.memory_space<semaphore_mem>>)
      } else {
      }
      %add3A_262 = arith.constant 1 : i32
      %add3A_263 = arith.addi %scan3A_200, %add3A_262 : i32
      %eq3A_264 = arith.constant 7 : i32
      %eq3A_265 = arith.cmpi eq, %add3A_263, %eq3A_264 : i32
      %convert_element_type3A_266 = arith.extui %eq3A_265 : i1 to i32
      %cond3A_267 = arith.constant 0 : i32
      %cond3A_268 = arith.cmpi ne, %convert_element_type3A_266, %cond3A_267 : i32
      scf.if %cond3A_268 {
        %dma_start3A_303 = arith.constant 1 : i32
        %dma_start3A_304 = arith.constant 1 : i32
        %dma_start3A_305 = arith.constant 0 : i32
        %dma_start3A_306 = arith.constant 1 : i32
        %dma_start3A_307 = arith.constant 0 : i32
        %dma_start3A_308 = arith.constant 0 : i32
        %dma_start3A_309 = tpu.memref_slice %arg7[%dma_start3A_306, %dma_start3A_307, %dma_start3A_308] : memref<3x96x128xf32, #tpu.memory_space<vmem>> -> memref<1x96x128xf32, #tpu.memory_space<vmem>>
        %dma_start3A_310 = tpu.memref_squeeze %dma_start3A_309 : memref<1x96x128xf32, #tpu.memory_space<vmem>> -> memref<96x128xf32, #tpu.memory_space<vmem>>
        %dma_start3A_311 = arith.constant 0 : i32
        %dma_start3A_312 = tpu.memref_slice %arg6[%dma_start3A_303, %dma_start3A_304, %dma_start3A_305, %dma_start3A_311] : memref<2x21x2x96xi32, #tpu.memory_space<vmem>> -> memref<1x1x1x96xi32, #tpu.memory_space<vmem>>
        %dma_start3A_313 = tpu.memref_squeeze %dma_start3A_312 : memref<1x1x1x96xi32, #tpu.memory_space<vmem>> -> memref<96xi32, #tpu.memory_space<vmem>>
        %dma_start3A_314 = arith.constant 0 : i32
        %dma_start3A_315 = arith.constant 0 : i32
        %dma_start3A_316 = tpu.memref_slice %arg2[%dma_start3A_314, %dma_start3A_315] : memref<10000x128xf32, #tpu.memory_space<hbm>> -> memref<10000x128xf32, #tpu.memory_space<hbm>>
        tpu.enqueue_indirect_dma source(%dma_start3A_316 : memref<10000x128xf32, #tpu.memory_space<hbm>>) target(%dma_start3A_310 : memref<96x128xf32, #tpu.memory_space<vmem>>) offsets(%dma_start3A_313 : memref<96xi32, #tpu.memory_space<vmem>>) semaphore(%arg10 : memref<!tpu.dma_semaphore, #tpu.memory_space<semaphore_mem>>)
      } else {
      }
      %add3A_269 = arith.constant 2 : i32
      %add3A_270 = arith.addi %mul3A_202, %add3A_269 : i32
      %dma_wait3A_271 = arith.constant 0 : i32
      %dma_wait3A_272 = arith.constant 0 : i32
      %dma_wait3A_273 = arith.constant 2 : i32
      %dma_wait3A_274 = arith.constant 0 : i32
      %dma_wait3A_275 = arith.constant 0 : i32
      %dma_wait3A_276 = tpu.memref_slice %arg7[%dma_wait3A_273, %dma_wait3A_274, %dma_wait3A_275] : memref<3x96x128xf32, #tpu.memory_space<vmem>> -> memref<1x96x128xf32, #tpu.memory_space<vmem>>
      %dma_wait3A_277 = tpu.memref_squeeze %dma_wait3A_276 : memref<1x96x128xf32, #tpu.memory_space<vmem>> -> memref<96x128xf32, #tpu.memory_space<vmem>>
      %dma_wait3A_278 = arith.constant 0 : i32
      %dma_wait3A_279 = tpu.memref_slice %arg6[%dma_wait3A_271, %add3A_270, %dma_wait3A_272, %dma_wait3A_278] : memref<2x21x2x96xi32, #tpu.memory_space<vmem>> -> memref<1x1x1x96xi32, #tpu.memory_space<vmem>>
      %dma_wait3A_280 = tpu.memref_squeeze %dma_wait3A_279 : memref<1x1x1x96xi32, #tpu.memory_space<vmem>> -> memref<96xi32, #tpu.memory_space<vmem>>
      %dma_wait3A_281 = arith.constant 0 : i32
      %dma_wait3A_282 = arith.constant 0 : i32
      %dma_wait3A_283 = tpu.memref_slice %arg2[%dma_wait3A_281, %dma_wait3A_282] : memref<10000x128xf32, #tpu.memory_space<hbm>> -> memref<10000x128xf32, #tpu.memory_space<hbm>>
      tpu.wait_indirect_dma semaphore(%arg11 : memref<!tpu.dma_semaphore, #tpu.memory_space<semaphore_mem>>) src(%dma_wait3A_283 : memref<10000x128xf32, #tpu.memory_space<hbm>>) dst(%dma_wait3A_277 : memref<96x128xf32, #tpu.memory_space<vmem>>)
      %add3A_284 = arith.constant 2 : i32
      %add3A_285 = arith.addi %mul3A_202, %add3A_284 : i32
      %run_scoped3A_286 = arith.constant 2 : i32
      %run_scoped3A_287 = arith.constant 0 : i32
      %run_scoped3A_288 = arith.constant 1 : i32
      "tpu.region"() ({
        %run_scoped3A_303 = tpu.sem_alloc : memref<!tpu.dma_semaphore, #tpu.memory_space<semaphore_mem>>
        %dma_start3A_304 = arith.constant 0 : i32
        %dma_start3A_305 = arith.constant 0 : i32
        %dma_start3A_306 = tpu.memref_slice %arg7[%run_scoped3A_286, %dma_start3A_304, %dma_start3A_305] : memref<3x96x128xf32, #tpu.memory_space<vmem>> -> memref<1x96x128xf32, #tpu.memory_space<vmem>>
        %dma_start3A_307 = tpu.memref_squeeze %dma_start3A_306 : memref<1x96x128xf32, #tpu.memory_space<vmem>> -> memref<96x128xf32, #tpu.memory_space<vmem>>
        %dma_start3A_308 = arith.constant 0 : i32
        %dma_start3A_309 = tpu.memref_slice %arg6[%run_scoped3A_287, %add3A_285, %run_scoped3A_288, %dma_start3A_308] : memref<2x21x2x96xi32, #tpu.memory_space<vmem>> -> memref<1x1x1x96xi32, #tpu.memory_space<vmem>>
        %dma_start3A_310 = tpu.memref_squeeze %dma_start3A_309 : memref<1x1x1x96xi32, #tpu.memory_space<vmem>> -> memref<96xi32, #tpu.memory_space<vmem>>
        %dma_start3A_311 = arith.constant 0 : i32
        %dma_start3A_312 = arith.constant 0 : i32
        %dma_start3A_313 = tpu.memref_slice %arg8[%dma_start3A_311, %dma_start3A_312] : memref<10112x128xf32, #tpu.memory_space<vmem_shared>> -> memref<10112x128xf32, #tpu.memory_space<vmem_shared>>
        tpu.enqueue_indirect_dma source(%dma_start3A_307 : memref<96x128xf32, #tpu.memory_space<vmem>>) target(%dma_start3A_313 : memref<10112x128xf32, #tpu.memory_space<vmem_shared>>) offsets(%dma_start3A_310 : memref<96xi32, #tpu.memory_space<vmem>>) semaphore(%run_scoped3A_303 : memref<!tpu.dma_semaphore, #tpu.memory_space<semaphore_mem>>) {add = true}
        %dma_wait3A_314 = arith.constant 0 : i32
        %dma_wait3A_315 = arith.constant 0 : i32
        %dma_wait3A_316 = tpu.memref_slice %arg7[%run_scoped3A_286, %dma_wait3A_314, %dma_wait3A_315] : memref<3x96x128xf32, #tpu.memory_space<vmem>> -> memref<1x96x128xf32, #tpu.memory_space<vmem>>
        %dma_wait3A_317 = tpu.memref_squeeze %dma_wait3A_316 : memref<1x96x128xf32, #tpu.memory_space<vmem>> -> memref<96x128xf32, #tpu.memory_space<vmem>>
        %dma_wait3A_318 = arith.constant 0 : i32
        %dma_wait3A_319 = tpu.memref_slice %arg6[%run_scoped3A_287, %add3A_285, %run_scoped3A_288, %dma_wait3A_318] : memref<2x21x2x96xi32, #tpu.memory_space<vmem>> -> memref<1x1x1x96xi32, #tpu.memory_space<vmem>>
        %dma_wait3A_320 = tpu.memref_squeeze %dma_wait3A_319 : memref<1x1x1x96xi32, #tpu.memory_space<vmem>> -> memref<96xi32, #tpu.memory_space<vmem>>
        %dma_wait3A_321 = arith.constant 0 : i32
        %dma_wait3A_322 = arith.constant 0 : i32
        %dma_wait3A_323 = tpu.memref_slice %arg8[%dma_wait3A_321, %dma_wait3A_322] : memref<10112x128xf32, #tpu.memory_space<vmem_shared>> -> memref<10112x128xf32, #tpu.memory_space<vmem_shared>>
        tpu.wait_indirect_dma semaphore(%run_scoped3A_303 : memref<!tpu.dma_semaphore, #tpu.memory_space<semaphore_mem>>) src(%dma_wait3A_317 : memref<96x128xf32, #tpu.memory_space<vmem>>) dst(%dma_wait3A_323 : memref<10112x128xf32, #tpu.memory_space<vmem_shared>>)
        tpu.yield
      }) : () -> ()
      %add3A_289 = arith.constant 1 : i32
      %add3A_290 = arith.addi %scan3A_200, %add3A_289 : i32
      %lt3A_291 = arith.constant 7 : i32
      %lt3A_292 = arith.cmpi slt, %add3A_290, %lt3A_291 : i32
      %convert_element_type3A_293 = arith.extui %lt3A_292 : i1 to i32
      %cond3A_294 = arith.constant 0 : i32
      %cond3A_295 = arith.cmpi ne, %convert_element_type3A_293, %cond3A_294 : i32
      scf.if %cond3A_295 {
        %add3A_303 = arith.constant 3 : i32
        %add3A_304 = arith.addi %mul3A_202, %add3A_303 : i32
        %add3A_305 = arith.constant 2 : i32
        %add3A_306 = arith.addi %add3A_304, %add3A_305 : i32
        %dma_start3A_307 = arith.constant 0 : i32
        %dma_start3A_308 = arith.constant 0 : i32
        %dma_start3A_309 = arith.constant 2 : i32
        %dma_start3A_310 = arith.constant 0 : i32
        %dma_start3A_311 = arith.constant 0 : i32
        %dma_start3A_312 = tpu.memref_slice %arg7[%dma_start3A_309, %dma_start3A_310, %dma_start3A_311] : memref<3x96x128xf32, #tpu.memory_space<vmem>> -> memref<1x96x128xf32, #tpu.memory_space<vmem>>
        %dma_start3A_313 = tpu.memref_squeeze %dma_start3A_312 : memref<1x96x128xf32, #tpu.memory_space<vmem>> -> memref<96x128xf32, #tpu.memory_space<vmem>>
        %dma_start3A_314 = arith.constant 0 : i32
        %dma_start3A_315 = tpu.memref_slice %arg6[%dma_start3A_307, %add3A_306, %dma_start3A_308, %dma_start3A_314] : memref<2x21x2x96xi32, #tpu.memory_space<vmem>> -> memref<1x1x1x96xi32, #tpu.memory_space<vmem>>
        %dma_start3A_316 = tpu.memref_squeeze %dma_start3A_315 : memref<1x1x1x96xi32, #tpu.memory_space<vmem>> -> memref<96xi32, #tpu.memory_space<vmem>>
        %dma_start3A_317 = arith.constant 0 : i32
        %dma_start3A_318 = arith.constant 0 : i32
        %dma_start3A_319 = tpu.memref_slice %arg2[%dma_start3A_317, %dma_start3A_318] : memref<10000x128xf32, #tpu.memory_space<hbm>> -> memref<10000x128xf32, #tpu.memory_space<hbm>>
        tpu.enqueue_indirect_dma source(%dma_start3A_319 : memref<10000x128xf32, #tpu.memory_space<hbm>>) target(%dma_start3A_313 : memref<96x128xf32, #tpu.memory_space<vmem>>) offsets(%dma_start3A_316 : memref<96xi32, #tpu.memory_space<vmem>>) semaphore(%arg11 : memref<!tpu.dma_semaphore, #tpu.memory_space<semaphore_mem>>)
      } else {
      }
      %add3A_296 = arith.constant 1 : i32
      %add3A_297 = arith.addi %scan3A_200, %add3A_296 : i32
      %eq3A_298 = arith.constant 7 : i32
      %eq3A_299 = arith.cmpi eq, %add3A_297, %eq3A_298 : i32
      %convert_element_type3A_300 = arith.extui %eq3A_299 : i1 to i32
      %cond3A_301 = arith.constant 0 : i32
      %cond3A_302 = arith.cmpi ne, %convert_element_type3A_300, %cond3A_301 : i32
      scf.if %cond3A_302 {
        %dma_start3A_303 = arith.constant 1 : i32
        %dma_start3A_304 = arith.constant 2 : i32
        %dma_start3A_305 = arith.constant 0 : i32
        %dma_start3A_306 = arith.constant 2 : i32
        %dma_start3A_307 = arith.constant 0 : i32
        %dma_start3A_308 = arith.constant 0 : i32
        %dma_start3A_309 = tpu.memref_slice %arg7[%dma_start3A_306, %dma_start3A_307, %dma_start3A_308] : memref<3x96x128xf32, #tpu.memory_space<vmem>> -> memref<1x96x128xf32, #tpu.memory_space<vmem>>
        %dma_start3A_310 = tpu.memref_squeeze %dma_start3A_309 : memref<1x96x128xf32, #tpu.memory_space<vmem>> -> memref<96x128xf32, #tpu.memory_space<vmem>>
        %dma_start3A_311 = arith.constant 0 : i32
        %dma_start3A_312 = tpu.memref_slice %arg6[%dma_start3A_303, %dma_start3A_304, %dma_start3A_305, %dma_start3A_311] : memref<2x21x2x96xi32, #tpu.memory_space<vmem>> -> memref<1x1x1x96xi32, #tpu.memory_space<vmem>>
        %dma_start3A_313 = tpu.memref_squeeze %dma_start3A_312 : memref<1x1x1x96xi32, #tpu.memory_space<vmem>> -> memref<96xi32, #tpu.memory_space<vmem>>
        %dma_start3A_314 = arith.constant 0 : i32
        %dma_start3A_315 = arith.constant 0 : i32
        %dma_start3A_316 = tpu.memref_slice %arg2[%dma_start3A_314, %dma_start3A_315] : memref<10000x128xf32, #tpu.memory_space<hbm>> -> memref<10000x128xf32, #tpu.memory_space<hbm>>
        tpu.enqueue_indirect_dma source(%dma_start3A_316 : memref<10000x128xf32, #tpu.memory_space<hbm>>) target(%dma_start3A_310 : memref<96x128xf32, #tpu.memory_space<vmem>>) offsets(%dma_start3A_313 : memref<96xi32, #tpu.memory_space<vmem>>) semaphore(%arg11 : memref<!tpu.dma_semaphore, #tpu.memory_space<semaphore_mem>>)
      } else {
      }
    }
    %scan3A_109 = arith.constant 7 : i32
    %mul3A_110 = arith.constant 105 : i32
    %mul3A_111 = arith.muli %add3A, %mul3A_110 : i32
    %add3A_112 = arith.constant 42 : i32
    %add3A_113 = arith.addi %mul3A_111, %add3A_112 : i32
    %dma_start3A_114 = arith.constant 0 : i32
    %dma_start3A_115 = arith.constant 0 : i32
    %dma_start3A_116 = arith.constant 0 : i32
    %dma_start3A_117 = arith.constant 0 : i32
    %dma_start3A_118 = tpu.memref_slice %arg6[%dma_start3A_114, %dma_start3A_115, %dma_start3A_116, %dma_start3A_117] : memref<2x21x2x96xi32, #tpu.memory_space<vmem>> -> memref<1x21x2x96xi32, #tpu.memory_space<vmem>>
    %dma_start3A_119 = tpu.memref_squeeze %dma_start3A_118 : memref<1x21x2x96xi32, #tpu.memory_space<vmem>> -> memref<21x2x96xi32, #tpu.memory_space<vmem>>
    %dma_start3A_120 = arith.constant 0 : i32
    %dma_start3A_121 = arith.constant 0 : i32
    %dma_start3A_122 = tpu.memref_slice %arg3[%add3A_113, %dma_start3A_120, %dma_start3A_121] : memref<3360x2x96xi32, #tpu.memory_space<hbm>> -> memref<21x2x96xi32, #tpu.memory_space<hbm>>
    %dma_start3A_123 = arith.constant 0 : i32
    %dma_start3A_124 = arith.constant 0 : i32
    %dma_start3A_125 = arith.constant 0 : i32
    %dma_start3A_126 = tpu.memref_slice %arg6[%dma_start3A_114, %dma_start3A_123, %dma_start3A_124, %dma_start3A_125] : memref<2x21x2x96xi32, #tpu.memory_space<vmem>> -> memref<1x21x2x96xi32, #tpu.memory_space<vmem>>
    %dma_start3A_127 = tpu.memref_squeeze %dma_start3A_126 : memref<1x21x2x96xi32, #tpu.memory_space<vmem>> -> memref<21x2x96xi32, #tpu.memory_space<vmem>>
    %dma_start3A_128 = arith.constant 0 : i32
    %dma_start3A_129 = arith.constant 0 : i32
    %dma_start3A_130 = tpu.memref_slice %arg3[%add3A_113, %dma_start3A_128, %dma_start3A_129] : memref<3360x2x96xi32, #tpu.memory_space<hbm>> -> memref<21x2x96xi32, #tpu.memory_space<hbm>>
    tpu.enqueue_dma source(%dma_start3A_130 : memref<21x2x96xi32, #tpu.memory_space<hbm>>) target(%dma_start3A_127 : memref<21x2x96xi32, #tpu.memory_space<vmem>>) target_semaphore(%arg12 : memref<!tpu.dma_semaphore, #tpu.memory_space<semaphore_mem>>)
    %scan3A_131 = arith.constant 0 : i32
    %scan3A_132 = arith.constant 7 : i32
    %scan3A_133 = arith.addi %scan3A_131, %scan3A_132 : i32
    %scan3A_134 = arith.constant 1 : i32
    scf.for %scan3A_200 = %scan3A_131 to %scan3A_133 step %scan3A_134  : i32 {
      %mul3A_201 = arith.constant 3 : i32
      %mul3A_202 = arith.muli %scan3A_200, %mul3A_201 : i32
      %add3A_203 = arith.constant 0 : i32
      %add3A_204 = arith.addi %mul3A_202, %add3A_203 : i32
      %dma_wait3A_205 = arith.constant 1 : i32
      %dma_wait3A_206 = arith.constant 0 : i32
      %dma_wait3A_207 = arith.constant 0 : i32
      %dma_wait3A_208 = arith.constant 0 : i32
      %dma_wait3A_209 = arith.constant 0 : i32
      %dma_wait3A_210 = tpu.memref_slice %arg7[%dma_wait3A_207, %dma_wait3A_208, %dma_wait3A_209] : memref<3x96x128xf32, #tpu.memory_space<vmem>> -> memref<1x96x128xf32, #tpu.memory_space<vmem>>
      %dma_wait3A_211 = tpu.memref_squeeze %dma_wait3A_210 : memref<1x96x128xf32, #tpu.memory_space<vmem>> -> memref<96x128xf32, #tpu.memory_space<vmem>>
      %dma_wait3A_212 = arith.constant 0 : i32
      %dma_wait3A_213 = tpu.memref_slice %arg6[%dma_wait3A_205, %add3A_204, %dma_wait3A_206, %dma_wait3A_212] : memref<2x21x2x96xi32, #tpu.memory_space<vmem>> -> memref<1x1x1x96xi32, #tpu.memory_space<vmem>>
      %dma_wait3A_214 = tpu.memref_squeeze %dma_wait3A_213 : memref<1x1x1x96xi32, #tpu.memory_space<vmem>> -> memref<96xi32, #tpu.memory_space<vmem>>
      %dma_wait3A_215 = arith.constant 0 : i32
      %dma_wait3A_216 = arith.constant 0 : i32
      %dma_wait3A_217 = tpu.memref_slice %arg2[%dma_wait3A_215, %dma_wait3A_216] : memref<10000x128xf32, #tpu.memory_space<hbm>> -> memref<10000x128xf32, #tpu.memory_space<hbm>>
      tpu.wait_indirect_dma semaphore(%arg9 : memref<!tpu.dma_semaphore, #tpu.memory_space<semaphore_mem>>) src(%dma_wait3A_217 : memref<10000x128xf32, #tpu.memory_space<hbm>>) dst(%dma_wait3A_211 : memref<96x128xf32, #tpu.memory_space<vmem>>)
      %add3A_218 = arith.constant 0 : i32
      %add3A_219 = arith.addi %mul3A_202, %add3A_218 : i32
      %run_scoped3A = arith.constant 0 : i32
      %run_scoped3A_220 = arith.constant 1 : i32
      %run_scoped3A_221 = arith.constant 1 : i32
      "tpu.region"() ({
        %run_scoped3A_303 = tpu.sem_alloc : memref<!tpu.dma_semaphore, #tpu.memory_space<semaphore_mem>>
        %dma_start3A_304 = arith.constant 0 : i32
        %dma_start3A_305 = arith.constant 0 : i32
        %dma_start3A_306 = tpu.memref_slice %arg7[%run_scoped3A, %dma_start3A_304, %dma_start3A_305] : memref<3x96x128xf32, #tpu.memory_space<vmem>> -> memref<1x96x128xf32, #tpu.memory_space<vmem>>
        %dma_start3A_307 = tpu.memref_squeeze %dma_start3A_306 : memref<1x96x128xf32, #tpu.memory_space<vmem>> -> memref<96x128xf32, #tpu.memory_space<vmem>>
        %dma_start3A_308 = arith.constant 0 : i32
        %dma_start3A_309 = tpu.memref_slice %arg6[%run_scoped3A_220, %add3A_219, %run_scoped3A_221, %dma_start3A_308] : memref<2x21x2x96xi32, #tpu.memory_space<vmem>> -> memref<1x1x1x96xi32, #tpu.memory_space<vmem>>
        %dma_start3A_310 = tpu.memref_squeeze %dma_start3A_309 : memref<1x1x1x96xi32, #tpu.memory_space<vmem>> -> memref<96xi32, #tpu.memory_space<vmem>>
        %dma_start3A_311 = arith.constant 0 : i32
        %dma_start3A_312 = arith.constant 0 : i32
        %dma_start3A_313 = tpu.memref_slice %arg8[%dma_start3A_311, %dma_start3A_312] : memref<10112x128xf32, #tpu.memory_space<vmem_shared>> -> memref<10112x128xf32, #tpu.memory_space<vmem_shared>>
        tpu.enqueue_indirect_dma source(%dma_start3A_307 : memref<96x128xf32, #tpu.memory_space<vmem>>) target(%dma_start3A_313 : memref<10112x128xf32, #tpu.memory_space<vmem_shared>>) offsets(%dma_start3A_310 : memref<96xi32, #tpu.memory_space<vmem>>) semaphore(%run_scoped3A_303 : memref<!tpu.dma_semaphore, #tpu.memory_space<semaphore_mem>>) {add = true}
        %dma_wait3A_314 = arith.constant 0 : i32
        %dma_wait3A_315 = arith.constant 0 : i32
        %dma_wait3A_316 = tpu.memref_slice %arg7[%run_scoped3A, %dma_wait3A_314, %dma_wait3A_315] : memref<3x96x128xf32, #tpu.memory_space<vmem>> -> memref<1x96x128xf32, #tpu.memory_space<vmem>>
        %dma_wait3A_317 = tpu.memref_squeeze %dma_wait3A_316 : memref<1x96x128xf32, #tpu.memory_space<vmem>> -> memref<96x128xf32, #tpu.memory_space<vmem>>
        %dma_wait3A_318 = arith.constant 0 : i32
        %dma_wait3A_319 = tpu.memref_slice %arg6[%run_scoped3A_220, %add3A_219, %run_scoped3A_221, %dma_wait3A_318] : memref<2x21x2x96xi32, #tpu.memory_space<vmem>> -> memref<1x1x1x96xi32, #tpu.memory_space<vmem>>
        %dma_wait3A_320 = tpu.memref_squeeze %dma_wait3A_319 : memref<1x1x1x96xi32, #tpu.memory_space<vmem>> -> memref<96xi32, #tpu.memory_space<vmem>>
        %dma_wait3A_321 = arith.constant 0 : i32
        %dma_wait3A_322 = arith.constant 0 : i32
        %dma_wait3A_323 = tpu.memref_slice %arg8[%dma_wait3A_321, %dma_wait3A_322] : memref<10112x128xf32, #tpu.memory_space<vmem_shared>> -> memref<10112x128xf32, #tpu.memory_space<vmem_shared>>
        tpu.wait_indirect_dma semaphore(%run_scoped3A_303 : memref<!tpu.dma_semaphore, #tpu.memory_space<semaphore_mem>>) src(%dma_wait3A_317 : memref<96x128xf32, #tpu.memory_space<vmem>>) dst(%dma_wait3A_323 : memref<10112x128xf32, #tpu.memory_space<vmem_shared>>)
        tpu.yield
      }) : () -> ()
      %add3A_222 = arith.constant 1 : i32
      %add3A_223 = arith.addi %scan3A_200, %add3A_222 : i32
      %lt3A = arith.constant 7 : i32
      %lt3A_224 = arith.cmpi slt, %add3A_223, %lt3A : i32
      %convert_element_type3A_225 = arith.extui %lt3A_224 : i1 to i32
      %cond3A_226 = arith.constant 0 : i32
      %cond3A_227 = arith.cmpi ne, %convert_element_type3A_225, %cond3A_226 : i32
      scf.if %cond3A_227 {
        %add3A_303 = arith.constant 3 : i32
        %add3A_304 = arith.addi %mul3A_202, %add3A_303 : i32
        %add3A_305 = arith.constant 0 : i32
        %add3A_306 = arith.addi %add3A_304, %add3A_305 : i32
        %dma_start3A_307 = arith.constant 1 : i32
        %dma_start3A_308 = arith.constant 0 : i32
        %dma_start3A_309 = arith.constant 0 : i32
        %dma_start3A_310 = arith.constant 0 : i32
        %dma_start3A_311 = arith.constant 0 : i32
        %dma_start3A_312 = tpu.memref_slice %arg7[%dma_start3A_309, %dma_start3A_310, %dma_start3A_311] : memref<3x96x128xf32, #tpu.memory_space<vmem>> -> memref<1x96x128xf32, #tpu.memory_space<vmem>>
        %dma_start3A_313 = tpu.memref_squeeze %dma_start3A_312 : memref<1x96x128xf32, #tpu.memory_space<vmem>> -> memref<96x128xf32, #tpu.memory_space<vmem>>
        %dma_start3A_314 = arith.constant 0 : i32
        %dma_start3A_315 = tpu.memref_slice %arg6[%dma_start3A_307, %add3A_306, %dma_start3A_308, %dma_start3A_314] : memref<2x21x2x96xi32, #tpu.memory_space<vmem>> -> memref<1x1x1x96xi32, #tpu.memory_space<vmem>>
        %dma_start3A_316 = tpu.memref_squeeze %dma_start3A_315 : memref<1x1x1x96xi32, #tpu.memory_space<vmem>> -> memref<96xi32, #tpu.memory_space<vmem>>
        %dma_start3A_317 = arith.constant 0 : i32
        %dma_start3A_318 = arith.constant 0 : i32
        %dma_start3A_319 = tpu.memref_slice %arg2[%dma_start3A_317, %dma_start3A_318] : memref<10000x128xf32, #tpu.memory_space<hbm>> -> memref<10000x128xf32, #tpu.memory_space<hbm>>
        tpu.enqueue_indirect_dma source(%dma_start3A_319 : memref<10000x128xf32, #tpu.memory_space<hbm>>) target(%dma_start3A_313 : memref<96x128xf32, #tpu.memory_space<vmem>>) offsets(%dma_start3A_316 : memref<96xi32, #tpu.memory_space<vmem>>) semaphore(%arg9 : memref<!tpu.dma_semaphore, #tpu.memory_space<semaphore_mem>>)
      } else {
      }
      %add3A_228 = arith.constant 1 : i32
      %add3A_229 = arith.addi %scan3A_200, %add3A_228 : i32
      %eq3A_230 = arith.constant 7 : i32
      %eq3A_231 = arith.cmpi eq, %add3A_229, %eq3A_230 : i32
      %convert_element_type3A_232 = arith.extui %eq3A_231 : i1 to i32
      %cond3A_233 = arith.constant 0 : i32
      %cond3A_234 = arith.cmpi ne, %convert_element_type3A_232, %cond3A_233 : i32
      scf.if %cond3A_234 {
        %mul3A_303 = arith.constant 105 : i32
        %mul3A_304 = arith.muli %add3A, %mul3A_303 : i32
        %add3A_305 = arith.constant 42 : i32
        %add3A_306 = arith.addi %mul3A_304, %add3A_305 : i32
        %dma_wait3A_307 = arith.constant 0 : i32
        %dma_wait3A_308 = arith.constant 0 : i32
        %dma_wait3A_309 = arith.constant 0 : i32
        %dma_wait3A_310 = arith.constant 0 : i32
        %dma_wait3A_311 = tpu.memref_slice %arg6[%dma_wait3A_307, %dma_wait3A_308, %dma_wait3A_309, %dma_wait3A_310] : memref<2x21x2x96xi32, #tpu.memory_space<vmem>> -> memref<1x21x2x96xi32, #tpu.memory_space<vmem>>
        %dma_wait3A_312 = tpu.memref_squeeze %dma_wait3A_311 : memref<1x21x2x96xi32, #tpu.memory_space<vmem>> -> memref<21x2x96xi32, #tpu.memory_space<vmem>>
        %dma_wait3A_313 = arith.constant 0 : i32
        %dma_wait3A_314 = arith.constant 0 : i32
        %dma_wait3A_315 = tpu.memref_slice %arg3[%add3A_306, %dma_wait3A_313, %dma_wait3A_314] : memref<3360x2x96xi32, #tpu.memory_space<hbm>> -> memref<21x2x96xi32, #tpu.memory_space<hbm>>
        %dma_wait3A_316 = arith.constant 0 : i32
        %dma_wait3A_317 = arith.constant 0 : i32
        %dma_wait3A_318 = arith.constant 0 : i32
        %dma_wait3A_319 = tpu.memref_slice %arg6[%dma_wait3A_307, %dma_wait3A_316, %dma_wait3A_317, %dma_wait3A_318] : memref<2x21x2x96xi32, #tpu.memory_space<vmem>> -> memref<1x21x2x96xi32, #tpu.memory_space<vmem>>
        %dma_wait3A_320 = tpu.memref_squeeze %dma_wait3A_319 : memref<1x21x2x96xi32, #tpu.memory_space<vmem>> -> memref<21x2x96xi32, #tpu.memory_space<vmem>>
        %dma_wait3A_321 = arith.constant 0 : i32
        %dma_wait3A_322 = arith.constant 0 : i32
        %dma_wait3A_323 = tpu.memref_slice %arg3[%add3A_306, %dma_wait3A_321, %dma_wait3A_322] : memref<3360x2x96xi32, #tpu.memory_space<hbm>> -> memref<21x2x96xi32, #tpu.memory_space<hbm>>
        tpu.wait_dma2 semaphore(%arg12 : memref<!tpu.dma_semaphore, #tpu.memory_space<semaphore_mem>>) src(%dma_wait3A_323 : memref<21x2x96xi32, #tpu.memory_space<hbm>>) dst(%dma_wait3A_320 : memref<21x2x96xi32, #tpu.memory_space<vmem>>)
        %dma_start3A_324 = arith.constant 0 : i32
        %dma_start3A_325 = arith.constant 0 : i32
        %dma_start3A_326 = arith.constant 0 : i32
        %dma_start3A_327 = arith.constant 0 : i32
        %dma_start3A_328 = arith.constant 0 : i32
        %dma_start3A_329 = arith.constant 0 : i32
        %dma_start3A_330 = tpu.memref_slice %arg7[%dma_start3A_327, %dma_start3A_328, %dma_start3A_329] : memref<3x96x128xf32, #tpu.memory_space<vmem>> -> memref<1x96x128xf32, #tpu.memory_space<vmem>>
        %dma_start3A_331 = tpu.memref_squeeze %dma_start3A_330 : memref<1x96x128xf32, #tpu.memory_space<vmem>> -> memref<96x128xf32, #tpu.memory_space<vmem>>
        %dma_start3A_332 = arith.constant 0 : i32
        %dma_start3A_333 = tpu.memref_slice %arg6[%dma_start3A_324, %dma_start3A_325, %dma_start3A_326, %dma_start3A_332] : memref<2x21x2x96xi32, #tpu.memory_space<vmem>> -> memref<1x1x1x96xi32, #tpu.memory_space<vmem>>
        %dma_start3A_334 = tpu.memref_squeeze %dma_start3A_333 : memref<1x1x1x96xi32, #tpu.memory_space<vmem>> -> memref<96xi32, #tpu.memory_space<vmem>>
        %dma_start3A_335 = arith.constant 0 : i32
        %dma_start3A_336 = arith.constant 0 : i32
        %dma_start3A_337 = tpu.memref_slice %arg2[%dma_start3A_335, %dma_start3A_336] : memref<10000x128xf32, #tpu.memory_space<hbm>> -> memref<10000x128xf32, #tpu.memory_space<hbm>>
        tpu.enqueue_indirect_dma source(%dma_start3A_337 : memref<10000x128xf32, #tpu.memory_space<hbm>>) target(%dma_start3A_331 : memref<96x128xf32, #tpu.memory_space<vmem>>) offsets(%dma_start3A_334 : memref<96xi32, #tpu.memory_space<vmem>>) semaphore(%arg9 : memref<!tpu.dma_semaphore, #tpu.memory_space<semaphore_mem>>)
      } else {
      }
      %add3A_235 = arith.constant 1 : i32
      %add3A_236 = arith.addi %mul3A_202, %add3A_235 : i32
      %dma_wait3A_237 = arith.constant 1 : i32
      %dma_wait3A_238 = arith.constant 0 : i32
      %dma_wait3A_239 = arith.constant 1 : i32
      %dma_wait3A_240 = arith.constant 0 : i32
      %dma_wait3A_241 = arith.constant 0 : i32
      %dma_wait3A_242 = tpu.memref_slice %arg7[%dma_wait3A_239, %dma_wait3A_240, %dma_wait3A_241] : memref<3x96x128xf32, #tpu.memory_space<vmem>> -> memref<1x96x128xf32, #tpu.memory_space<vmem>>
      %dma_wait3A_243 = tpu.memref_squeeze %dma_wait3A_242 : memref<1x96x128xf32, #tpu.memory_space<vmem>> -> memref<96x128xf32, #tpu.memory_space<vmem>>
      %dma_wait3A_244 = arith.constant 0 : i32
      %dma_wait3A_245 = tpu.memref_slice %arg6[%dma_wait3A_237, %add3A_236, %dma_wait3A_238, %dma_wait3A_244] : memref<2x21x2x96xi32, #tpu.memory_space<vmem>> -> memref<1x1x1x96xi32, #tpu.memory_space<vmem>>
      %dma_wait3A_246 = tpu.memref_squeeze %dma_wait3A_245 : memref<1x1x1x96xi32, #tpu.memory_space<vmem>> -> memref<96xi32, #tpu.memory_space<vmem>>
      %dma_wait3A_247 = arith.constant 0 : i32
      %dma_wait3A_248 = arith.constant 0 : i32
      %dma_wait3A_249 = tpu.memref_slice %arg2[%dma_wait3A_247, %dma_wait3A_248] : memref<10000x128xf32, #tpu.memory_space<hbm>> -> memref<10000x128xf32, #tpu.memory_space<hbm>>
      tpu.wait_indirect_dma semaphore(%arg10 : memref<!tpu.dma_semaphore, #tpu.memory_space<semaphore_mem>>) src(%dma_wait3A_249 : memref<10000x128xf32, #tpu.memory_space<hbm>>) dst(%dma_wait3A_243 : memref<96x128xf32, #tpu.memory_space<vmem>>)
      %add3A_250 = arith.constant 1 : i32
      %add3A_251 = arith.addi %mul3A_202, %add3A_250 : i32
      %run_scoped3A_252 = arith.constant 1 : i32
      %run_scoped3A_253 = arith.constant 1 : i32
      %run_scoped3A_254 = arith.constant 1 : i32
      "tpu.region"() ({
        %run_scoped3A_303 = tpu.sem_alloc : memref<!tpu.dma_semaphore, #tpu.memory_space<semaphore_mem>>
        %dma_start3A_304 = arith.constant 0 : i32
        %dma_start3A_305 = arith.constant 0 : i32
        %dma_start3A_306 = tpu.memref_slice %arg7[%run_scoped3A_252, %dma_start3A_304, %dma_start3A_305] : memref<3x96x128xf32, #tpu.memory_space<vmem>> -> memref<1x96x128xf32, #tpu.memory_space<vmem>>
        %dma_start3A_307 = tpu.memref_squeeze %dma_start3A_306 : memref<1x96x128xf32, #tpu.memory_space<vmem>> -> memref<96x128xf32, #tpu.memory_space<vmem>>
        %dma_start3A_308 = arith.constant 0 : i32
        %dma_start3A_309 = tpu.memref_slice %arg6[%run_scoped3A_253, %add3A_251, %run_scoped3A_254, %dma_start3A_308] : memref<2x21x2x96xi32, #tpu.memory_space<vmem>> -> memref<1x1x1x96xi32, #tpu.memory_space<vmem>>
        %dma_start3A_310 = tpu.memref_squeeze %dma_start3A_309 : memref<1x1x1x96xi32, #tpu.memory_space<vmem>> -> memref<96xi32, #tpu.memory_space<vmem>>
        %dma_start3A_311 = arith.constant 0 : i32
        %dma_start3A_312 = arith.constant 0 : i32
        %dma_start3A_313 = tpu.memref_slice %arg8[%dma_start3A_311, %dma_start3A_312] : memref<10112x128xf32, #tpu.memory_space<vmem_shared>> -> memref<10112x128xf32, #tpu.memory_space<vmem_shared>>
        tpu.enqueue_indirect_dma source(%dma_start3A_307 : memref<96x128xf32, #tpu.memory_space<vmem>>) target(%dma_start3A_313 : memref<10112x128xf32, #tpu.memory_space<vmem_shared>>) offsets(%dma_start3A_310 : memref<96xi32, #tpu.memory_space<vmem>>) semaphore(%run_scoped3A_303 : memref<!tpu.dma_semaphore, #tpu.memory_space<semaphore_mem>>) {add = true}
        %dma_wait3A_314 = arith.constant 0 : i32
        %dma_wait3A_315 = arith.constant 0 : i32
        %dma_wait3A_316 = tpu.memref_slice %arg7[%run_scoped3A_252, %dma_wait3A_314, %dma_wait3A_315] : memref<3x96x128xf32, #tpu.memory_space<vmem>> -> memref<1x96x128xf32, #tpu.memory_space<vmem>>
        %dma_wait3A_317 = tpu.memref_squeeze %dma_wait3A_316 : memref<1x96x128xf32, #tpu.memory_space<vmem>> -> memref<96x128xf32, #tpu.memory_space<vmem>>
        %dma_wait3A_318 = arith.constant 0 : i32
        %dma_wait3A_319 = tpu.memref_slice %arg6[%run_scoped3A_253, %add3A_251, %run_scoped3A_254, %dma_wait3A_318] : memref<2x21x2x96xi32, #tpu.memory_space<vmem>> -> memref<1x1x1x96xi32, #tpu.memory_space<vmem>>
        %dma_wait3A_320 = tpu.memref_squeeze %dma_wait3A_319 : memref<1x1x1x96xi32, #tpu.memory_space<vmem>> -> memref<96xi32, #tpu.memory_space<vmem>>
        %dma_wait3A_321 = arith.constant 0 : i32
        %dma_wait3A_322 = arith.constant 0 : i32
        %dma_wait3A_323 = tpu.memref_slice %arg8[%dma_wait3A_321, %dma_wait3A_322] : memref<10112x128xf32, #tpu.memory_space<vmem_shared>> -> memref<10112x128xf32, #tpu.memory_space<vmem_shared>>
        tpu.wait_indirect_dma semaphore(%run_scoped3A_303 : memref<!tpu.dma_semaphore, #tpu.memory_space<semaphore_mem>>) src(%dma_wait3A_317 : memref<96x128xf32, #tpu.memory_space<vmem>>) dst(%dma_wait3A_323 : memref<10112x128xf32, #tpu.memory_space<vmem_shared>>)
        tpu.yield
      }) : () -> ()
      %add3A_255 = arith.constant 1 : i32
      %add3A_256 = arith.addi %scan3A_200, %add3A_255 : i32
      %lt3A_257 = arith.constant 7 : i32
      %lt3A_258 = arith.cmpi slt, %add3A_256, %lt3A_257 : i32
      %convert_element_type3A_259 = arith.extui %lt3A_258 : i1 to i32
      %cond3A_260 = arith.constant 0 : i32
      %cond3A_261 = arith.cmpi ne, %convert_element_type3A_259, %cond3A_260 : i32
      scf.if %cond3A_261 {
        %add3A_303 = arith.constant 3 : i32
        %add3A_304 = arith.addi %mul3A_202, %add3A_303 : i32
        %add3A_305 = arith.constant 1 : i32
        %add3A_306 = arith.addi %add3A_304, %add3A_305 : i32
        %dma_start3A_307 = arith.constant 1 : i32
        %dma_start3A_308 = arith.constant 0 : i32
        %dma_start3A_309 = arith.constant 1 : i32
        %dma_start3A_310 = arith.constant 0 : i32
        %dma_start3A_311 = arith.constant 0 : i32
        %dma_start3A_312 = tpu.memref_slice %arg7[%dma_start3A_309, %dma_start3A_310, %dma_start3A_311] : memref<3x96x128xf32, #tpu.memory_space<vmem>> -> memref<1x96x128xf32, #tpu.memory_space<vmem>>
        %dma_start3A_313 = tpu.memref_squeeze %dma_start3A_312 : memref<1x96x128xf32, #tpu.memory_space<vmem>> -> memref<96x128xf32, #tpu.memory_space<vmem>>
        %dma_start3A_314 = arith.constant 0 : i32
        %dma_start3A_315 = tpu.memref_slice %arg6[%dma_start3A_307, %add3A_306, %dma_start3A_308, %dma_start3A_314] : memref<2x21x2x96xi32, #tpu.memory_space<vmem>> -> memref<1x1x1x96xi32, #tpu.memory_space<vmem>>
        %dma_start3A_316 = tpu.memref_squeeze %dma_start3A_315 : memref<1x1x1x96xi32, #tpu.memory_space<vmem>> -> memref<96xi32, #tpu.memory_space<vmem>>
        %dma_start3A_317 = arith.constant 0 : i32
        %dma_start3A_318 = arith.constant 0 : i32
        %dma_start3A_319 = tpu.memref_slice %arg2[%dma_start3A_317, %dma_start3A_318] : memref<10000x128xf32, #tpu.memory_space<hbm>> -> memref<10000x128xf32, #tpu.memory_space<hbm>>
        tpu.enqueue_indirect_dma source(%dma_start3A_319 : memref<10000x128xf32, #tpu.memory_space<hbm>>) target(%dma_start3A_313 : memref<96x128xf32, #tpu.memory_space<vmem>>) offsets(%dma_start3A_316 : memref<96xi32, #tpu.memory_space<vmem>>) semaphore(%arg10 : memref<!tpu.dma_semaphore, #tpu.memory_space<semaphore_mem>>)
      } else {
      }
      %add3A_262 = arith.constant 1 : i32
      %add3A_263 = arith.addi %scan3A_200, %add3A_262 : i32
      %eq3A_264 = arith.constant 7 : i32
      %eq3A_265 = arith.cmpi eq, %add3A_263, %eq3A_264 : i32
      %convert_element_type3A_266 = arith.extui %eq3A_265 : i1 to i32
      %cond3A_267 = arith.constant 0 : i32
      %cond3A_268 = arith.cmpi ne, %convert_element_type3A_266, %cond3A_267 : i32
      scf.if %cond3A_268 {
        %dma_start3A_303 = arith.constant 0 : i32
        %dma_start3A_304 = arith.constant 1 : i32
        %dma_start3A_305 = arith.constant 0 : i32
        %dma_start3A_306 = arith.constant 1 : i32
        %dma_start3A_307 = arith.constant 0 : i32
        %dma_start3A_308 = arith.constant 0 : i32
        %dma_start3A_309 = tpu.memref_slice %arg7[%dma_start3A_306, %dma_start3A_307, %dma_start3A_308] : memref<3x96x128xf32, #tpu.memory_space<vmem>> -> memref<1x96x128xf32, #tpu.memory_space<vmem>>
        %dma_start3A_310 = tpu.memref_squeeze %dma_start3A_309 : memref<1x96x128xf32, #tpu.memory_space<vmem>> -> memref<96x128xf32, #tpu.memory_space<vmem>>
        %dma_start3A_311 = arith.constant 0 : i32
        %dma_start3A_312 = tpu.memref_slice %arg6[%dma_start3A_303, %dma_start3A_304, %dma_start3A_305, %dma_start3A_311] : memref<2x21x2x96xi32, #tpu.memory_space<vmem>> -> memref<1x1x1x96xi32, #tpu.memory_space<vmem>>
        %dma_start3A_313 = tpu.memref_squeeze %dma_start3A_312 : memref<1x1x1x96xi32, #tpu.memory_space<vmem>> -> memref<96xi32, #tpu.memory_space<vmem>>
        %dma_start3A_314 = arith.constant 0 : i32
        %dma_start3A_315 = arith.constant 0 : i32
        %dma_start3A_316 = tpu.memref_slice %arg2[%dma_start3A_314, %dma_start3A_315] : memref<10000x128xf32, #tpu.memory_space<hbm>> -> memref<10000x128xf32, #tpu.memory_space<hbm>>
        tpu.enqueue_indirect_dma source(%dma_start3A_316 : memref<10000x128xf32, #tpu.memory_space<hbm>>) target(%dma_start3A_310 : memref<96x128xf32, #tpu.memory_space<vmem>>) offsets(%dma_start3A_313 : memref<96xi32, #tpu.memory_space<vmem>>) semaphore(%arg10 : memref<!tpu.dma_semaphore, #tpu.memory_space<semaphore_mem>>)
      } else {
      }
      %add3A_269 = arith.constant 2 : i32
      %add3A_270 = arith.addi %mul3A_202, %add3A_269 : i32
      %dma_wait3A_271 = arith.constant 1 : i32
      %dma_wait3A_272 = arith.constant 0 : i32
      %dma_wait3A_273 = arith.constant 2 : i32
      %dma_wait3A_274 = arith.constant 0 : i32
      %dma_wait3A_275 = arith.constant 0 : i32
      %dma_wait3A_276 = tpu.memref_slice %arg7[%dma_wait3A_273, %dma_wait3A_274, %dma_wait3A_275] : memref<3x96x128xf32, #tpu.memory_space<vmem>> -> memref<1x96x128xf32, #tpu.memory_space<vmem>>
      %dma_wait3A_277 = tpu.memref_squeeze %dma_wait3A_276 : memref<1x96x128xf32, #tpu.memory_space<vmem>> -> memref<96x128xf32, #tpu.memory_space<vmem>>
      %dma_wait3A_278 = arith.constant 0 : i32
      %dma_wait3A_279 = tpu.memref_slice %arg6[%dma_wait3A_271, %add3A_270, %dma_wait3A_272, %dma_wait3A_278] : memref<2x21x2x96xi32, #tpu.memory_space<vmem>> -> memref<1x1x1x96xi32, #tpu.memory_space<vmem>>
      %dma_wait3A_280 = tpu.memref_squeeze %dma_wait3A_279 : memref<1x1x1x96xi32, #tpu.memory_space<vmem>> -> memref<96xi32, #tpu.memory_space<vmem>>
      %dma_wait3A_281 = arith.constant 0 : i32
      %dma_wait3A_282 = arith.constant 0 : i32
      %dma_wait3A_283 = tpu.memref_slice %arg2[%dma_wait3A_281, %dma_wait3A_282] : memref<10000x128xf32, #tpu.memory_space<hbm>> -> memref<10000x128xf32, #tpu.memory_space<hbm>>
      tpu.wait_indirect_dma semaphore(%arg11 : memref<!tpu.dma_semaphore, #tpu.memory_space<semaphore_mem>>) src(%dma_wait3A_283 : memref<10000x128xf32, #tpu.memory_space<hbm>>) dst(%dma_wait3A_277 : memref<96x128xf32, #tpu.memory_space<vmem>>)
      %add3A_284 = arith.constant 2 : i32
      %add3A_285 = arith.addi %mul3A_202, %add3A_284 : i32
      %run_scoped3A_286 = arith.constant 2 : i32
      %run_scoped3A_287 = arith.constant 1 : i32
      %run_scoped3A_288 = arith.constant 1 : i32
      "tpu.region"() ({
        %run_scoped3A_303 = tpu.sem_alloc : memref<!tpu.dma_semaphore, #tpu.memory_space<semaphore_mem>>
        %dma_start3A_304 = arith.constant 0 : i32
        %dma_start3A_305 = arith.constant 0 : i32
        %dma_start3A_306 = tpu.memref_slice %arg7[%run_scoped3A_286, %dma_start3A_304, %dma_start3A_305] : memref<3x96x128xf32, #tpu.memory_space<vmem>> -> memref<1x96x128xf32, #tpu.memory_space<vmem>>
        %dma_start3A_307 = tpu.memref_squeeze %dma_start3A_306 : memref<1x96x128xf32, #tpu.memory_space<vmem>> -> memref<96x128xf32, #tpu.memory_space<vmem>>
        %dma_start3A_308 = arith.constant 0 : i32
        %dma_start3A_309 = tpu.memref_slice %arg6[%run_scoped3A_287, %add3A_285, %run_scoped3A_288, %dma_start3A_308] : memref<2x21x2x96xi32, #tpu.memory_space<vmem>> -> memref<1x1x1x96xi32, #tpu.memory_space<vmem>>
        %dma_start3A_310 = tpu.memref_squeeze %dma_start3A_309 : memref<1x1x1x96xi32, #tpu.memory_space<vmem>> -> memref<96xi32, #tpu.memory_space<vmem>>
        %dma_start3A_311 = arith.constant 0 : i32
        %dma_start3A_312 = arith.constant 0 : i32
        %dma_start3A_313 = tpu.memref_slice %arg8[%dma_start3A_311, %dma_start3A_312] : memref<10112x128xf32, #tpu.memory_space<vmem_shared>> -> memref<10112x128xf32, #tpu.memory_space<vmem_shared>>
        tpu.enqueue_indirect_dma source(%dma_start3A_307 : memref<96x128xf32, #tpu.memory_space<vmem>>) target(%dma_start3A_313 : memref<10112x128xf32, #tpu.memory_space<vmem_shared>>) offsets(%dma_start3A_310 : memref<96xi32, #tpu.memory_space<vmem>>) semaphore(%run_scoped3A_303 : memref<!tpu.dma_semaphore, #tpu.memory_space<semaphore_mem>>) {add = true}
        %dma_wait3A_314 = arith.constant 0 : i32
        %dma_wait3A_315 = arith.constant 0 : i32
        %dma_wait3A_316 = tpu.memref_slice %arg7[%run_scoped3A_286, %dma_wait3A_314, %dma_wait3A_315] : memref<3x96x128xf32, #tpu.memory_space<vmem>> -> memref<1x96x128xf32, #tpu.memory_space<vmem>>
        %dma_wait3A_317 = tpu.memref_squeeze %dma_wait3A_316 : memref<1x96x128xf32, #tpu.memory_space<vmem>> -> memref<96x128xf32, #tpu.memory_space<vmem>>
        %dma_wait3A_318 = arith.constant 0 : i32
        %dma_wait3A_319 = tpu.memref_slice %arg6[%run_scoped3A_287, %add3A_285, %run_scoped3A_288, %dma_wait3A_318] : memref<2x21x2x96xi32, #tpu.memory_space<vmem>> -> memref<1x1x1x96xi32, #tpu.memory_space<vmem>>
        %dma_wait3A_320 = tpu.memref_squeeze %dma_wait3A_319 : memref<1x1x1x96xi32, #tpu.memory_space<vmem>> -> memref<96xi32, #tpu.memory_space<vmem>>
        %dma_wait3A_321 = arith.constant 0 : i32
        %dma_wait3A_322 = arith.constant 0 : i32
        %dma_wait3A_323 = tpu.memref_slice %arg8[%dma_wait3A_321, %dma_wait3A_322] : memref<10112x128xf32, #tpu.memory_space<vmem_shared>> -> memref<10112x128xf32, #tpu.memory_space<vmem_shared>>
        tpu.wait_indirect_dma semaphore(%run_scoped3A_303 : memref<!tpu.dma_semaphore, #tpu.memory_space<semaphore_mem>>) src(%dma_wait3A_317 : memref<96x128xf32, #tpu.memory_space<vmem>>) dst(%dma_wait3A_323 : memref<10112x128xf32, #tpu.memory_space<vmem_shared>>)
        tpu.yield
      }) : () -> ()
      %add3A_289 = arith.constant 1 : i32
      %add3A_290 = arith.addi %scan3A_200, %add3A_289 : i32
      %lt3A_291 = arith.constant 7 : i32
      %lt3A_292 = arith.cmpi slt, %add3A_290, %lt3A_291 : i32
      %convert_element_type3A_293 = arith.extui %lt3A_292 : i1 to i32
      %cond3A_294 = arith.constant 0 : i32
      %cond3A_295 = arith.cmpi ne, %convert_element_type3A_293, %cond3A_294 : i32
      scf.if %cond3A_295 {
        %add3A_303 = arith.constant 3 : i32
        %add3A_304 = arith.addi %mul3A_202, %add3A_303 : i32
        %add3A_305 = arith.constant 2 : i32
        %add3A_306 = arith.addi %add3A_304, %add3A_305 : i32
        %dma_start3A_307 = arith.constant 1 : i32
        %dma_start3A_308 = arith.constant 0 : i32
        %dma_start3A_309 = arith.constant 2 : i32
        %dma_start3A_310 = arith.constant 0 : i32
        %dma_start3A_311 = arith.constant 0 : i32
        %dma_start3A_312 = tpu.memref_slice %arg7[%dma_start3A_309, %dma_start3A_310, %dma_start3A_311] : memref<3x96x128xf32, #tpu.memory_space<vmem>> -> memref<1x96x128xf32, #tpu.memory_space<vmem>>
        %dma_start3A_313 = tpu.memref_squeeze %dma_start3A_312 : memref<1x96x128xf32, #tpu.memory_space<vmem>> -> memref<96x128xf32, #tpu.memory_space<vmem>>
        %dma_start3A_314 = arith.constant 0 : i32
        %dma_start3A_315 = tpu.memref_slice %arg6[%dma_start3A_307, %add3A_306, %dma_start3A_308, %dma_start3A_314] : memref<2x21x2x96xi32, #tpu.memory_space<vmem>> -> memref<1x1x1x96xi32, #tpu.memory_space<vmem>>
        %dma_start3A_316 = tpu.memref_squeeze %dma_start3A_315 : memref<1x1x1x96xi32, #tpu.memory_space<vmem>> -> memref<96xi32, #tpu.memory_space<vmem>>
        %dma_start3A_317 = arith.constant 0 : i32
        %dma_start3A_318 = arith.constant 0 : i32
        %dma_start3A_319 = tpu.memref_slice %arg2[%dma_start3A_317, %dma_start3A_318] : memref<10000x128xf32, #tpu.memory_space<hbm>> -> memref<10000x128xf32, #tpu.memory_space<hbm>>
        tpu.enqueue_indirect_dma source(%dma_start3A_319 : memref<10000x128xf32, #tpu.memory_space<hbm>>) target(%dma_start3A_313 : memref<96x128xf32, #tpu.memory_space<vmem>>) offsets(%dma_start3A_316 : memref<96xi32, #tpu.memory_space<vmem>>) semaphore(%arg11 : memref<!tpu.dma_semaphore, #tpu.memory_space<semaphore_mem>>)
      } else {
      }
      %add3A_296 = arith.constant 1 : i32
      %add3A_297 = arith.addi %scan3A_200, %add3A_296 : i32
      %eq3A_298 = arith.constant 7 : i32
      %eq3A_299 = arith.cmpi eq, %add3A_297, %eq3A_298 : i32
      %convert_element_type3A_300 = arith.extui %eq3A_299 : i1 to i32
      %cond3A_301 = arith.constant 0 : i32
      %cond3A_302 = arith.cmpi ne, %convert_element_type3A_300, %cond3A_301 : i32
      scf.if %cond3A_302 {
        %dma_start3A_303 = arith.constant 0 : i32
        %dma_start3A_304 = arith.constant 2 : i32
        %dma_start3A_305 = arith.constant 0 : i32
        %dma_start3A_306 = arith.constant 2 : i32
        %dma_start3A_307 = arith.constant 0 : i32
        %dma_start3A_308 = arith.constant 0 : i32
        %dma_start3A_309 = tpu.memref_slice %arg7[%dma_start3A_306, %dma_start3A_307, %dma_start3A_308] : memref<3x96x128xf32, #tpu.memory_space<vmem>> -> memref<1x96x128xf32, #tpu.memory_space<vmem>>
        %dma_start3A_310 = tpu.memref_squeeze %dma_start3A_309 : memref<1x96x128xf32, #tpu.memory_space<vmem>> -> memref<96x128xf32, #tpu.memory_space<vmem>>
        %dma_start3A_311 = arith.constant 0 : i32
        %dma_start3A_312 = tpu.memref_slice %arg6[%dma_start3A_303, %dma_start3A_304, %dma_start3A_305, %dma_start3A_311] : memref<2x21x2x96xi32, #tpu.memory_space<vmem>> -> memref<1x1x1x96xi32, #tpu.memory_space<vmem>>
        %dma_start3A_313 = tpu.memref_squeeze %dma_start3A_312 : memref<1x1x1x96xi32, #tpu.memory_space<vmem>> -> memref<96xi32, #tpu.memory_space<vmem>>
        %dma_start3A_314 = arith.constant 0 : i32
        %dma_start3A_315 = arith.constant 0 : i32
        %dma_start3A_316 = tpu.memref_slice %arg2[%dma_start3A_314, %dma_start3A_315] : memref<10000x128xf32, #tpu.memory_space<hbm>> -> memref<10000x128xf32, #tpu.memory_space<hbm>>
        tpu.enqueue_indirect_dma source(%dma_start3A_316 : memref<10000x128xf32, #tpu.memory_space<hbm>>) target(%dma_start3A_310 : memref<96x128xf32, #tpu.memory_space<vmem>>) offsets(%dma_start3A_313 : memref<96xi32, #tpu.memory_space<vmem>>) semaphore(%arg11 : memref<!tpu.dma_semaphore, #tpu.memory_space<semaphore_mem>>)
      } else {
      }
    }
    %scan3A_135 = arith.constant 7 : i32
    %mul3A_136 = arith.constant 105 : i32
    %mul3A_137 = arith.muli %add3A, %mul3A_136 : i32
    %add3A_138 = arith.constant 63 : i32
    %add3A_139 = arith.addi %mul3A_137, %add3A_138 : i32
    %dma_start3A_140 = arith.constant 1 : i32
    %dma_start3A_141 = arith.constant 0 : i32
    %dma_start3A_142 = arith.constant 0 : i32
    %dma_start3A_143 = arith.constant 0 : i32
    %dma_start3A_144 = tpu.memref_slice %arg6[%dma_start3A_140, %dma_start3A_141, %dma_start3A_142, %dma_start3A_143] : memref<2x21x2x96xi32, #tpu.memory_space<vmem>> -> memref<1x21x2x96xi32, #tpu.memory_space<vmem>>
    %dma_start3A_145 = tpu.memref_squeeze %dma_start3A_144 : memref<1x21x2x96xi32, #tpu.memory_space<vmem>> -> memref<21x2x96xi32, #tpu.memory_space<vmem>>
    %dma_start3A_146 = arith.constant 0 : i32
    %dma_start3A_147 = arith.constant 0 : i32
    %dma_start3A_148 = tpu.memref_slice %arg3[%add3A_139, %dma_start3A_146, %dma_start3A_147] : memref<3360x2x96xi32, #tpu.memory_space<hbm>> -> memref<21x2x96xi32, #tpu.memory_space<hbm>>
    %dma_start3A_149 = arith.constant 0 : i32
    %dma_start3A_150 = arith.constant 0 : i32
    %dma_start3A_151 = arith.constant 0 : i32
    %dma_start3A_152 = tpu.memref_slice %arg6[%dma_start3A_140, %dma_start3A_149, %dma_start3A_150, %dma_start3A_151] : memref<2x21x2x96xi32, #tpu.memory_space<vmem>> -> memref<1x21x2x96xi32, #tpu.memory_space<vmem>>
    %dma_start3A_153 = tpu.memref_squeeze %dma_start3A_152 : memref<1x21x2x96xi32, #tpu.memory_space<vmem>> -> memref<21x2x96xi32, #tpu.memory_space<vmem>>
    %dma_start3A_154 = arith.constant 0 : i32
    %dma_start3A_155 = arith.constant 0 : i32
    %dma_start3A_156 = tpu.memref_slice %arg3[%add3A_139, %dma_start3A_154, %dma_start3A_155] : memref<3360x2x96xi32, #tpu.memory_space<hbm>> -> memref<21x2x96xi32, #tpu.memory_space<hbm>>
    tpu.enqueue_dma source(%dma_start3A_156 : memref<21x2x96xi32, #tpu.memory_space<hbm>>) target(%dma_start3A_153 : memref<21x2x96xi32, #tpu.memory_space<vmem>>) target_semaphore(%arg12 : memref<!tpu.dma_semaphore, #tpu.memory_space<semaphore_mem>>)
    %scan3A_157 = arith.constant 0 : i32
    %scan3A_158 = arith.constant 7 : i32
    %scan3A_159 = arith.addi %scan3A_157, %scan3A_158 : i32
    %scan3A_160 = arith.constant 1 : i32
    scf.for %scan3A_200 = %scan3A_157 to %scan3A_159 step %scan3A_160  : i32 {
      %mul3A_201 = arith.constant 3 : i32
      %mul3A_202 = arith.muli %scan3A_200, %mul3A_201 : i32
      %add3A_203 = arith.constant 0 : i32
      %add3A_204 = arith.addi %mul3A_202, %add3A_203 : i32
      %dma_wait3A_205 = arith.constant 0 : i32
      %dma_wait3A_206 = arith.constant 0 : i32
      %dma_wait3A_207 = arith.constant 0 : i32
      %dma_wait3A_208 = arith.constant 0 : i32
      %dma_wait3A_209 = arith.constant 0 : i32
      %dma_wait3A_210 = tpu.memref_slice %arg7[%dma_wait3A_207, %dma_wait3A_208, %dma_wait3A_209] : memref<3x96x128xf32, #tpu.memory_space<vmem>> -> memref<1x96x128xf32, #tpu.memory_space<vmem>>
      %dma_wait3A_211 = tpu.memref_squeeze %dma_wait3A_210 : memref<1x96x128xf32, #tpu.memory_space<vmem>> -> memref<96x128xf32, #tpu.memory_space<vmem>>
      %dma_wait3A_212 = arith.constant 0 : i32
      %dma_wait3A_213 = tpu.memref_slice %arg6[%dma_wait3A_205, %add3A_204, %dma_wait3A_206, %dma_wait3A_212] : memref<2x21x2x96xi32, #tpu.memory_space<vmem>> -> memref<1x1x1x96xi32, #tpu.memory_space<vmem>>
      %dma_wait3A_214 = tpu.memref_squeeze %dma_wait3A_213 : memref<1x1x1x96xi32, #tpu.memory_space<vmem>> -> memref<96xi32, #tpu.memory_space<vmem>>
      %dma_wait3A_215 = arith.constant 0 : i32
      %dma_wait3A_216 = arith.constant 0 : i32
      %dma_wait3A_217 = tpu.memref_slice %arg2[%dma_wait3A_215, %dma_wait3A_216] : memref<10000x128xf32, #tpu.memory_space<hbm>> -> memref<10000x128xf32, #tpu.memory_space<hbm>>
      tpu.wait_indirect_dma semaphore(%arg9 : memref<!tpu.dma_semaphore, #tpu.memory_space<semaphore_mem>>) src(%dma_wait3A_217 : memref<10000x128xf32, #tpu.memory_space<hbm>>) dst(%dma_wait3A_211 : memref<96x128xf32, #tpu.memory_space<vmem>>)
      %add3A_218 = arith.constant 0 : i32
      %add3A_219 = arith.addi %mul3A_202, %add3A_218 : i32
      %run_scoped3A = arith.constant 0 : i32
      %run_scoped3A_220 = arith.constant 0 : i32
      %run_scoped3A_221 = arith.constant 1 : i32
      "tpu.region"() ({
        %run_scoped3A_303 = tpu.sem_alloc : memref<!tpu.dma_semaphore, #tpu.memory_space<semaphore_mem>>
        %dma_start3A_304 = arith.constant 0 : i32
        %dma_start3A_305 = arith.constant 0 : i32
        %dma_start3A_306 = tpu.memref_slice %arg7[%run_scoped3A, %dma_start3A_304, %dma_start3A_305] : memref<3x96x128xf32, #tpu.memory_space<vmem>> -> memref<1x96x128xf32, #tpu.memory_space<vmem>>
        %dma_start3A_307 = tpu.memref_squeeze %dma_start3A_306 : memref<1x96x128xf32, #tpu.memory_space<vmem>> -> memref<96x128xf32, #tpu.memory_space<vmem>>
        %dma_start3A_308 = arith.constant 0 : i32
        %dma_start3A_309 = tpu.memref_slice %arg6[%run_scoped3A_220, %add3A_219, %run_scoped3A_221, %dma_start3A_308] : memref<2x21x2x96xi32, #tpu.memory_space<vmem>> -> memref<1x1x1x96xi32, #tpu.memory_space<vmem>>
        %dma_start3A_310 = tpu.memref_squeeze %dma_start3A_309 : memref<1x1x1x96xi32, #tpu.memory_space<vmem>> -> memref<96xi32, #tpu.memory_space<vmem>>
        %dma_start3A_311 = arith.constant 0 : i32
        %dma_start3A_312 = arith.constant 0 : i32
        %dma_start3A_313 = tpu.memref_slice %arg8[%dma_start3A_311, %dma_start3A_312] : memref<10112x128xf32, #tpu.memory_space<vmem_shared>> -> memref<10112x128xf32, #tpu.memory_space<vmem_shared>>
        tpu.enqueue_indirect_dma source(%dma_start3A_307 : memref<96x128xf32, #tpu.memory_space<vmem>>) target(%dma_start3A_313 : memref<10112x128xf32, #tpu.memory_space<vmem_shared>>) offsets(%dma_start3A_310 : memref<96xi32, #tpu.memory_space<vmem>>) semaphore(%run_scoped3A_303 : memref<!tpu.dma_semaphore, #tpu.memory_space<semaphore_mem>>) {add = true}
        %dma_wait3A_314 = arith.constant 0 : i32
        %dma_wait3A_315 = arith.constant 0 : i32
        %dma_wait3A_316 = tpu.memref_slice %arg7[%run_scoped3A, %dma_wait3A_314, %dma_wait3A_315] : memref<3x96x128xf32, #tpu.memory_space<vmem>> -> memref<1x96x128xf32, #tpu.memory_space<vmem>>
        %dma_wait3A_317 = tpu.memref_squeeze %dma_wait3A_316 : memref<1x96x128xf32, #tpu.memory_space<vmem>> -> memref<96x128xf32, #tpu.memory_space<vmem>>
        %dma_wait3A_318 = arith.constant 0 : i32
        %dma_wait3A_319 = tpu.memref_slice %arg6[%run_scoped3A_220, %add3A_219, %run_scoped3A_221, %dma_wait3A_318] : memref<2x21x2x96xi32, #tpu.memory_space<vmem>> -> memref<1x1x1x96xi32, #tpu.memory_space<vmem>>
        %dma_wait3A_320 = tpu.memref_squeeze %dma_wait3A_319 : memref<1x1x1x96xi32, #tpu.memory_space<vmem>> -> memref<96xi32, #tpu.memory_space<vmem>>
        %dma_wait3A_321 = arith.constant 0 : i32
        %dma_wait3A_322 = arith.constant 0 : i32
        %dma_wait3A_323 = tpu.memref_slice %arg8[%dma_wait3A_321, %dma_wait3A_322] : memref<10112x128xf32, #tpu.memory_space<vmem_shared>> -> memref<10112x128xf32, #tpu.memory_space<vmem_shared>>
        tpu.wait_indirect_dma semaphore(%run_scoped3A_303 : memref<!tpu.dma_semaphore, #tpu.memory_space<semaphore_mem>>) src(%dma_wait3A_317 : memref<96x128xf32, #tpu.memory_space<vmem>>) dst(%dma_wait3A_323 : memref<10112x128xf32, #tpu.memory_space<vmem_shared>>)
        tpu.yield
      }) : () -> ()
      %add3A_222 = arith.constant 1 : i32
      %add3A_223 = arith.addi %scan3A_200, %add3A_222 : i32
      %lt3A = arith.constant 7 : i32
      %lt3A_224 = arith.cmpi slt, %add3A_223, %lt3A : i32
      %convert_element_type3A_225 = arith.extui %lt3A_224 : i1 to i32
      %cond3A_226 = arith.constant 0 : i32
      %cond3A_227 = arith.cmpi ne, %convert_element_type3A_225, %cond3A_226 : i32
      scf.if %cond3A_227 {
        %add3A_303 = arith.constant 3 : i32
        %add3A_304 = arith.addi %mul3A_202, %add3A_303 : i32
        %add3A_305 = arith.constant 0 : i32
        %add3A_306 = arith.addi %add3A_304, %add3A_305 : i32
        %dma_start3A_307 = arith.constant 0 : i32
        %dma_start3A_308 = arith.constant 0 : i32
        %dma_start3A_309 = arith.constant 0 : i32
        %dma_start3A_310 = arith.constant 0 : i32
        %dma_start3A_311 = arith.constant 0 : i32
        %dma_start3A_312 = tpu.memref_slice %arg7[%dma_start3A_309, %dma_start3A_310, %dma_start3A_311] : memref<3x96x128xf32, #tpu.memory_space<vmem>> -> memref<1x96x128xf32, #tpu.memory_space<vmem>>
        %dma_start3A_313 = tpu.memref_squeeze %dma_start3A_312 : memref<1x96x128xf32, #tpu.memory_space<vmem>> -> memref<96x128xf32, #tpu.memory_space<vmem>>
        %dma_start3A_314 = arith.constant 0 : i32
        %dma_start3A_315 = tpu.memref_slice %arg6[%dma_start3A_307, %add3A_306, %dma_start3A_308, %dma_start3A_314] : memref<2x21x2x96xi32, #tpu.memory_space<vmem>> -> memref<1x1x1x96xi32, #tpu.memory_space<vmem>>
        %dma_start3A_316 = tpu.memref_squeeze %dma_start3A_315 : memref<1x1x1x96xi32, #tpu.memory_space<vmem>> -> memref<96xi32, #tpu.memory_space<vmem>>
        %dma_start3A_317 = arith.constant 0 : i32
        %dma_start3A_318 = arith.constant 0 : i32
        %dma_start3A_319 = tpu.memref_slice %arg2[%dma_start3A_317, %dma_start3A_318] : memref<10000x128xf32, #tpu.memory_space<hbm>> -> memref<10000x128xf32, #tpu.memory_space<hbm>>
        tpu.enqueue_indirect_dma source(%dma_start3A_319 : memref<10000x128xf32, #tpu.memory_space<hbm>>) target(%dma_start3A_313 : memref<96x128xf32, #tpu.memory_space<vmem>>) offsets(%dma_start3A_316 : memref<96xi32, #tpu.memory_space<vmem>>) semaphore(%arg9 : memref<!tpu.dma_semaphore, #tpu.memory_space<semaphore_mem>>)
      } else {
      }
      %add3A_228 = arith.constant 1 : i32
      %add3A_229 = arith.addi %scan3A_200, %add3A_228 : i32
      %eq3A_230 = arith.constant 7 : i32
      %eq3A_231 = arith.cmpi eq, %add3A_229, %eq3A_230 : i32
      %convert_element_type3A_232 = arith.extui %eq3A_231 : i1 to i32
      %cond3A_233 = arith.constant 0 : i32
      %cond3A_234 = arith.cmpi ne, %convert_element_type3A_232, %cond3A_233 : i32
      scf.if %cond3A_234 {
        %mul3A_303 = arith.constant 105 : i32
        %mul3A_304 = arith.muli %add3A, %mul3A_303 : i32
        %add3A_305 = arith.constant 63 : i32
        %add3A_306 = arith.addi %mul3A_304, %add3A_305 : i32
        %dma_wait3A_307 = arith.constant 1 : i32
        %dma_wait3A_308 = arith.constant 0 : i32
        %dma_wait3A_309 = arith.constant 0 : i32
        %dma_wait3A_310 = arith.constant 0 : i32
        %dma_wait3A_311 = tpu.memref_slice %arg6[%dma_wait3A_307, %dma_wait3A_308, %dma_wait3A_309, %dma_wait3A_310] : memref<2x21x2x96xi32, #tpu.memory_space<vmem>> -> memref<1x21x2x96xi32, #tpu.memory_space<vmem>>
        %dma_wait3A_312 = tpu.memref_squeeze %dma_wait3A_311 : memref<1x21x2x96xi32, #tpu.memory_space<vmem>> -> memref<21x2x96xi32, #tpu.memory_space<vmem>>
        %dma_wait3A_313 = arith.constant 0 : i32
        %dma_wait3A_314 = arith.constant 0 : i32
        %dma_wait3A_315 = tpu.memref_slice %arg3[%add3A_306, %dma_wait3A_313, %dma_wait3A_314] : memref<3360x2x96xi32, #tpu.memory_space<hbm>> -> memref<21x2x96xi32, #tpu.memory_space<hbm>>
        %dma_wait3A_316 = arith.constant 0 : i32
        %dma_wait3A_317 = arith.constant 0 : i32
        %dma_wait3A_318 = arith.constant 0 : i32
        %dma_wait3A_319 = tpu.memref_slice %arg6[%dma_wait3A_307, %dma_wait3A_316, %dma_wait3A_317, %dma_wait3A_318] : memref<2x21x2x96xi32, #tpu.memory_space<vmem>> -> memref<1x21x2x96xi32, #tpu.memory_space<vmem>>
        %dma_wait3A_320 = tpu.memref_squeeze %dma_wait3A_319 : memref<1x21x2x96xi32, #tpu.memory_space<vmem>> -> memref<21x2x96xi32, #tpu.memory_space<vmem>>
        %dma_wait3A_321 = arith.constant 0 : i32
        %dma_wait3A_322 = arith.constant 0 : i32
        %dma_wait3A_323 = tpu.memref_slice %arg3[%add3A_306, %dma_wait3A_321, %dma_wait3A_322] : memref<3360x2x96xi32, #tpu.memory_space<hbm>> -> memref<21x2x96xi32, #tpu.memory_space<hbm>>
        tpu.wait_dma2 semaphore(%arg12 : memref<!tpu.dma_semaphore, #tpu.memory_space<semaphore_mem>>) src(%dma_wait3A_323 : memref<21x2x96xi32, #tpu.memory_space<hbm>>) dst(%dma_wait3A_320 : memref<21x2x96xi32, #tpu.memory_space<vmem>>)
        %dma_start3A_324 = arith.constant 1 : i32
        %dma_start3A_325 = arith.constant 0 : i32
        %dma_start3A_326 = arith.constant 0 : i32
        %dma_start3A_327 = arith.constant 0 : i32
        %dma_start3A_328 = arith.constant 0 : i32
        %dma_start3A_329 = arith.constant 0 : i32
        %dma_start3A_330 = tpu.memref_slice %arg7[%dma_start3A_327, %dma_start3A_328, %dma_start3A_329] : memref<3x96x128xf32, #tpu.memory_space<vmem>> -> memref<1x96x128xf32, #tpu.memory_space<vmem>>
        %dma_start3A_331 = tpu.memref_squeeze %dma_start3A_330 : memref<1x96x128xf32, #tpu.memory_space<vmem>> -> memref<96x128xf32, #tpu.memory_space<vmem>>
        %dma_start3A_332 = arith.constant 0 : i32
        %dma_start3A_333 = tpu.memref_slice %arg6[%dma_start3A_324, %dma_start3A_325, %dma_start3A_326, %dma_start3A_332] : memref<2x21x2x96xi32, #tpu.memory_space<vmem>> -> memref<1x1x1x96xi32, #tpu.memory_space<vmem>>
        %dma_start3A_334 = tpu.memref_squeeze %dma_start3A_333 : memref<1x1x1x96xi32, #tpu.memory_space<vmem>> -> memref<96xi32, #tpu.memory_space<vmem>>
        %dma_start3A_335 = arith.constant 0 : i32
        %dma_start3A_336 = arith.constant 0 : i32
        %dma_start3A_337 = tpu.memref_slice %arg2[%dma_start3A_335, %dma_start3A_336] : memref<10000x128xf32, #tpu.memory_space<hbm>> -> memref<10000x128xf32, #tpu.memory_space<hbm>>
        tpu.enqueue_indirect_dma source(%dma_start3A_337 : memref<10000x128xf32, #tpu.memory_space<hbm>>) target(%dma_start3A_331 : memref<96x128xf32, #tpu.memory_space<vmem>>) offsets(%dma_start3A_334 : memref<96xi32, #tpu.memory_space<vmem>>) semaphore(%arg9 : memref<!tpu.dma_semaphore, #tpu.memory_space<semaphore_mem>>)
      } else {
      }
      %add3A_235 = arith.constant 1 : i32
      %add3A_236 = arith.addi %mul3A_202, %add3A_235 : i32
      %dma_wait3A_237 = arith.constant 0 : i32
      %dma_wait3A_238 = arith.constant 0 : i32
      %dma_wait3A_239 = arith.constant 1 : i32
      %dma_wait3A_240 = arith.constant 0 : i32
      %dma_wait3A_241 = arith.constant 0 : i32
      %dma_wait3A_242 = tpu.memref_slice %arg7[%dma_wait3A_239, %dma_wait3A_240, %dma_wait3A_241] : memref<3x96x128xf32, #tpu.memory_space<vmem>> -> memref<1x96x128xf32, #tpu.memory_space<vmem>>
      %dma_wait3A_243 = tpu.memref_squeeze %dma_wait3A_242 : memref<1x96x128xf32, #tpu.memory_space<vmem>> -> memref<96x128xf32, #tpu.memory_space<vmem>>
      %dma_wait3A_244 = arith.constant 0 : i32
      %dma_wait3A_245 = tpu.memref_slice %arg6[%dma_wait3A_237, %add3A_236, %dma_wait3A_238, %dma_wait3A_244] : memref<2x21x2x96xi32, #tpu.memory_space<vmem>> -> memref<1x1x1x96xi32, #tpu.memory_space<vmem>>
      %dma_wait3A_246 = tpu.memref_squeeze %dma_wait3A_245 : memref<1x1x1x96xi32, #tpu.memory_space<vmem>> -> memref<96xi32, #tpu.memory_space<vmem>>
      %dma_wait3A_247 = arith.constant 0 : i32
      %dma_wait3A_248 = arith.constant 0 : i32
      %dma_wait3A_249 = tpu.memref_slice %arg2[%dma_wait3A_247, %dma_wait3A_248] : memref<10000x128xf32, #tpu.memory_space<hbm>> -> memref<10000x128xf32, #tpu.memory_space<hbm>>
      tpu.wait_indirect_dma semaphore(%arg10 : memref<!tpu.dma_semaphore, #tpu.memory_space<semaphore_mem>>) src(%dma_wait3A_249 : memref<10000x128xf32, #tpu.memory_space<hbm>>) dst(%dma_wait3A_243 : memref<96x128xf32, #tpu.memory_space<vmem>>)
      %add3A_250 = arith.constant 1 : i32
      %add3A_251 = arith.addi %mul3A_202, %add3A_250 : i32
      %run_scoped3A_252 = arith.constant 1 : i32
      %run_scoped3A_253 = arith.constant 0 : i32
      %run_scoped3A_254 = arith.constant 1 : i32
      "tpu.region"() ({
        %run_scoped3A_303 = tpu.sem_alloc : memref<!tpu.dma_semaphore, #tpu.memory_space<semaphore_mem>>
        %dma_start3A_304 = arith.constant 0 : i32
        %dma_start3A_305 = arith.constant 0 : i32
        %dma_start3A_306 = tpu.memref_slice %arg7[%run_scoped3A_252, %dma_start3A_304, %dma_start3A_305] : memref<3x96x128xf32, #tpu.memory_space<vmem>> -> memref<1x96x128xf32, #tpu.memory_space<vmem>>
        %dma_start3A_307 = tpu.memref_squeeze %dma_start3A_306 : memref<1x96x128xf32, #tpu.memory_space<vmem>> -> memref<96x128xf32, #tpu.memory_space<vmem>>
        %dma_start3A_308 = arith.constant 0 : i32
        %dma_start3A_309 = tpu.memref_slice %arg6[%run_scoped3A_253, %add3A_251, %run_scoped3A_254, %dma_start3A_308] : memref<2x21x2x96xi32, #tpu.memory_space<vmem>> -> memref<1x1x1x96xi32, #tpu.memory_space<vmem>>
        %dma_start3A_310 = tpu.memref_squeeze %dma_start3A_309 : memref<1x1x1x96xi32, #tpu.memory_space<vmem>> -> memref<96xi32, #tpu.memory_space<vmem>>
        %dma_start3A_311 = arith.constant 0 : i32
        %dma_start3A_312 = arith.constant 0 : i32
        %dma_start3A_313 = tpu.memref_slice %arg8[%dma_start3A_311, %dma_start3A_312] : memref<10112x128xf32, #tpu.memory_space<vmem_shared>> -> memref<10112x128xf32, #tpu.memory_space<vmem_shared>>
        tpu.enqueue_indirect_dma source(%dma_start3A_307 : memref<96x128xf32, #tpu.memory_space<vmem>>) target(%dma_start3A_313 : memref<10112x128xf32, #tpu.memory_space<vmem_shared>>) offsets(%dma_start3A_310 : memref<96xi32, #tpu.memory_space<vmem>>) semaphore(%run_scoped3A_303 : memref<!tpu.dma_semaphore, #tpu.memory_space<semaphore_mem>>) {add = true}
        %dma_wait3A_314 = arith.constant 0 : i32
        %dma_wait3A_315 = arith.constant 0 : i32
        %dma_wait3A_316 = tpu.memref_slice %arg7[%run_scoped3A_252, %dma_wait3A_314, %dma_wait3A_315] : memref<3x96x128xf32, #tpu.memory_space<vmem>> -> memref<1x96x128xf32, #tpu.memory_space<vmem>>
        %dma_wait3A_317 = tpu.memref_squeeze %dma_wait3A_316 : memref<1x96x128xf32, #tpu.memory_space<vmem>> -> memref<96x128xf32, #tpu.memory_space<vmem>>
        %dma_wait3A_318 = arith.constant 0 : i32
        %dma_wait3A_319 = tpu.memref_slice %arg6[%run_scoped3A_253, %add3A_251, %run_scoped3A_254, %dma_wait3A_318] : memref<2x21x2x96xi32, #tpu.memory_space<vmem>> -> memref<1x1x1x96xi32, #tpu.memory_space<vmem>>
        %dma_wait3A_320 = tpu.memref_squeeze %dma_wait3A_319 : memref<1x1x1x96xi32, #tpu.memory_space<vmem>> -> memref<96xi32, #tpu.memory_space<vmem>>
        %dma_wait3A_321 = arith.constant 0 : i32
        %dma_wait3A_322 = arith.constant 0 : i32
        %dma_wait3A_323 = tpu.memref_slice %arg8[%dma_wait3A_321, %dma_wait3A_322] : memref<10112x128xf32, #tpu.memory_space<vmem_shared>> -> memref<10112x128xf32, #tpu.memory_space<vmem_shared>>
        tpu.wait_indirect_dma semaphore(%run_scoped3A_303 : memref<!tpu.dma_semaphore, #tpu.memory_space<semaphore_mem>>) src(%dma_wait3A_317 : memref<96x128xf32, #tpu.memory_space<vmem>>) dst(%dma_wait3A_323 : memref<10112x128xf32, #tpu.memory_space<vmem_shared>>)
        tpu.yield
      }) : () -> ()
      %add3A_255 = arith.constant 1 : i32
      %add3A_256 = arith.addi %scan3A_200, %add3A_255 : i32
      %lt3A_257 = arith.constant 7 : i32
      %lt3A_258 = arith.cmpi slt, %add3A_256, %lt3A_257 : i32
      %convert_element_type3A_259 = arith.extui %lt3A_258 : i1 to i32
      %cond3A_260 = arith.constant 0 : i32
      %cond3A_261 = arith.cmpi ne, %convert_element_type3A_259, %cond3A_260 : i32
      scf.if %cond3A_261 {
        %add3A_303 = arith.constant 3 : i32
        %add3A_304 = arith.addi %mul3A_202, %add3A_303 : i32
        %add3A_305 = arith.constant 1 : i32
        %add3A_306 = arith.addi %add3A_304, %add3A_305 : i32
        %dma_start3A_307 = arith.constant 0 : i32
        %dma_start3A_308 = arith.constant 0 : i32
        %dma_start3A_309 = arith.constant 1 : i32
        %dma_start3A_310 = arith.constant 0 : i32
        %dma_start3A_311 = arith.constant 0 : i32
        %dma_start3A_312 = tpu.memref_slice %arg7[%dma_start3A_309, %dma_start3A_310, %dma_start3A_311] : memref<3x96x128xf32, #tpu.memory_space<vmem>> -> memref<1x96x128xf32, #tpu.memory_space<vmem>>
        %dma_start3A_313 = tpu.memref_squeeze %dma_start3A_312 : memref<1x96x128xf32, #tpu.memory_space<vmem>> -> memref<96x128xf32, #tpu.memory_space<vmem>>
        %dma_start3A_314 = arith.constant 0 : i32
        %dma_start3A_315 = tpu.memref_slice %arg6[%dma_start3A_307, %add3A_306, %dma_start3A_308, %dma_start3A_314] : memref<2x21x2x96xi32, #tpu.memory_space<vmem>> -> memref<1x1x1x96xi32, #tpu.memory_space<vmem>>
        %dma_start3A_316 = tpu.memref_squeeze %dma_start3A_315 : memref<1x1x1x96xi32, #tpu.memory_space<vmem>> -> memref<96xi32, #tpu.memory_space<vmem>>
        %dma_start3A_317 = arith.constant 0 : i32
        %dma_start3A_318 = arith.constant 0 : i32
        %dma_start3A_319 = tpu.memref_slice %arg2[%dma_start3A_317, %dma_start3A_318] : memref<10000x128xf32, #tpu.memory_space<hbm>> -> memref<10000x128xf32, #tpu.memory_space<hbm>>
        tpu.enqueue_indirect_dma source(%dma_start3A_319 : memref<10000x128xf32, #tpu.memory_space<hbm>>) target(%dma_start3A_313 : memref<96x128xf32, #tpu.memory_space<vmem>>) offsets(%dma_start3A_316 : memref<96xi32, #tpu.memory_space<vmem>>) semaphore(%arg10 : memref<!tpu.dma_semaphore, #tpu.memory_space<semaphore_mem>>)
      } else {
      }
      %add3A_262 = arith.constant 1 : i32
      %add3A_263 = arith.addi %scan3A_200, %add3A_262 : i32
      %eq3A_264 = arith.constant 7 : i32
      %eq3A_265 = arith.cmpi eq, %add3A_263, %eq3A_264 : i32
      %convert_element_type3A_266 = arith.extui %eq3A_265 : i1 to i32
      %cond3A_267 = arith.constant 0 : i32
      %cond3A_268 = arith.cmpi ne, %convert_element_type3A_266, %cond3A_267 : i32
      scf.if %cond3A_268 {
        %dma_start3A_303 = arith.constant 1 : i32
        %dma_start3A_304 = arith.constant 1 : i32
        %dma_start3A_305 = arith.constant 0 : i32
        %dma_start3A_306 = arith.constant 1 : i32
        %dma_start3A_307 = arith.constant 0 : i32
        %dma_start3A_308 = arith.constant 0 : i32
        %dma_start3A_309 = tpu.memref_slice %arg7[%dma_start3A_306, %dma_start3A_307, %dma_start3A_308] : memref<3x96x128xf32, #tpu.memory_space<vmem>> -> memref<1x96x128xf32, #tpu.memory_space<vmem>>
        %dma_start3A_310 = tpu.memref_squeeze %dma_start3A_309 : memref<1x96x128xf32, #tpu.memory_space<vmem>> -> memref<96x128xf32, #tpu.memory_space<vmem>>
        %dma_start3A_311 = arith.constant 0 : i32
        %dma_start3A_312 = tpu.memref_slice %arg6[%dma_start3A_303, %dma_start3A_304, %dma_start3A_305, %dma_start3A_311] : memref<2x21x2x96xi32, #tpu.memory_space<vmem>> -> memref<1x1x1x96xi32, #tpu.memory_space<vmem>>
        %dma_start3A_313 = tpu.memref_squeeze %dma_start3A_312 : memref<1x1x1x96xi32, #tpu.memory_space<vmem>> -> memref<96xi32, #tpu.memory_space<vmem>>
        %dma_start3A_314 = arith.constant 0 : i32
        %dma_start3A_315 = arith.constant 0 : i32
        %dma_start3A_316 = tpu.memref_slice %arg2[%dma_start3A_314, %dma_start3A_315] : memref<10000x128xf32, #tpu.memory_space<hbm>> -> memref<10000x128xf32, #tpu.memory_space<hbm>>
        tpu.enqueue_indirect_dma source(%dma_start3A_316 : memref<10000x128xf32, #tpu.memory_space<hbm>>) target(%dma_start3A_310 : memref<96x128xf32, #tpu.memory_space<vmem>>) offsets(%dma_start3A_313 : memref<96xi32, #tpu.memory_space<vmem>>) semaphore(%arg10 : memref<!tpu.dma_semaphore, #tpu.memory_space<semaphore_mem>>)
      } else {
      }
      %add3A_269 = arith.constant 2 : i32
      %add3A_270 = arith.addi %mul3A_202, %add3A_269 : i32
      %dma_wait3A_271 = arith.constant 0 : i32
      %dma_wait3A_272 = arith.constant 0 : i32
      %dma_wait3A_273 = arith.constant 2 : i32
      %dma_wait3A_274 = arith.constant 0 : i32
      %dma_wait3A_275 = arith.constant 0 : i32
      %dma_wait3A_276 = tpu.memref_slice %arg7[%dma_wait3A_273, %dma_wait3A_274, %dma_wait3A_275] : memref<3x96x128xf32, #tpu.memory_space<vmem>> -> memref<1x96x128xf32, #tpu.memory_space<vmem>>
      %dma_wait3A_277 = tpu.memref_squeeze %dma_wait3A_276 : memref<1x96x128xf32, #tpu.memory_space<vmem>> -> memref<96x128xf32, #tpu.memory_space<vmem>>
      %dma_wait3A_278 = arith.constant 0 : i32
      %dma_wait3A_279 = tpu.memref_slice %arg6[%dma_wait3A_271, %add3A_270, %dma_wait3A_272, %dma_wait3A_278] : memref<2x21x2x96xi32, #tpu.memory_space<vmem>> -> memref<1x1x1x96xi32, #tpu.memory_space<vmem>>
      %dma_wait3A_280 = tpu.memref_squeeze %dma_wait3A_279 : memref<1x1x1x96xi32, #tpu.memory_space<vmem>> -> memref<96xi32, #tpu.memory_space<vmem>>
      %dma_wait3A_281 = arith.constant 0 : i32
      %dma_wait3A_282 = arith.constant 0 : i32
      %dma_wait3A_283 = tpu.memref_slice %arg2[%dma_wait3A_281, %dma_wait3A_282] : memref<10000x128xf32, #tpu.memory_space<hbm>> -> memref<10000x128xf32, #tpu.memory_space<hbm>>
      tpu.wait_indirect_dma semaphore(%arg11 : memref<!tpu.dma_semaphore, #tpu.memory_space<semaphore_mem>>) src(%dma_wait3A_283 : memref<10000x128xf32, #tpu.memory_space<hbm>>) dst(%dma_wait3A_277 : memref<96x128xf32, #tpu.memory_space<vmem>>)
      %add3A_284 = arith.constant 2 : i32
      %add3A_285 = arith.addi %mul3A_202, %add3A_284 : i32
      %run_scoped3A_286 = arith.constant 2 : i32
      %run_scoped3A_287 = arith.constant 0 : i32
      %run_scoped3A_288 = arith.constant 1 : i32
      "tpu.region"() ({
        %run_scoped3A_303 = tpu.sem_alloc : memref<!tpu.dma_semaphore, #tpu.memory_space<semaphore_mem>>
        %dma_start3A_304 = arith.constant 0 : i32
        %dma_start3A_305 = arith.constant 0 : i32
        %dma_start3A_306 = tpu.memref_slice %arg7[%run_scoped3A_286, %dma_start3A_304, %dma_start3A_305] : memref<3x96x128xf32, #tpu.memory_space<vmem>> -> memref<1x96x128xf32, #tpu.memory_space<vmem>>
        %dma_start3A_307 = tpu.memref_squeeze %dma_start3A_306 : memref<1x96x128xf32, #tpu.memory_space<vmem>> -> memref<96x128xf32, #tpu.memory_space<vmem>>
        %dma_start3A_308 = arith.constant 0 : i32
        %dma_start3A_309 = tpu.memref_slice %arg6[%run_scoped3A_287, %add3A_285, %run_scoped3A_288, %dma_start3A_308] : memref<2x21x2x96xi32, #tpu.memory_space<vmem>> -> memref<1x1x1x96xi32, #tpu.memory_space<vmem>>
        %dma_start3A_310 = tpu.memref_squeeze %dma_start3A_309 : memref<1x1x1x96xi32, #tpu.memory_space<vmem>> -> memref<96xi32, #tpu.memory_space<vmem>>
        %dma_start3A_311 = arith.constant 0 : i32
        %dma_start3A_312 = arith.constant 0 : i32
        %dma_start3A_313 = tpu.memref_slice %arg8[%dma_start3A_311, %dma_start3A_312] : memref<10112x128xf32, #tpu.memory_space<vmem_shared>> -> memref<10112x128xf32, #tpu.memory_space<vmem_shared>>
        tpu.enqueue_indirect_dma source(%dma_start3A_307 : memref<96x128xf32, #tpu.memory_space<vmem>>) target(%dma_start3A_313 : memref<10112x128xf32, #tpu.memory_space<vmem_shared>>) offsets(%dma_start3A_310 : memref<96xi32, #tpu.memory_space<vmem>>) semaphore(%run_scoped3A_303 : memref<!tpu.dma_semaphore, #tpu.memory_space<semaphore_mem>>) {add = true}
        %dma_wait3A_314 = arith.constant 0 : i32
        %dma_wait3A_315 = arith.constant 0 : i32
        %dma_wait3A_316 = tpu.memref_slice %arg7[%run_scoped3A_286, %dma_wait3A_314, %dma_wait3A_315] : memref<3x96x128xf32, #tpu.memory_space<vmem>> -> memref<1x96x128xf32, #tpu.memory_space<vmem>>
        %dma_wait3A_317 = tpu.memref_squeeze %dma_wait3A_316 : memref<1x96x128xf32, #tpu.memory_space<vmem>> -> memref<96x128xf32, #tpu.memory_space<vmem>>
        %dma_wait3A_318 = arith.constant 0 : i32
        %dma_wait3A_319 = tpu.memref_slice %arg6[%run_scoped3A_287, %add3A_285, %run_scoped3A_288, %dma_wait3A_318] : memref<2x21x2x96xi32, #tpu.memory_space<vmem>> -> memref<1x1x1x96xi32, #tpu.memory_space<vmem>>
        %dma_wait3A_320 = tpu.memref_squeeze %dma_wait3A_319 : memref<1x1x1x96xi32, #tpu.memory_space<vmem>> -> memref<96xi32, #tpu.memory_space<vmem>>
        %dma_wait3A_321 = arith.constant 0 : i32
        %dma_wait3A_322 = arith.constant 0 : i32
        %dma_wait3A_323 = tpu.memref_slice %arg8[%dma_wait3A_321, %dma_wait3A_322] : memref<10112x128xf32, #tpu.memory_space<vmem_shared>> -> memref<10112x128xf32, #tpu.memory_space<vmem_shared>>
        tpu.wait_indirect_dma semaphore(%run_scoped3A_303 : memref<!tpu.dma_semaphore, #tpu.memory_space<semaphore_mem>>) src(%dma_wait3A_317 : memref<96x128xf32, #tpu.memory_space<vmem>>) dst(%dma_wait3A_323 : memref<10112x128xf32, #tpu.memory_space<vmem_shared>>)
        tpu.yield
      }) : () -> ()
      %add3A_289 = arith.constant 1 : i32
      %add3A_290 = arith.addi %scan3A_200, %add3A_289 : i32
      %lt3A_291 = arith.constant 7 : i32
      %lt3A_292 = arith.cmpi slt, %add3A_290, %lt3A_291 : i32
      %convert_element_type3A_293 = arith.extui %lt3A_292 : i1 to i32
      %cond3A_294 = arith.constant 0 : i32
      %cond3A_295 = arith.cmpi ne, %convert_element_type3A_293, %cond3A_294 : i32
      scf.if %cond3A_295 {
        %add3A_303 = arith.constant 3 : i32
        %add3A_304 = arith.addi %mul3A_202, %add3A_303 : i32
        %add3A_305 = arith.constant 2 : i32
        %add3A_306 = arith.addi %add3A_304, %add3A_305 : i32
        %dma_start3A_307 = arith.constant 0 : i32
        %dma_start3A_308 = arith.constant 0 : i32
        %dma_start3A_309 = arith.constant 2 : i32
        %dma_start3A_310 = arith.constant 0 : i32
        %dma_start3A_311 = arith.constant 0 : i32
        %dma_start3A_312 = tpu.memref_slice %arg7[%dma_start3A_309, %dma_start3A_310, %dma_start3A_311] : memref<3x96x128xf32, #tpu.memory_space<vmem>> -> memref<1x96x128xf32, #tpu.memory_space<vmem>>
        %dma_start3A_313 = tpu.memref_squeeze %dma_start3A_312 : memref<1x96x128xf32, #tpu.memory_space<vmem>> -> memref<96x128xf32, #tpu.memory_space<vmem>>
        %dma_start3A_314 = arith.constant 0 : i32
        %dma_start3A_315 = tpu.memref_slice %arg6[%dma_start3A_307, %add3A_306, %dma_start3A_308, %dma_start3A_314] : memref<2x21x2x96xi32, #tpu.memory_space<vmem>> -> memref<1x1x1x96xi32, #tpu.memory_space<vmem>>
        %dma_start3A_316 = tpu.memref_squeeze %dma_start3A_315 : memref<1x1x1x96xi32, #tpu.memory_space<vmem>> -> memref<96xi32, #tpu.memory_space<vmem>>
        %dma_start3A_317 = arith.constant 0 : i32
        %dma_start3A_318 = arith.constant 0 : i32
        %dma_start3A_319 = tpu.memref_slice %arg2[%dma_start3A_317, %dma_start3A_318] : memref<10000x128xf32, #tpu.memory_space<hbm>> -> memref<10000x128xf32, #tpu.memory_space<hbm>>
        tpu.enqueue_indirect_dma source(%dma_start3A_319 : memref<10000x128xf32, #tpu.memory_space<hbm>>) target(%dma_start3A_313 : memref<96x128xf32, #tpu.memory_space<vmem>>) offsets(%dma_start3A_316 : memref<96xi32, #tpu.memory_space<vmem>>) semaphore(%arg11 : memref<!tpu.dma_semaphore, #tpu.memory_space<semaphore_mem>>)
      } else {
      }
      %add3A_296 = arith.constant 1 : i32
      %add3A_297 = arith.addi %scan3A_200, %add3A_296 : i32
      %eq3A_298 = arith.constant 7 : i32
      %eq3A_299 = arith.cmpi eq, %add3A_297, %eq3A_298 : i32
      %convert_element_type3A_300 = arith.extui %eq3A_299 : i1 to i32
      %cond3A_301 = arith.constant 0 : i32
      %cond3A_302 = arith.cmpi ne, %convert_element_type3A_300, %cond3A_301 : i32
      scf.if %cond3A_302 {
        %dma_start3A_303 = arith.constant 1 : i32
        %dma_start3A_304 = arith.constant 2 : i32
        %dma_start3A_305 = arith.constant 0 : i32
        %dma_start3A_306 = arith.constant 2 : i32
        %dma_start3A_307 = arith.constant 0 : i32
        %dma_start3A_308 = arith.constant 0 : i32
        %dma_start3A_309 = tpu.memref_slice %arg7[%dma_start3A_306, %dma_start3A_307, %dma_start3A_308] : memref<3x96x128xf32, #tpu.memory_space<vmem>> -> memref<1x96x128xf32, #tpu.memory_space<vmem>>
        %dma_start3A_310 = tpu.memref_squeeze %dma_start3A_309 : memref<1x96x128xf32, #tpu.memory_space<vmem>> -> memref<96x128xf32, #tpu.memory_space<vmem>>
        %dma_start3A_311 = arith.constant 0 : i32
        %dma_start3A_312 = tpu.memref_slice %arg6[%dma_start3A_303, %dma_start3A_304, %dma_start3A_305, %dma_start3A_311] : memref<2x21x2x96xi32, #tpu.memory_space<vmem>> -> memref<1x1x1x96xi32, #tpu.memory_space<vmem>>
        %dma_start3A_313 = tpu.memref_squeeze %dma_start3A_312 : memref<1x1x1x96xi32, #tpu.memory_space<vmem>> -> memref<96xi32, #tpu.memory_space<vmem>>
        %dma_start3A_314 = arith.constant 0 : i32
        %dma_start3A_315 = arith.constant 0 : i32
        %dma_start3A_316 = tpu.memref_slice %arg2[%dma_start3A_314, %dma_start3A_315] : memref<10000x128xf32, #tpu.memory_space<hbm>> -> memref<10000x128xf32, #tpu.memory_space<hbm>>
        tpu.enqueue_indirect_dma source(%dma_start3A_316 : memref<10000x128xf32, #tpu.memory_space<hbm>>) target(%dma_start3A_310 : memref<96x128xf32, #tpu.memory_space<vmem>>) offsets(%dma_start3A_313 : memref<96xi32, #tpu.memory_space<vmem>>) semaphore(%arg11 : memref<!tpu.dma_semaphore, #tpu.memory_space<semaphore_mem>>)
      } else {
      }
    }
    %scan3A_161 = arith.constant 7 : i32
    %mul3A_162 = arith.constant 105 : i32
    %mul3A_163 = arith.muli %add3A, %mul3A_162 : i32
    %add3A_164 = arith.constant 84 : i32
    %add3A_165 = arith.addi %mul3A_163, %add3A_164 : i32
    %dma_start3A_166 = arith.constant 0 : i32
    %dma_start3A_167 = arith.constant 0 : i32
    %dma_start3A_168 = arith.constant 0 : i32
    %dma_start3A_169 = arith.constant 0 : i32
    %dma_start3A_170 = tpu.memref_slice %arg6[%dma_start3A_166, %dma_start3A_167, %dma_start3A_168, %dma_start3A_169] : memref<2x21x2x96xi32, #tpu.memory_space<vmem>> -> memref<1x21x2x96xi32, #tpu.memory_space<vmem>>
    %dma_start3A_171 = tpu.memref_squeeze %dma_start3A_170 : memref<1x21x2x96xi32, #tpu.memory_space<vmem>> -> memref<21x2x96xi32, #tpu.memory_space<vmem>>
    %dma_start3A_172 = arith.constant 0 : i32
    %dma_start3A_173 = arith.constant 0 : i32
    %dma_start3A_174 = tpu.memref_slice %arg3[%add3A_165, %dma_start3A_172, %dma_start3A_173] : memref<3360x2x96xi32, #tpu.memory_space<hbm>> -> memref<21x2x96xi32, #tpu.memory_space<hbm>>
    %dma_start3A_175 = arith.constant 0 : i32
    %dma_start3A_176 = arith.constant 0 : i32
    %dma_start3A_177 = arith.constant 0 : i32
    %dma_start3A_178 = tpu.memref_slice %arg6[%dma_start3A_166, %dma_start3A_175, %dma_start3A_176, %dma_start3A_177] : memref<2x21x2x96xi32, #tpu.memory_space<vmem>> -> memref<1x21x2x96xi32, #tpu.memory_space<vmem>>
    %dma_start3A_179 = tpu.memref_squeeze %dma_start3A_178 : memref<1x21x2x96xi32, #tpu.memory_space<vmem>> -> memref<21x2x96xi32, #tpu.memory_space<vmem>>
    %dma_start3A_180 = arith.constant 0 : i32
    %dma_start3A_181 = arith.constant 0 : i32
    %dma_start3A_182 = tpu.memref_slice %arg3[%add3A_165, %dma_start3A_180, %dma_start3A_181] : memref<3360x2x96xi32, #tpu.memory_space<hbm>> -> memref<21x2x96xi32, #tpu.memory_space<hbm>>
    tpu.enqueue_dma source(%dma_start3A_182 : memref<21x2x96xi32, #tpu.memory_space<hbm>>) target(%dma_start3A_179 : memref<21x2x96xi32, #tpu.memory_space<vmem>>) target_semaphore(%arg12 : memref<!tpu.dma_semaphore, #tpu.memory_space<semaphore_mem>>)
    %scan3A_183 = arith.constant 0 : i32
    %scan3A_184 = arith.constant 7 : i32
    %scan3A_185 = arith.addi %scan3A_183, %scan3A_184 : i32
    %scan3A_186 = arith.constant 1 : i32
    scf.for %scan3A_200 = %scan3A_183 to %scan3A_185 step %scan3A_186  : i32 {
      %mul3A_201 = arith.constant 3 : i32
      %mul3A_202 = arith.muli %scan3A_200, %mul3A_201 : i32
      %add3A_203 = arith.constant 0 : i32
      %add3A_204 = arith.addi %mul3A_202, %add3A_203 : i32
      %dma_wait3A_205 = arith.constant 1 : i32
      %dma_wait3A_206 = arith.constant 0 : i32
      %dma_wait3A_207 = arith.constant 0 : i32
      %dma_wait3A_208 = arith.constant 0 : i32
      %dma_wait3A_209 = arith.constant 0 : i32
      %dma_wait3A_210 = tpu.memref_slice %arg7[%dma_wait3A_207, %dma_wait3A_208, %dma_wait3A_209] : memref<3x96x128xf32, #tpu.memory_space<vmem>> -> memref<1x96x128xf32, #tpu.memory_space<vmem>>
      %dma_wait3A_211 = tpu.memref_squeeze %dma_wait3A_210 : memref<1x96x128xf32, #tpu.memory_space<vmem>> -> memref<96x128xf32, #tpu.memory_space<vmem>>
      %dma_wait3A_212 = arith.constant 0 : i32
      %dma_wait3A_213 = tpu.memref_slice %arg6[%dma_wait3A_205, %add3A_204, %dma_wait3A_206, %dma_wait3A_212] : memref<2x21x2x96xi32, #tpu.memory_space<vmem>> -> memref<1x1x1x96xi32, #tpu.memory_space<vmem>>
      %dma_wait3A_214 = tpu.memref_squeeze %dma_wait3A_213 : memref<1x1x1x96xi32, #tpu.memory_space<vmem>> -> memref<96xi32, #tpu.memory_space<vmem>>
      %dma_wait3A_215 = arith.constant 0 : i32
      %dma_wait3A_216 = arith.constant 0 : i32
      %dma_wait3A_217 = tpu.memref_slice %arg2[%dma_wait3A_215, %dma_wait3A_216] : memref<10000x128xf32, #tpu.memory_space<hbm>> -> memref<10000x128xf32, #tpu.memory_space<hbm>>
      tpu.wait_indirect_dma semaphore(%arg9 : memref<!tpu.dma_semaphore, #tpu.memory_space<semaphore_mem>>) src(%dma_wait3A_217 : memref<10000x128xf32, #tpu.memory_space<hbm>>) dst(%dma_wait3A_211 : memref<96x128xf32, #tpu.memory_space<vmem>>)
      %add3A_218 = arith.constant 0 : i32
      %add3A_219 = arith.addi %mul3A_202, %add3A_218 : i32
      %run_scoped3A = arith.constant 0 : i32
      %run_scoped3A_220 = arith.constant 1 : i32
      %run_scoped3A_221 = arith.constant 1 : i32
      "tpu.region"() ({
        %run_scoped3A_303 = tpu.sem_alloc : memref<!tpu.dma_semaphore, #tpu.memory_space<semaphore_mem>>
        %dma_start3A_304 = arith.constant 0 : i32
        %dma_start3A_305 = arith.constant 0 : i32
        %dma_start3A_306 = tpu.memref_slice %arg7[%run_scoped3A, %dma_start3A_304, %dma_start3A_305] : memref<3x96x128xf32, #tpu.memory_space<vmem>> -> memref<1x96x128xf32, #tpu.memory_space<vmem>>
        %dma_start3A_307 = tpu.memref_squeeze %dma_start3A_306 : memref<1x96x128xf32, #tpu.memory_space<vmem>> -> memref<96x128xf32, #tpu.memory_space<vmem>>
        %dma_start3A_308 = arith.constant 0 : i32
        %dma_start3A_309 = tpu.memref_slice %arg6[%run_scoped3A_220, %add3A_219, %run_scoped3A_221, %dma_start3A_308] : memref<2x21x2x96xi32, #tpu.memory_space<vmem>> -> memref<1x1x1x96xi32, #tpu.memory_space<vmem>>
        %dma_start3A_310 = tpu.memref_squeeze %dma_start3A_309 : memref<1x1x1x96xi32, #tpu.memory_space<vmem>> -> memref<96xi32, #tpu.memory_space<vmem>>
        %dma_start3A_311 = arith.constant 0 : i32
        %dma_start3A_312 = arith.constant 0 : i32
        %dma_start3A_313 = tpu.memref_slice %arg8[%dma_start3A_311, %dma_start3A_312] : memref<10112x128xf32, #tpu.memory_space<vmem_shared>> -> memref<10112x128xf32, #tpu.memory_space<vmem_shared>>
        tpu.enqueue_indirect_dma source(%dma_start3A_307 : memref<96x128xf32, #tpu.memory_space<vmem>>) target(%dma_start3A_313 : memref<10112x128xf32, #tpu.memory_space<vmem_shared>>) offsets(%dma_start3A_310 : memref<96xi32, #tpu.memory_space<vmem>>) semaphore(%run_scoped3A_303 : memref<!tpu.dma_semaphore, #tpu.memory_space<semaphore_mem>>) {add = true}
        %dma_wait3A_314 = arith.constant 0 : i32
        %dma_wait3A_315 = arith.constant 0 : i32
        %dma_wait3A_316 = tpu.memref_slice %arg7[%run_scoped3A, %dma_wait3A_314, %dma_wait3A_315] : memref<3x96x128xf32, #tpu.memory_space<vmem>> -> memref<1x96x128xf32, #tpu.memory_space<vmem>>
        %dma_wait3A_317 = tpu.memref_squeeze %dma_wait3A_316 : memref<1x96x128xf32, #tpu.memory_space<vmem>> -> memref<96x128xf32, #tpu.memory_space<vmem>>
        %dma_wait3A_318 = arith.constant 0 : i32
        %dma_wait3A_319 = tpu.memref_slice %arg6[%run_scoped3A_220, %add3A_219, %run_scoped3A_221, %dma_wait3A_318] : memref<2x21x2x96xi32, #tpu.memory_space<vmem>> -> memref<1x1x1x96xi32, #tpu.memory_space<vmem>>
        %dma_wait3A_320 = tpu.memref_squeeze %dma_wait3A_319 : memref<1x1x1x96xi32, #tpu.memory_space<vmem>> -> memref<96xi32, #tpu.memory_space<vmem>>
        %dma_wait3A_321 = arith.constant 0 : i32
        %dma_wait3A_322 = arith.constant 0 : i32
        %dma_wait3A_323 = tpu.memref_slice %arg8[%dma_wait3A_321, %dma_wait3A_322] : memref<10112x128xf32, #tpu.memory_space<vmem_shared>> -> memref<10112x128xf32, #tpu.memory_space<vmem_shared>>
        tpu.wait_indirect_dma semaphore(%run_scoped3A_303 : memref<!tpu.dma_semaphore, #tpu.memory_space<semaphore_mem>>) src(%dma_wait3A_317 : memref<96x128xf32, #tpu.memory_space<vmem>>) dst(%dma_wait3A_323 : memref<10112x128xf32, #tpu.memory_space<vmem_shared>>)
        tpu.yield
      }) : () -> ()
      %add3A_222 = arith.constant 1 : i32
      %add3A_223 = arith.addi %scan3A_200, %add3A_222 : i32
      %lt3A = arith.constant 7 : i32
      %lt3A_224 = arith.cmpi slt, %add3A_223, %lt3A : i32
      %convert_element_type3A_225 = arith.extui %lt3A_224 : i1 to i32
      %cond3A_226 = arith.constant 0 : i32
      %cond3A_227 = arith.cmpi ne, %convert_element_type3A_225, %cond3A_226 : i32
      scf.if %cond3A_227 {
        %add3A_303 = arith.constant 3 : i32
        %add3A_304 = arith.addi %mul3A_202, %add3A_303 : i32
        %add3A_305 = arith.constant 0 : i32
        %add3A_306 = arith.addi %add3A_304, %add3A_305 : i32
        %dma_start3A_307 = arith.constant 1 : i32
        %dma_start3A_308 = arith.constant 0 : i32
        %dma_start3A_309 = arith.constant 0 : i32
        %dma_start3A_310 = arith.constant 0 : i32
        %dma_start3A_311 = arith.constant 0 : i32
        %dma_start3A_312 = tpu.memref_slice %arg7[%dma_start3A_309, %dma_start3A_310, %dma_start3A_311] : memref<3x96x128xf32, #tpu.memory_space<vmem>> -> memref<1x96x128xf32, #tpu.memory_space<vmem>>
        %dma_start3A_313 = tpu.memref_squeeze %dma_start3A_312 : memref<1x96x128xf32, #tpu.memory_space<vmem>> -> memref<96x128xf32, #tpu.memory_space<vmem>>
        %dma_start3A_314 = arith.constant 0 : i32
        %dma_start3A_315 = tpu.memref_slice %arg6[%dma_start3A_307, %add3A_306, %dma_start3A_308, %dma_start3A_314] : memref<2x21x2x96xi32, #tpu.memory_space<vmem>> -> memref<1x1x1x96xi32, #tpu.memory_space<vmem>>
        %dma_start3A_316 = tpu.memref_squeeze %dma_start3A_315 : memref<1x1x1x96xi32, #tpu.memory_space<vmem>> -> memref<96xi32, #tpu.memory_space<vmem>>
        %dma_start3A_317 = arith.constant 0 : i32
        %dma_start3A_318 = arith.constant 0 : i32
        %dma_start3A_319 = tpu.memref_slice %arg2[%dma_start3A_317, %dma_start3A_318] : memref<10000x128xf32, #tpu.memory_space<hbm>> -> memref<10000x128xf32, #tpu.memory_space<hbm>>
        tpu.enqueue_indirect_dma source(%dma_start3A_319 : memref<10000x128xf32, #tpu.memory_space<hbm>>) target(%dma_start3A_313 : memref<96x128xf32, #tpu.memory_space<vmem>>) offsets(%dma_start3A_316 : memref<96xi32, #tpu.memory_space<vmem>>) semaphore(%arg9 : memref<!tpu.dma_semaphore, #tpu.memory_space<semaphore_mem>>)
      } else {
      }
      %add3A_228 = arith.constant 1 : i32
      %add3A_229 = arith.addi %scan3A_200, %add3A_228 : i32
      %eq3A_230 = arith.constant 7 : i32
      %eq3A_231 = arith.cmpi eq, %add3A_229, %eq3A_230 : i32
      %convert_element_type3A_232 = arith.extui %eq3A_231 : i1 to i32
      %cond3A_233 = arith.constant 0 : i32
      %cond3A_234 = arith.cmpi ne, %convert_element_type3A_232, %cond3A_233 : i32
      scf.if %cond3A_234 {
        %mul3A_303 = arith.constant 105 : i32
        %mul3A_304 = arith.muli %add3A, %mul3A_303 : i32
        %add3A_305 = arith.constant 84 : i32
        %add3A_306 = arith.addi %mul3A_304, %add3A_305 : i32
        %dma_wait3A_307 = arith.constant 0 : i32
        %dma_wait3A_308 = arith.constant 0 : i32
        %dma_wait3A_309 = arith.constant 0 : i32
        %dma_wait3A_310 = arith.constant 0 : i32
        %dma_wait3A_311 = tpu.memref_slice %arg6[%dma_wait3A_307, %dma_wait3A_308, %dma_wait3A_309, %dma_wait3A_310] : memref<2x21x2x96xi32, #tpu.memory_space<vmem>> -> memref<1x21x2x96xi32, #tpu.memory_space<vmem>>
        %dma_wait3A_312 = tpu.memref_squeeze %dma_wait3A_311 : memref<1x21x2x96xi32, #tpu.memory_space<vmem>> -> memref<21x2x96xi32, #tpu.memory_space<vmem>>
        %dma_wait3A_313 = arith.constant 0 : i32
        %dma_wait3A_314 = arith.constant 0 : i32
        %dma_wait3A_315 = tpu.memref_slice %arg3[%add3A_306, %dma_wait3A_313, %dma_wait3A_314] : memref<3360x2x96xi32, #tpu.memory_space<hbm>> -> memref<21x2x96xi32, #tpu.memory_space<hbm>>
        %dma_wait3A_316 = arith.constant 0 : i32
        %dma_wait3A_317 = arith.constant 0 : i32
        %dma_wait3A_318 = arith.constant 0 : i32
        %dma_wait3A_319 = tpu.memref_slice %arg6[%dma_wait3A_307, %dma_wait3A_316, %dma_wait3A_317, %dma_wait3A_318] : memref<2x21x2x96xi32, #tpu.memory_space<vmem>> -> memref<1x21x2x96xi32, #tpu.memory_space<vmem>>
        %dma_wait3A_320 = tpu.memref_squeeze %dma_wait3A_319 : memref<1x21x2x96xi32, #tpu.memory_space<vmem>> -> memref<21x2x96xi32, #tpu.memory_space<vmem>>
        %dma_wait3A_321 = arith.constant 0 : i32
        %dma_wait3A_322 = arith.constant 0 : i32
        %dma_wait3A_323 = tpu.memref_slice %arg3[%add3A_306, %dma_wait3A_321, %dma_wait3A_322] : memref<3360x2x96xi32, #tpu.memory_space<hbm>> -> memref<21x2x96xi32, #tpu.memory_space<hbm>>
        tpu.wait_dma2 semaphore(%arg12 : memref<!tpu.dma_semaphore, #tpu.memory_space<semaphore_mem>>) src(%dma_wait3A_323 : memref<21x2x96xi32, #tpu.memory_space<hbm>>) dst(%dma_wait3A_320 : memref<21x2x96xi32, #tpu.memory_space<vmem>>)
        %dma_start3A_324 = arith.constant 0 : i32
        %dma_start3A_325 = arith.constant 0 : i32
        %dma_start3A_326 = arith.constant 0 : i32
        %dma_start3A_327 = arith.constant 0 : i32
        %dma_start3A_328 = arith.constant 0 : i32
        %dma_start3A_329 = arith.constant 0 : i32
        %dma_start3A_330 = tpu.memref_slice %arg7[%dma_start3A_327, %dma_start3A_328, %dma_start3A_329] : memref<3x96x128xf32, #tpu.memory_space<vmem>> -> memref<1x96x128xf32, #tpu.memory_space<vmem>>
        %dma_start3A_331 = tpu.memref_squeeze %dma_start3A_330 : memref<1x96x128xf32, #tpu.memory_space<vmem>> -> memref<96x128xf32, #tpu.memory_space<vmem>>
        %dma_start3A_332 = arith.constant 0 : i32
        %dma_start3A_333 = tpu.memref_slice %arg6[%dma_start3A_324, %dma_start3A_325, %dma_start3A_326, %dma_start3A_332] : memref<2x21x2x96xi32, #tpu.memory_space<vmem>> -> memref<1x1x1x96xi32, #tpu.memory_space<vmem>>
        %dma_start3A_334 = tpu.memref_squeeze %dma_start3A_333 : memref<1x1x1x96xi32, #tpu.memory_space<vmem>> -> memref<96xi32, #tpu.memory_space<vmem>>
        %dma_start3A_335 = arith.constant 0 : i32
        %dma_start3A_336 = arith.constant 0 : i32
        %dma_start3A_337 = tpu.memref_slice %arg2[%dma_start3A_335, %dma_start3A_336] : memref<10000x128xf32, #tpu.memory_space<hbm>> -> memref<10000x128xf32, #tpu.memory_space<hbm>>
        tpu.enqueue_indirect_dma source(%dma_start3A_337 : memref<10000x128xf32, #tpu.memory_space<hbm>>) target(%dma_start3A_331 : memref<96x128xf32, #tpu.memory_space<vmem>>) offsets(%dma_start3A_334 : memref<96xi32, #tpu.memory_space<vmem>>) semaphore(%arg9 : memref<!tpu.dma_semaphore, #tpu.memory_space<semaphore_mem>>)
      } else {
      }
      %add3A_235 = arith.constant 1 : i32
      %add3A_236 = arith.addi %mul3A_202, %add3A_235 : i32
      %dma_wait3A_237 = arith.constant 1 : i32
      %dma_wait3A_238 = arith.constant 0 : i32
      %dma_wait3A_239 = arith.constant 1 : i32
      %dma_wait3A_240 = arith.constant 0 : i32
      %dma_wait3A_241 = arith.constant 0 : i32
      %dma_wait3A_242 = tpu.memref_slice %arg7[%dma_wait3A_239, %dma_wait3A_240, %dma_wait3A_241] : memref<3x96x128xf32, #tpu.memory_space<vmem>> -> memref<1x96x128xf32, #tpu.memory_space<vmem>>
      %dma_wait3A_243 = tpu.memref_squeeze %dma_wait3A_242 : memref<1x96x128xf32, #tpu.memory_space<vmem>> -> memref<96x128xf32, #tpu.memory_space<vmem>>
      %dma_wait3A_244 = arith.constant 0 : i32
      %dma_wait3A_245 = tpu.memref_slice %arg6[%dma_wait3A_237, %add3A_236, %dma_wait3A_238, %dma_wait3A_244] : memref<2x21x2x96xi32, #tpu.memory_space<vmem>> -> memref<1x1x1x96xi32, #tpu.memory_space<vmem>>
      %dma_wait3A_246 = tpu.memref_squeeze %dma_wait3A_245 : memref<1x1x1x96xi32, #tpu.memory_space<vmem>> -> memref<96xi32, #tpu.memory_space<vmem>>
      %dma_wait3A_247 = arith.constant 0 : i32
      %dma_wait3A_248 = arith.constant 0 : i32
      %dma_wait3A_249 = tpu.memref_slice %arg2[%dma_wait3A_247, %dma_wait3A_248] : memref<10000x128xf32, #tpu.memory_space<hbm>> -> memref<10000x128xf32, #tpu.memory_space<hbm>>
      tpu.wait_indirect_dma semaphore(%arg10 : memref<!tpu.dma_semaphore, #tpu.memory_space<semaphore_mem>>) src(%dma_wait3A_249 : memref<10000x128xf32, #tpu.memory_space<hbm>>) dst(%dma_wait3A_243 : memref<96x128xf32, #tpu.memory_space<vmem>>)
      %add3A_250 = arith.constant 1 : i32
      %add3A_251 = arith.addi %mul3A_202, %add3A_250 : i32
      %run_scoped3A_252 = arith.constant 1 : i32
      %run_scoped3A_253 = arith.constant 1 : i32
      %run_scoped3A_254 = arith.constant 1 : i32
      "tpu.region"() ({
        %run_scoped3A_303 = tpu.sem_alloc : memref<!tpu.dma_semaphore, #tpu.memory_space<semaphore_mem>>
        %dma_start3A_304 = arith.constant 0 : i32
        %dma_start3A_305 = arith.constant 0 : i32
        %dma_start3A_306 = tpu.memref_slice %arg7[%run_scoped3A_252, %dma_start3A_304, %dma_start3A_305] : memref<3x96x128xf32, #tpu.memory_space<vmem>> -> memref<1x96x128xf32, #tpu.memory_space<vmem>>
        %dma_start3A_307 = tpu.memref_squeeze %dma_start3A_306 : memref<1x96x128xf32, #tpu.memory_space<vmem>> -> memref<96x128xf32, #tpu.memory_space<vmem>>
        %dma_start3A_308 = arith.constant 0 : i32
        %dma_start3A_309 = tpu.memref_slice %arg6[%run_scoped3A_253, %add3A_251, %run_scoped3A_254, %dma_start3A_308] : memref<2x21x2x96xi32, #tpu.memory_space<vmem>> -> memref<1x1x1x96xi32, #tpu.memory_space<vmem>>
        %dma_start3A_310 = tpu.memref_squeeze %dma_start3A_309 : memref<1x1x1x96xi32, #tpu.memory_space<vmem>> -> memref<96xi32, #tpu.memory_space<vmem>>
        %dma_start3A_311 = arith.constant 0 : i32
        %dma_start3A_312 = arith.constant 0 : i32
        %dma_start3A_313 = tpu.memref_slice %arg8[%dma_start3A_311, %dma_start3A_312] : memref<10112x128xf32, #tpu.memory_space<vmem_shared>> -> memref<10112x128xf32, #tpu.memory_space<vmem_shared>>
        tpu.enqueue_indirect_dma source(%dma_start3A_307 : memref<96x128xf32, #tpu.memory_space<vmem>>) target(%dma_start3A_313 : memref<10112x128xf32, #tpu.memory_space<vmem_shared>>) offsets(%dma_start3A_310 : memref<96xi32, #tpu.memory_space<vmem>>) semaphore(%run_scoped3A_303 : memref<!tpu.dma_semaphore, #tpu.memory_space<semaphore_mem>>) {add = true}
        %dma_wait3A_314 = arith.constant 0 : i32
        %dma_wait3A_315 = arith.constant 0 : i32
        %dma_wait3A_316 = tpu.memref_slice %arg7[%run_scoped3A_252, %dma_wait3A_314, %dma_wait3A_315] : memref<3x96x128xf32, #tpu.memory_space<vmem>> -> memref<1x96x128xf32, #tpu.memory_space<vmem>>
        %dma_wait3A_317 = tpu.memref_squeeze %dma_wait3A_316 : memref<1x96x128xf32, #tpu.memory_space<vmem>> -> memref<96x128xf32, #tpu.memory_space<vmem>>
        %dma_wait3A_318 = arith.constant 0 : i32
        %dma_wait3A_319 = tpu.memref_slice %arg6[%run_scoped3A_253, %add3A_251, %run_scoped3A_254, %dma_wait3A_318] : memref<2x21x2x96xi32, #tpu.memory_space<vmem>> -> memref<1x1x1x96xi32, #tpu.memory_space<vmem>>
        %dma_wait3A_320 = tpu.memref_squeeze %dma_wait3A_319 : memref<1x1x1x96xi32, #tpu.memory_space<vmem>> -> memref<96xi32, #tpu.memory_space<vmem>>
        %dma_wait3A_321 = arith.constant 0 : i32
        %dma_wait3A_322 = arith.constant 0 : i32
        %dma_wait3A_323 = tpu.memref_slice %arg8[%dma_wait3A_321, %dma_wait3A_322] : memref<10112x128xf32, #tpu.memory_space<vmem_shared>> -> memref<10112x128xf32, #tpu.memory_space<vmem_shared>>
        tpu.wait_indirect_dma semaphore(%run_scoped3A_303 : memref<!tpu.dma_semaphore, #tpu.memory_space<semaphore_mem>>) src(%dma_wait3A_317 : memref<96x128xf32, #tpu.memory_space<vmem>>) dst(%dma_wait3A_323 : memref<10112x128xf32, #tpu.memory_space<vmem_shared>>)
        tpu.yield
      }) : () -> ()
      %add3A_255 = arith.constant 1 : i32
      %add3A_256 = arith.addi %scan3A_200, %add3A_255 : i32
      %lt3A_257 = arith.constant 7 : i32
      %lt3A_258 = arith.cmpi slt, %add3A_256, %lt3A_257 : i32
      %convert_element_type3A_259 = arith.extui %lt3A_258 : i1 to i32
      %cond3A_260 = arith.constant 0 : i32
      %cond3A_261 = arith.cmpi ne, %convert_element_type3A_259, %cond3A_260 : i32
      scf.if %cond3A_261 {
        %add3A_303 = arith.constant 3 : i32
        %add3A_304 = arith.addi %mul3A_202, %add3A_303 : i32
        %add3A_305 = arith.constant 1 : i32
        %add3A_306 = arith.addi %add3A_304, %add3A_305 : i32
        %dma_start3A_307 = arith.constant 1 : i32
        %dma_start3A_308 = arith.constant 0 : i32
        %dma_start3A_309 = arith.constant 1 : i32
        %dma_start3A_310 = arith.constant 0 : i32
        %dma_start3A_311 = arith.constant 0 : i32
        %dma_start3A_312 = tpu.memref_slice %arg7[%dma_start3A_309, %dma_start3A_310, %dma_start3A_311] : memref<3x96x128xf32, #tpu.memory_space<vmem>> -> memref<1x96x128xf32, #tpu.memory_space<vmem>>
        %dma_start3A_313 = tpu.memref_squeeze %dma_start3A_312 : memref<1x96x128xf32, #tpu.memory_space<vmem>> -> memref<96x128xf32, #tpu.memory_space<vmem>>
        %dma_start3A_314 = arith.constant 0 : i32
        %dma_start3A_315 = tpu.memref_slice %arg6[%dma_start3A_307, %add3A_306, %dma_start3A_308, %dma_start3A_314] : memref<2x21x2x96xi32, #tpu.memory_space<vmem>> -> memref<1x1x1x96xi32, #tpu.memory_space<vmem>>
        %dma_start3A_316 = tpu.memref_squeeze %dma_start3A_315 : memref<1x1x1x96xi32, #tpu.memory_space<vmem>> -> memref<96xi32, #tpu.memory_space<vmem>>
        %dma_start3A_317 = arith.constant 0 : i32
        %dma_start3A_318 = arith.constant 0 : i32
        %dma_start3A_319 = tpu.memref_slice %arg2[%dma_start3A_317, %dma_start3A_318] : memref<10000x128xf32, #tpu.memory_space<hbm>> -> memref<10000x128xf32, #tpu.memory_space<hbm>>
        tpu.enqueue_indirect_dma source(%dma_start3A_319 : memref<10000x128xf32, #tpu.memory_space<hbm>>) target(%dma_start3A_313 : memref<96x128xf32, #tpu.memory_space<vmem>>) offsets(%dma_start3A_316 : memref<96xi32, #tpu.memory_space<vmem>>) semaphore(%arg10 : memref<!tpu.dma_semaphore, #tpu.memory_space<semaphore_mem>>)
      } else {
      }
      %add3A_262 = arith.constant 1 : i32
      %add3A_263 = arith.addi %scan3A_200, %add3A_262 : i32
      %eq3A_264 = arith.constant 7 : i32
      %eq3A_265 = arith.cmpi eq, %add3A_263, %eq3A_264 : i32
      %convert_element_type3A_266 = arith.extui %eq3A_265 : i1 to i32
      %cond3A_267 = arith.constant 0 : i32
      %cond3A_268 = arith.cmpi ne, %convert_element_type3A_266, %cond3A_267 : i32
      scf.if %cond3A_268 {
        %dma_start3A_303 = arith.constant 0 : i32
        %dma_start3A_304 = arith.constant 1 : i32
        %dma_start3A_305 = arith.constant 0 : i32
        %dma_start3A_306 = arith.constant 1 : i32
        %dma_start3A_307 = arith.constant 0 : i32
        %dma_start3A_308 = arith.constant 0 : i32
        %dma_start3A_309 = tpu.memref_slice %arg7[%dma_start3A_306, %dma_start3A_307, %dma_start3A_308] : memref<3x96x128xf32, #tpu.memory_space<vmem>> -> memref<1x96x128xf32, #tpu.memory_space<vmem>>
        %dma_start3A_310 = tpu.memref_squeeze %dma_start3A_309 : memref<1x96x128xf32, #tpu.memory_space<vmem>> -> memref<96x128xf32, #tpu.memory_space<vmem>>
        %dma_start3A_311 = arith.constant 0 : i32
        %dma_start3A_312 = tpu.memref_slice %arg6[%dma_start3A_303, %dma_start3A_304, %dma_start3A_305, %dma_start3A_311] : memref<2x21x2x96xi32, #tpu.memory_space<vmem>> -> memref<1x1x1x96xi32, #tpu.memory_space<vmem>>
        %dma_start3A_313 = tpu.memref_squeeze %dma_start3A_312 : memref<1x1x1x96xi32, #tpu.memory_space<vmem>> -> memref<96xi32, #tpu.memory_space<vmem>>
        %dma_start3A_314 = arith.constant 0 : i32
        %dma_start3A_315 = arith.constant 0 : i32
        %dma_start3A_316 = tpu.memref_slice %arg2[%dma_start3A_314, %dma_start3A_315] : memref<10000x128xf32, #tpu.memory_space<hbm>> -> memref<10000x128xf32, #tpu.memory_space<hbm>>
        tpu.enqueue_indirect_dma source(%dma_start3A_316 : memref<10000x128xf32, #tpu.memory_space<hbm>>) target(%dma_start3A_310 : memref<96x128xf32, #tpu.memory_space<vmem>>) offsets(%dma_start3A_313 : memref<96xi32, #tpu.memory_space<vmem>>) semaphore(%arg10 : memref<!tpu.dma_semaphore, #tpu.memory_space<semaphore_mem>>)
      } else {
      }
      %add3A_269 = arith.constant 2 : i32
      %add3A_270 = arith.addi %mul3A_202, %add3A_269 : i32
      %dma_wait3A_271 = arith.constant 1 : i32
      %dma_wait3A_272 = arith.constant 0 : i32
      %dma_wait3A_273 = arith.constant 2 : i32
      %dma_wait3A_274 = arith.constant 0 : i32
      %dma_wait3A_275 = arith.constant 0 : i32
      %dma_wait3A_276 = tpu.memref_slice %arg7[%dma_wait3A_273, %dma_wait3A_274, %dma_wait3A_275] : memref<3x96x128xf32, #tpu.memory_space<vmem>> -> memref<1x96x128xf32, #tpu.memory_space<vmem>>
      %dma_wait3A_277 = tpu.memref_squeeze %dma_wait3A_276 : memref<1x96x128xf32, #tpu.memory_space<vmem>> -> memref<96x128xf32, #tpu.memory_space<vmem>>
      %dma_wait3A_278 = arith.constant 0 : i32
      %dma_wait3A_279 = tpu.memref_slice %arg6[%dma_wait3A_271, %add3A_270, %dma_wait3A_272, %dma_wait3A_278] : memref<2x21x2x96xi32, #tpu.memory_space<vmem>> -> memref<1x1x1x96xi32, #tpu.memory_space<vmem>>
      %dma_wait3A_280 = tpu.memref_squeeze %dma_wait3A_279 : memref<1x1x1x96xi32, #tpu.memory_space<vmem>> -> memref<96xi32, #tpu.memory_space<vmem>>
      %dma_wait3A_281 = arith.constant 0 : i32
      %dma_wait3A_282 = arith.constant 0 : i32
      %dma_wait3A_283 = tpu.memref_slice %arg2[%dma_wait3A_281, %dma_wait3A_282] : memref<10000x128xf32, #tpu.memory_space<hbm>> -> memref<10000x128xf32, #tpu.memory_space<hbm>>
      tpu.wait_indirect_dma semaphore(%arg11 : memref<!tpu.dma_semaphore, #tpu.memory_space<semaphore_mem>>) src(%dma_wait3A_283 : memref<10000x128xf32, #tpu.memory_space<hbm>>) dst(%dma_wait3A_277 : memref<96x128xf32, #tpu.memory_space<vmem>>)
      %add3A_284 = arith.constant 2 : i32
      %add3A_285 = arith.addi %mul3A_202, %add3A_284 : i32
      %run_scoped3A_286 = arith.constant 2 : i32
      %run_scoped3A_287 = arith.constant 1 : i32
      %run_scoped3A_288 = arith.constant 1 : i32
      "tpu.region"() ({
        %run_scoped3A_303 = tpu.sem_alloc : memref<!tpu.dma_semaphore, #tpu.memory_space<semaphore_mem>>
        %dma_start3A_304 = arith.constant 0 : i32
        %dma_start3A_305 = arith.constant 0 : i32
        %dma_start3A_306 = tpu.memref_slice %arg7[%run_scoped3A_286, %dma_start3A_304, %dma_start3A_305] : memref<3x96x128xf32, #tpu.memory_space<vmem>> -> memref<1x96x128xf32, #tpu.memory_space<vmem>>
        %dma_start3A_307 = tpu.memref_squeeze %dma_start3A_306 : memref<1x96x128xf32, #tpu.memory_space<vmem>> -> memref<96x128xf32, #tpu.memory_space<vmem>>
        %dma_start3A_308 = arith.constant 0 : i32
        %dma_start3A_309 = tpu.memref_slice %arg6[%run_scoped3A_287, %add3A_285, %run_scoped3A_288, %dma_start3A_308] : memref<2x21x2x96xi32, #tpu.memory_space<vmem>> -> memref<1x1x1x96xi32, #tpu.memory_space<vmem>>
        %dma_start3A_310 = tpu.memref_squeeze %dma_start3A_309 : memref<1x1x1x96xi32, #tpu.memory_space<vmem>> -> memref<96xi32, #tpu.memory_space<vmem>>
        %dma_start3A_311 = arith.constant 0 : i32
        %dma_start3A_312 = arith.constant 0 : i32
        %dma_start3A_313 = tpu.memref_slice %arg8[%dma_start3A_311, %dma_start3A_312] : memref<10112x128xf32, #tpu.memory_space<vmem_shared>> -> memref<10112x128xf32, #tpu.memory_space<vmem_shared>>
        tpu.enqueue_indirect_dma source(%dma_start3A_307 : memref<96x128xf32, #tpu.memory_space<vmem>>) target(%dma_start3A_313 : memref<10112x128xf32, #tpu.memory_space<vmem_shared>>) offsets(%dma_start3A_310 : memref<96xi32, #tpu.memory_space<vmem>>) semaphore(%run_scoped3A_303 : memref<!tpu.dma_semaphore, #tpu.memory_space<semaphore_mem>>) {add = true}
        %dma_wait3A_314 = arith.constant 0 : i32
        %dma_wait3A_315 = arith.constant 0 : i32
        %dma_wait3A_316 = tpu.memref_slice %arg7[%run_scoped3A_286, %dma_wait3A_314, %dma_wait3A_315] : memref<3x96x128xf32, #tpu.memory_space<vmem>> -> memref<1x96x128xf32, #tpu.memory_space<vmem>>
        %dma_wait3A_317 = tpu.memref_squeeze %dma_wait3A_316 : memref<1x96x128xf32, #tpu.memory_space<vmem>> -> memref<96x128xf32, #tpu.memory_space<vmem>>
        %dma_wait3A_318 = arith.constant 0 : i32
        %dma_wait3A_319 = tpu.memref_slice %arg6[%run_scoped3A_287, %add3A_285, %run_scoped3A_288, %dma_wait3A_318] : memref<2x21x2x96xi32, #tpu.memory_space<vmem>> -> memref<1x1x1x96xi32, #tpu.memory_space<vmem>>
        %dma_wait3A_320 = tpu.memref_squeeze %dma_wait3A_319 : memref<1x1x1x96xi32, #tpu.memory_space<vmem>> -> memref<96xi32, #tpu.memory_space<vmem>>
        %dma_wait3A_321 = arith.constant 0 : i32
        %dma_wait3A_322 = arith.constant 0 : i32
        %dma_wait3A_323 = tpu.memref_slice %arg8[%dma_wait3A_321, %dma_wait3A_322] : memref<10112x128xf32, #tpu.memory_space<vmem_shared>> -> memref<10112x128xf32, #tpu.memory_space<vmem_shared>>
        tpu.wait_indirect_dma semaphore(%run_scoped3A_303 : memref<!tpu.dma_semaphore, #tpu.memory_space<semaphore_mem>>) src(%dma_wait3A_317 : memref<96x128xf32, #tpu.memory_space<vmem>>) dst(%dma_wait3A_323 : memref<10112x128xf32, #tpu.memory_space<vmem_shared>>)
        tpu.yield
      }) : () -> ()
      %add3A_289 = arith.constant 1 : i32
      %add3A_290 = arith.addi %scan3A_200, %add3A_289 : i32
      %lt3A_291 = arith.constant 7 : i32
      %lt3A_292 = arith.cmpi slt, %add3A_290, %lt3A_291 : i32
      %convert_element_type3A_293 = arith.extui %lt3A_292 : i1 to i32
      %cond3A_294 = arith.constant 0 : i32
      %cond3A_295 = arith.cmpi ne, %convert_element_type3A_293, %cond3A_294 : i32
      scf.if %cond3A_295 {
        %add3A_303 = arith.constant 3 : i32
        %add3A_304 = arith.addi %mul3A_202, %add3A_303 : i32
        %add3A_305 = arith.constant 2 : i32
        %add3A_306 = arith.addi %add3A_304, %add3A_305 : i32
        %dma_start3A_307 = arith.constant 1 : i32
        %dma_start3A_308 = arith.constant 0 : i32
        %dma_start3A_309 = arith.constant 2 : i32
        %dma_start3A_310 = arith.constant 0 : i32
        %dma_start3A_311 = arith.constant 0 : i32
        %dma_start3A_312 = tpu.memref_slice %arg7[%dma_start3A_309, %dma_start3A_310, %dma_start3A_311] : memref<3x96x128xf32, #tpu.memory_space<vmem>> -> memref<1x96x128xf32, #tpu.memory_space<vmem>>
        %dma_start3A_313 = tpu.memref_squeeze %dma_start3A_312 : memref<1x96x128xf32, #tpu.memory_space<vmem>> -> memref<96x128xf32, #tpu.memory_space<vmem>>
        %dma_start3A_314 = arith.constant 0 : i32
        %dma_start3A_315 = tpu.memref_slice %arg6[%dma_start3A_307, %add3A_306, %dma_start3A_308, %dma_start3A_314] : memref<2x21x2x96xi32, #tpu.memory_space<vmem>> -> memref<1x1x1x96xi32, #tpu.memory_space<vmem>>
        %dma_start3A_316 = tpu.memref_squeeze %dma_start3A_315 : memref<1x1x1x96xi32, #tpu.memory_space<vmem>> -> memref<96xi32, #tpu.memory_space<vmem>>
        %dma_start3A_317 = arith.constant 0 : i32
        %dma_start3A_318 = arith.constant 0 : i32
        %dma_start3A_319 = tpu.memref_slice %arg2[%dma_start3A_317, %dma_start3A_318] : memref<10000x128xf32, #tpu.memory_space<hbm>> -> memref<10000x128xf32, #tpu.memory_space<hbm>>
        tpu.enqueue_indirect_dma source(%dma_start3A_319 : memref<10000x128xf32, #tpu.memory_space<hbm>>) target(%dma_start3A_313 : memref<96x128xf32, #tpu.memory_space<vmem>>) offsets(%dma_start3A_316 : memref<96xi32, #tpu.memory_space<vmem>>) semaphore(%arg11 : memref<!tpu.dma_semaphore, #tpu.memory_space<semaphore_mem>>)
      } else {
      }
      %add3A_296 = arith.constant 1 : i32
      %add3A_297 = arith.addi %scan3A_200, %add3A_296 : i32
      %eq3A_298 = arith.constant 7 : i32
      %eq3A_299 = arith.cmpi eq, %add3A_297, %eq3A_298 : i32
      %convert_element_type3A_300 = arith.extui %eq3A_299 : i1 to i32
      %cond3A_301 = arith.constant 0 : i32
      %cond3A_302 = arith.cmpi ne, %convert_element_type3A_300, %cond3A_301 : i32
      scf.if %cond3A_302 {
        %dma_start3A_303 = arith.constant 0 : i32
        %dma_start3A_304 = arith.constant 2 : i32
        %dma_start3A_305 = arith.constant 0 : i32
        %dma_start3A_306 = arith.constant 2 : i32
        %dma_start3A_307 = arith.constant 0 : i32
        %dma_start3A_308 = arith.constant 0 : i32
        %dma_start3A_309 = tpu.memref_slice %arg7[%dma_start3A_306, %dma_start3A_307, %dma_start3A_308] : memref<3x96x128xf32, #tpu.memory_space<vmem>> -> memref<1x96x128xf32, #tpu.memory_space<vmem>>
        %dma_start3A_310 = tpu.memref_squeeze %dma_start3A_309 : memref<1x96x128xf32, #tpu.memory_space<vmem>> -> memref<96x128xf32, #tpu.memory_space<vmem>>
        %dma_start3A_311 = arith.constant 0 : i32
        %dma_start3A_312 = tpu.memref_slice %arg6[%dma_start3A_303, %dma_start3A_304, %dma_start3A_305, %dma_start3A_311] : memref<2x21x2x96xi32, #tpu.memory_space<vmem>> -> memref<1x1x1x96xi32, #tpu.memory_space<vmem>>
        %dma_start3A_313 = tpu.memref_squeeze %dma_start3A_312 : memref<1x1x1x96xi32, #tpu.memory_space<vmem>> -> memref<96xi32, #tpu.memory_space<vmem>>
        %dma_start3A_314 = arith.constant 0 : i32
        %dma_start3A_315 = arith.constant 0 : i32
        %dma_start3A_316 = tpu.memref_slice %arg2[%dma_start3A_314, %dma_start3A_315] : memref<10000x128xf32, #tpu.memory_space<hbm>> -> memref<10000x128xf32, #tpu.memory_space<hbm>>
        tpu.enqueue_indirect_dma source(%dma_start3A_316 : memref<10000x128xf32, #tpu.memory_space<hbm>>) target(%dma_start3A_310 : memref<96x128xf32, #tpu.memory_space<vmem>>) offsets(%dma_start3A_313 : memref<96xi32, #tpu.memory_space<vmem>>) semaphore(%arg11 : memref<!tpu.dma_semaphore, #tpu.memory_space<semaphore_mem>>)
      } else {
      }
    }
    %scan3A_187 = arith.constant 7 : i32
    %scan3A_188 = arith.constant 0 : i32
    %scan3A_189 = arith.constant 7 : i32
    %scan3A_190 = arith.addi %scan3A_188, %scan3A_189 : i32
    %scan3A_191 = arith.constant 1 : i32
    scf.for %scan3A_200 = %scan3A_188 to %scan3A_190 step %scan3A_191  : i32 {
      %mul3A_201 = arith.constant 3 : i32
      %mul3A_202 = arith.muli %scan3A_200, %mul3A_201 : i32
      %add3A_203 = arith.constant 0 : i32
      %add3A_204 = arith.addi %mul3A_202, %add3A_203 : i32
      %dma_wait3A_205 = arith.constant 0 : i32
      %dma_wait3A_206 = arith.constant 0 : i32
      %dma_wait3A_207 = arith.constant 0 : i32
      %dma_wait3A_208 = arith.constant 0 : i32
      %dma_wait3A_209 = arith.constant 0 : i32
      %dma_wait3A_210 = tpu.memref_slice %arg7[%dma_wait3A_207, %dma_wait3A_208, %dma_wait3A_209] : memref<3x96x128xf32, #tpu.memory_space<vmem>> -> memref<1x96x128xf32, #tpu.memory_space<vmem>>
      %dma_wait3A_211 = tpu.memref_squeeze %dma_wait3A_210 : memref<1x96x128xf32, #tpu.memory_space<vmem>> -> memref<96x128xf32, #tpu.memory_space<vmem>>
      %dma_wait3A_212 = arith.constant 0 : i32
      %dma_wait3A_213 = tpu.memref_slice %arg6[%dma_wait3A_205, %add3A_204, %dma_wait3A_206, %dma_wait3A_212] : memref<2x21x2x96xi32, #tpu.memory_space<vmem>> -> memref<1x1x1x96xi32, #tpu.memory_space<vmem>>
      %dma_wait3A_214 = tpu.memref_squeeze %dma_wait3A_213 : memref<1x1x1x96xi32, #tpu.memory_space<vmem>> -> memref<96xi32, #tpu.memory_space<vmem>>
      %dma_wait3A_215 = arith.constant 0 : i32
      %dma_wait3A_216 = arith.constant 0 : i32
      %dma_wait3A_217 = tpu.memref_slice %arg2[%dma_wait3A_215, %dma_wait3A_216] : memref<10000x128xf32, #tpu.memory_space<hbm>> -> memref<10000x128xf32, #tpu.memory_space<hbm>>
      tpu.wait_indirect_dma semaphore(%arg9 : memref<!tpu.dma_semaphore, #tpu.memory_space<semaphore_mem>>) src(%dma_wait3A_217 : memref<10000x128xf32, #tpu.memory_space<hbm>>) dst(%dma_wait3A_211 : memref<96x128xf32, #tpu.memory_space<vmem>>)
      %add3A_218 = arith.constant 0 : i32
      %add3A_219 = arith.addi %mul3A_202, %add3A_218 : i32
      %run_scoped3A = arith.constant 0 : i32
      %run_scoped3A_220 = arith.constant 0 : i32
      %run_scoped3A_221 = arith.constant 1 : i32
      "tpu.region"() ({
        %run_scoped3A_282 = tpu.sem_alloc : memref<!tpu.dma_semaphore, #tpu.memory_space<semaphore_mem>>
        %dma_start3A_283 = arith.constant 0 : i32
        %dma_start3A_284 = arith.constant 0 : i32
        %dma_start3A_285 = tpu.memref_slice %arg7[%run_scoped3A, %dma_start3A_283, %dma_start3A_284] : memref<3x96x128xf32, #tpu.memory_space<vmem>> -> memref<1x96x128xf32, #tpu.memory_space<vmem>>
        %dma_start3A_286 = tpu.memref_squeeze %dma_start3A_285 : memref<1x96x128xf32, #tpu.memory_space<vmem>> -> memref<96x128xf32, #tpu.memory_space<vmem>>
        %dma_start3A_287 = arith.constant 0 : i32
        %dma_start3A_288 = tpu.memref_slice %arg6[%run_scoped3A_220, %add3A_219, %run_scoped3A_221, %dma_start3A_287] : memref<2x21x2x96xi32, #tpu.memory_space<vmem>> -> memref<1x1x1x96xi32, #tpu.memory_space<vmem>>
        %dma_start3A_289 = tpu.memref_squeeze %dma_start3A_288 : memref<1x1x1x96xi32, #tpu.memory_space<vmem>> -> memref<96xi32, #tpu.memory_space<vmem>>
        %dma_start3A_290 = arith.constant 0 : i32
        %dma_start3A_291 = arith.constant 0 : i32
        %dma_start3A_292 = tpu.memref_slice %arg8[%dma_start3A_290, %dma_start3A_291] : memref<10112x128xf32, #tpu.memory_space<vmem_shared>> -> memref<10112x128xf32, #tpu.memory_space<vmem_shared>>
        tpu.enqueue_indirect_dma source(%dma_start3A_286 : memref<96x128xf32, #tpu.memory_space<vmem>>) target(%dma_start3A_292 : memref<10112x128xf32, #tpu.memory_space<vmem_shared>>) offsets(%dma_start3A_289 : memref<96xi32, #tpu.memory_space<vmem>>) semaphore(%run_scoped3A_282 : memref<!tpu.dma_semaphore, #tpu.memory_space<semaphore_mem>>) {add = true}
        %dma_wait3A_293 = arith.constant 0 : i32
        %dma_wait3A_294 = arith.constant 0 : i32
        %dma_wait3A_295 = tpu.memref_slice %arg7[%run_scoped3A, %dma_wait3A_293, %dma_wait3A_294] : memref<3x96x128xf32, #tpu.memory_space<vmem>> -> memref<1x96x128xf32, #tpu.memory_space<vmem>>
        %dma_wait3A_296 = tpu.memref_squeeze %dma_wait3A_295 : memref<1x96x128xf32, #tpu.memory_space<vmem>> -> memref<96x128xf32, #tpu.memory_space<vmem>>
        %dma_wait3A_297 = arith.constant 0 : i32
        %dma_wait3A_298 = tpu.memref_slice %arg6[%run_scoped3A_220, %add3A_219, %run_scoped3A_221, %dma_wait3A_297] : memref<2x21x2x96xi32, #tpu.memory_space<vmem>> -> memref<1x1x1x96xi32, #tpu.memory_space<vmem>>
        %dma_wait3A_299 = tpu.memref_squeeze %dma_wait3A_298 : memref<1x1x1x96xi32, #tpu.memory_space<vmem>> -> memref<96xi32, #tpu.memory_space<vmem>>
        %dma_wait3A_300 = arith.constant 0 : i32
        %dma_wait3A_301 = arith.constant 0 : i32
        %dma_wait3A_302 = tpu.memref_slice %arg8[%dma_wait3A_300, %dma_wait3A_301] : memref<10112x128xf32, #tpu.memory_space<vmem_shared>> -> memref<10112x128xf32, #tpu.memory_space<vmem_shared>>
        tpu.wait_indirect_dma semaphore(%run_scoped3A_282 : memref<!tpu.dma_semaphore, #tpu.memory_space<semaphore_mem>>) src(%dma_wait3A_296 : memref<96x128xf32, #tpu.memory_space<vmem>>) dst(%dma_wait3A_302 : memref<10112x128xf32, #tpu.memory_space<vmem_shared>>)
        tpu.yield
      }) : () -> ()
      %add3A_222 = arith.constant 1 : i32
      %add3A_223 = arith.addi %scan3A_200, %add3A_222 : i32
      %lt3A = arith.constant 7 : i32
      %lt3A_224 = arith.cmpi slt, %add3A_223, %lt3A : i32
      %convert_element_type3A_225 = arith.extui %lt3A_224 : i1 to i32
      %cond3A_226 = arith.constant 0 : i32
      %cond3A_227 = arith.cmpi ne, %convert_element_type3A_225, %cond3A_226 : i32
      scf.if %cond3A_227 {
        %add3A_282 = arith.constant 3 : i32
        %add3A_283 = arith.addi %mul3A_202, %add3A_282 : i32
        %add3A_284 = arith.constant 0 : i32
        %add3A_285 = arith.addi %add3A_283, %add3A_284 : i32
        %dma_start3A_286 = arith.constant 0 : i32
        %dma_start3A_287 = arith.constant 0 : i32
        %dma_start3A_288 = arith.constant 0 : i32
        %dma_start3A_289 = arith.constant 0 : i32
        %dma_start3A_290 = arith.constant 0 : i32
        %dma_start3A_291 = tpu.memref_slice %arg7[%dma_start3A_288, %dma_start3A_289, %dma_start3A_290] : memref<3x96x128xf32, #tpu.memory_space<vmem>> -> memref<1x96x128xf32, #tpu.memory_space<vmem>>
        %dma_start3A_292 = tpu.memref_squeeze %dma_start3A_291 : memref<1x96x128xf32, #tpu.memory_space<vmem>> -> memref<96x128xf32, #tpu.memory_space<vmem>>
        %dma_start3A_293 = arith.constant 0 : i32
        %dma_start3A_294 = tpu.memref_slice %arg6[%dma_start3A_286, %add3A_285, %dma_start3A_287, %dma_start3A_293] : memref<2x21x2x96xi32, #tpu.memory_space<vmem>> -> memref<1x1x1x96xi32, #tpu.memory_space<vmem>>
        %dma_start3A_295 = tpu.memref_squeeze %dma_start3A_294 : memref<1x1x1x96xi32, #tpu.memory_space<vmem>> -> memref<96xi32, #tpu.memory_space<vmem>>
        %dma_start3A_296 = arith.constant 0 : i32
        %dma_start3A_297 = arith.constant 0 : i32
        %dma_start3A_298 = tpu.memref_slice %arg2[%dma_start3A_296, %dma_start3A_297] : memref<10000x128xf32, #tpu.memory_space<hbm>> -> memref<10000x128xf32, #tpu.memory_space<hbm>>
        tpu.enqueue_indirect_dma source(%dma_start3A_298 : memref<10000x128xf32, #tpu.memory_space<hbm>>) target(%dma_start3A_292 : memref<96x128xf32, #tpu.memory_space<vmem>>) offsets(%dma_start3A_295 : memref<96xi32, #tpu.memory_space<vmem>>) semaphore(%arg9 : memref<!tpu.dma_semaphore, #tpu.memory_space<semaphore_mem>>)
      } else {
      }
      %add3A_228 = arith.constant 1 : i32
      %add3A_229 = arith.addi %mul3A_202, %add3A_228 : i32
      %dma_wait3A_230 = arith.constant 0 : i32
      %dma_wait3A_231 = arith.constant 0 : i32
      %dma_wait3A_232 = arith.constant 1 : i32
      %dma_wait3A_233 = arith.constant 0 : i32
      %dma_wait3A_234 = arith.constant 0 : i32
      %dma_wait3A_235 = tpu.memref_slice %arg7[%dma_wait3A_232, %dma_wait3A_233, %dma_wait3A_234] : memref<3x96x128xf32, #tpu.memory_space<vmem>> -> memref<1x96x128xf32, #tpu.memory_space<vmem>>
      %dma_wait3A_236 = tpu.memref_squeeze %dma_wait3A_235 : memref<1x96x128xf32, #tpu.memory_space<vmem>> -> memref<96x128xf32, #tpu.memory_space<vmem>>
      %dma_wait3A_237 = arith.constant 0 : i32
      %dma_wait3A_238 = tpu.memref_slice %arg6[%dma_wait3A_230, %add3A_229, %dma_wait3A_231, %dma_wait3A_237] : memref<2x21x2x96xi32, #tpu.memory_space<vmem>> -> memref<1x1x1x96xi32, #tpu.memory_space<vmem>>
      %dma_wait3A_239 = tpu.memref_squeeze %dma_wait3A_238 : memref<1x1x1x96xi32, #tpu.memory_space<vmem>> -> memref<96xi32, #tpu.memory_space<vmem>>
      %dma_wait3A_240 = arith.constant 0 : i32
      %dma_wait3A_241 = arith.constant 0 : i32
      %dma_wait3A_242 = tpu.memref_slice %arg2[%dma_wait3A_240, %dma_wait3A_241] : memref<10000x128xf32, #tpu.memory_space<hbm>> -> memref<10000x128xf32, #tpu.memory_space<hbm>>
      tpu.wait_indirect_dma semaphore(%arg10 : memref<!tpu.dma_semaphore, #tpu.memory_space<semaphore_mem>>) src(%dma_wait3A_242 : memref<10000x128xf32, #tpu.memory_space<hbm>>) dst(%dma_wait3A_236 : memref<96x128xf32, #tpu.memory_space<vmem>>)
      %add3A_243 = arith.constant 1 : i32
      %add3A_244 = arith.addi %mul3A_202, %add3A_243 : i32
      %run_scoped3A_245 = arith.constant 1 : i32
      %run_scoped3A_246 = arith.constant 0 : i32
      %run_scoped3A_247 = arith.constant 1 : i32
      "tpu.region"() ({
        %run_scoped3A_282 = tpu.sem_alloc : memref<!tpu.dma_semaphore, #tpu.memory_space<semaphore_mem>>
        %dma_start3A_283 = arith.constant 0 : i32
        %dma_start3A_284 = arith.constant 0 : i32
        %dma_start3A_285 = tpu.memref_slice %arg7[%run_scoped3A_245, %dma_start3A_283, %dma_start3A_284] : memref<3x96x128xf32, #tpu.memory_space<vmem>> -> memref<1x96x128xf32, #tpu.memory_space<vmem>>
        %dma_start3A_286 = tpu.memref_squeeze %dma_start3A_285 : memref<1x96x128xf32, #tpu.memory_space<vmem>> -> memref<96x128xf32, #tpu.memory_space<vmem>>
        %dma_start3A_287 = arith.constant 0 : i32
        %dma_start3A_288 = tpu.memref_slice %arg6[%run_scoped3A_246, %add3A_244, %run_scoped3A_247, %dma_start3A_287] : memref<2x21x2x96xi32, #tpu.memory_space<vmem>> -> memref<1x1x1x96xi32, #tpu.memory_space<vmem>>
        %dma_start3A_289 = tpu.memref_squeeze %dma_start3A_288 : memref<1x1x1x96xi32, #tpu.memory_space<vmem>> -> memref<96xi32, #tpu.memory_space<vmem>>
        %dma_start3A_290 = arith.constant 0 : i32
        %dma_start3A_291 = arith.constant 0 : i32
        %dma_start3A_292 = tpu.memref_slice %arg8[%dma_start3A_290, %dma_start3A_291] : memref<10112x128xf32, #tpu.memory_space<vmem_shared>> -> memref<10112x128xf32, #tpu.memory_space<vmem_shared>>
        tpu.enqueue_indirect_dma source(%dma_start3A_286 : memref<96x128xf32, #tpu.memory_space<vmem>>) target(%dma_start3A_292 : memref<10112x128xf32, #tpu.memory_space<vmem_shared>>) offsets(%dma_start3A_289 : memref<96xi32, #tpu.memory_space<vmem>>) semaphore(%run_scoped3A_282 : memref<!tpu.dma_semaphore, #tpu.memory_space<semaphore_mem>>) {add = true}
        %dma_wait3A_293 = arith.constant 0 : i32
        %dma_wait3A_294 = arith.constant 0 : i32
        %dma_wait3A_295 = tpu.memref_slice %arg7[%run_scoped3A_245, %dma_wait3A_293, %dma_wait3A_294] : memref<3x96x128xf32, #tpu.memory_space<vmem>> -> memref<1x96x128xf32, #tpu.memory_space<vmem>>
        %dma_wait3A_296 = tpu.memref_squeeze %dma_wait3A_295 : memref<1x96x128xf32, #tpu.memory_space<vmem>> -> memref<96x128xf32, #tpu.memory_space<vmem>>
        %dma_wait3A_297 = arith.constant 0 : i32
        %dma_wait3A_298 = tpu.memref_slice %arg6[%run_scoped3A_246, %add3A_244, %run_scoped3A_247, %dma_wait3A_297] : memref<2x21x2x96xi32, #tpu.memory_space<vmem>> -> memref<1x1x1x96xi32, #tpu.memory_space<vmem>>
        %dma_wait3A_299 = tpu.memref_squeeze %dma_wait3A_298 : memref<1x1x1x96xi32, #tpu.memory_space<vmem>> -> memref<96xi32, #tpu.memory_space<vmem>>
        %dma_wait3A_300 = arith.constant 0 : i32
        %dma_wait3A_301 = arith.constant 0 : i32
        %dma_wait3A_302 = tpu.memref_slice %arg8[%dma_wait3A_300, %dma_wait3A_301] : memref<10112x128xf32, #tpu.memory_space<vmem_shared>> -> memref<10112x128xf32, #tpu.memory_space<vmem_shared>>
        tpu.wait_indirect_dma semaphore(%run_scoped3A_282 : memref<!tpu.dma_semaphore, #tpu.memory_space<semaphore_mem>>) src(%dma_wait3A_296 : memref<96x128xf32, #tpu.memory_space<vmem>>) dst(%dma_wait3A_302 : memref<10112x128xf32, #tpu.memory_space<vmem_shared>>)
        tpu.yield
      }) : () -> ()
      %add3A_248 = arith.constant 1 : i32
      %add3A_249 = arith.addi %scan3A_200, %add3A_248 : i32
      %lt3A_250 = arith.constant 7 : i32
      %lt3A_251 = arith.cmpi slt, %add3A_249, %lt3A_250 : i32
      %convert_element_type3A_252 = arith.extui %lt3A_251 : i1 to i32
      %cond3A_253 = arith.constant 0 : i32
      %cond3A_254 = arith.cmpi ne, %convert_element_type3A_252, %cond3A_253 : i32
      scf.if %cond3A_254 {
        %add3A_282 = arith.constant 3 : i32
        %add3A_283 = arith.addi %mul3A_202, %add3A_282 : i32
        %add3A_284 = arith.constant 1 : i32
        %add3A_285 = arith.addi %add3A_283, %add3A_284 : i32
        %dma_start3A_286 = arith.constant 0 : i32
        %dma_start3A_287 = arith.constant 0 : i32
        %dma_start3A_288 = arith.constant 1 : i32
        %dma_start3A_289 = arith.constant 0 : i32
        %dma_start3A_290 = arith.constant 0 : i32
        %dma_start3A_291 = tpu.memref_slice %arg7[%dma_start3A_288, %dma_start3A_289, %dma_start3A_290] : memref<3x96x128xf32, #tpu.memory_space<vmem>> -> memref<1x96x128xf32, #tpu.memory_space<vmem>>
        %dma_start3A_292 = tpu.memref_squeeze %dma_start3A_291 : memref<1x96x128xf32, #tpu.memory_space<vmem>> -> memref<96x128xf32, #tpu.memory_space<vmem>>
        %dma_start3A_293 = arith.constant 0 : i32
        %dma_start3A_294 = tpu.memref_slice %arg6[%dma_start3A_286, %add3A_285, %dma_start3A_287, %dma_start3A_293] : memref<2x21x2x96xi32, #tpu.memory_space<vmem>> -> memref<1x1x1x96xi32, #tpu.memory_space<vmem>>
        %dma_start3A_295 = tpu.memref_squeeze %dma_start3A_294 : memref<1x1x1x96xi32, #tpu.memory_space<vmem>> -> memref<96xi32, #tpu.memory_space<vmem>>
        %dma_start3A_296 = arith.constant 0 : i32
        %dma_start3A_297 = arith.constant 0 : i32
        %dma_start3A_298 = tpu.memref_slice %arg2[%dma_start3A_296, %dma_start3A_297] : memref<10000x128xf32, #tpu.memory_space<hbm>> -> memref<10000x128xf32, #tpu.memory_space<hbm>>
        tpu.enqueue_indirect_dma source(%dma_start3A_298 : memref<10000x128xf32, #tpu.memory_space<hbm>>) target(%dma_start3A_292 : memref<96x128xf32, #tpu.memory_space<vmem>>) offsets(%dma_start3A_295 : memref<96xi32, #tpu.memory_space<vmem>>) semaphore(%arg10 : memref<!tpu.dma_semaphore, #tpu.memory_space<semaphore_mem>>)
      } else {
      }
      %add3A_255 = arith.constant 2 : i32
      %add3A_256 = arith.addi %mul3A_202, %add3A_255 : i32
      %dma_wait3A_257 = arith.constant 0 : i32
      %dma_wait3A_258 = arith.constant 0 : i32
      %dma_wait3A_259 = arith.constant 2 : i32
      %dma_wait3A_260 = arith.constant 0 : i32
      %dma_wait3A_261 = arith.constant 0 : i32
      %dma_wait3A_262 = tpu.memref_slice %arg7[%dma_wait3A_259, %dma_wait3A_260, %dma_wait3A_261] : memref<3x96x128xf32, #tpu.memory_space<vmem>> -> memref<1x96x128xf32, #tpu.memory_space<vmem>>
      %dma_wait3A_263 = tpu.memref_squeeze %dma_wait3A_262 : memref<1x96x128xf32, #tpu.memory_space<vmem>> -> memref<96x128xf32, #tpu.memory_space<vmem>>
      %dma_wait3A_264 = arith.constant 0 : i32
      %dma_wait3A_265 = tpu.memref_slice %arg6[%dma_wait3A_257, %add3A_256, %dma_wait3A_258, %dma_wait3A_264] : memref<2x21x2x96xi32, #tpu.memory_space<vmem>> -> memref<1x1x1x96xi32, #tpu.memory_space<vmem>>
      %dma_wait3A_266 = tpu.memref_squeeze %dma_wait3A_265 : memref<1x1x1x96xi32, #tpu.memory_space<vmem>> -> memref<96xi32, #tpu.memory_space<vmem>>
      %dma_wait3A_267 = arith.constant 0 : i32
      %dma_wait3A_268 = arith.constant 0 : i32
      %dma_wait3A_269 = tpu.memref_slice %arg2[%dma_wait3A_267, %dma_wait3A_268] : memref<10000x128xf32, #tpu.memory_space<hbm>> -> memref<10000x128xf32, #tpu.memory_space<hbm>>
      tpu.wait_indirect_dma semaphore(%arg11 : memref<!tpu.dma_semaphore, #tpu.memory_space<semaphore_mem>>) src(%dma_wait3A_269 : memref<10000x128xf32, #tpu.memory_space<hbm>>) dst(%dma_wait3A_263 : memref<96x128xf32, #tpu.memory_space<vmem>>)
      %add3A_270 = arith.constant 2 : i32
      %add3A_271 = arith.addi %mul3A_202, %add3A_270 : i32
      %run_scoped3A_272 = arith.constant 2 : i32
      %run_scoped3A_273 = arith.constant 0 : i32
      %run_scoped3A_274 = arith.constant 1 : i32
      "tpu.region"() ({
        %run_scoped3A_282 = tpu.sem_alloc : memref<!tpu.dma_semaphore, #tpu.memory_space<semaphore_mem>>
        %dma_start3A_283 = arith.constant 0 : i32
        %dma_start3A_284 = arith.constant 0 : i32
        %dma_start3A_285 = tpu.memref_slice %arg7[%run_scoped3A_272, %dma_start3A_283, %dma_start3A_284] : memref<3x96x128xf32, #tpu.memory_space<vmem>> -> memref<1x96x128xf32, #tpu.memory_space<vmem>>
        %dma_start3A_286 = tpu.memref_squeeze %dma_start3A_285 : memref<1x96x128xf32, #tpu.memory_space<vmem>> -> memref<96x128xf32, #tpu.memory_space<vmem>>
        %dma_start3A_287 = arith.constant 0 : i32
        %dma_start3A_288 = tpu.memref_slice %arg6[%run_scoped3A_273, %add3A_271, %run_scoped3A_274, %dma_start3A_287] : memref<2x21x2x96xi32, #tpu.memory_space<vmem>> -> memref<1x1x1x96xi32, #tpu.memory_space<vmem>>
        %dma_start3A_289 = tpu.memref_squeeze %dma_start3A_288 : memref<1x1x1x96xi32, #tpu.memory_space<vmem>> -> memref<96xi32, #tpu.memory_space<vmem>>
        %dma_start3A_290 = arith.constant 0 : i32
        %dma_start3A_291 = arith.constant 0 : i32
        %dma_start3A_292 = tpu.memref_slice %arg8[%dma_start3A_290, %dma_start3A_291] : memref<10112x128xf32, #tpu.memory_space<vmem_shared>> -> memref<10112x128xf32, #tpu.memory_space<vmem_shared>>
        tpu.enqueue_indirect_dma source(%dma_start3A_286 : memref<96x128xf32, #tpu.memory_space<vmem>>) target(%dma_start3A_292 : memref<10112x128xf32, #tpu.memory_space<vmem_shared>>) offsets(%dma_start3A_289 : memref<96xi32, #tpu.memory_space<vmem>>) semaphore(%run_scoped3A_282 : memref<!tpu.dma_semaphore, #tpu.memory_space<semaphore_mem>>) {add = true}
        %dma_wait3A_293 = arith.constant 0 : i32
        %dma_wait3A_294 = arith.constant 0 : i32
        %dma_wait3A_295 = tpu.memref_slice %arg7[%run_scoped3A_272, %dma_wait3A_293, %dma_wait3A_294] : memref<3x96x128xf32, #tpu.memory_space<vmem>> -> memref<1x96x128xf32, #tpu.memory_space<vmem>>
        %dma_wait3A_296 = tpu.memref_squeeze %dma_wait3A_295 : memref<1x96x128xf32, #tpu.memory_space<vmem>> -> memref<96x128xf32, #tpu.memory_space<vmem>>
        %dma_wait3A_297 = arith.constant 0 : i32
        %dma_wait3A_298 = tpu.memref_slice %arg6[%run_scoped3A_273, %add3A_271, %run_scoped3A_274, %dma_wait3A_297] : memref<2x21x2x96xi32, #tpu.memory_space<vmem>> -> memref<1x1x1x96xi32, #tpu.memory_space<vmem>>
        %dma_wait3A_299 = tpu.memref_squeeze %dma_wait3A_298 : memref<1x1x1x96xi32, #tpu.memory_space<vmem>> -> memref<96xi32, #tpu.memory_space<vmem>>
        %dma_wait3A_300 = arith.constant 0 : i32
        %dma_wait3A_301 = arith.constant 0 : i32
        %dma_wait3A_302 = tpu.memref_slice %arg8[%dma_wait3A_300, %dma_wait3A_301] : memref<10112x128xf32, #tpu.memory_space<vmem_shared>> -> memref<10112x128xf32, #tpu.memory_space<vmem_shared>>
        tpu.wait_indirect_dma semaphore(%run_scoped3A_282 : memref<!tpu.dma_semaphore, #tpu.memory_space<semaphore_mem>>) src(%dma_wait3A_296 : memref<96x128xf32, #tpu.memory_space<vmem>>) dst(%dma_wait3A_302 : memref<10112x128xf32, #tpu.memory_space<vmem_shared>>)
        tpu.yield
      }) : () -> ()
      %add3A_275 = arith.constant 1 : i32
      %add3A_276 = arith.addi %scan3A_200, %add3A_275 : i32
      %lt3A_277 = arith.constant 7 : i32
      %lt3A_278 = arith.cmpi slt, %add3A_276, %lt3A_277 : i32
      %convert_element_type3A_279 = arith.extui %lt3A_278 : i1 to i32
      %cond3A_280 = arith.constant 0 : i32
      %cond3A_281 = arith.cmpi ne, %convert_element_type3A_279, %cond3A_280 : i32
      scf.if %cond3A_281 {
        %add3A_282 = arith.constant 3 : i32
        %add3A_283 = arith.addi %mul3A_202, %add3A_282 : i32
        %add3A_284 = arith.constant 2 : i32
        %add3A_285 = arith.addi %add3A_283, %add3A_284 : i32
        %dma_start3A_286 = arith.constant 0 : i32
        %dma_start3A_287 = arith.constant 0 : i32
        %dma_start3A_288 = arith.constant 2 : i32
        %dma_start3A_289 = arith.constant 0 : i32
        %dma_start3A_290 = arith.constant 0 : i32
        %dma_start3A_291 = tpu.memref_slice %arg7[%dma_start3A_288, %dma_start3A_289, %dma_start3A_290] : memref<3x96x128xf32, #tpu.memory_space<vmem>> -> memref<1x96x128xf32, #tpu.memory_space<vmem>>
        %dma_start3A_292 = tpu.memref_squeeze %dma_start3A_291 : memref<1x96x128xf32, #tpu.memory_space<vmem>> -> memref<96x128xf32, #tpu.memory_space<vmem>>
        %dma_start3A_293 = arith.constant 0 : i32
        %dma_start3A_294 = tpu.memref_slice %arg6[%dma_start3A_286, %add3A_285, %dma_start3A_287, %dma_start3A_293] : memref<2x21x2x96xi32, #tpu.memory_space<vmem>> -> memref<1x1x1x96xi32, #tpu.memory_space<vmem>>
        %dma_start3A_295 = tpu.memref_squeeze %dma_start3A_294 : memref<1x1x1x96xi32, #tpu.memory_space<vmem>> -> memref<96xi32, #tpu.memory_space<vmem>>
        %dma_start3A_296 = arith.constant 0 : i32
        %dma_start3A_297 = arith.constant 0 : i32
        %dma_start3A_298 = tpu.memref_slice %arg2[%dma_start3A_296, %dma_start3A_297] : memref<10000x128xf32, #tpu.memory_space<hbm>> -> memref<10000x128xf32, #tpu.memory_space<hbm>>
        tpu.enqueue_indirect_dma source(%dma_start3A_298 : memref<10000x128xf32, #tpu.memory_space<hbm>>) target(%dma_start3A_292 : memref<96x128xf32, #tpu.memory_space<vmem>>) offsets(%dma_start3A_295 : memref<96xi32, #tpu.memory_space<vmem>>) semaphore(%arg11 : memref<!tpu.dma_semaphore, #tpu.memory_space<semaphore_mem>>)
      } else {
      }
    }
    %scan3A_192 = arith.constant 7 : i32
    %barrier3A_193 = arith.constant 0 : index
    tpu.barrier barrier_id(%barrier3A_193)
    %mul3A_194 = arith.constant 624 : i32
    %mul3A_195 = arith.muli %arg1, %mul3A_194 : i32
    %mul3A_196 = arith.constant 624 : i32
    %mul3A_197 = arith.muli %arg1, %mul3A_196 : i32
    "tpu.region"() ({
      %run_scoped3A = tpu.sem_alloc : memref<!tpu.dma_semaphore, #tpu.memory_space<semaphore_mem>>
      %dma_start3A_200 = arith.constant 0 : i32
      %dma_start3A_201 = tpu.memref_slice %arg5[%arg0, %mul3A_197, %dma_start3A_200] : memref<2x10000x128xf32, #tpu.memory_space<hbm>> -> memref<1x624x128xf32, #tpu.memory_space<hbm>>
      %dma_start3A_202 = tpu.memref_squeeze %dma_start3A_201 : memref<1x624x128xf32, #tpu.memory_space<hbm>> -> memref<624x128xf32, #tpu.memory_space<hbm>>
      %dma_start3A_203 = arith.constant 0 : i32
      %dma_start3A_204 = tpu.memref_slice %arg8[%mul3A_195, %dma_start3A_203] : memref<10112x128xf32, #tpu.memory_space<vmem_shared>> -> memref<624x128xf32, #tpu.memory_space<vmem_shared>>
      tpu.enqueue_dma source(%dma_start3A_204 : memref<624x128xf32, #tpu.memory_space<vmem_shared>>) target(%dma_start3A_202 : memref<624x128xf32, #tpu.memory_space<hbm>>) target_semaphore(%run_scoped3A : memref<!tpu.dma_semaphore, #tpu.memory_space<semaphore_mem>>)
      %dma_wait3A_205 = arith.constant 0 : i32
      %dma_wait3A_206 = tpu.memref_slice %arg5[%arg0, %mul3A_197, %dma_wait3A_205] : memref<2x10000x128xf32, #tpu.memory_space<hbm>> -> memref<1x624x128xf32, #tpu.memory_space<hbm>>
      %dma_wait3A_207 = tpu.memref_squeeze %dma_wait3A_206 : memref<1x624x128xf32, #tpu.memory_space<hbm>> -> memref<624x128xf32, #tpu.memory_space<hbm>>
      %dma_wait3A_208 = arith.constant 0 : i32
      %dma_wait3A_209 = tpu.memref_slice %arg8[%mul3A_195, %dma_wait3A_208] : memref<10112x128xf32, #tpu.memory_space<vmem_shared>> -> memref<624x128xf32, #tpu.memory_space<vmem_shared>>
      tpu.wait_dma2 semaphore(%run_scoped3A : memref<!tpu.dma_semaphore, #tpu.memory_space<semaphore_mem>>) src(%dma_wait3A_209 : memref<624x128xf32, #tpu.memory_space<vmem_shared>>) dst(%dma_wait3A_207 : memref<624x128xf32, #tpu.memory_space<hbm>>)
      tpu.yield
    }) : () -> ()
    %eq3A = arith.constant 0 : i32
    %eq3A_198 = arith.cmpi eq, %arg1, %eq3A : i32
    %convert_element_type3A = arith.extui %eq3A_198 : i1 to i32
    %cond3A = arith.constant 0 : i32
    %cond3A_199 = arith.cmpi ne, %convert_element_type3A, %cond3A : i32
    scf.if %cond3A_199 {
      "tpu.region"() ({
        %run_scoped3A = tpu.sem_alloc : memref<!tpu.dma_semaphore, #tpu.memory_space<semaphore_mem>>
        %dma_start3A_200 = arith.constant 9984 : i32
        %dma_start3A_201 = arith.constant 0 : i32
        %dma_start3A_202 = tpu.memref_slice %arg5[%arg0, %dma_start3A_200, %dma_start3A_201] : memref<2x10000x128xf32, #tpu.memory_space<hbm>> -> memref<1x16x128xf32, #tpu.memory_space<hbm>>
        %dma_start3A_203 = tpu.memref_squeeze %dma_start3A_202 : memref<1x16x128xf32, #tpu.memory_space<hbm>> -> memref<16x128xf32, #tpu.memory_space<hbm>>
        %dma_start3A_204 = arith.constant 9984 : i32
        %dma_start3A_205 = arith.constant 0 : i32
        %dma_start3A_206 = tpu.memref_slice %arg8[%dma_start3A_204, %dma_start3A_205] : memref<10112x128xf32, #tpu.memory_space<vmem_shared>> -> memref<16x128xf32, #tpu.memory_space<vmem_shared>>
        tpu.enqueue_dma source(%dma_start3A_206 : memref<16x128xf32, #tpu.memory_space<vmem_shared>>) target(%dma_start3A_203 : memref<16x128xf32, #tpu.memory_space<hbm>>) target_semaphore(%run_scoped3A : memref<!tpu.dma_semaphore, #tpu.memory_space<semaphore_mem>>)
        %dma_wait3A_207 = arith.constant 9984 : i32
        %dma_wait3A_208 = arith.constant 0 : i32
        %dma_wait3A_209 = tpu.memref_slice %arg5[%arg0, %dma_wait3A_207, %dma_wait3A_208] : memref<2x10000x128xf32, #tpu.memory_space<hbm>> -> memref<1x16x128xf32, #tpu.memory_space<hbm>>
        %dma_wait3A_210 = tpu.memref_squeeze %dma_wait3A_209 : memref<1x16x128xf32, #tpu.memory_space<hbm>> -> memref<16x128xf32, #tpu.memory_space<hbm>>
        %dma_wait3A_211 = arith.constant 9984 : i32
        %dma_wait3A_212 = arith.constant 0 : i32
        %dma_wait3A_213 = tpu.memref_slice %arg8[%dma_wait3A_211, %dma_wait3A_212] : memref<10112x128xf32, #tpu.memory_space<vmem_shared>> -> memref<16x128xf32, #tpu.memory_space<vmem_shared>>
        tpu.wait_dma2 semaphore(%run_scoped3A : memref<!tpu.dma_semaphore, #tpu.memory_space<semaphore_mem>>) src(%dma_wait3A_213 : memref<16x128xf32, #tpu.memory_space<vmem_shared>>) dst(%dma_wait3A_210 : memref<16x128xf32, #tpu.memory_space<hbm>>)
        tpu.yield
      }) : () -> ()
    } else {
    }
    return
  }
}

module attributes {stable_mosaic.version = 14 : i64} {
  func.func @_matmul_body(%arg0: i32, %arg1: memref<1000x128xf32, #tpu.memory_space<vmem>>, %arg2: memref<128x128xf32, #tpu.memory_space<vmem>>, %arg3: memref<1000x128xf32, #tpu.memory_space<vmem>>) attributes {dimension_semantics = [#tpu.dimension_semantics<arbitrary>], iteration_bounds = array<i64: 10>, scalar_prefetch = 0 : i64, scratch_operands = 0 : i64, tpu.core_type = #tpu.core_type<tc>, window_params = [{transform_indices = @transform_0, window_bounds = array<i64: 1000, 128>}, {pipeline_mode = #tpu.pipeline_mode<synchronous>, transform_indices = @transform_1, window_bounds = array<i64: 128, 128>}, {transform_indices = @transform_2, window_bounds = array<i64: 1000, 128>}]} {
    %get3A = arith.constant 0 : index
    %get3A_0 = arith.constant 0 : index
    %get3A_1 = vector.load %arg1[%get3A, %get3A_0] : memref<1000x128xf32, #tpu.memory_space<vmem>>, vector<1000x128xf32>
    %get3A_2 = arith.constant 0 : index
    %get3A_3 = arith.constant 0 : index
    %get3A_4 = vector.load %arg2[%get3A_2, %get3A_3] : memref<128x128xf32, #tpu.memory_space<vmem>>, vector<128x128xf32>
    %dot_general3A = arith.constant dense<0.000000e+00> : vector<1000x128xf32>
    %dot_general3A_5 = tpu.matmul %get3A_1, %get3A_4, %dot_general3A {dimension_numbers = #tpu.dot_dimension_numbers<[1], [0], [0], [1], [0, 0, 1, 1], [], []>, transpose_lhs_hint = false} : vector<1000x128xf32>, vector<128x128xf32>, vector<1000x128xf32> -> vector<1000x128xf32>
    %swap3A = arith.constant 0 : index
    %swap3A_6 = arith.constant 0 : index
    %swap3A_7 = vector.load %arg3[%swap3A, %swap3A_6] : memref<1000x128xf32, #tpu.memory_space<vmem>>, vector<1000x128xf32>
    tpu.vector_store %arg3[%swap3A, %swap3A_6], %dot_general3A_5 {strides = array<i32>} : memref<1000x128xf32, #tpu.memory_space<vmem>>, vector<1000x128xf32>,
    return
  }
  func.func @transform_0(%arg0: i32) -> (i32, i32) {
    %c0_i32 = arith.constant 0 : i32
    %c0_i32_0 = arith.constant 0 : i32
    return %arg0, %c0_i32 : i32, i32
  }
  func.func @transform_1(%arg0: i32) -> (i32, i32) {
    %c0_i32 = arith.constant 0 : i32
    %c0_i32_0 = arith.constant 0 : i32
    %c0_i32_1 = arith.constant 0 : i32
    return %c0_i32, %c0_i32_0 : i32, i32
  }
  func.func @transform_2(%arg0: i32) -> (i32, i32) {
    %c0_i32 = arith.constant 0 : i32
    %c0_i32_0 = arith.constant 0 : i32
    return %arg0, %c0_i32 : i32, i32
  }
}

module attributes {stable_mosaic.version = 14 : i64} {
  func.func @_combine_body(%arg0: i32, %arg1: memref<2x1000x128xf32, #tpu.memory_space<vmem>>, %arg2: memref<1x128xf32, #tpu.memory_space<vmem>>, %arg3: memref<1000x128xf32, #tpu.memory_space<vmem>>) attributes {dimension_semantics = [#tpu.dimension_semantics<arbitrary>], iteration_bounds = array<i64: 10>, scalar_prefetch = 0 : i64, scratch_operands = 0 : i64, tpu.core_type = #tpu.core_type<tc>, window_params = [{transform_indices = @transform_0, window_bounds = array<i64: 2, 1000, 128>}, {pipeline_mode = #tpu.pipeline_mode<synchronous>, transform_indices = @transform_1, window_bounds = array<i64: 1, 128>}, {transform_indices = @transform_2, window_bounds = array<i64: 1000, 128>}]} {
    %get3A = arith.constant 0 : index
    %get3A_0 = arith.constant 0 : index
    %get3A_1 = arith.constant 0 : index
    %get3A_2 = vector.load %arg1[%get3A, %get3A_0, %get3A_1] : memref<2x1000x128xf32, #tpu.memory_space<vmem>>, vector<1x1000x128xf32>
    %get3A_3 = vector.shape_cast %get3A_2 : vector<1x1000x128xf32> to vector<1000x128xf32>
    %get3A_4 = arith.constant 1 : index
    %get3A_5 = arith.constant 0 : index
    %get3A_6 = arith.constant 0 : index
    %get3A_7 = vector.load %arg1[%get3A_4, %get3A_5, %get3A_6] : memref<2x1000x128xf32, #tpu.memory_space<vmem>>, vector<1x1000x128xf32>
    %get3A_8 = vector.shape_cast %get3A_7 : vector<1x1000x128xf32> to vector<1000x128xf32>
    %add3A = arith.addf %get3A_3, %get3A_8 : vector<1000x128xf32>
    %get3A_9 = arith.constant 0 : index
    %get3A_10 = arith.constant 0 : index
    %get3A_11 = vector.load %arg2[%get3A_9, %get3A_10] : memref<1x128xf32, #tpu.memory_space<vmem>>, vector<1x128xf32>
    %add3A_12 = vector.broadcast %get3A_11 : vector<1x128xf32> to vector<1000x128xf32>
    %add3A_13 = arith.addf %add3A, %add3A_12 : vector<1000x128xf32>
    %swap3A = arith.constant 0 : index
    %swap3A_14 = arith.constant 0 : index
    %swap3A_15 = vector.load %arg3[%swap3A, %swap3A_14] : memref<1000x128xf32, #tpu.memory_space<vmem>>, vector<1000x128xf32>
    tpu.vector_store %arg3[%swap3A, %swap3A_14], %add3A_13 {strides = array<i32>} : memref<1000x128xf32, #tpu.memory_space<vmem>>, vector<1000x128xf32>,
    return
  }
  func.func @transform_0(%arg0: i32) -> (i32, i32, i32) {
    %c0_i32 = arith.constant 0 : i32
    %c0_i32_0 = arith.constant 0 : i32
    %c0_i32_1 = arith.constant 0 : i32
    return %c0_i32, %arg0, %c0_i32_0 : i32, i32, i32
  }
  func.func @transform_1(%arg0: i32) -> (i32, i32) {
    %c0_i32 = arith.constant 0 : i32
    %c0_i32_0 = arith.constant 0 : i32
    %c0_i32_1 = arith.constant 0 : i32
    return %c0_i32, %c0_i32_0 : i32, i32
  }
  func.func @transform_2(%arg0: i32) -> (i32, i32) {
    %c0_i32 = arith.constant 0 : i32
    %c0_i32_0 = arith.constant 0 : i32
    return %arg0, %c0_i32 : i32, i32
  }
}

</mosaic_0001>

<sc_bundles>
// kernel: kernel.5.cloned.1.call-start
scs
__scs_entry_jumppad:
0x0: {  	(pc) =	sbr.rel $0x88, $3  }
0x1: {  	(tag) =	ssettag $0x0;
	lr =	simm.s32 $0x1  }
0x2: {  	[smem:$0x3F9D] =	sst lr;
	_ =	strace $0xD0000000  }
0x3: {  	_ = 	snop  }
0x4: {  	_ = 	snop  }
0x5: {  	_ = 	snop  }
0x6: {  	_ = 	snop  }
0x7: {  	_ = 	snop  }
__scs_overlays_trampoline_lowered:
0x8: {  	[smem:$0x3FAC] =	sst s0  }
0x9: {  	[smem:$0x3FAD] =	sst s1  }
0xa: {  	[smem:$0x3FAE] =	sst s2  }
0xb: {  	[smem:$0x3FAF] =	sst s3  }
0xc: {  	[smem:$0x3FB0] =	sst s4  }
0xd: {  	[smem:$0x3FB1] =	sst s5  }
0xe: {  	[smem:$0x3FB2] =	sst s6  }
0xf: {  	[smem:$0x3FB3] =	sst s7  }
0x10: {  	[smem:$0x3FB4] =	sst s8  }
0x11: {  	[smem:$0x3FB5] =	sst s9;
	s0 =	simm.s32 @!p0 $0x0  }
0x12: {  	s1 =	sld [smem:$0x3F9B];
	s0 =	simm.s32 @p0 $0x1  }
0x13: {  	[smem:$0x3FB6] =	sst s0;
	s0 =	simm.s32 @!p1 $0x0  }
0x14: {  	s2 =	sld [smem:$0x3F9A];
	s0 =	simm.s32 @p1 $0x1  }
0x15: {  	[smem:$0x3FB7] =	sst s0;
	s0 =	simm.s32 @!p2 $0x0  }
0x16: {  	s3 =	sld [smem:$0x3FDB];
	s0 =	simm.s32 @p2 $0x1  }
0x17: {  	s4 =	simm.s32 $0x1BF5;
	[smem:$0x3FB9] =	sst s0  }
0x18: {  	s0 =	sld [smem:$0x3F9C];
	_ =	swait.ge [sflag:s4], $0x0  }
0x19: {  	s7 =	sld [smem:$0x3F9D]  }
0x1a: {  	s8 =	sadd.s32 $0xFFFFE003, lr  }
0x1b: {  	s9 =	sadd.s32 $0xFFFFFEF7, lr;
	s5 =	simm.s32 $0xFFFFFFFF;
	p2 =	slt.u32 s8, $0xFFFFF086  }
0x1c: {  	p1 =	slt.u32 s9, $0xF7A;
	s5 =	simm.s32 @!p2 $0x0  }
0x1d: {  	s5 =	simm.s32 @p1 $0x1;
	p0 =	seq.s32 s7, s2  }
0x1e: {  	s7 =	smul.u32 @!p0 $0xF7A, s2;
	p2 =	seq.s32 @!p0 s5, $0x0  }
0x1f: {  	s9 =	smul.u32 $0xF7A, s1;
	s8 =	simm.s32 @!p0 $0x1BF5;
	p2 =	por !p2, p0  }
0x20: {  	[sflag:s8] =	ssyncset.s32 @!p0 $0xFFFFF086;
	s6 =	sadd.s32 @!p0 s3, s7;
	s7 =	simm.s32 @!p0 $0x108  }
0x21: {  	s3 =	sadd.s32 s3, s9;
	s6 =	sadd.s32 @!p0 $0x88, s6;
	s7 =	simm.s32 @p2 $0x1082  }
0x22: {  	[simem:s7], [sflag:s8] =	dma.local @!p0 [hbm:s6], $0xF7A  }
0x23: {  	s9 =	sor.u32 $0xD0000000, s2;
	s6 =	simm.s32 $0x108;
	_ =	swait.ge @!p0 [sflag:s8], $0x0  }
0x24: {  	s3 =	sadd.s32 $0x88, s3;
	s6 =	simm.s32 @!p1 $0x1082;
	[sflag:s4] =	ssyncset.s32 $0xFFFFF086  }
0x25: {  	[simem:s6], [sflag:s4] =	dma.local [hbm:s3], $0xF7A  }
0x26: {  	[smem:$0x3F9D] =	sst s1;
	(tag) =	ssettag s2;
	_ =	strace s9  }
0x27: {  	s1 =	sld [smem:$0x3FAD]  }
0x28: {  	s2 =	sld [smem:$0x3FAE]  }
0x29: {  	s4 =	sld [smem:$0x3FB0]  }
0x2a: {  	p0 =	seq.s32 s5, $0x0;
	s5 =	sld [smem:$0x3FB1]  }
0x2b: {  	s6 =	sld [smem:$0x3FB2]  }
0x2c: {  	s7 =	sld [smem:$0x3FB3]  }
0x2d: {  	s3 =	simm.s32 $0x108;
	s8 =	sld [smem:$0x3FB4]  }
0x2e: {  	s3 =	simm.s32 @!p0 $0x1082;
	s9 =	sld [smem:$0x3FB5]  }
0x2f: {  	lr =	sadd.s32 s0, s3;
	s0 =	sld [smem:$0x3FAC]  }
0x30: {  	s3 =	sld [smem:$0x3FAF]  }
0x31: {  	[smem:$0x3FB8] =	sst s10  }
0x32: {  	s10 =	sld [smem:$0x3FB6];
	_ =	sdelay $0x3  }
0x33: {  	p0 =	seq.s32 s10, $0x1;
	s10 =	sld [smem:$0x3FB8];
	_ =	sdelay $0x3  }
0x34: {  	[smem:$0x3FB8] =	sst s10  }
0x35: {  	s10 =	sld [smem:$0x3FB7];
	_ =	sdelay $0x3  }
0x36: {  	p1 =	seq.s32 s10, $0x1;
	s10 =	sld [smem:$0x3FB8];
	_ =	sdelay $0x3  }
0x37: {  	[smem:$0x3FB8] =	sst s10  }
0x38: {  	s10 =	sld [smem:$0x3FB9]  }
0x39: {  	_ = 	snop;
	(pc) =	sbr.ind lr, $3  }
0x3a: {  	_ = 	snop  }
0x3b: {  	_ = 	snop  }
0x3c: {  	p2 =	seq.s32 s10, $0x1;
	s10 =	sld [smem:$0x3FB8]  }
0x3d: {  	_ =	shalt  }
0x3e: {  	_ =	shalt  }
0x3f: {  	_ =	shalt  }
0x40: {  	_ =	shalt  }
0x41: {  	_ =	shalt  }
0x42: {  	_ =	shalt  }
0x43: {  	_ =	shalt  }
0x44: {  	_ =	shalt  }
0x45: {  	_ =	shalt  }
0x46: {  	_ =	shalt  }
0x47: {  	_ =	shalt  }
0x48: {  	_ =	shalt  }
0x49: {  	_ =	shalt  }
0x4a: {  	_ =	shalt  }
0x4b: {  	_ =	shalt  }
0x4c: {  	_ =	shalt  }
0x4d: {  	_ =	shalt  }
0x4e: {  	_ =	shalt  }
0x4f: {  	_ =	shalt  }
0x50: {  	_ =	shalt  }
0x51: {  	_ =	shalt  }
0x52: {  	_ =	shalt  }
0x53: {  	_ =	shalt  }
0x54: {  	_ =	shalt  }
0x55: {  	_ =	shalt  }
0x56: {  	_ =	shalt  }
0x57: {  	_ =	shalt  }
0x58: {  	_ =	shalt  }
0x59: {  	_ =	shalt  }
0x5a: {  	_ =	shalt  }
0x5b: {  	_ =	shalt  }
0x5c: {  	_ =	shalt  }
0x5d: {  	_ =	shalt  }
0x5e: {  	_ =	shalt  }
0x5f: {  	_ =	shalt  }
0x60: {  	_ =	shalt  }
0x61: {  	_ =	shalt  }
0x62: {  	_ =	shalt  }
0x63: {  	_ =	shalt  }
0x64: {  	_ =	shalt  }
0x65: {  	_ =	shalt  }
0x66: {  	_ =	shalt  }
0x67: {  	_ =	shalt  }
0x68: {  	_ =	shalt  }
0x69: {  	_ =	shalt  }
0x6a: {  	_ =	shalt  }
0x6b: {  	_ =	shalt  }
0x6c: {  	_ =	shalt  }
0x6d: {  	_ =	shalt  }
0x6e: {  	_ =	shalt  }
0x6f: {  	_ =	shalt  }
0x70: {  	_ =	shalt  }
0x71: {  	_ =	shalt  }
0x72: {  	_ =	shalt  }
0x73: {  	_ =	shalt  }
0x74: {  	_ =	shalt  }
0x75: {  	_ =	shalt  }
0x76: {  	_ =	shalt  }
0x77: {  	_ =	shalt  }
0x78: {  	_ =	shalt  }
0x79: {  	_ =	shalt  }
0x7a: {  	_ =	shalt  }
0x7b: {  	_ =	shalt  }
0x7c: {  	_ =	shalt  }
0x7d: {  	_ =	shalt  }
0x7e: {  	_ =	shalt  }
0x7f: {  	_ =	shalt  }
0x80: {  	_ =	shalt  }
0x81: {  	_ =	shalt  }
0x82: {  	_ =	shalt  }
0x83: {  	_ =	shalt  }
0x84: {  	_ =	shalt  }
0x85: {  	_ =	shalt  }
0x86: {  	_ =	shalt  }
0x87: {  	_ =	shalt  }
.Lfunc_end0:
.L_simem_size_0:
called_computation_lowered:
.L_overlay_start_0:
0x88: {  	s2 =	sld [smem:$0x3FD9]  }
0x89: {  	s3 =	sld [smem:$0x3FFE];
	_ =	sdelay $0x1  }
0x8a: {  	s1 =	srdreg.scid  }
0x8b: {  	s0 =	sand.u32 $0x1, s1  }
0x8c: {  	s17 =	sshll.u32 s0, $0xA;
	s2 =	sadd.s32 s3, s2  }
0x8d: {  	s2 =	sadd.s32 s2, s17  }
0x8e: {  	[smem:$0x3FC4] =	sst s2  }
0x8f: {  	_ = 	snop  }
0x90: {  	s2 =	sld [smem:$0x3FD0];
	(tm) =	ssettm $0x1  }
0x91: {  	s18 =	sld [smem:$0x3FFB];
	_ =	sdelay $0x3  }
0x92: {  	_ =	strace s18  }
0x93: {  	s3 =	sld [smem:$0x3FFC];
	_ =	sdelay $0x3  }
0x94: {  	_ =	strace s3  }
0x95: {  	s3 =	sld [smem:$0x3FFD];
	_ =	sdelay $0x3  }
0x96: {  	_ =	strace s3  }
0x97: {  	_ =	strace $0x8FFFFFFF  }
0x98: {  	s19 =	sld [smem:$0x3FDB];
	_ =	sdelay $0x1  }
0x99: {  	s4 =	simm.s32 $_scs_section_size  }
0x9a: {  	s5 =	simm.s32 $_size__tile_overlayer_lowered;
	s6 =	simm.s32 $_tile_overlayer_lowered  }
0x9b: {  	s22 =	simm.s32 $0x1BFF;
	s21 =	sshll.u32 s6, $0x1;
	s3 =	sadd.s32 s4, s19  }
0x9c: {  	s7 =	simm.s32 $0x0;
	s20 =	sshll.u32 s5, $0x1;
	s5 =	sadd.s32 s21, s3  }
0x9d: {  	[timem:s7], [sflag:s22] =	dma.local [hbm:s5], s20  }
0x9e: {  	_ =	swait.ge [sflag:s22], s20  }
0x9f: {  	s4 =	ssub.s32 $0x0, s20;
	[sflag:s22] =	ssyncset.done $0x0  }
0xa0: {  	[sflag:s22] =	ssyncadd.s32 s4;
	_ =	sdelay $0x1  }
0xa1: {  	s23 =	simm.s32 $0x1B8B  }
0xa2: {  	_ =	swait.ge [sflag:s23], $0x1  }
0xa3: {  	[sflag:s23] =	ssyncset.done $0x0  }
0xa4: {  	s25 =	simm.s32 $0x1B8E;
	s24 =	sld [smem:$0x3FFE];
	[sflag:s23] =	ssyncadd.s32 $0xFFFFFFFF  }
0xa5: {  	s26 =	simm.s32 $execute0_lowered;
	[smem:$0x3FD2] =	sst s25  }
0xa6: {  	s5 =	sshll.u32 s26, $0x1;
	_ =	strace $0x80000046;
	[dreg:$0x1] =	wrdreg $0xFFFFFFFF  }
0xa7: {  	s28 =	simm.s32 $_size_execute0_lowered;
	s3 =	sadd.s32 s3, s5;
	[dreg:$0x0] =	wrdreg $0x0  }
0xa8: {  	s5 =	sshll.u32 s28, $0x1;
	[dreg:$0x2] =	wrdreg s3  }
0xa9: {  	[dreg:$0x3] =	wrdreg s5  }
0xaa: {  	[dreg:$0x4] =	wrdreg $0xC0  }
0xab: {  	_ =	task [dreg:s7], $0x5FFFF  }
0xac: {  	[dreg:$0x1] =	wrdreg $0xFFFFFFFF  }
0xad: {  	[dreg:$0x0] =	wrdreg $0x60  }
0xae: {  	[dreg:$0x2] =	wrdreg s2  }
0xaf: {  	[dreg:$0x3] =	wrdreg s24  }
0xb0: {  	[dreg:$0x4] =	wrdreg $0xBA000  }
0xb1: {  	[dreg:$0x5] =	wrdreg $0x9  }
0xb2: {  	_ =	task.clear_ibuf [dreg:s7], $0x6FFFF;
	_ =	strace $0x90000046  }
0xb3: {  	s29 =	simm.s32 $0x9;
	_ =	strace $0x80000048  }
0xb4: {  	_ =	swait.ge [sflag:s29], $0x1  }
0xb5: {  	[sflag:s29] =	ssyncadd.s32 $0xFFFFFFFF  }
0xb6: {  	_ =	strace $0x90000048  }
0xb7: {  	_ =	sfence  }
0xb8: {  	s30 =	sld [smem:$0x0];
	_ =	sdelay $0x2  }
0xb9: {  	s31 =	sshll.u32 s1, $0xD;
	s1 =	sshrl.u32 s1, $0x2  }
0xba: {  	s3 =	sand.u32 $0x4000, s31;
	s1 =	sadd.s32 s1, s30  }
0xbb: {  	s0 =	sor.u32 s3, s0;
	s1 =	sshll.u32 s1, $0x11  }
0xbc: {  	s0 =	sor.u32 s1, s0  }
0xbd: {  	s0 =	sadd.s32 $0x8F2B, s0  }
0xbe: {  	[sflag:s0] =	ssyncadd.remote.s32 $0x1  }
0xbf: {  	_ =	sfence.sel $0xFFFF  }
0xc0: {  	[dreg:$0x0] =	wrdreg $0xFFFFFFFF;
	(pc) =	sbr.abs _section_cstart, $3  }
0xc1: {  	[dreg:$0x1] =	wrdreg $0xFFFFFFFF  }
0xc2: {  	_ =	task.clear_ibuf [dreg:s7], $0x2FFFF;
	_ =	strace $0x9FFFFFFF  }
0xc3: {  	(tm) =	ssettm $0x7FFFFFFF  }
tec
execute0_lowered:
.L_overlay_start_1:
0x0: {  	(tag) =	ssettag $0x1  }
0x1: {  	s1 =	rddreg [dreg:$0x0]  }
0x2: {  	s0 =	rddreg [dreg:$0x1];
	s5 =	stileid.u32  }
0x3: {  	s2 =	rddreg [dreg:$0x2];
	s11 =	smul.u32 $0x4F000, s5  }
0x4: {  	s4 =	srdreg.scid;
	s31 =	simm.s32 $0x0;
	s9 =	smul.u32 $0x13800, s5  }
0x5: {  	s3 =	sand.u32 $0x1, s4;
	s10 =	sshll.u32 s5, $0x1;
	s17 =	smul.u32 $0x4E000, s5  }
0x6: {  	[smem:$0x7FF] =	sst s31;
	s4 =	sor.u32 s3, s10;
	s13 =	smul.u32 $0x138800, s3  }
0x7: {  	s7 =	sadd.s32 $0xC00, s0;
	s8 =	sadd.s32 $0x1B000, s0;
	s6 =	smul.u32 $0x6900, s4  }
0x8: {  	s0 =	sadd.s32 $0x1D800, s0;
	[dreg:$0x10] =	wrdreg s3;
	s4 =	smul.u32 $0xD20, s4  }
0x9: {  	_ =	strace $0x80000047;
	[dreg:$0x4] =	wrdreg s8;
	s8 =	sshrl.u32 s11, $0x2  }
0xa: {  	s8 =	sadd.s32 s8, s2;
	s21 =	rddreg [dreg:$0x4];
	s4 =	sadd.s32 s7, s4  }
0xb: {  	s6 =	sshrl.u32 s6, $0x3;
	s18 =	sshrl.u32 s8, $0x3;
	[dreg:$0x5] =	wrdreg s4  }
0xc: {  	p0 =	sne.s32 s5, $0x0;
	s6 =	sadd.s32 s7, s6;
	[dreg:$0xc] =	wrdreg s18  }
0xd: {  	s16 =	sadd.s32 s9, s13;
	s12 =	sadd.s32 $0x2A0, s6;
	s20 =	rddreg [dreg:$0xc]  }
0xe: {  	s4 =	sshrl.u32 s16, $0x3;
	s14 =	sadd.s32 $0x540, s6;
	[dreg:$0x6] =	wrdreg s12  }
0xf: {  	s7 =	sshrl.u32 s13, $0x3;
	s15 =	sadd.s32 $0x7E0, s6;
	[dreg:$0x7] =	wrdreg s14  }
0x10: {  	s6 =	sadd.s32 $0xA80, s6;
	s4 =	sadd.s32 s0, s4;
	[dreg:$0x8] =	wrdreg s15  }
0x11: {  	s0 =	sadd.s32 s0, s7;
	[dreg:$0xa] =	wrdreg s4;
	s4 =	sshrl.u32 s17, $0x2  }
0x12: {  	[dreg:$0x9] =	wrdreg s6;
	s0 =	sadd.s32 $0x27000, s0;
	s19 =	sadd.s32 s4, s2  }
0x13: {  	[dreg:$0xb] =	wrdreg s0;
	s4 =	sadd.s32 $0x138000, s2;
	s0 =	sshrl.u32 s19, $0x3  }
0x14: {  	s5 =	sshll.u32 s5, $0x6;
	[dreg:$0xd] =	wrdreg s0;
	s0 =	sshrl.u32 @!p0 s4, $0x3  }
0x15: {  	s3 =	sor.u32 $0x1C05, s5;
	s5 =	simm.s32 $0x5;
	[dreg:$0xe] =	wrdreg s0  }
0x16: {  	[spmem:s20], [sflag:s3] =	dma.local [hbm:s21], $0x2780  }
0x17: {  	_ =	swait.ge [sflag:s5], $0x2780  }
0x18: {  	[sflag:s5] =	ssyncset.done $0x0  }
0x19: {  	[sflag:s5] =	ssyncadd.s32 $0xFFFFD880  }
0x1a: {  	[bflag:$0x0] =	sbarrier.arrive $0xFFFF  }
0x1b: {  	s6 =	simm.s32 $0x4;
	s22 =	rddreg [dreg:$0x5]  }
0x1c: {  	[tilespmem:s31], [sflag:$0x4] =	stream.linear.gather [hbm4b:s22+s31], $0x1500, $0x38;
	[tilespmem:$0x1F600] =	vst v63  }
0x1d: {  	_ =	swait.ge [sflag:s6], $0x1500  }
0x1e: {  	[sflag:s6] =	ssyncset.done $0x0  }
0x1f: {  	s8 =	simm.s32 $0x2A00;
	s7 =	simm.s32 $0x60;
	[sflag:s6] =	ssyncadd.s32 $0xFFFFEB00  }
0x20: {  	[tilespmem:s8], [sflag:$0x1] =	stream.indirect.gather [hbm4b:s1+s7], $0x80, s31, s7, $0xb8;
	[tilespmem:$0x1F600] =	vst v63  }
0x21: {  	s23 =	simm.s32 $0x100;
	s10 =	simm.s32 $0x5A00  }
0x22: {  	[tilespmem:s10], [sflag:$0x2] =	stream.indirect.gather [hbm4b:s1+s7], $0x80, s23, s7, $0xb8;
	[tilespmem:$0x1F600] =	vst v63  }
0x23: {  	s24 =	simm.s32 $0x200;
	s12 =	simm.s32 $0x8A00  }
0x24: {  	[tilespmem:s12], [sflag:$0x3] =	stream.indirect.gather [hbm4b:s1+s7], $0x80, s24, s7, $0xb8;
	[tilespmem:$0x1F600] =	vst v63  }
0x25: {  	s30 =	simm.s32 $0x1500;
	s14 =	simm.s32 $0x1;
	s25 =	rddreg [dreg:$0x6]  }
0x26: {  	[tilespmem:s30], [sflag:$0x4] =	stream.linear.gather [hbm4b:s25+s31], $0x1500, $0x38;
	[tilespmem:$0x1F600] =	vst v63  }
0x27: {  	_ =	swait.ge [sflag:s14], $0x3000  }
0x28: {  	[sflag:s14] =	ssyncset.done $0x0  }
0x29: {  	s26 =	simm.s32 $0x80;
	[sflag:s14] =	ssyncadd.s32 $0xFFFFD000  }
0x2a: {  	[spmem:s2] =	stream.indirect.scatter.add.f32 [tilespmem:s8], [sflag:$0x5], $0x80, s26, s7, $0xb8;
	[tilespmem:$0x1F600] =	vst v63  }
0x2b: {  	_ =	swait.ge [sflag:s5], $0x3000  }
0x2c: {  	[sflag:s5] =	ssyncset.done $0x0  }
0x2d: {  	s28 =	simm.s32 $0x300;
	s17 =	simm.s32 $0x2;
	[sflag:s5] =	ssyncadd.s32 $0xFFFFD000  }
0x2e: {  	[tilespmem:s8], [sflag:$0x1] =	stream.indirect.gather [hbm4b:s1+s7], $0x80, s28, s7, $0xb8;
	[tilespmem:$0x1F600] =	vst v63  }
0x2f: {  	_ =	swait.ge [sflag:s17], $0x3000  }
0x30: {  	[sflag:s17] =	ssyncset.done $0x0  }
0x31: {  	s29 =	simm.s32 $0x180;
	[sflag:s17] =	ssyncadd.s32 $0xFFFFD000  }
0x32: {  	[spmem:s2] =	stream.indirect.scatter.add.f32 [tilespmem:s10], [sflag:$0x5], $0x80, s29, s7, $0xb8;
	[tilespmem:$0x1F600] =	vst v63  }
0x33: {  	_ =	swait.ge [sflag:s5], $0x3000  }
0x34: {  	[sflag:s5] =	ssyncset.done $0x0  }
0x35: {  	s4 =	simm.s32 $0x400;
	s20 =	simm.s32 $0x3;
	[sflag:s5] =	ssyncadd.s32 $0xFFFFD000  }
0x36: {  	[tilespmem:s10], [sflag:$0x2] =	stream.indirect.gather [hbm4b:s1+s7], $0x80, s4, s7, $0xb8;
	[tilespmem:$0x1F600] =	vst v63  }
0x37: {  	_ =	swait.ge [sflag:s20], $0x3000  }
0x38: {  	[sflag:s20] =	ssyncset.done $0x0  }
0x39: {  	s9 =	simm.s32 $0x280;
	[sflag:s20] =	ssyncadd.s32 $0xFFFFD000  }
0x3a: {  	[spmem:s2] =	stream.indirect.scatter.add.f32 [tilespmem:s12], [sflag:$0x5], $0x80, s9, s7, $0xb8;
	[tilespmem:$0x1F600] =	vst v63  }
0x3b: {  	_ =	swait.ge [sflag:s5], $0x3000  }
0x3c: {  	[sflag:s5] =	ssyncset.done $0x0  }
0x3d: {  	s11 =	simm.s32 $0x500;
	[sflag:s5] =	ssyncadd.s32 $0xFFFFD000  }
0x3e: {  	[tilespmem:s12], [sflag:$0x3] =	stream.indirect.gather [hbm4b:s1+s7], $0x80, s11, s7, $0xb8;
	[tilespmem:$0x1F600] =	vst v63  }
0x3f: {  	_ =	swait.ge [sflag:s14], $0x3000  }
0x40: {  	[sflag:s14] =	ssyncset.done $0x0  }
0x41: {  	s13 =	simm.s32 $0x380;
	[sflag:s14] =	ssyncadd.s32 $0xFFFFD000  }
0x42: {  	[spmem:s2] =	stream.indirect.scatter.add.f32 [tilespmem:s8], [sflag:$0x5], $0x80, s13, s7, $0xb8;
	[tilespmem:$0x1F600] =	vst v63  }
0x43: {  	_ =	swait.ge [sflag:s5], $0x3000  }
0x44: {  	[sflag:s5] =	ssyncset.done $0x0  }
0x45: {  	s15 =	simm.s32 $0x600;
	[sflag:s5] =	ssyncadd.s32 $0xFFFFD000  }
0x46: {  	[tilespmem:s8], [sflag:$0x1] =	stream.indirect.gather [hbm4b:s1+s7], $0x80, s15, s7, $0xb8;
	[tilespmem:$0x1F600] =	vst v63  }
0x47: {  	_ =	swait.ge [sflag:s17], $0x3000  }
0x48: {  	[sflag:s17] =	ssyncset.done $0x0  }
0x49: {  	s16 =	simm.s32 $0x480;
	[sflag:s17] =	ssyncadd.s32 $0xFFFFD000  }
0x4a: {  	[spmem:s2] =	stream.indirect.scatter.add.f32 [tilespmem:s10], [sflag:$0x5], $0x80, s16, s7, $0xb8;
	[tilespmem:$0x1F600] =	vst v63  }
0x4b: {  	_ =	swait.ge [sflag:s5], $0x3000  }
0x4c: {  	[sflag:s5] =	ssyncset.done $0x0  }
0x4d: {  	s18 =	simm.s32 $0x700;
	[sflag:s5] =	ssyncadd.s32 $0xFFFFD000  }
0x4e: {  	[tilespmem:s10], [sflag:$0x2] =	stream.indirect.gather [hbm4b:s1+s7], $0x80, s18, s7, $0xb8;
	[tilespmem:$0x1F600] =	vst v63  }
0x4f: {  	_ =	swait.ge [sflag:s20], $0x3000  }
0x50: {  	[sflag:s20] =	ssyncset.done $0x0  }
0x51: {  	s19 =	simm.s32 $0x580;
	[sflag:s20] =	ssyncadd.s32 $0xFFFFD000  }
0x52: {  	[spmem:s2] =	stream.indirect.scatter.add.f32 [tilespmem:s12], [sflag:$0x5], $0x80, s19, s7, $0xb8;
	[tilespmem:$0x1F600] =	vst v63  }
0x53: {  	_ =	swait.ge [sflag:s5], $0x3000  }
0x54: {  	[sflag:s5] =	ssyncset.done $0x0  }
0x55: {  	s21 =	simm.s32 $0x800;
	[sflag:s5] =	ssyncadd.s32 $0xFFFFD000  }
0x56: {  	[tilespmem:s12], [sflag:$0x3] =	stream.indirect.gather [hbm4b:s1+s7], $0x80, s21, s7, $0xb8;
	[tilespmem:$0x1F600] =	vst v63  }
0x57: {  	_ =	swait.ge [sflag:s14], $0x3000  }
0x58: {  	[sflag:s14] =	ssyncset.done $0x0  }
0x59: {  	s22 =	simm.s32 $0x680;
	[sflag:s14] =	ssyncadd.s32 $0xFFFFD000  }
0x5a: {  	[spmem:s2] =	stream.indirect.scatter.add.f32 [tilespmem:s8], [sflag:$0x5], $0x80, s22, s7, $0xb8;
	[tilespmem:$0x1F600] =	vst v63  }
0x5b: {  	_ =	swait.ge [sflag:s5], $0x3000  }
0x5c: {  	[sflag:s5] =	ssyncset.done $0x0  }
0x5d: {  	s23 =	simm.s32 $0x900;
	[sflag:s5] =	ssyncadd.s32 $0xFFFFD000  }
0x5e: {  	[tilespmem:s8], [sflag:$0x1] =	stream.indirect.gather [hbm4b:s1+s7], $0x80, s23, s7, $0xb8;
	[tilespmem:$0x1F600] =	vst v63  }
0x5f: {  	_ =	swait.ge [sflag:s17], $0x3000  }
0x60: {  	[sflag:s17] =	ssyncset.done $0x0  }
0x61: {  	s24 =	simm.s32 $0x780;
	[sflag:s17] =	ssyncadd.s32 $0xFFFFD000  }
0x62: {  	[spmem:s2] =	stream.indirect.scatter.add.f32 [tilespmem:s10], [sflag:$0x5], $0x80, s24, s7, $0xb8;
	[tilespmem:$0x1F600] =	vst v63  }
0x63: {  	_ =	swait.ge [sflag:s5], $0x3000  }
0x64: {  	[sflag:s5] =	ssyncset.done $0x0  }
0x65: {  	s25 =	simm.s32 $0xA00;
	[sflag:s5] =	ssyncadd.s32 $0xFFFFD000  }
0x66: {  	[tilespmem:s10], [sflag:$0x2] =	stream.indirect.gather [hbm4b:s1+s7], $0x80, s25, s7, $0xb8;
	[tilespmem:$0x1F600] =	vst v63  }
0x67: {  	_ =	swait.ge [sflag:s20], $0x3000  }
0x68: {  	[sflag:s20] =	ssyncset.done $0x0  }
0x69: {  	s26 =	simm.s32 $0x880;
	[sflag:s20] =	ssyncadd.s32 $0xFFFFD000  }
0x6a: {  	[spmem:s2] =	stream.indirect.scatter.add.f32 [tilespmem:s12], [sflag:$0x5], $0x80, s26, s7, $0xb8;
	[tilespmem:$0x1F600] =	vst v63  }
0x6b: {  	_ =	swait.ge [sflag:s5], $0x3000  }
0x6c: {  	[sflag:s5] =	ssyncset.done $0x0  }
0x6d: {  	s28 =	simm.s32 $0xB00;
	[sflag:s5] =	ssyncadd.s32 $0xFFFFD000  }
0x6e: {  	[tilespmem:s12], [sflag:$0x3] =	stream.indirect.gather [hbm4b:s1+s7], $0x80, s28, s7, $0xb8;
	[tilespmem:$0x1F600] =	vst v63  }
0x6f: {  	_ =	swait.ge [sflag:s14], $0x3000  }
0x70: {  	[sflag:s14] =	ssyncset.done $0x0  }
0x71: {  	s29 =	simm.s32 $0x980;
	[sflag:s14] =	ssyncadd.s32 $0xFFFFD000  }
0x72: {  	[spmem:s2] =	stream.indirect.scatter.add.f32 [tilespmem:s8], [sflag:$0x5], $0x80, s29, s7, $0xb8;
	[tilespmem:$0x1F600] =	vst v63  }
0x73: {  	_ =	swait.ge [sflag:s5], $0x3000  }
0x74: {  	[sflag:s5] =	ssyncset.done $0x0  }
0x75: {  	s4 =	simm.s32 $0xC00;
	[sflag:s5] =	ssyncadd.s32 $0xFFFFD000  }
0x76: {  	[tilespmem:s8], [sflag:$0x1] =	stream.indirect.gather [hbm4b:s1+s7], $0x80, s4, s7, $0xb8;
	[tilespmem:$0x1F600] =	vst v63  }
0x77: {  	_ =	swait.ge [sflag:s17], $0x3000  }
0x78: {  	[sflag:s17] =	ssyncset.done $0x0  }
0x79: {  	s9 =	simm.s32 $0xA80;
	[sflag:s17] =	ssyncadd.s32 $0xFFFFD000  }
0x7a: {  	[spmem:s2] =	stream.indirect.scatter.add.f32 [tilespmem:s10], [sflag:$0x5], $0x80, s9, s7, $0xb8;
	[tilespmem:$0x1F600] =	vst v63  }
0x7b: {  	_ =	swait.ge [sflag:s5], $0x3000  }
0x7c: {  	[sflag:s5] =	ssyncset.done $0x0  }
0x7d: {  	s11 =	simm.s32 $0xD00;
	[sflag:s5] =	ssyncadd.s32 $0xFFFFD000  }
0x7e: {  	[tilespmem:s10], [sflag:$0x2] =	stream.indirect.gather [hbm4b:s1+s7], $0x80, s11, s7, $0xb8;
	[tilespmem:$0x1F600] =	vst v63  }
0x7f: {  	_ =	swait.ge [sflag:s20], $0x3000  }
0x80: {  	[sflag:s20] =	ssyncset.done $0x0  }
0x81: {  	s13 =	simm.s32 $0xB80;
	[sflag:s20] =	ssyncadd.s32 $0xFFFFD000  }
0x82: {  	[spmem:s2] =	stream.indirect.scatter.add.f32 [tilespmem:s12], [sflag:$0x5], $0x80, s13, s7, $0xb8;
	[tilespmem:$0x1F600] =	vst v63  }
0x83: {  	_ =	swait.ge [sflag:s5], $0x3000  }
0x84: {  	[sflag:s5] =	ssyncset.done $0x0  }
0x85: {  	s15 =	simm.s32 $0xE00;
	[sflag:s5] =	ssyncadd.s32 $0xFFFFD000  }
0x86: {  	[tilespmem:s12], [sflag:$0x3] =	stream.indirect.gather [hbm4b:s1+s7], $0x80, s15, s7, $0xb8;
	[tilespmem:$0x1F600] =	vst v63  }
0x87: {  	_ =	swait.ge [sflag:s14], $0x3000  }
0x88: {  	[sflag:s14] =	ssyncset.done $0x0  }
0x89: {  	s16 =	simm.s32 $0xC80;
	[sflag:s14] =	ssyncadd.s32 $0xFFFFD000  }
0x8a: {  	[spmem:s2] =	stream.indirect.scatter.add.f32 [tilespmem:s8], [sflag:$0x5], $0x80, s16, s7, $0xb8;
	[tilespmem:$0x1F600] =	vst v63  }
0x8b: {  	_ =	swait.ge [sflag:s5], $0x3000  }
0x8c: {  	[sflag:s5] =	ssyncset.done $0x0  }
0x8d: {  	s18 =	simm.s32 $0xF00;
	[sflag:s5] =	ssyncadd.s32 $0xFFFFD000  }
0x8e: {  	[tilespmem:s8], [sflag:$0x1] =	stream.indirect.gather [hbm4b:s1+s7], $0x80, s18, s7, $0xb8;
	[tilespmem:$0x1F600] =	vst v63  }
0x8f: {  	_ =	swait.ge [sflag:s17], $0x3000  }
0x90: {  	[sflag:s17] =	ssyncset.done $0x0  }
0x91: {  	s19 =	simm.s32 $0xD80;
	[sflag:s17] =	ssyncadd.s32 $0xFFFFD000  }
0x92: {  	[spmem:s2] =	stream.indirect.scatter.add.f32 [tilespmem:s10], [sflag:$0x5], $0x80, s19, s7, $0xb8;
	[tilespmem:$0x1F600] =	vst v63  }
0x93: {  	_ =	swait.ge [sflag:s5], $0x3000  }
0x94: {  	[sflag:s5] =	ssyncset.done $0x0  }
0x95: {  	s21 =	simm.s32 $0x1000;
	[sflag:s5] =	ssyncadd.s32 $0xFFFFD000  }
0x96: {  	[tilespmem:s10], [sflag:$0x2] =	stream.indirect.gather [hbm4b:s1+s7], $0x80, s21, s7, $0xb8;
	[tilespmem:$0x1F600] =	vst v63  }
0x97: {  	_ =	swait.ge [sflag:s20], $0x3000  }
0x98: {  	[sflag:s20] =	ssyncset.done $0x0  }
0x99: {  	s22 =	simm.s32 $0xE80;
	[sflag:s20] =	ssyncadd.s32 $0xFFFFD000  }
0x9a: {  	[spmem:s2] =	stream.indirect.scatter.add.f32 [tilespmem:s12], [sflag:$0x5], $0x80, s22, s7, $0xb8;
	[tilespmem:$0x1F600] =	vst v63  }
0x9b: {  	_ =	swait.ge [sflag:s5], $0x3000  }
0x9c: {  	[sflag:s5] =	ssyncset.done $0x0  }
0x9d: {  	s23 =	simm.s32 $0x1100;
	[sflag:s5] =	ssyncadd.s32 $0xFFFFD000  }
0x9e: {  	[tilespmem:s12], [sflag:$0x3] =	stream.indirect.gather [hbm4b:s1+s7], $0x80, s23, s7, $0xb8;
	[tilespmem:$0x1F600] =	vst v63  }
0x9f: {  	_ =	swait.ge [sflag:s14], $0x3000  }
0xa0: {  	[sflag:s14] =	ssyncset.done $0x0  }
0xa1: {  	s24 =	simm.s32 $0xF80;
	[sflag:s14] =	ssyncadd.s32 $0xFFFFD000  }
0xa2: {  	[spmem:s2] =	stream.indirect.scatter.add.f32 [tilespmem:s8], [sflag:$0x5], $0x80, s24, s7, $0xb8;
	[tilespmem:$0x1F600] =	vst v63  }
0xa3: {  	_ =	swait.ge [sflag:s5], $0x3000  }
0xa4: {  	[sflag:s5] =	ssyncset.done $0x0  }
0xa5: {  	s25 =	simm.s32 $0x1200;
	[sflag:s5] =	ssyncadd.s32 $0xFFFFD000  }
0xa6: {  	[tilespmem:s8], [sflag:$0x1] =	stream.indirect.gather [hbm4b:s1+s7], $0x80, s25, s7, $0xb8;
	[tilespmem:$0x1F600] =	vst v63  }
0xa7: {  	_ =	swait.ge [sflag:s17], $0x3000  }
0xa8: {  	[sflag:s17] =	ssyncset.done $0x0  }
0xa9: {  	s26 =	simm.s32 $0x1080;
	[sflag:s17] =	ssyncadd.s32 $0xFFFFD000  }
0xaa: {  	[spmem:s2] =	stream.indirect.scatter.add.f32 [tilespmem:s10], [sflag:$0x5], $0x80, s26, s7, $0xb8;
	[tilespmem:$0x1F600] =	vst v63  }
0xab: {  	_ =	swait.ge [sflag:s5], $0x3000  }
0xac: {  	[sflag:s5] =	ssyncset.done $0x0  }
0xad: {  	s28 =	simm.s32 $0x1300;
	[sflag:s5] =	ssyncadd.s32 $0xFFFFD000  }
0xae: {  	[tilespmem:s10], [sflag:$0x2] =	stream.indirect.gather [hbm4b:s1+s7], $0x80, s28, s7, $0xb8;
	[tilespmem:$0x1F600] =	vst v63  }
0xaf: {  	_ =	swait.ge [sflag:s20], $0x3000  }
0xb0: {  	[sflag:s20] =	ssyncset.done $0x0  }
0xb1: {  	s29 =	simm.s32 $0x1180;
	[sflag:s20] =	ssyncadd.s32 $0xFFFFD000  }
0xb2: {  	[spmem:s2] =	stream.indirect.scatter.add.f32 [tilespmem:s12], [sflag:$0x5], $0x80, s29, s7, $0xb8;
	[tilespmem:$0x1F600] =	vst v63  }
0xb3: {  	_ =	swait.ge [sflag:s5], $0x3000  }
0xb4: {  	[sflag:s5] =	ssyncset.done $0x0  }
0xb5: {  	s4 =	simm.s32 $0x1400;
	[sflag:s5] =	ssyncadd.s32 $0xFFFFD000  }
0xb6: {  	[tilespmem:s12], [sflag:$0x3] =	stream.indirect.gather [hbm4b:s1+s7], $0x80, s4, s7, $0xb8;
	[tilespmem:$0x1F600] =	vst v63  }
0xb7: {  	_ =	swait.ge [sflag:s14], $0x3000  }
0xb8: {  	[sflag:s14] =	ssyncset.done $0x0  }
0xb9: {  	s9 =	simm.s32 $0x1280;
	[sflag:s14] =	ssyncadd.s32 $0xFFFFD000  }
0xba: {  	[spmem:s2] =	stream.indirect.scatter.add.f32 [tilespmem:s8], [sflag:$0x5], $0x80, s9, s7, $0xb8;
	[tilespmem:$0x1F600] =	vst v63  }
0xbb: {  	_ =	swait.ge [sflag:s5], $0x3000  }
0xbc: {  	[sflag:s5] =	ssyncset.done $0x0  }
0xbd: {  	[sflag:s5] =	ssyncadd.s32 $0xFFFFD000  }
0xbe: {  	_ =	swait.ge [sflag:s6], $0x1500  }
0xbf: {  	[sflag:s6] =	ssyncset.done $0x0  }
0xc0: {  	[sflag:s6] =	ssyncadd.s32 $0xFFFFEB00  }
0xc1: {  	[tilespmem:s8], [sflag:$0x1] =	stream.indirect.gather [hbm4b:s1+s7], $0x80, s30, s7, $0xb8;
	[tilespmem:$0x1F600] =	vst v63  }
0xc2: {  	_ =	swait.ge [sflag:s17], $0x3000  }
0xc3: {  	[sflag:s17] =	ssyncset.done $0x0  }
0xc4: {  	s11 =	simm.s32 $0x1380;
	[sflag:s17] =	ssyncadd.s32 $0xFFFFD000  }
0xc5: {  	[spmem:s2] =	stream.indirect.scatter.add.f32 [tilespmem:s10], [sflag:$0x5], $0x80, s11, s7, $0xb8;
	[tilespmem:$0x1F600] =	vst v63  }
0xc6: {  	_ =	swait.ge [sflag:s5], $0x3000  }
0xc7: {  	[sflag:s5] =	ssyncset.done $0x0  }
0xc8: {  	s13 =	simm.s32 $0x1600;
	[sflag:s5] =	ssyncadd.s32 $0xFFFFD000  }
0xc9: {  	[tilespmem:s10], [sflag:$0x2] =	stream.indirect.gather [hbm4b:s1+s7], $0x80, s13, s7, $0xb8;
	[tilespmem:$0x1F600] =	vst v63  }
0xca: {  	_ =	swait.ge [sflag:s20], $0x3000  }
0xcb: {  	[sflag:s20] =	ssyncset.done $0x0  }
0xcc: {  	s15 =	simm.s32 $0x1480;
	[sflag:s20] =	ssyncadd.s32 $0xFFFFD000  }
0xcd: {  	[spmem:s2] =	stream.indirect.scatter.add.f32 [tilespmem:s12], [sflag:$0x5], $0x80, s15, s7, $0xb8;
	[tilespmem:$0x1F600] =	vst v63  }
0xce: {  	_ =	swait.ge [sflag:s5], $0x3000  }
0xcf: {  	[sflag:s5] =	ssyncset.done $0x0  }
0xd0: {  	s16 =	simm.s32 $0x1700;
	[sflag:s5] =	ssyncadd.s32 $0xFFFFD000  }
0xd1: {  	[tilespmem:s12], [sflag:$0x3] =	stream.indirect.gather [hbm4b:s1+s7], $0x80, s16, s7, $0xb8;
	[tilespmem:$0x1F600] =	vst v63  }
0xd2: {  	s23 =	rddreg [dreg:$0x7]  }
0xd3: {  	[tilespmem:s31], [sflag:$0x4] =	stream.linear.gather [hbm4b:s23+s31], $0x1500, $0x38;
	[tilespmem:$0x1F600] =	vst v63  }
0xd4: {  	_ =	swait.ge [sflag:s14], $0x3000  }
0xd5: {  	[sflag:s14] =	ssyncset.done $0x0  }
0xd6: {  	s18 =	simm.s32 $0x1580;
	[sflag:s14] =	ssyncadd.s32 $0xFFFFD000  }
0xd7: {  	[spmem:s2] =	stream.indirect.scatter.add.f32 [tilespmem:s8], [sflag:$0x5], $0x80, s18, s7, $0xb8;
	[tilespmem:$0x1F600] =	vst v63  }
0xd8: {  	_ =	swait.ge [sflag:s5], $0x3000  }
0xd9: {  	[sflag:s5] =	ssyncset.done $0x0  }
0xda: {  	s19 =	simm.s32 $0x1800;
	[sflag:s5] =	ssyncadd.s32 $0xFFFFD000  }
0xdb: {  	[tilespmem:s8], [sflag:$0x1] =	stream.indirect.gather [hbm4b:s1+s7], $0x80, s19, s7, $0xb8;
	[tilespmem:$0x1F600] =	vst v63  }
0xdc: {  	_ =	swait.ge [sflag:s17], $0x3000  }
0xdd: {  	[sflag:s17] =	ssyncset.done $0x0  }
0xde: {  	s21 =	simm.s32 $0x1680;
	[sflag:s17] =	ssyncadd.s32 $0xFFFFD000  }
0xdf: {  	[spmem:s2] =	stream.indirect.scatter.add.f32 [tilespmem:s10], [sflag:$0x5], $0x80, s21, s7, $0xb8;
	[tilespmem:$0x1F600] =	vst v63  }
0xe0: {  	_ =	swait.ge [sflag:s5], $0x3000  }
0xe1: {  	[sflag:s5] =	ssyncset.done $0x0  }
0xe2: {  	s22 =	simm.s32 $0x1900;
	[sflag:s5] =	ssyncadd.s32 $0xFFFFD000  }
0xe3: {  	[tilespmem:s10], [sflag:$0x2] =	stream.indirect.gather [hbm4b:s1+s7], $0x80, s22, s7, $0xb8;
	[tilespmem:$0x1F600] =	vst v63  }
0xe4: {  	_ =	swait.ge [sflag:s20], $0x3000  }
0xe5: {  	[sflag:s20] =	ssyncset.done $0x0  }
0xe6: {  	s23 =	simm.s32 $0x1780;
	[sflag:s20] =	ssyncadd.s32 $0xFFFFD000  }
0xe7: {  	[spmem:s2] =	stream.indirect.scatter.add.f32 [tilespmem:s12], [sflag:$0x5], $0x80, s23, s7, $0xb8;
	[tilespmem:$0x1F600] =	vst v63  }
0xe8: {  	_ =	swait.ge [sflag:s5], $0x3000  }
0xe9: {  	[sflag:s5] =	ssyncset.done $0x0  }
0xea: {  	s24 =	simm.s32 $0x1A00;
	[sflag:s5] =	ssyncadd.s32 $0xFFFFD000  }
0xeb: {  	[tilespmem:s12], [sflag:$0x3] =	stream.indirect.gather [hbm4b:s1+s7], $0x80, s24, s7, $0xb8;
	[tilespmem:$0x1F600] =	vst v63  }
0xec: {  	_ =	swait.ge [sflag:s14], $0x3000  }
0xed: {  	[sflag:s14] =	ssyncset.done $0x0  }
0xee: {  	s25 =	simm.s32 $0x1880;
	[sflag:s14] =	ssyncadd.s32 $0xFFFFD000  }
0xef: {  	[spmem:s2] =	stream.indirect.scatter.add.f32 [tilespmem:s8], [sflag:$0x5], $0x80, s25, s7, $0xb8;
	[tilespmem:$0x1F600] =	vst v63  }
0xf0: {  	_ =	swait.ge [sflag:s5], $0x3000  }
0xf1: {  	[sflag:s5] =	ssyncset.done $0x0  }
0xf2: {  	s26 =	simm.s32 $0x1B00;
	[sflag:s5] =	ssyncadd.s32 $0xFFFFD000  }
0xf3: {  	[tilespmem:s8], [sflag:$0x1] =	stream.indirect.gather [hbm4b:s1+s7], $0x80, s26, s7, $0xb8;
	[tilespmem:$0x1F600] =	vst v63  }
0xf4: {  	_ =	swait.ge [sflag:s17], $0x3000  }
0xf5: {  	[sflag:s17] =	ssyncset.done $0x0  }
0xf6: {  	s28 =	simm.s32 $0x1980;
	[sflag:s17] =	ssyncadd.s32 $0xFFFFD000  }
0xf7: {  	[spmem:s2] =	stream.indirect.scatter.add.f32 [tilespmem:s10], [sflag:$0x5], $0x80, s28, s7, $0xb8;
	[tilespmem:$0x1F600] =	vst v63  }
0xf8: {  	_ =	swait.ge [sflag:s5], $0x3000  }
0xf9: {  	[sflag:s5] =	ssyncset.done $0x0  }
0xfa: {  	s29 =	simm.s32 $0x1C00;
	[sflag:s5] =	ssyncadd.s32 $0xFFFFD000  }
0xfb: {  	[tilespmem:s10], [sflag:$0x2] =	stream.indirect.gather [hbm4b:s1+s7], $0x80, s29, s7, $0xb8;
	[tilespmem:$0x1F600] =	vst v63  }
0xfc: {  	_ =	swait.ge [sflag:s20], $0x3000  }
0xfd: {  	[sflag:s20] =	ssyncset.done $0x0  }
0xfe: {  	s4 =	simm.s32 $0x1A80;
	[sflag:s20] =	ssyncadd.s32 $0xFFFFD000  }
0xff: {  	[spmem:s2] =	stream.indirect.scatter.add.f32 [tilespmem:s12], [sflag:$0x5], $0x80, s4, s7, $0xb8;
	[tilespmem:$0x1F600] =	vst v63  }
0x100: {  	_ =	swait.ge [sflag:s5], $0x3000  }
0x101: {  	[sflag:s5] =	ssyncset.done $0x0  }
0x102: {  	s9 =	simm.s32 $0x1D00;
	[sflag:s5] =	ssyncadd.s32 $0xFFFFD000  }
0x103: {  	[tilespmem:s12], [sflag:$0x3] =	stream.indirect.gather [hbm4b:s1+s7], $0x80, s9, s7, $0xb8;
	[tilespmem:$0x1F600] =	vst v63  }
0x104: {  	_ =	swait.ge [sflag:s14], $0x3000  }
0x105: {  	[sflag:s14] =	ssyncset.done $0x0  }
0x106: {  	s11 =	simm.s32 $0x1B80;
	[sflag:s14] =	ssyncadd.s32 $0xFFFFD000  }
0x107: {  	[spmem:s2] =	stream.indirect.scatter.add.f32 [tilespmem:s8], [sflag:$0x5], $0x80, s11, s7, $0xb8;
	[tilespmem:$0x1F600] =	vst v63  }
0x108: {  	_ =	swait.ge [sflag:s5], $0x3000  }
0x109: {  	[sflag:s5] =	ssyncset.done $0x0  }
0x10a: {  	s13 =	simm.s32 $0x1E00;
	[sflag:s5] =	ssyncadd.s32 $0xFFFFD000  }
0x10b: {  	[tilespmem:s8], [sflag:$0x1] =	stream.indirect.gather [hbm4b:s1+s7], $0x80, s13, s7, $0xb8;
	[tilespmem:$0x1F600] =	vst v63  }
0x10c: {  	_ =	swait.ge [sflag:s17], $0x3000  }
0x10d: {  	[sflag:s17] =	ssyncset.done $0x0  }
0x10e: {  	s15 =	simm.s32 $0x1C80;
	[sflag:s17] =	ssyncadd.s32 $0xFFFFD000  }
0x10f: {  	[spmem:s2] =	stream.indirect.scatter.add.f32 [tilespmem:s10], [sflag:$0x5], $0x80, s15, s7, $0xb8;
	[tilespmem:$0x1F600] =	vst v63  }
0x110: {  	_ =	swait.ge [sflag:s5], $0x3000  }
0x111: {  	[sflag:s5] =	ssyncset.done $0x0  }
0x112: {  	s16 =	simm.s32 $0x1F00;
	[sflag:s5] =	ssyncadd.s32 $0xFFFFD000  }
0x113: {  	[tilespmem:s10], [sflag:$0x2] =	stream.indirect.gather [hbm4b:s1+s7], $0x80, s16, s7, $0xb8;
	[tilespmem:$0x1F600] =	vst v63  }
0x114: {  	_ =	swait.ge [sflag:s20], $0x3000  }
0x115: {  	[sflag:s20] =	ssyncset.done $0x0  }
0x116: {  	s18 =	simm.s32 $0x1D80;
	[sflag:s20] =	ssyncadd.s32 $0xFFFFD000  }
0x117: {  	[spmem:s2] =	stream.indirect.scatter.add.f32 [tilespmem:s12], [sflag:$0x5], $0x80, s18, s7, $0xb8;
	[tilespmem:$0x1F600] =	vst v63  }
0x118: {  	_ =	swait.ge [sflag:s5], $0x3000  }
0x119: {  	[sflag:s5] =	ssyncset.done $0x0  }
0x11a: {  	s19 =	simm.s32 $0x2000;
	[sflag:s5] =	ssyncadd.s32 $0xFFFFD000  }
0x11b: {  	[tilespmem:s12], [sflag:$0x3] =	stream.indirect.gather [hbm4b:s1+s7], $0x80, s19, s7, $0xb8;
	[tilespmem:$0x1F600] =	vst v63  }
0x11c: {  	_ =	swait.ge [sflag:s14], $0x3000  }
0x11d: {  	[sflag:s14] =	ssyncset.done $0x0  }
0x11e: {  	s21 =	simm.s32 $0x1E80;
	[sflag:s14] =	ssyncadd.s32 $0xFFFFD000  }
0x11f: {  	[spmem:s2] =	stream.indirect.scatter.add.f32 [tilespmem:s8], [sflag:$0x5], $0x80, s21, s7, $0xb8;
	[tilespmem:$0x1F600] =	vst v63  }
0x120: {  	_ =	swait.ge [sflag:s5], $0x3000  }
0x121: {  	[sflag:s5] =	ssyncset.done $0x0  }
0x122: {  	s22 =	simm.s32 $0x2100;
	[sflag:s5] =	ssyncadd.s32 $0xFFFFD000  }
0x123: {  	[tilespmem:s8], [sflag:$0x1] =	stream.indirect.gather [hbm4b:s1+s7], $0x80, s22, s7, $0xb8;
	[tilespmem:$0x1F600] =	vst v63  }
0x124: {  	_ =	swait.ge [sflag:s17], $0x3000  }
0x125: {  	[sflag:s17] =	ssyncset.done $0x0  }
0x126: {  	s23 =	simm.s32 $0x1F80;
	[sflag:s17] =	ssyncadd.s32 $0xFFFFD000  }
0x127: {  	[spmem:s2] =	stream.indirect.scatter.add.f32 [tilespmem:s10], [sflag:$0x5], $0x80, s23, s7, $0xb8;
	[tilespmem:$0x1F600] =	vst v63  }
0x128: {  	_ =	swait.ge [sflag:s5], $0x3000  }
0x129: {  	[sflag:s5] =	ssyncset.done $0x0  }
0x12a: {  	s24 =	simm.s32 $0x2200;
	[sflag:s5] =	ssyncadd.s32 $0xFFFFD000  }
0x12b: {  	[tilespmem:s10], [sflag:$0x2] =	stream.indirect.gather [hbm4b:s1+s7], $0x80, s24, s7, $0xb8;
	[tilespmem:$0x1F600] =	vst v63  }
0x12c: {  	_ =	swait.ge [sflag:s20], $0x3000  }
0x12d: {  	[sflag:s20] =	ssyncset.done $0x0  }
0x12e: {  	s25 =	simm.s32 $0x2080;
	[sflag:s20] =	ssyncadd.s32 $0xFFFFD000  }
0x12f: {  	[spmem:s2] =	stream.indirect.scatter.add.f32 [tilespmem:s12], [sflag:$0x5], $0x80, s25, s7, $0xb8;
	[tilespmem:$0x1F600] =	vst v63  }
0x130: {  	_ =	swait.ge [sflag:s5], $0x3000  }
0x131: {  	[sflag:s5] =	ssyncset.done $0x0  }
0x132: {  	s26 =	simm.s32 $0x2300;
	[sflag:s5] =	ssyncadd.s32 $0xFFFFD000  }
0x133: {  	[tilespmem:s12], [sflag:$0x3] =	stream.indirect.gather [hbm4b:s1+s7], $0x80, s26, s7, $0xb8;
	[tilespmem:$0x1F600] =	vst v63  }
0x134: {  	_ =	swait.ge [sflag:s14], $0x3000  }
0x135: {  	[sflag:s14] =	ssyncset.done $0x0  }
0x136: {  	s28 =	simm.s32 $0x2180;
	[sflag:s14] =	ssyncadd.s32 $0xFFFFD000  }
0x137: {  	[spmem:s2] =	stream.indirect.scatter.add.f32 [tilespmem:s8], [sflag:$0x5], $0x80, s28, s7, $0xb8;
	[tilespmem:$0x1F600] =	vst v63  }
0x138: {  	_ =	swait.ge [sflag:s5], $0x3000  }
0x139: {  	[sflag:s5] =	ssyncset.done $0x0  }
0x13a: {  	s29 =	simm.s32 $0x2400;
	[sflag:s5] =	ssyncadd.s32 $0xFFFFD000  }
0x13b: {  	[tilespmem:s8], [sflag:$0x1] =	stream.indirect.gather [hbm4b:s1+s7], $0x80, s29, s7, $0xb8;
	[tilespmem:$0x1F600] =	vst v63  }
0x13c: {  	_ =	swait.ge [sflag:s17], $0x3000  }
0x13d: {  	[sflag:s17] =	ssyncset.done $0x0  }
0x13e: {  	s4 =	simm.s32 $0x2280;
	[sflag:s17] =	ssyncadd.s32 $0xFFFFD000  }
0x13f: {  	[spmem:s2] =	stream.indirect.scatter.add.f32 [tilespmem:s10], [sflag:$0x5], $0x80, s4, s7, $0xb8;
	[tilespmem:$0x1F600] =	vst v63  }
0x140: {  	_ =	swait.ge [sflag:s5], $0x3000  }
0x141: {  	[sflag:s5] =	ssyncset.done $0x0  }
0x142: {  	s9 =	simm.s32 $0x2500;
	[sflag:s5] =	ssyncadd.s32 $0xFFFFD000  }
0x143: {  	[tilespmem:s10], [sflag:$0x2] =	stream.indirect.gather [hbm4b:s1+s7], $0x80, s9, s7, $0xb8;
	[tilespmem:$0x1F600] =	vst v63  }
0x144: {  	_ =	swait.ge [sflag:s20], $0x3000  }
0x145: {  	[sflag:s20] =	ssyncset.done $0x0  }
0x146: {  	s11 =	simm.s32 $0x2380;
	[sflag:s20] =	ssyncadd.s32 $0xFFFFD000  }
0x147: {  	[spmem:s2] =	stream.indirect.scatter.add.f32 [tilespmem:s12], [sflag:$0x5], $0x80, s11, s7, $0xb8;
	[tilespmem:$0x1F600] =	vst v63  }
0x148: {  	_ =	swait.ge [sflag:s5], $0x3000  }
0x149: {  	[sflag:s5] =	ssyncset.done $0x0  }
0x14a: {  	s13 =	simm.s32 $0x2600;
	[sflag:s5] =	ssyncadd.s32 $0xFFFFD000  }
0x14b: {  	[tilespmem:s12], [sflag:$0x3] =	stream.indirect.gather [hbm4b:s1+s7], $0x80, s13, s7, $0xb8;
	[tilespmem:$0x1F600] =	vst v63  }
0x14c: {  	_ =	swait.ge [sflag:s14], $0x3000  }
0x14d: {  	[sflag:s14] =	ssyncset.done $0x0  }
0x14e: {  	s15 =	simm.s32 $0x2480;
	[sflag:s14] =	ssyncadd.s32 $0xFFFFD000  }
0x14f: {  	[spmem:s2] =	stream.indirect.scatter.add.f32 [tilespmem:s8], [sflag:$0x5], $0x80, s15, s7, $0xb8;
	[tilespmem:$0x1F600] =	vst v63  }
0x150: {  	_ =	swait.ge [sflag:s5], $0x3000  }
0x151: {  	[sflag:s5] =	ssyncset.done $0x0  }
0x152: {  	s16 =	simm.s32 $0x2700;
	[sflag:s5] =	ssyncadd.s32 $0xFFFFD000  }
0x153: {  	[tilespmem:s8], [sflag:$0x1] =	stream.indirect.gather [hbm4b:s1+s7], $0x80, s16, s7, $0xb8;
	[tilespmem:$0x1F600] =	vst v63  }
0x154: {  	_ =	swait.ge [sflag:s17], $0x3000  }
0x155: {  	[sflag:s17] =	ssyncset.done $0x0  }
0x156: {  	s18 =	simm.s32 $0x2580;
	[sflag:s17] =	ssyncadd.s32 $0xFFFFD000  }
0x157: {  	[spmem:s2] =	stream.indirect.scatter.add.f32 [tilespmem:s10], [sflag:$0x5], $0x80, s18, s7, $0xb8;
	[tilespmem:$0x1F600] =	vst v63  }
0x158: {  	_ =	swait.ge [sflag:s5], $0x3000  }
0x159: {  	[sflag:s5] =	ssyncset.done $0x0  }
0x15a: {  	s19 =	simm.s32 $0x2800;
	[sflag:s5] =	ssyncadd.s32 $0xFFFFD000  }
0x15b: {  	[tilespmem:s10], [sflag:$0x2] =	stream.indirect.gather [hbm4b:s1+s7], $0x80, s19, s7, $0xb8;
	[tilespmem:$0x1F600] =	vst v63  }
0x15c: {  	_ =	swait.ge [sflag:s20], $0x3000  }
0x15d: {  	[sflag:s20] =	ssyncset.done $0x0  }
0x15e: {  	s21 =	simm.s32 $0x2680;
	[sflag:s20] =	ssyncadd.s32 $0xFFFFD000  }
0x15f: {  	[spmem:s2] =	stream.indirect.scatter.add.f32 [tilespmem:s12], [sflag:$0x5], $0x80, s21, s7, $0xb8;
	[tilespmem:$0x1F600] =	vst v63  }
0x160: {  	_ =	swait.ge [sflag:s5], $0x3000  }
0x161: {  	[sflag:s5] =	ssyncset.done $0x0  }
0x162: {  	s22 =	simm.s32 $0x2900;
	[sflag:s5] =	ssyncadd.s32 $0xFFFFD000  }
0x163: {  	[tilespmem:s12], [sflag:$0x3] =	stream.indirect.gather [hbm4b:s1+s7], $0x80, s22, s7, $0xb8;
	[tilespmem:$0x1F600] =	vst v63  }
0x164: {  	_ =	swait.ge [sflag:s14], $0x3000  }
0x165: {  	[sflag:s14] =	ssyncset.done $0x0  }
0x166: {  	s23 =	simm.s32 $0x2780;
	[sflag:s14] =	ssyncadd.s32 $0xFFFFD000  }
0x167: {  	[spmem:s2] =	stream.indirect.scatter.add.f32 [tilespmem:s8], [sflag:$0x5], $0x80, s23, s7, $0xb8;
	[tilespmem:$0x1F600] =	vst v63  }
0x168: {  	_ =	swait.ge [sflag:s5], $0x3000  }
0x169: {  	[sflag:s5] =	ssyncset.done $0x0  }
0x16a: {  	[sflag:s5] =	ssyncadd.s32 $0xFFFFD000  }
0x16b: {  	_ =	swait.ge [sflag:s6], $0x1500  }
0x16c: {  	[sflag:s6] =	ssyncset.done $0x0  }
0x16d: {  	[sflag:s6] =	ssyncadd.s32 $0xFFFFEB00  }
0x16e: {  	[tilespmem:s8], [sflag:$0x1] =	stream.indirect.gather [hbm4b:s1+s7], $0x80, s31, s7, $0xb8;
	[tilespmem:$0x1F600] =	vst v63  }
0x16f: {  	_ =	swait.ge [sflag:s17], $0x3000  }
0x170: {  	[sflag:s17] =	ssyncset.done $0x0  }
0x171: {  	s24 =	simm.s32 $0x2880;
	[sflag:s17] =	ssyncadd.s32 $0xFFFFD000  }
0x172: {  	[spmem:s2] =	stream.indirect.scatter.add.f32 [tilespmem:s10], [sflag:$0x5], $0x80, s24, s7, $0xb8;
	[tilespmem:$0x1F600] =	vst v63  }
0x173: {  	_ =	swait.ge [sflag:s5], $0x3000  }
0x174: {  	[sflag:s5] =	ssyncset.done $0x0  }
0x175: {  	s25 =	simm.s32 $0x100;
	[sflag:s5] =	ssyncadd.s32 $0xFFFFD000  }
0x176: {  	[tilespmem:s10], [sflag:$0x2] =	stream.indirect.gather [hbm4b:s1+s7], $0x80, s25, s7, $0xb8;
	[tilespmem:$0x1F600] =	vst v63  }
0x177: {  	_ =	swait.ge [sflag:s20], $0x3000  }
0x178: {  	[sflag:s20] =	ssyncset.done $0x0  }
0x179: {  	s26 =	simm.s32 $0x2980;
	[sflag:s20] =	ssyncadd.s32 $0xFFFFD000  }
0x17a: {  	[spmem:s2] =	stream.indirect.scatter.add.f32 [tilespmem:s12], [sflag:$0x5], $0x80, s26, s7, $0xb8;
	[tilespmem:$0x1F600] =	vst v63  }
0x17b: {  	_ =	swait.ge [sflag:s5], $0x3000  }
0x17c: {  	[sflag:s5] =	ssyncset.done $0x0  }
0x17d: {  	s29 =	simm.s32 $0x200;
	[sflag:s5] =	ssyncadd.s32 $0xFFFFD000  }
0x17e: {  	[tilespmem:s12], [sflag:$0x3] =	stream.indirect.gather [hbm4b:s1+s7], $0x80, s29, s7, $0xb8;
	[tilespmem:$0x1F600] =	vst v63  }
0x17f: {  	s28 =	rddreg [dreg:$0x8]  }
0x180: {  	[tilespmem:s30], [sflag:$0x4] =	stream.linear.gather [hbm4b:s28+s31], $0x1500, $0x38;
	[tilespmem:$0x1F600] =	vst v63  }
0x181: {  	_ =	swait.ge [sflag:s14], $0x3000  }
0x182: {  	[sflag:s14] =	ssyncset.done $0x0  }
0x183: {  	s0 =	simm.s32 $0x80;
	[sflag:s14] =	ssyncadd.s32 $0xFFFFD000  }
0x184: {  	[spmem:s2] =	stream.indirect.scatter.add.f32 [tilespmem:s8], [sflag:$0x5], $0x80, s0, s7, $0xb8;
	[tilespmem:$0x1F600] =	vst v63  }
0x185: {  	_ =	swait.ge [sflag:s5], $0x3000  }
0x186: {  	[sflag:s5] =	ssyncset.done $0x0  }
0x187: {  	s4 =	simm.s32 $0x300;
	[sflag:s5] =	ssyncadd.s32 $0xFFFFD000  }
0x188: {  	[tilespmem:s8], [sflag:$0x1] =	stream.indirect.gather [hbm4b:s1+s7], $0x80, s4, s7, $0xb8;
	[tilespmem:$0x1F600] =	vst v63  }
0x189: {  	_ =	swait.ge [sflag:s17], $0x3000  }
0x18a: {  	[sflag:s17] =	ssyncset.done $0x0  }
0x18b: {  	s9 =	simm.s32 $0x180;
	[sflag:s17] =	ssyncadd.s32 $0xFFFFD000  }
0x18c: {  	[spmem:s2] =	stream.indirect.scatter.add.f32 [tilespmem:s10], [sflag:$0x5], $0x80, s9, s7, $0xb8;
	[tilespmem:$0x1F600] =	vst v63  }
0x18d: {  	_ =	swait.ge [sflag:s5], $0x3000  }
0x18e: {  	[sflag:s5] =	ssyncset.done $0x0  }
0x18f: {  	s11 =	simm.s32 $0x400;
	[sflag:s5] =	ssyncadd.s32 $0xFFFFD000  }
0x190: {  	[tilespmem:s10], [sflag:$0x2] =	stream.indirect.gather [hbm4b:s1+s7], $0x80, s11, s7, $0xb8;
	[tilespmem:$0x1F600] =	vst v63  }
0x191: {  	_ =	swait.ge [sflag:s20], $0x3000  }
0x192: {  	[sflag:s20] =	ssyncset.done $0x0  }
0x193: {  	s13 =	simm.s32 $0x280;
	[sflag:s20] =	ssyncadd.s32 $0xFFFFD000  }
0x194: {  	[spmem:s2] =	stream.indirect.scatter.add.f32 [tilespmem:s12], [sflag:$0x5], $0x80, s13, s7, $0xb8;
	[tilespmem:$0x1F600] =	vst v63  }
0x195: {  	_ =	swait.ge [sflag:s5], $0x3000  }
0x196: {  	[sflag:s5] =	ssyncset.done $0x0  }
0x197: {  	s15 =	simm.s32 $0x500;
	[sflag:s5] =	ssyncadd.s32 $0xFFFFD000  }
0x198: {  	[tilespmem:s12], [sflag:$0x3] =	stream.indirect.gather [hbm4b:s1+s7], $0x80, s15, s7, $0xb8;
	[tilespmem:$0x1F600] =	vst v63  }
0x199: {  	_ =	swait.ge [sflag:s14], $0x3000  }
0x19a: {  	[sflag:s14] =	ssyncset.done $0x0  }
0x19b: {  	s16 =	simm.s32 $0x380;
	[sflag:s14] =	ssyncadd.s32 $0xFFFFD000  }
0x19c: {  	[spmem:s2] =	stream.indirect.scatter.add.f32 [tilespmem:s8], [sflag:$0x5], $0x80, s16, s7, $0xb8;
	[tilespmem:$0x1F600] =	vst v63  }
0x19d: {  	_ =	swait.ge [sflag:s5], $0x3000  }
0x19e: {  	[sflag:s5] =	ssyncset.done $0x0  }
0x19f: {  	s18 =	simm.s32 $0x600;
	[sflag:s5] =	ssyncadd.s32 $0xFFFFD000  }
0x1a0: {  	[tilespmem:s8], [sflag:$0x1] =	stream.indirect.gather [hbm4b:s1+s7], $0x80, s18, s7, $0xb8;
	[tilespmem:$0x1F600] =	vst v63  }
0x1a1: {  	_ =	swait.ge [sflag:s17], $0x3000  }
0x1a2: {  	[sflag:s17] =	ssyncset.done $0x0  }
0x1a3: {  	s19 =	simm.s32 $0x480;
	[sflag:s17] =	ssyncadd.s32 $0xFFFFD000  }
0x1a4: {  	[spmem:s2] =	stream.indirect.scatter.add.f32 [tilespmem:s10], [sflag:$0x5], $0x80, s19, s7, $0xb8;
	[tilespmem:$0x1F600] =	vst v63  }
0x1a5: {  	_ =	swait.ge [sflag:s5], $0x3000  }
0x1a6: {  	[sflag:s5] =	ssyncset.done $0x0  }
0x1a7: {  	s21 =	simm.s32 $0x700;
	[sflag:s5] =	ssyncadd.s32 $0xFFFFD000  }
0x1a8: {  	[tilespmem:s10], [sflag:$0x2] =	stream.indirect.gather [hbm4b:s1+s7], $0x80, s21, s7, $0xb8;
	[tilespmem:$0x1F600] =	vst v63  }
0x1a9: {  	_ =	swait.ge [sflag:s20], $0x3000  }
0x1aa: {  	[sflag:s20] =	ssyncset.done $0x0  }
0x1ab: {  	s22 =	simm.s32 $0x580;
	[sflag:s20] =	ssyncadd.s32 $0xFFFFD000  }
0x1ac: {  	[spmem:s2] =	stream.indirect.scatter.add.f32 [tilespmem:s12], [sflag:$0x5], $0x80, s22, s7, $0xb8;
	[tilespmem:$0x1F600] =	vst v63  }
0x1ad: {  	_ =	swait.ge [sflag:s5], $0x3000  }
0x1ae: {  	[sflag:s5] =	ssyncset.done $0x0  }
0x1af: {  	s24 =	simm.s32 $0x800;
	[sflag:s5] =	ssyncadd.s32 $0xFFFFD000  }
0x1b0: {  	[tilespmem:s12], [sflag:$0x3] =	stream.indirect.gather [hbm4b:s1+s7], $0x80, s24, s7, $0xb8;
	[tilespmem:$0x1F600] =	vst v63  }
0x1b1: {  	_ =	swait.ge [sflag:s14], $0x3000  }
0x1b2: {  	[sflag:s14] =	ssyncset.done $0x0  }
0x1b3: {  	s25 =	simm.s32 $0x680;
	[sflag:s14] =	ssyncadd.s32 $0xFFFFD000  }
0x1b4: {  	[spmem:s2] =	stream.indirect.scatter.add.f32 [tilespmem:s8], [sflag:$0x5], $0x80, s25, s7, $0xb8;
	[tilespmem:$0x1F600] =	vst v63  }
0x1b5: {  	_ =	swait.ge [sflag:s5], $0x3000  }
0x1b6: {  	[sflag:s5] =	ssyncset.done $0x0  }
0x1b7: {  	s26 =	simm.s32 $0x900;
	[sflag:s5] =	ssyncadd.s32 $0xFFFFD000  }
0x1b8: {  	[tilespmem:s8], [sflag:$0x1] =	stream.indirect.gather [hbm4b:s1+s7], $0x80, s26, s7, $0xb8;
	[tilespmem:$0x1F600] =	vst v63  }
0x1b9: {  	_ =	swait.ge [sflag:s17], $0x3000  }
0x1ba: {  	[sflag:s17] =	ssyncset.done $0x0  }
0x1bb: {  	s28 =	simm.s32 $0x780;
	[sflag:s17] =	ssyncadd.s32 $0xFFFFD000  }
0x1bc: {  	[spmem:s2] =	stream.indirect.scatter.add.f32 [tilespmem:s10], [sflag:$0x5], $0x80, s28, s7, $0xb8;
	[tilespmem:$0x1F600] =	vst v63  }
0x1bd: {  	_ =	swait.ge [sflag:s5], $0x3000  }
0x1be: {  	[sflag:s5] =	ssyncset.done $0x0  }
0x1bf: {  	s29 =	simm.s32 $0xA00;
	[sflag:s5] =	ssyncadd.s32 $0xFFFFD000  }
0x1c0: {  	[tilespmem:s10], [sflag:$0x2] =	stream.indirect.gather [hbm4b:s1+s7], $0x80, s29, s7, $0xb8;
	[tilespmem:$0x1F600] =	vst v63  }
0x1c1: {  	_ =	swait.ge [sflag:s20], $0x3000  }
0x1c2: {  	[sflag:s20] =	ssyncset.done $0x0  }
0x1c3: {  	s23 =	simm.s32 $0x880;
	[sflag:s20] =	ssyncadd.s32 $0xFFFFD000  }
0x1c4: {  	[spmem:s2] =	stream.indirect.scatter.add.f32 [tilespmem:s12], [sflag:$0x5], $0x80, s23, s7, $0xb8;
	[tilespmem:$0x1F600] =	vst v63  }
0x1c5: {  	_ =	swait.ge [sflag:s5], $0x3000  }
0x1c6: {  	[sflag:s5] =	ssyncset.done $0x0  }
0x1c7: {  	s23 =	simm.s32 $0xB00;
	[sflag:s5] =	ssyncadd.s32 $0xFFFFD000  }
0x1c8: {  	[tilespmem:s12], [sflag:$0x3] =	stream.indirect.gather [hbm4b:s1+s7], $0x80, s23, s7, $0xb8;
	[tilespmem:$0x1F600] =	vst v63  }
0x1c9: {  	_ =	swait.ge [sflag:s14], $0x3000  }
0x1ca: {  	[sflag:s14] =	ssyncset.done $0x0  }
0x1cb: {  	s23 =	simm.s32 $0x980;
	[sflag:s14] =	ssyncadd.s32 $0xFFFFD000  }
0x1cc: {  	[spmem:s2] =	stream.indirect.scatter.add.f32 [tilespmem:s8], [sflag:$0x5], $0x80, s23, s7, $0xb8;
	[tilespmem:$0x1F600] =	vst v63  }
0x1cd: {  	_ =	swait.ge [sflag:s5], $0x3000  }
0x1ce: {  	[sflag:s5] =	ssyncset.done $0x0  }
0x1cf: {  	s23 =	simm.s32 $0xC00;
	[sflag:s5] =	ssyncadd.s32 $0xFFFFD000  }
0x1d0: {  	[tilespmem:s8], [sflag:$0x1] =	stream.indirect.gather [hbm4b:s1+s7], $0x80, s23, s7, $0xb8;
	[tilespmem:$0x1F600] =	vst v63  }
0x1d1: {  	_ =	swait.ge [sflag:s17], $0x3000  }
0x1d2: {  	[sflag:s17] =	ssyncset.done $0x0  }
0x1d3: {  	s23 =	simm.s32 $0xA80;
	[sflag:s17] =	ssyncadd.s32 $0xFFFFD000  }
0x1d4: {  	[spmem:s2] =	stream.indirect.scatter.add.f32 [tilespmem:s10], [sflag:$0x5], $0x80, s23, s7, $0xb8;
	[tilespmem:$0x1F600] =	vst v63  }
0x1d5: {  	_ =	swait.ge [sflag:s5], $0x3000  }
0x1d6: {  	[sflag:s5] =	ssyncset.done $0x0  }
0x1d7: {  	s23 =	simm.s32 $0xD00;
	[sflag:s5] =	ssyncadd.s32 $0xFFFFD000  }
0x1d8: {  	[tilespmem:s10], [sflag:$0x2] =	stream.indirect.gather [hbm4b:s1+s7], $0x80, s23, s7, $0xb8;
	[tilespmem:$0x1F600] =	vst v63  }
0x1d9: {  	_ =	swait.ge [sflag:s20], $0x3000  }
0x1da: {  	[sflag:s20] =	ssyncset.done $0x0  }
0x1db: {  	s23 =	simm.s32 $0xB80;
	[sflag:s20] =	ssyncadd.s32 $0xFFFFD000  }
0x1dc: {  	[spmem:s2] =	stream.indirect.scatter.add.f32 [tilespmem:s12], [sflag:$0x5], $0x80, s23, s7, $0xb8;
	[tilespmem:$0x1F600] =	vst v63  }
0x1dd: {  	_ =	swait.ge [sflag:s5], $0x3000  }
0x1de: {  	[sflag:s5] =	ssyncset.done $0x0  }
0x1df: {  	s23 =	simm.s32 $0xE00;
	[sflag:s5] =	ssyncadd.s32 $0xFFFFD000  }
0x1e0: {  	[tilespmem:s12], [sflag:$0x3] =	stream.indirect.gather [hbm4b:s1+s7], $0x80, s23, s7, $0xb8;
	[tilespmem:$0x1F600] =	vst v63  }
0x1e1: {  	_ =	swait.ge [sflag:s14], $0x3000  }
0x1e2: {  	[sflag:s14] =	ssyncset.done $0x0  }
0x1e3: {  	s23 =	simm.s32 $0xC80;
	[sflag:s14] =	ssyncadd.s32 $0xFFFFD000  }
0x1e4: {  	[spmem:s2] =	stream.indirect.scatter.add.f32 [tilespmem:s8], [sflag:$0x5], $0x80, s23, s7, $0xb8;
	[tilespmem:$0x1F600] =	vst v63  }
0x1e5: {  	_ =	swait.ge [sflag:s5], $0x3000  }
0x1e6: {  	[sflag:s5] =	ssyncset.done $0x0  }
0x1e7: {  	s23 =	simm.s32 $0xF00;
	[sflag:s5] =	ssyncadd.s32 $0xFFFFD000  }
0x1e8: {  	[tilespmem:s8], [sflag:$0x1] =	stream.indirect.gather [hbm4b:s1+s7], $0x80, s23, s7, $0xb8;
	[tilespmem:$0x1F600] =	vst v63  }
0x1e9: {  	_ =	swait.ge [sflag:s17], $0x3000  }
0x1ea: {  	[sflag:s17] =	ssyncset.done $0x0  }
0x1eb: {  	s23 =	simm.s32 $0xD80;
	[sflag:s17] =	ssyncadd.s32 $0xFFFFD000  }
0x1ec: {  	[spmem:s2] =	stream.indirect.scatter.add.f32 [tilespmem:s10], [sflag:$0x5], $0x80, s23, s7, $0xb8;
	[tilespmem:$0x1F600] =	vst v63  }
0x1ed: {  	_ =	swait.ge [sflag:s5], $0x3000  }
0x1ee: {  	[sflag:s5] =	ssyncset.done $0x0  }
0x1ef: {  	s23 =	simm.s32 $0x1000;
	[sflag:s5] =	ssyncadd.s32 $0xFFFFD000  }
0x1f0: {  	[tilespmem:s10], [sflag:$0x2] =	stream.indirect.gather [hbm4b:s1+s7], $0x80, s23, s7, $0xb8;
	[tilespmem:$0x1F600] =	vst v63  }
0x1f1: {  	_ =	swait.ge [sflag:s20], $0x3000  }
0x1f2: {  	[sflag:s20] =	ssyncset.done $0x0  }
0x1f3: {  	s23 =	simm.s32 $0xE80;
	[sflag:s20] =	ssyncadd.s32 $0xFFFFD000  }
0x1f4: {  	[spmem:s2] =	stream.indirect.scatter.add.f32 [tilespmem:s12], [sflag:$0x5], $0x80, s23, s7, $0xb8;
	[tilespmem:$0x1F600] =	vst v63  }
0x1f5: {  	_ =	swait.ge [sflag:s5], $0x3000  }
0x1f6: {  	[sflag:s5] =	ssyncset.done $0x0  }
0x1f7: {  	s23 =	simm.s32 $0x1100;
	[sflag:s5] =	ssyncadd.s32 $0xFFFFD000  }
0x1f8: {  	[tilespmem:s12], [sflag:$0x3] =	stream.indirect.gather [hbm4b:s1+s7], $0x80, s23, s7, $0xb8;
	[tilespmem:$0x1F600] =	vst v63  }
0x1f9: {  	_ =	swait.ge [sflag:s14], $0x3000  }
0x1fa: {  	[sflag:s14] =	ssyncset.done $0x0  }
0x1fb: {  	s23 =	simm.s32 $0xF80;
	[sflag:s14] =	ssyncadd.s32 $0xFFFFD000  }
0x1fc: {  	[spmem:s2] =	stream.indirect.scatter.add.f32 [tilespmem:s8], [sflag:$0x5], $0x80, s23, s7, $0xb8;
	[tilespmem:$0x1F600] =	vst v63  }
0x1fd: {  	_ =	swait.ge [sflag:s5], $0x3000  }
0x1fe: {  	[sflag:s5] =	ssyncset.done $0x0  }
0x1ff: {  	s23 =	simm.s32 $0x1200;
	[sflag:s5] =	ssyncadd.s32 $0xFFFFD000  }
0x200: {  	[tilespmem:s8], [sflag:$0x1] =	stream.indirect.gather [hbm4b:s1+s7], $0x80, s23, s7, $0xb8;
	[tilespmem:$0x1F600] =	vst v63  }
0x201: {  	_ =	swait.ge [sflag:s17], $0x3000  }
0x202: {  	[sflag:s17] =	ssyncset.done $0x0  }
0x203: {  	s23 =	simm.s32 $0x1080;
	[sflag:s17] =	ssyncadd.s32 $0xFFFFD000  }
0x204: {  	[spmem:s2] =	stream.indirect.scatter.add.f32 [tilespmem:s10], [sflag:$0x5], $0x80, s23, s7, $0xb8;
	[tilespmem:$0x1F600] =	vst v63  }
0x205: {  	_ =	swait.ge [sflag:s5], $0x3000  }
0x206: {  	[sflag:s5] =	ssyncset.done $0x0  }
0x207: {  	s23 =	simm.s32 $0x1300;
	[sflag:s5] =	ssyncadd.s32 $0xFFFFD000  }
0x208: {  	[tilespmem:s10], [sflag:$0x2] =	stream.indirect.gather [hbm4b:s1+s7], $0x80, s23, s7, $0xb8;
	[tilespmem:$0x1F600] =	vst v63  }
0x209: {  	_ =	swait.ge [sflag:s20], $0x3000  }
0x20a: {  	[sflag:s20] =	ssyncset.done $0x0  }
0x20b: {  	s23 =	simm.s32 $0x1180;
	[sflag:s20] =	ssyncadd.s32 $0xFFFFD000  }
0x20c: {  	[spmem:s2] =	stream.indirect.scatter.add.f32 [tilespmem:s12], [sflag:$0x5], $0x80, s23, s7, $0xb8;
	[tilespmem:$0x1F600] =	vst v63  }
0x20d: {  	_ =	swait.ge [sflag:s5], $0x3000  }
0x20e: {  	[sflag:s5] =	ssyncset.done $0x0  }
0x20f: {  	s23 =	simm.s32 $0x1400;
	[sflag:s5] =	ssyncadd.s32 $0xFFFFD000  }
0x210: {  	[tilespmem:s12], [sflag:$0x3] =	stream.indirect.gather [hbm4b:s1+s7], $0x80, s23, s7, $0xb8;
	[tilespmem:$0x1F600] =	vst v63  }
0x211: {  	_ =	swait.ge [sflag:s14], $0x3000  }
0x212: {  	[sflag:s14] =	ssyncset.done $0x0  }
0x213: {  	s23 =	simm.s32 $0x1280;
	[sflag:s14] =	ssyncadd.s32 $0xFFFFD000  }
0x214: {  	[spmem:s2] =	stream.indirect.scatter.add.f32 [tilespmem:s8], [sflag:$0x5], $0x80, s23, s7, $0xb8;
	[tilespmem:$0x1F600] =	vst v63  }
0x215: {  	_ =	swait.ge [sflag:s5], $0x3000  }
0x216: {  	[sflag:s5] =	ssyncset.done $0x0  }
0x217: {  	[sflag:s5] =	ssyncadd.s32 $0xFFFFD000  }
0x218: {  	_ =	swait.ge [sflag:s6], $0x1500  }
0x219: {  	[sflag:s6] =	ssyncset.done $0x0  }
0x21a: {  	[sflag:s6] =	ssyncadd.s32 $0xFFFFEB00  }
0x21b: {  	[tilespmem:s8], [sflag:$0x1] =	stream.indirect.gather [hbm4b:s1+s7], $0x80, s30, s7, $0xb8;
	[tilespmem:$0x1F600] =	vst v63  }
0x21c: {  	_ =	swait.ge [sflag:s17], $0x3000  }
0x21d: {  	[sflag:s17] =	ssyncset.done $0x0  }
0x21e: {  	s30 =	simm.s32 $0x1380;
	[sflag:s17] =	ssyncadd.s32 $0xFFFFD000  }
0x21f: {  	[spmem:s2] =	stream.indirect.scatter.add.f32 [tilespmem:s10], [sflag:$0x5], $0x80, s30, s7, $0xb8;
	[tilespmem:$0x1F600] =	vst v63  }
0x220: {  	_ =	swait.ge [sflag:s5], $0x3000  }
0x221: {  	[sflag:s5] =	ssyncset.done $0x0  }
0x222: {  	s30 =	simm.s32 $0x1600;
	[sflag:s5] =	ssyncadd.s32 $0xFFFFD000  }
0x223: {  	[tilespmem:s10], [sflag:$0x2] =	stream.indirect.gather [hbm4b:s1+s7], $0x80, s30, s7, $0xb8;
	[tilespmem:$0x1F600] =	vst v63  }
0x224: {  	_ =	swait.ge [sflag:s20], $0x3000  }
0x225: {  	[sflag:s20] =	ssyncset.done $0x0  }
0x226: {  	s30 =	simm.s32 $0x1480;
	[sflag:s20] =	ssyncadd.s32 $0xFFFFD000  }
0x227: {  	[spmem:s2] =	stream.indirect.scatter.add.f32 [tilespmem:s12], [sflag:$0x5], $0x80, s30, s7, $0xb8;
	[tilespmem:$0x1F600] =	vst v63  }
0x228: {  	_ =	swait.ge [sflag:s5], $0x3000  }
0x229: {  	[sflag:s5] =	ssyncset.done $0x0  }
0x22a: {  	s30 =	simm.s32 $0x1700;
	[sflag:s5] =	ssyncadd.s32 $0xFFFFD000  }
0x22b: {  	[tilespmem:s12], [sflag:$0x3] =	stream.indirect.gather [hbm4b:s1+s7], $0x80, s30, s7, $0xb8;
	[tilespmem:$0x1F600] =	vst v63  }
0x22c: {  	s23 =	rddreg [dreg:$0x9]  }
0x22d: {  	[tilespmem:s31], [sflag:$0x4] =	stream.linear.gather [hbm4b:s23+s31], $0x1500, $0x38;
	[tilespmem:$0x1F600] =	vst v63  }
0x22e: {  	_ =	swait.ge [sflag:s14], $0x3000  }
0x22f: {  	[sflag:s14] =	ssyncset.done $0x0  }
0x230: {  	s30 =	simm.s32 $0x1580;
	[sflag:s14] =	ssyncadd.s32 $0xFFFFD000  }
0x231: {  	[spmem:s2] =	stream.indirect.scatter.add.f32 [tilespmem:s8], [sflag:$0x5], $0x80, s30, s7, $0xb8;
	[tilespmem:$0x1F600] =	vst v63  }
0x232: {  	_ =	swait.ge [sflag:s5], $0x3000  }
0x233: {  	[sflag:s5] =	ssyncset.done $0x0  }
0x234: {  	s30 =	simm.s32 $0x1800;
	[sflag:s5] =	ssyncadd.s32 $0xFFFFD000  }
0x235: {  	[tilespmem:s8], [sflag:$0x1] =	stream.indirect.gather [hbm4b:s1+s7], $0x80, s30, s7, $0xb8;
	[tilespmem:$0x1F600] =	vst v63  }
0x236: {  	_ =	swait.ge [sflag:s17], $0x3000  }
0x237: {  	[sflag:s17] =	ssyncset.done $0x0  }
0x238: {  	s30 =	simm.s32 $0x1680;
	[sflag:s17] =	ssyncadd.s32 $0xFFFFD000  }
0x239: {  	[spmem:s2] =	stream.indirect.scatter.add.f32 [tilespmem:s10], [sflag:$0x5], $0x80, s30, s7, $0xb8;
	[tilespmem:$0x1F600] =	vst v63  }
0x23a: {  	_ =	swait.ge [sflag:s5], $0x3000  }
0x23b: {  	[sflag:s5] =	ssyncset.done $0x0  }
0x23c: {  	s30 =	simm.s32 $0x1900;
	[sflag:s5] =	ssyncadd.s32 $0xFFFFD000  }
0x23d: {  	[tilespmem:s10], [sflag:$0x2] =	stream.indirect.gather [hbm4b:s1+s7], $0x80, s30, s7, $0xb8;
	[tilespmem:$0x1F600] =	vst v63  }
0x23e: {  	_ =	swait.ge [sflag:s20], $0x3000  }
0x23f: {  	[sflag:s20] =	ssyncset.done $0x0  }
0x240: {  	s30 =	simm.s32 $0x1780;
	[sflag:s20] =	ssyncadd.s32 $0xFFFFD000  }
0x241: {  	[spmem:s2] =	stream.indirect.scatter.add.f32 [tilespmem:s12], [sflag:$0x5], $0x80, s30, s7, $0xb8;
	[tilespmem:$0x1F600] =	vst v63  }
0x242: {  	_ =	swait.ge [sflag:s5], $0x3000  }
0x243: {  	[sflag:s5] =	ssyncset.done $0x0  }
0x244: {  	s30 =	simm.s32 $0x1A00;
	[sflag:s5] =	ssyncadd.s32 $0xFFFFD000  }
0x245: {  	[tilespmem:s12], [sflag:$0x3] =	stream.indirect.gather [hbm4b:s1+s7], $0x80, s30, s7, $0xb8;
	[tilespmem:$0x1F600] =	vst v63  }
0x246: {  	_ =	swait.ge [sflag:s14], $0x3000  }
0x247: {  	[sflag:s14] =	ssyncset.done $0x0  }
0x248: {  	s30 =	simm.s32 $0x1880;
	[sflag:s14] =	ssyncadd.s32 $0xFFFFD000  }
0x249: {  	[spmem:s2] =	stream.indirect.scatter.add.f32 [tilespmem:s8], [sflag:$0x5], $0x80, s30, s7, $0xb8;
	[tilespmem:$0x1F600] =	vst v63  }
0x24a: {  	_ =	swait.ge [sflag:s5], $0x3000  }
0x24b: {  	[sflag:s5] =	ssyncset.done $0x0  }
0x24c: {  	s30 =	simm.s32 $0x1B00;
	[sflag:s5] =	ssyncadd.s32 $0xFFFFD000  }
0x24d: {  	[tilespmem:s8], [sflag:$0x1] =	stream.indirect.gather [hbm4b:s1+s7], $0x80, s30, s7, $0xb8;
	[tilespmem:$0x1F600] =	vst v63  }
0x24e: {  	_ =	swait.ge [sflag:s17], $0x3000  }
0x24f: {  	[sflag:s17] =	ssyncset.done $0x0  }
0x250: {  	s30 =	simm.s32 $0x1980;
	[sflag:s17] =	ssyncadd.s32 $0xFFFFD000  }
0x251: {  	[spmem:s2] =	stream.indirect.scatter.add.f32 [tilespmem:s10], [sflag:$0x5], $0x80, s30, s7, $0xb8;
	[tilespmem:$0x1F600] =	vst v63  }
0x252: {  	_ =	swait.ge [sflag:s5], $0x3000  }
0x253: {  	[sflag:s5] =	ssyncset.done $0x0  }
0x254: {  	s30 =	simm.s32 $0x1C00;
	[sflag:s5] =	ssyncadd.s32 $0xFFFFD000  }
0x255: {  	[tilespmem:s10], [sflag:$0x2] =	stream.indirect.gather [hbm4b:s1+s7], $0x80, s30, s7, $0xb8;
	[tilespmem:$0x1F600] =	vst v63  }
0x256: {  	_ =	swait.ge [sflag:s20], $0x3000  }
0x257: {  	[sflag:s20] =	ssyncset.done $0x0  }
0x258: {  	s30 =	simm.s32 $0x1A80;
	[sflag:s20] =	ssyncadd.s32 $0xFFFFD000  }
0x259: {  	[spmem:s2] =	stream.indirect.scatter.add.f32 [tilespmem:s12], [sflag:$0x5], $0x80, s30, s7, $0xb8;
	[tilespmem:$0x1F600] =	vst v63  }
0x25a: {  	_ =	swait.ge [sflag:s5], $0x3000  }
0x25b: {  	[sflag:s5] =	ssyncset.done $0x0  }
0x25c: {  	s30 =	simm.s32 $0x1D00;
	[sflag:s5] =	ssyncadd.s32 $0xFFFFD000  }
0x25d: {  	[tilespmem:s12], [sflag:$0x3] =	stream.indirect.gather [hbm4b:s1+s7], $0x80, s30, s7, $0xb8;
	[tilespmem:$0x1F600] =	vst v63  }
0x25e: {  	_ =	swait.ge [sflag:s14], $0x3000  }
0x25f: {  	[sflag:s14] =	ssyncset.done $0x0  }
0x260: {  	s30 =	simm.s32 $0x1B80;
	[sflag:s14] =	ssyncadd.s32 $0xFFFFD000  }
0x261: {  	[spmem:s2] =	stream.indirect.scatter.add.f32 [tilespmem:s8], [sflag:$0x5], $0x80, s30, s7, $0xb8;
	[tilespmem:$0x1F600] =	vst v63  }
0x262: {  	_ =	swait.ge [sflag:s5], $0x3000  }
0x263: {  	[sflag:s5] =	ssyncset.done $0x0  }
0x264: {  	s30 =	simm.s32 $0x1E00;
	[sflag:s5] =	ssyncadd.s32 $0xFFFFD000  }
0x265: {  	[tilespmem:s8], [sflag:$0x1] =	stream.indirect.gather [hbm4b:s1+s7], $0x80, s30, s7, $0xb8;
	[tilespmem:$0x1F600] =	vst v63  }
0x266: {  	_ =	swait.ge [sflag:s17], $0x3000  }
0x267: {  	[sflag:s17] =	ssyncset.done $0x0  }
0x268: {  	s30 =	simm.s32 $0x1C80;
	[sflag:s17] =	ssyncadd.s32 $0xFFFFD000  }
0x269: {  	[spmem:s2] =	stream.indirect.scatter.add.f32 [tilespmem:s10], [sflag:$0x5], $0x80, s30, s7, $0xb8;
	[tilespmem:$0x1F600] =	vst v63  }
0x26a: {  	_ =	swait.ge [sflag:s5], $0x3000  }
0x26b: {  	[sflag:s5] =	ssyncset.done $0x0  }
0x26c: {  	s30 =	simm.s32 $0x1F00;
	[sflag:s5] =	ssyncadd.s32 $0xFFFFD000  }
0x26d: {  	[tilespmem:s10], [sflag:$0x2] =	stream.indirect.gather [hbm4b:s1+s7], $0x80, s30, s7, $0xb8;
	[tilespmem:$0x1F600] =	vst v63  }
0x26e: {  	_ =	swait.ge [sflag:s20], $0x3000  }
0x26f: {  	[sflag:s20] =	ssyncset.done $0x0  }
0x270: {  	s30 =	simm.s32 $0x1D80;
	[sflag:s20] =	ssyncadd.s32 $0xFFFFD000  }
0x271: {  	[spmem:s2] =	stream.indirect.scatter.add.f32 [tilespmem:s12], [sflag:$0x5], $0x80, s30, s7, $0xb8;
	[tilespmem:$0x1F600] =	vst v63  }
0x272: {  	_ =	swait.ge [sflag:s5], $0x3000  }
0x273: {  	[sflag:s5] =	ssyncset.done $0x0  }
0x274: {  	s30 =	simm.s32 $0x2000;
	[sflag:s5] =	ssyncadd.s32 $0xFFFFD000  }
0x275: {  	[tilespmem:s12], [sflag:$0x3] =	stream.indirect.gather [hbm4b:s1+s7], $0x80, s30, s7, $0xb8;
	[tilespmem:$0x1F600] =	vst v63  }
0x276: {  	_ =	swait.ge [sflag:s14], $0x3000  }
0x277: {  	[sflag:s14] =	ssyncset.done $0x0  }
0x278: {  	s30 =	simm.s32 $0x1E80;
	[sflag:s14] =	ssyncadd.s32 $0xFFFFD000  }
0x279: {  	[spmem:s2] =	stream.indirect.scatter.add.f32 [tilespmem:s8], [sflag:$0x5], $0x80, s30, s7, $0xb8;
	[tilespmem:$0x1F600] =	vst v63  }
0x27a: {  	_ =	swait.ge [sflag:s5], $0x3000  }
0x27b: {  	[sflag:s5] =	ssyncset.done $0x0  }
0x27c: {  	s30 =	simm.s32 $0x2100;
	[sflag:s5] =	ssyncadd.s32 $0xFFFFD000  }
0x27d: {  	[tilespmem:s8], [sflag:$0x1] =	stream.indirect.gather [hbm4b:s1+s7], $0x80, s30, s7, $0xb8;
	[tilespmem:$0x1F600] =	vst v63  }
0x27e: {  	_ =	swait.ge [sflag:s17], $0x3000  }
0x27f: {  	[sflag:s17] =	ssyncset.done $0x0  }
0x280: {  	s30 =	simm.s32 $0x1F80;
	[sflag:s17] =	ssyncadd.s32 $0xFFFFD000  }
0x281: {  	[spmem:s2] =	stream.indirect.scatter.add.f32 [tilespmem:s10], [sflag:$0x5], $0x80, s30, s7, $0xb8;
	[tilespmem:$0x1F600] =	vst v63  }
0x282: {  	_ =	swait.ge [sflag:s5], $0x3000  }
0x283: {  	[sflag:s5] =	ssyncset.done $0x0  }
0x284: {  	s30 =	simm.s32 $0x2200;
	[sflag:s5] =	ssyncadd.s32 $0xFFFFD000  }
0x285: {  	[tilespmem:s10], [sflag:$0x2] =	stream.indirect.gather [hbm4b:s1+s7], $0x80, s30, s7, $0xb8;
	[tilespmem:$0x1F600] =	vst v63  }
0x286: {  	_ =	swait.ge [sflag:s20], $0x3000  }
0x287: {  	[sflag:s20] =	ssyncset.done $0x0  }
0x288: {  	s30 =	simm.s32 $0x2080;
	[sflag:s20] =	ssyncadd.s32 $0xFFFFD000  }
0x289: {  	[spmem:s2] =	stream.indirect.scatter.add.f32 [tilespmem:s12], [sflag:$0x5], $0x80, s30, s7, $0xb8;
	[tilespmem:$0x1F600] =	vst v63  }
0x28a: {  	_ =	swait.ge [sflag:s5], $0x3000  }
0x28b: {  	[sflag:s5] =	ssyncset.done $0x0  }
0x28c: {  	s30 =	simm.s32 $0x2300;
	[sflag:s5] =	ssyncadd.s32 $0xFFFFD000  }
0x28d: {  	[tilespmem:s12], [sflag:$0x3] =	stream.indirect.gather [hbm4b:s1+s7], $0x80, s30, s7, $0xb8;
	[tilespmem:$0x1F600] =	vst v63  }
0x28e: {  	_ =	swait.ge [sflag:s14], $0x3000  }
0x28f: {  	[sflag:s14] =	ssyncset.done $0x0  }
0x290: {  	s30 =	simm.s32 $0x2180;
	[sflag:s14] =	ssyncadd.s32 $0xFFFFD000  }
0x291: {  	[spmem:s2] =	stream.indirect.scatter.add.f32 [tilespmem:s8], [sflag:$0x5], $0x80, s30, s7, $0xb8;
	[tilespmem:$0x1F600] =	vst v63  }
0x292: {  	_ =	swait.ge [sflag:s5], $0x3000  }
0x293: {  	[sflag:s5] =	ssyncset.done $0x0  }
0x294: {  	s30 =	simm.s32 $0x2400;
	[sflag:s5] =	ssyncadd.s32 $0xFFFFD000  }
0x295: {  	[tilespmem:s8], [sflag:$0x1] =	stream.indirect.gather [hbm4b:s1+s7], $0x80, s30, s7, $0xb8;
	[tilespmem:$0x1F600] =	vst v63  }
0x296: {  	_ =	swait.ge [sflag:s17], $0x3000  }
0x297: {  	[sflag:s17] =	ssyncset.done $0x0  }
0x298: {  	s30 =	simm.s32 $0x2280;
	[sflag:s17] =	ssyncadd.s32 $0xFFFFD000  }
0x299: {  	[spmem:s2] =	stream.indirect.scatter.add.f32 [tilespmem:s10], [sflag:$0x5], $0x80, s30, s7, $0xb8;
	[tilespmem:$0x1F600] =	vst v63  }
0x29a: {  	_ =	swait.ge [sflag:s5], $0x3000  }
0x29b: {  	[sflag:s5] =	ssyncset.done $0x0  }
0x29c: {  	s30 =	simm.s32 $0x2500;
	[sflag:s5] =	ssyncadd.s32 $0xFFFFD000  }
0x29d: {  	[tilespmem:s10], [sflag:$0x2] =	stream.indirect.gather [hbm4b:s1+s7], $0x80, s30, s7, $0xb8;
	[tilespmem:$0x1F600] =	vst v63  }
0x29e: {  	_ =	swait.ge [sflag:s20], $0x3000  }
0x29f: {  	[sflag:s20] =	ssyncset.done $0x0  }
0x2a0: {  	s30 =	simm.s32 $0x2380;
	[sflag:s20] =	ssyncadd.s32 $0xFFFFD000  }
0x2a1: {  	[spmem:s2] =	stream.indirect.scatter.add.f32 [tilespmem:s12], [sflag:$0x5], $0x80, s30, s7, $0xb8;
	[tilespmem:$0x1F600] =	vst v63  }
0x2a2: {  	_ =	swait.ge [sflag:s5], $0x3000  }
0x2a3: {  	[sflag:s5] =	ssyncset.done $0x0  }
0x2a4: {  	s30 =	simm.s32 $0x2600;
	[sflag:s5] =	ssyncadd.s32 $0xFFFFD000  }
0x2a5: {  	[tilespmem:s12], [sflag:$0x3] =	stream.indirect.gather [hbm4b:s1+s7], $0x80, s30, s7, $0xb8;
	[tilespmem:$0x1F600] =	vst v63  }
0x2a6: {  	_ =	swait.ge [sflag:s14], $0x3000  }
0x2a7: {  	[sflag:s14] =	ssyncset.done $0x0  }
0x2a8: {  	s30 =	simm.s32 $0x2480;
	[sflag:s14] =	ssyncadd.s32 $0xFFFFD000  }
0x2a9: {  	[spmem:s2] =	stream.indirect.scatter.add.f32 [tilespmem:s8], [sflag:$0x5], $0x80, s30, s7, $0xb8;
	[tilespmem:$0x1F600] =	vst v63  }
0x2aa: {  	_ =	swait.ge [sflag:s5], $0x3000  }
0x2ab: {  	[sflag:s5] =	ssyncset.done $0x0  }
0x2ac: {  	s30 =	simm.s32 $0x2700;
	[sflag:s5] =	ssyncadd.s32 $0xFFFFD000  }
0x2ad: {  	[tilespmem:s8], [sflag:$0x1] =	stream.indirect.gather [hbm4b:s1+s7], $0x80, s30, s7, $0xb8;
	[tilespmem:$0x1F600] =	vst v63  }
0x2ae: {  	_ =	swait.ge [sflag:s17], $0x3000  }
0x2af: {  	[sflag:s17] =	ssyncset.done $0x0  }
0x2b0: {  	s30 =	simm.s32 $0x2580;
	[sflag:s17] =	ssyncadd.s32 $0xFFFFD000  }
0x2b1: {  	[spmem:s2] =	stream.indirect.scatter.add.f32 [tilespmem:s10], [sflag:$0x5], $0x80, s30, s7, $0xb8;
	[tilespmem:$0x1F600] =	vst v63  }
0x2b2: {  	_ =	swait.ge [sflag:s5], $0x3000  }
0x2b3: {  	[sflag:s5] =	ssyncset.done $0x0  }
0x2b4: {  	s30 =	simm.s32 $0x2800;
	[sflag:s5] =	ssyncadd.s32 $0xFFFFD000  }
0x2b5: {  	[tilespmem:s10], [sflag:$0x2] =	stream.indirect.gather [hbm4b:s1+s7], $0x80, s30, s7, $0xb8;
	[tilespmem:$0x1F600] =	vst v63  }
0x2b6: {  	_ =	swait.ge [sflag:s20], $0x3000  }
0x2b7: {  	[sflag:s20] =	ssyncset.done $0x0  }
0x2b8: {  	s30 =	simm.s32 $0x2680;
	[sflag:s20] =	ssyncadd.s32 $0xFFFFD000  }
0x2b9: {  	[spmem:s2] =	stream.indirect.scatter.add.f32 [tilespmem:s12], [sflag:$0x5], $0x80, s30, s7, $0xb8;
	[tilespmem:$0x1F600] =	vst v63  }
0x2ba: {  	_ =	swait.ge [sflag:s5], $0x3000  }
0x2bb: {  	[sflag:s5] =	ssyncset.done $0x0  }
0x2bc: {  	s30 =	simm.s32 $0x2900;
	[sflag:s5] =	ssyncadd.s32 $0xFFFFD000  }
0x2bd: {  	[tilespmem:s12], [sflag:$0x3] =	stream.indirect.gather [hbm4b:s1+s7], $0x80, s30, s7, $0xb8;
	[tilespmem:$0x1F600] =	vst v63  }
0x2be: {  	_ =	swait.ge [sflag:s14], $0x3000  }
0x2bf: {  	[sflag:s14] =	ssyncset.done $0x0  }
0x2c0: {  	s30 =	simm.s32 $0x2780;
	[sflag:s14] =	ssyncadd.s32 $0xFFFFD000  }
0x2c1: {  	[spmem:s2] =	stream.indirect.scatter.add.f32 [tilespmem:s8], [sflag:$0x5], $0x80, s30, s7, $0xb8;
	[tilespmem:$0x1F600] =	vst v63  }
0x2c2: {  	_ =	swait.ge [sflag:s5], $0x3000  }
0x2c3: {  	[sflag:s5] =	ssyncset.done $0x0  }
0x2c4: {  	[sflag:s5] =	ssyncadd.s32 $0xFFFFD000  }
0x2c5: {  	_ =	swait.ge [sflag:s6], $0x1500  }
0x2c6: {  	[sflag:s6] =	ssyncset.done $0x0  }
0x2c7: {  	[sflag:s6] =	ssyncadd.s32 $0xFFFFEB00  }
0x2c8: {  	[tilespmem:s8], [sflag:$0x1] =	stream.indirect.gather [hbm4b:s1+s7], $0x80, s31, s7, $0xb8;
	[tilespmem:$0x1F600] =	vst v63  }
0x2c9: {  	_ =	swait.ge [sflag:s17], $0x3000  }
0x2ca: {  	[sflag:s17] =	ssyncset.done $0x0  }
0x2cb: {  	s30 =	simm.s32 $0x2880;
	[sflag:s17] =	ssyncadd.s32 $0xFFFFD000  }
0x2cc: {  	[spmem:s2] =	stream.indirect.scatter.add.f32 [tilespmem:s10], [sflag:$0x5], $0x80, s30, s7, $0xb8;
	[tilespmem:$0x1F600] =	vst v63  }
0x2cd: {  	_ =	swait.ge [sflag:s5], $0x3000  }
0x2ce: {  	[sflag:s5] =	ssyncset.done $0x0  }
0x2cf: {  	s31 =	simm.s32 $0x100;
	[sflag:s5] =	ssyncadd.s32 $0xFFFFD000  }
0x2d0: {  	[tilespmem:s10], [sflag:$0x2] =	stream.indirect.gather [hbm4b:s1+s7], $0x80, s31, s7, $0xb8;
	[tilespmem:$0x1F600] =	vst v63  }
0x2d1: {  	_ =	swait.ge [sflag:s20], $0x3000  }
0x2d2: {  	[sflag:s20] =	ssyncset.done $0x0  }
0x2d3: {  	s30 =	simm.s32 $0x2980;
	[sflag:s20] =	ssyncadd.s32 $0xFFFFD000  }
0x2d4: {  	[spmem:s2] =	stream.indirect.scatter.add.f32 [tilespmem:s12], [sflag:$0x5], $0x80, s30, s7, $0xb8;
	[tilespmem:$0x1F600] =	vst v63  }
0x2d5: {  	_ =	swait.ge [sflag:s5], $0x3000  }
0x2d6: {  	[sflag:s5] =	ssyncset.done $0x0  }
0x2d7: {  	s31 =	simm.s32 $0x200;
	[sflag:s5] =	ssyncadd.s32 $0xFFFFD000  }
0x2d8: {  	[tilespmem:s12], [sflag:$0x3] =	stream.indirect.gather [hbm4b:s1+s7], $0x80, s31, s7, $0xb8;
	[tilespmem:$0x1F600] =	vst v63  }
0x2d9: {  	_ =	swait.ge [sflag:s14], $0x3000  }
0x2da: {  	[sflag:s14] =	ssyncset.done $0x0  }
0x2db: {  	[sflag:s14] =	ssyncadd.s32 $0xFFFFD000  }
0x2dc: {  	[spmem:s2] =	stream.indirect.scatter.add.f32 [tilespmem:s8], [sflag:$0x5], $0x80, s0, s7, $0xb8;
	[tilespmem:$0x1F600] =	vst v63  }
0x2dd: {  	_ =	swait.ge [sflag:s5], $0x3000  }
0x2de: {  	[sflag:s5] =	ssyncset.done $0x0  }
0x2df: {  	[sflag:s5] =	ssyncadd.s32 $0xFFFFD000  }
0x2e0: {  	[tilespmem:s8], [sflag:$0x1] =	stream.indirect.gather [hbm4b:s1+s7], $0x80, s4, s7, $0xb8;
	[tilespmem:$0x1F600] =	vst v63  }
0x2e1: {  	_ =	swait.ge [sflag:s17], $0x3000  }
0x2e2: {  	[sflag:s17] =	ssyncset.done $0x0  }
0x2e3: {  	[sflag:s17] =	ssyncadd.s32 $0xFFFFD000  }
0x2e4: {  	[spmem:s2] =	stream.indirect.scatter.add.f32 [tilespmem:s10], [sflag:$0x5], $0x80, s9, s7, $0xb8;
	[tilespmem:$0x1F600] =	vst v63  }
0x2e5: {  	_ =	swait.ge [sflag:s5], $0x3000  }
0x2e6: {  	[sflag:s5] =	ssyncset.done $0x0  }
0x2e7: {  	[sflag:s5] =	ssyncadd.s32 $0xFFFFD000  }
0x2e8: {  	[tilespmem:s10], [sflag:$0x2] =	stream.indirect.gather [hbm4b:s1+s7], $0x80, s11, s7, $0xb8;
	[tilespmem:$0x1F600] =	vst v63  }
0x2e9: {  	_ =	swait.ge [sflag:s20], $0x3000  }
0x2ea: {  	[sflag:s20] =	ssyncset.done $0x0  }
0x2eb: {  	[sflag:s20] =	ssyncadd.s32 $0xFFFFD000  }
0x2ec: {  	[spmem:s2] =	stream.indirect.scatter.add.f32 [tilespmem:s12], [sflag:$0x5], $0x80, s13, s7, $0xb8;
	[tilespmem:$0x1F600] =	vst v63  }
0x2ed: {  	_ =	swait.ge [sflag:s5], $0x3000  }
0x2ee: {  	[sflag:s5] =	ssyncset.done $0x0  }
0x2ef: {  	[sflag:s5] =	ssyncadd.s32 $0xFFFFD000  }
0x2f0: {  	[tilespmem:s12], [sflag:$0x3] =	stream.indirect.gather [hbm4b:s1+s7], $0x80, s15, s7, $0xb8;
	[tilespmem:$0x1F600] =	vst v63  }
0x2f1: {  	_ =	swait.ge [sflag:s14], $0x3000  }
0x2f2: {  	[sflag:s14] =	ssyncset.done $0x0  }
0x2f3: {  	[sflag:s14] =	ssyncadd.s32 $0xFFFFD000  }
0x2f4: {  	[spmem:s2] =	stream.indirect.scatter.add.f32 [tilespmem:s8], [sflag:$0x5], $0x80, s16, s7, $0xb8;
	[tilespmem:$0x1F600] =	vst v63  }
0x2f5: {  	_ =	swait.ge [sflag:s5], $0x3000  }
0x2f6: {  	[sflag:s5] =	ssyncset.done $0x0  }
0x2f7: {  	[sflag:s5] =	ssyncadd.s32 $0xFFFFD000  }
0x2f8: {  	[tilespmem:s8], [sflag:$0x1] =	stream.indirect.gather [hbm4b:s1+s7], $0x80, s18, s7, $0xb8;
	[tilespmem:$0x1F600] =	vst v63  }
0x2f9: {  	_ =	swait.ge [sflag:s17], $0x3000  }
0x2fa: {  	[sflag:s17] =	ssyncset.done $0x0  }
0x2fb: {  	[sflag:s17] =	ssyncadd.s32 $0xFFFFD000  }
0x2fc: {  	[spmem:s2] =	stream.indirect.scatter.add.f32 [tilespmem:s10], [sflag:$0x5], $0x80, s19, s7, $0xb8;
	[tilespmem:$0x1F600] =	vst v63  }
0x2fd: {  	_ =	swait.ge [sflag:s5], $0x3000  }
0x2fe: {  	[sflag:s5] =	ssyncset.done $0x0  }
0x2ff: {  	[sflag:s5] =	ssyncadd.s32 $0xFFFFD000  }
0x300: {  	[tilespmem:s10], [sflag:$0x2] =	stream.indirect.gather [hbm4b:s1+s7], $0x80, s21, s7, $0xb8;
	[tilespmem:$0x1F600] =	vst v63  }
0x301: {  	_ =	swait.ge [sflag:s20], $0x3000  }
0x302: {  	[sflag:s20] =	ssyncset.done $0x0  }
0x303: {  	[sflag:s20] =	ssyncadd.s32 $0xFFFFD000  }
0x304: {  	[spmem:s2] =	stream.indirect.scatter.add.f32 [tilespmem:s12], [sflag:$0x5], $0x80, s22, s7, $0xb8;
	[tilespmem:$0x1F600] =	vst v63  }
0x305: {  	_ =	swait.ge [sflag:s5], $0x3000  }
0x306: {  	[sflag:s5] =	ssyncset.done $0x0  }
0x307: {  	[sflag:s5] =	ssyncadd.s32 $0xFFFFD000  }
0x308: {  	[tilespmem:s12], [sflag:$0x3] =	stream.indirect.gather [hbm4b:s1+s7], $0x80, s24, s7, $0xb8;
	[tilespmem:$0x1F600] =	vst v63  }
0x309: {  	_ =	swait.ge [sflag:s14], $0x3000  }
0x30a: {  	[sflag:s14] =	ssyncset.done $0x0  }
0x30b: {  	[sflag:s14] =	ssyncadd.s32 $0xFFFFD000  }
0x30c: {  	[spmem:s2] =	stream.indirect.scatter.add.f32 [tilespmem:s8], [sflag:$0x5], $0x80, s25, s7, $0xb8;
	[tilespmem:$0x1F600] =	vst v63  }
0x30d: {  	_ =	swait.ge [sflag:s5], $0x3000  }
0x30e: {  	[sflag:s5] =	ssyncset.done $0x0  }
0x30f: {  	[sflag:s5] =	ssyncadd.s32 $0xFFFFD000  }
0x310: {  	[tilespmem:s8], [sflag:$0x1] =	stream.indirect.gather [hbm4b:s1+s7], $0x80, s26, s7, $0xb8;
	[tilespmem:$0x1F600] =	vst v63  }
0x311: {  	_ =	swait.ge [sflag:s17], $0x3000  }
0x312: {  	[sflag:s17] =	ssyncset.done $0x0  }
0x313: {  	[sflag:s17] =	ssyncadd.s32 $0xFFFFD000  }
0x314: {  	[spmem:s2] =	stream.indirect.scatter.add.f32 [tilespmem:s10], [sflag:$0x5], $0x80, s28, s7, $0xb8;
	[tilespmem:$0x1F600] =	vst v63  }
0x315: {  	_ =	swait.ge [sflag:s5], $0x3000  }
0x316: {  	[sflag:s5] =	ssyncset.done $0x0  }
0x317: {  	[sflag:s5] =	ssyncadd.s32 $0xFFFFD000  }
0x318: {  	[tilespmem:s10], [sflag:$0x2] =	stream.indirect.gather [hbm4b:s1+s7], $0x80, s29, s7, $0xb8;
	[tilespmem:$0x1F600] =	vst v63  }
0x319: {  	_ =	swait.ge [sflag:s20], $0x3000  }
0x31a: {  	[sflag:s20] =	ssyncset.done $0x0  }
0x31b: {  	s21 =	simm.s32 $0x880;
	[sflag:s20] =	ssyncadd.s32 $0xFFFFD000  }
0x31c: {  	[spmem:s2] =	stream.indirect.scatter.add.f32 [tilespmem:s12], [sflag:$0x5], $0x80, s21, s7, $0xb8;
	[tilespmem:$0x1F600] =	vst v63  }
0x31d: {  	_ =	swait.ge [sflag:s5], $0x3000  }
0x31e: {  	[sflag:s5] =	ssyncset.done $0x0  }
0x31f: {  	s22 =	simm.s32 $0xB00;
	[sflag:s5] =	ssyncadd.s32 $0xFFFFD000  }
0x320: {  	[tilespmem:s12], [sflag:$0x3] =	stream.indirect.gather [hbm4b:s1+s7], $0x80, s22, s7, $0xb8;
	[tilespmem:$0x1F600] =	vst v63  }
0x321: {  	_ =	swait.ge [sflag:s14], $0x3000  }
0x322: {  	[sflag:s14] =	ssyncset.done $0x0  }
0x323: {  	s23 =	simm.s32 $0x980;
	[sflag:s14] =	ssyncadd.s32 $0xFFFFD000  }
0x324: {  	[spmem:s2] =	stream.indirect.scatter.add.f32 [tilespmem:s8], [sflag:$0x5], $0x80, s23, s7, $0xb8;
	[tilespmem:$0x1F600] =	vst v63  }
0x325: {  	_ =	swait.ge [sflag:s5], $0x3000  }
0x326: {  	[sflag:s5] =	ssyncset.done $0x0  }
0x327: {  	s24 =	simm.s32 $0xC00;
	[sflag:s5] =	ssyncadd.s32 $0xFFFFD000  }
0x328: {  	[tilespmem:s8], [sflag:$0x1] =	stream.indirect.gather [hbm4b:s1+s7], $0x80, s24, s7, $0xb8;
	[tilespmem:$0x1F600] =	vst v63  }
0x329: {  	_ =	swait.ge [sflag:s17], $0x3000  }
0x32a: {  	[sflag:s17] =	ssyncset.done $0x0  }
0x32b: {  	s25 =	simm.s32 $0xA80;
	[sflag:s17] =	ssyncadd.s32 $0xFFFFD000  }
0x32c: {  	[spmem:s2] =	stream.indirect.scatter.add.f32 [tilespmem:s10], [sflag:$0x5], $0x80, s25, s7, $0xb8;
	[tilespmem:$0x1F600] =	vst v63  }
0x32d: {  	_ =	swait.ge [sflag:s5], $0x3000  }
0x32e: {  	[sflag:s5] =	ssyncset.done $0x0  }
0x32f: {  	s26 =	simm.s32 $0xD00;
	[sflag:s5] =	ssyncadd.s32 $0xFFFFD000  }
0x330: {  	[tilespmem:s10], [sflag:$0x2] =	stream.indirect.gather [hbm4b:s1+s7], $0x80, s26, s7, $0xb8;
	[tilespmem:$0x1F600] =	vst v63  }
0x331: {  	_ =	swait.ge [sflag:s20], $0x3000  }
0x332: {  	[sflag:s20] =	ssyncset.done $0x0  }
0x333: {  	s28 =	simm.s32 $0xB80;
	[sflag:s20] =	ssyncadd.s32 $0xFFFFD000  }
0x334: {  	[spmem:s2] =	stream.indirect.scatter.add.f32 [tilespmem:s12], [sflag:$0x5], $0x80, s28, s7, $0xb8;
	[tilespmem:$0x1F600] =	vst v63  }
0x335: {  	_ =	swait.ge [sflag:s5], $0x3000  }
0x336: {  	[sflag:s5] =	ssyncset.done $0x0  }
0x337: {  	s29 =	simm.s32 $0xE00;
	[sflag:s5] =	ssyncadd.s32 $0xFFFFD000  }
0x338: {  	[tilespmem:s12], [sflag:$0x3] =	stream.indirect.gather [hbm4b:s1+s7], $0x80, s29, s7, $0xb8;
	[tilespmem:$0x1F600] =	vst v63  }
0x339: {  	_ =	swait.ge [sflag:s14], $0x3000  }
0x33a: {  	[sflag:s14] =	ssyncset.done $0x0  }
0x33b: {  	s30 =	simm.s32 $0xC80;
	[sflag:s14] =	ssyncadd.s32 $0xFFFFD000  }
0x33c: {  	[spmem:s2] =	stream.indirect.scatter.add.f32 [tilespmem:s8], [sflag:$0x5], $0x80, s30, s7, $0xb8;
	[tilespmem:$0x1F600] =	vst v63  }
0x33d: {  	_ =	swait.ge [sflag:s5], $0x3000  }
0x33e: {  	[sflag:s5] =	ssyncset.done $0x0  }
0x33f: {  	s31 =	simm.s32 $0xF00;
	[sflag:s5] =	ssyncadd.s32 $0xFFFFD000  }
0x340: {  	[tilespmem:s8], [sflag:$0x1] =	stream.indirect.gather [hbm4b:s1+s7], $0x80, s31, s7, $0xb8;
	[tilespmem:$0x1F600] =	vst v63  }
0x341: {  	_ =	swait.ge [sflag:s17], $0x3000  }
0x342: {  	[sflag:s17] =	ssyncset.done $0x0  }
0x343: {  	s4 =	simm.s32 $0xD80;
	[sflag:s17] =	ssyncadd.s32 $0xFFFFD000  }
0x344: {  	[spmem:s2] =	stream.indirect.scatter.add.f32 [tilespmem:s10], [sflag:$0x5], $0x80, s4, s7, $0xb8;
	[tilespmem:$0x1F600] =	vst v63  }
0x345: {  	_ =	swait.ge [sflag:s5], $0x3000  }
0x346: {  	[sflag:s5] =	ssyncset.done $0x0  }
0x347: {  	s9 =	simm.s32 $0x1000;
	[sflag:s5] =	ssyncadd.s32 $0xFFFFD000  }
0x348: {  	[tilespmem:s10], [sflag:$0x2] =	stream.indirect.gather [hbm4b:s1+s7], $0x80, s9, s7, $0xb8;
	[tilespmem:$0x1F600] =	vst v63  }
0x349: {  	_ =	swait.ge [sflag:s20], $0x3000  }
0x34a: {  	[sflag:s20] =	ssyncset.done $0x0  }
0x34b: {  	s11 =	simm.s32 $0xE80;
	[sflag:s20] =	ssyncadd.s32 $0xFFFFD000  }
0x34c: {  	[spmem:s2] =	stream.indirect.scatter.add.f32 [tilespmem:s12], [sflag:$0x5], $0x80, s11, s7, $0xb8;
	[tilespmem:$0x1F600] =	vst v63  }
0x34d: {  	_ =	swait.ge [sflag:s5], $0x3000  }
0x34e: {  	[sflag:s5] =	ssyncset.done $0x0  }
0x34f: {  	s13 =	simm.s32 $0x1100;
	[sflag:s5] =	ssyncadd.s32 $0xFFFFD000  }
0x350: {  	[tilespmem:s12], [sflag:$0x3] =	stream.indirect.gather [hbm4b:s1+s7], $0x80, s13, s7, $0xb8;
	[tilespmem:$0x1F600] =	vst v63  }
0x351: {  	_ =	swait.ge [sflag:s14], $0x3000  }
0x352: {  	[sflag:s14] =	ssyncset.done $0x0  }
0x353: {  	s15 =	simm.s32 $0xF80;
	[sflag:s14] =	ssyncadd.s32 $0xFFFFD000  }
0x354: {  	[spmem:s2] =	stream.indirect.scatter.add.f32 [tilespmem:s8], [sflag:$0x5], $0x80, s15, s7, $0xb8;
	[tilespmem:$0x1F600] =	vst v63  }
0x355: {  	_ =	swait.ge [sflag:s5], $0x3000  }
0x356: {  	[sflag:s5] =	ssyncset.done $0x0  }
0x357: {  	s16 =	simm.s32 $0x1200;
	[sflag:s5] =	ssyncadd.s32 $0xFFFFD000  }
0x358: {  	[tilespmem:s8], [sflag:$0x1] =	stream.indirect.gather [hbm4b:s1+s7], $0x80, s16, s7, $0xb8;
	[tilespmem:$0x1F600] =	vst v63  }
0x359: {  	_ =	swait.ge [sflag:s17], $0x3000  }
0x35a: {  	[sflag:s17] =	ssyncset.done $0x0  }
0x35b: {  	s18 =	simm.s32 $0x1080;
	[sflag:s17] =	ssyncadd.s32 $0xFFFFD000  }
0x35c: {  	[spmem:s2] =	stream.indirect.scatter.add.f32 [tilespmem:s10], [sflag:$0x5], $0x80, s18, s7, $0xb8;
	[tilespmem:$0x1F600] =	vst v63  }
0x35d: {  	_ =	swait.ge [sflag:s5], $0x3000  }
0x35e: {  	[sflag:s5] =	ssyncset.done $0x0  }
0x35f: {  	s19 =	simm.s32 $0x1300;
	[sflag:s5] =	ssyncadd.s32 $0xFFFFD000  }
0x360: {  	[tilespmem:s10], [sflag:$0x2] =	stream.indirect.gather [hbm4b:s1+s7], $0x80, s19, s7, $0xb8;
	[tilespmem:$0x1F600] =	vst v63  }
0x361: {  	_ =	swait.ge [sflag:s20], $0x3000  }
0x362: {  	[sflag:s20] =	ssyncset.done $0x0  }
0x363: {  	s21 =	simm.s32 $0x1180;
	[sflag:s20] =	ssyncadd.s32 $0xFFFFD000  }
0x364: {  	[spmem:s2] =	stream.indirect.scatter.add.f32 [tilespmem:s12], [sflag:$0x5], $0x80, s21, s7, $0xb8;
	[tilespmem:$0x1F600] =	vst v63  }
0x365: {  	_ =	swait.ge [sflag:s5], $0x3000  }
0x366: {  	[sflag:s5] =	ssyncset.done $0x0  }
0x367: {  	s22 =	simm.s32 $0x1400;
	[sflag:s5] =	ssyncadd.s32 $0xFFFFD000  }
0x368: {  	[tilespmem:s12], [sflag:$0x3] =	stream.indirect.gather [hbm4b:s1+s7], $0x80, s22, s7, $0xb8;
	[tilespmem:$0x1F600] =	vst v63  }
0x369: {  	_ =	swait.ge [sflag:s14], $0x3000  }
0x36a: {  	[sflag:s14] =	ssyncset.done $0x0  }
0x36b: {  	s23 =	simm.s32 $0x1280;
	[sflag:s14] =	ssyncadd.s32 $0xFFFFD000  }
0x36c: {  	[spmem:s2] =	stream.indirect.scatter.add.f32 [tilespmem:s8], [sflag:$0x5], $0x80, s23, s7, $0xb8;
	[tilespmem:$0x1F600] =	vst v63  }
0x36d: {  	_ =	swait.ge [sflag:s5], $0x3000  }
0x36e: {  	[sflag:s5] =	ssyncset.done $0x0  }
0x36f: {  	[sflag:s5] =	ssyncadd.s32 $0xFFFFD000  }
0x370: {  	_ =	swait.ge [sflag:s17], $0x3000  }
0x371: {  	[sflag:s17] =	ssyncset.done $0x0  }
0x372: {  	s24 =	simm.s32 $0x1380;
	[sflag:s17] =	ssyncadd.s32 $0xFFFFD000  }
0x373: {  	[spmem:s2] =	stream.indirect.scatter.add.f32 [tilespmem:s10], [sflag:$0x5], $0x80, s24, s7, $0xb8;
	[tilespmem:$0x1F600] =	vst v63  }
0x374: {  	_ =	swait.ge [sflag:s5], $0x3000  }
0x375: {  	[sflag:s5] =	ssyncset.done $0x0  }
0x376: {  	[sflag:s5] =	ssyncadd.s32 $0xFFFFD000  }
0x377: {  	_ =	swait.ge [sflag:s20], $0x3000  }
0x378: {  	[sflag:s20] =	ssyncset.done $0x0  }
0x379: {  	s25 =	simm.s32 $0x1480;
	[sflag:s20] =	ssyncadd.s32 $0xFFFFD000  }
0x37a: {  	[spmem:s2] =	stream.indirect.scatter.add.f32 [tilespmem:s12], [sflag:$0x5], $0x80, s25, s7, $0xb8;
	[tilespmem:$0x1F600] =	vst v63  }
0x37b: {  	_ =	swait.ge [sflag:s5], $0x3000  }
0x37c: {  	[sflag:s5] =	ssyncset.done $0x0  }
0x37d: {  	[sflag:s5] =	ssyncadd.s32 $0xFFFFD000  }
0x37e: {  	[bflag:$0x0] =	sbarrier.arrive $0xFFFF  }
0x37f: {  	s26 =	rddreg [dreg:$0xa]  }
0x380: {  	s28 =	rddreg [dreg:$0xd]  }
0x381: {  	[hbm:s26], [sflag:s3] =	dma.local [spmem:s28], $0x2700  }
0x382: {  	_ =	swait.ge [sflag:s5], $0x2700;
	[dreg:$0xf] =	wrdreg s3  }
0x383: {  	s22 =	rddreg [dreg:$0xb];
	[sflag:s5] =	ssyncset.done $0x0  }
0x384: {  	s23 =	rddreg [dreg:$0xe];
	[sflag:s5] =	ssyncadd.s32 $0xFFFFD900  }
0x385: {  	[hbm:s22], [sflag:s3] =	dma.local @!p0 [spmem:s23], $0x100  }
0x386: {  	s29 =	rddreg [dreg:$0x10]  }
0x387: {  	s30 =	ssub.s32 $0x2, s29  }
0x388: {  	s31 =	sshrl.u32 s30, $0x1  }
0x389: {  	s22 =	ssub.s32 s30, s31  }
0x38a: {  	s22 =	smax.u32 s22, $0x1  }
0x38b: {  	s23 =	sadd.s32 $0xFFFFFFFF, s22  }
0x38c: {  	p1 =	sne.s32 s23, $0x0  }
.Ltmp0:
0x38d: {  	_ = 	snop;
	(pc) =	sbr.rel @!p1 .LBB2_3-.Ltmp0, $3  }
0x38e: {  	_ =	sdelay $0x1  }
0x38f: {  	s0 =	simm.s32 @!p0 $0x5  }
0x390: {  	_ =	swait.ge @!p0 [sflag:s0], $0x100  }
0x391: {  	s13 =	simm.s32 $0x1800;
	s15 =	simm.s32 $0x1680  }
0x392: {  	s16 =	simm.s32 $0x1900;
	s18 =	simm.s32 $0x1780;
	s19 =	simm.s32 $0x1A00  }
0x393: {  	s21 =	simm.s32 $0x1880;
	s26 =	simm.s32 $0x1980;
	s28 =	simm.s32 $0x1C00  }
0x394: {  	s29 =	simm.s32 $0x1A80;
	s30 =	simm.s32 $0x1D00;
	s31 =	simm.s32 $0x1B80  }
.LBB2_2:
0x395: {  	s24 =	rddreg [dreg:$0xc]  }
0x396: {  	[sflag:s0] =	ssyncset.done @!p0 $0x0;
	s25 =	rddreg [dreg:$0x4]  }
0x397: {  	s3 =	rddreg [dreg:$0xf];
	[sflag:s0] =	ssyncadd.s32 @!p0 $0xFFFFFF00  }
0x398: {  	[spmem:s24], [sflag:s3] =	dma.local [hbm:s25], $0x2780  }
0x399: {  	_ =	swait.ge [sflag:s5], $0x2780  }
0x39a: {  	[sflag:s5] =	ssyncset.done $0x0  }
0x39b: {  	[sflag:s5] =	ssyncadd.s32 $0xFFFFD880  }
0x39c: {  	[bflag:$0x0] =	sbarrier.arrive $0xFFFF  }
0x39d: {  	s0 =	simm.s32 $0x0;
	s22 =	rddreg [dreg:$0x5]  }
0x39e: {  	[tilespmem:s0], [sflag:$0x4] =	stream.linear.gather [hbm4b:s22+s0], $0x1500, $0x38;
	[tilespmem:$0x1F600] =	vst v63  }
0x39f: {  	_ =	swait.ge [sflag:s6], $0x1500  }
0x3a0: {  	[sflag:s6] =	ssyncset.done $0x0  }
0x3a1: {  	[sflag:s6] =	ssyncadd.s32 $0xFFFFEB00  }
0x3a2: {  	[tilespmem:s8], [sflag:$0x1] =	stream.indirect.gather [hbm4b:s1+s7], $0x80, s0, s7, $0xb8;
	[tilespmem:$0x1F600] =	vst v63  }
0x3a3: {  	s4 =	simm.s32 $0x100  }
0x3a4: {  	[tilespmem:s10], [sflag:$0x2] =	stream.indirect.gather [hbm4b:s1+s7], $0x80, s4, s7, $0xb8;
	[tilespmem:$0x1F600] =	vst v63  }
0x3a5: {  	s9 =	simm.s32 $0x200  }
0x3a6: {  	[tilespmem:s12], [sflag:$0x3] =	stream.indirect.gather [hbm4b:s1+s7], $0x80, s9, s7, $0xb8;
	[tilespmem:$0x1F600] =	vst v63  }
0x3a7: {  	s22 =	simm.s32 $0x1500;
	s25 =	rddreg [dreg:$0x6]  }
0x3a8: {  	[tilespmem:s22], [sflag:$0x4] =	stream.linear.gather [hbm4b:s25+s0], $0x1500, $0x38;
	[tilespmem:$0x1F600] =	vst v63  }
0x3a9: {  	_ =	swait.ge [sflag:s14], $0x3000  }
0x3aa: {  	[sflag:s14] =	ssyncset.done $0x0  }
0x3ab: {  	s11 =	simm.s32 $0x80;
	[sflag:s14] =	ssyncadd.s32 $0xFFFFD000  }
0x3ac: {  	[spmem:s2] =	stream.indirect.scatter.add.f32 [tilespmem:s8], [sflag:$0x5], $0x80, s11, s7, $0xb8;
	[tilespmem:$0x1F600] =	vst v63  }
0x3ad: {  	_ =	swait.ge [sflag:s5], $0x3000  }
0x3ae: {  	[sflag:s5] =	ssyncset.done $0x0  }
0x3af: {  	s24 =	simm.s32 $0x300;
	[sflag:s5] =	ssyncadd.s32 $0xFFFFD000  }
0x3b0: {  	[tilespmem:s8], [sflag:$0x1] =	stream.indirect.gather [hbm4b:s1+s7], $0x80, s24, s7, $0xb8;
	[tilespmem:$0x1F600] =	vst v63  }
0x3b1: {  	_ =	swait.ge [sflag:s17], $0x3000  }
0x3b2: {  	[sflag:s17] =	ssyncset.done $0x0  }
0x3b3: {  	s25 =	simm.s32 $0x180;
	[sflag:s17] =	ssyncadd.s32 $0xFFFFD000  }
0x3b4: {  	[spmem:s2] =	stream.indirect.scatter.add.f32 [tilespmem:s10], [sflag:$0x5], $0x80, s25, s7, $0xb8;
	[tilespmem:$0x1F600] =	vst v63  }
0x3b5: {  	_ =	swait.ge [sflag:s5], $0x3000  }
0x3b6: {  	[sflag:s5] =	ssyncset.done $0x0  }
0x3b7: {  	s9 =	simm.s32 $0x400;
	[sflag:s5] =	ssyncadd.s32 $0xFFFFD000  }
0x3b8: {  	[tilespmem:s10], [sflag:$0x2] =	stream.indirect.gather [hbm4b:s1+s7], $0x80, s9, s7, $0xb8;
	[tilespmem:$0x1F600] =	vst v63  }
0x3b9: {  	_ =	swait.ge [sflag:s20], $0x3000  }
0x3ba: {  	[sflag:s20] =	ssyncset.done $0x0  }
0x3bb: {  	s11 =	simm.s32 $0x280;
	[sflag:s20] =	ssyncadd.s32 $0xFFFFD000  }
0x3bc: {  	[spmem:s2] =	stream.indirect.scatter.add.f32 [tilespmem:s12], [sflag:$0x5], $0x80, s11, s7, $0xb8;
	[tilespmem:$0x1F600] =	vst v63  }
0x3bd: {  	_ =	swait.ge [sflag:s5], $0x3000  }
0x3be: {  	[sflag:s5] =	ssyncset.done $0x0  }
0x3bf: {  	s24 =	simm.s32 $0x500;
	[sflag:s5] =	ssyncadd.s32 $0xFFFFD000  }
0x3c0: {  	[tilespmem:s12], [sflag:$0x3] =	stream.indirect.gather [hbm4b:s1+s7], $0x80, s24, s7, $0xb8;
	[tilespmem:$0x1F600] =	vst v63  }
0x3c1: {  	_ =	swait.ge [sflag:s14], $0x3000  }
0x3c2: {  	[sflag:s14] =	ssyncset.done $0x0  }
0x3c3: {  	s25 =	simm.s32 $0x380;
	[sflag:s14] =	ssyncadd.s32 $0xFFFFD000  }
0x3c4: {  	[spmem:s2] =	stream.indirect.scatter.add.f32 [tilespmem:s8], [sflag:$0x5], $0x80, s25, s7, $0xb8;
	[tilespmem:$0x1F600] =	vst v63  }
0x3c5: {  	_ =	swait.ge [sflag:s5], $0x3000  }
0x3c6: {  	[sflag:s5] =	ssyncset.done $0x0  }
0x3c7: {  	s9 =	simm.s32 $0x600;
	[sflag:s5] =	ssyncadd.s32 $0xFFFFD000  }
0x3c8: {  	[tilespmem:s8], [sflag:$0x1] =	stream.indirect.gather [hbm4b:s1+s7], $0x80, s9, s7, $0xb8;
	[tilespmem:$0x1F600] =	vst v63  }
0x3c9: {  	_ =	swait.ge [sflag:s17], $0x3000  }
0x3ca: {  	[sflag:s17] =	ssyncset.done $0x0  }
0x3cb: {  	s11 =	simm.s32 $0x480;
	[sflag:s17] =	ssyncadd.s32 $0xFFFFD000  }
0x3cc: {  	[spmem:s2] =	stream.indirect.scatter.add.f32 [tilespmem:s10], [sflag:$0x5], $0x80, s11, s7, $0xb8;
	[tilespmem:$0x1F600] =	vst v63  }
0x3cd: {  	_ =	swait.ge [sflag:s5], $0x3000  }
0x3ce: {  	[sflag:s5] =	ssyncset.done $0x0  }
0x3cf: {  	s24 =	simm.s32 $0x700;
	[sflag:s5] =	ssyncadd.s32 $0xFFFFD000  }
0x3d0: {  	[tilespmem:s10], [sflag:$0x2] =	stream.indirect.gather [hbm4b:s1+s7], $0x80, s24, s7, $0xb8;
	[tilespmem:$0x1F600] =	vst v63  }
0x3d1: {  	_ =	swait.ge [sflag:s20], $0x3000  }
0x3d2: {  	[sflag:s20] =	ssyncset.done $0x0  }
0x3d3: {  	s25 =	simm.s32 $0x580;
	[sflag:s20] =	ssyncadd.s32 $0xFFFFD000  }
0x3d4: {  	[spmem:s2] =	stream.indirect.scatter.add.f32 [tilespmem:s12], [sflag:$0x5], $0x80, s25, s7, $0xb8;
	[tilespmem:$0x1F600] =	vst v63  }
0x3d5: {  	_ =	swait.ge [sflag:s5], $0x3000  }
0x3d6: {  	[sflag:s5] =	ssyncset.done $0x0  }
0x3d7: {  	s9 =	simm.s32 $0x800;
	[sflag:s5] =	ssyncadd.s32 $0xFFFFD000  }
0x3d8: {  	[tilespmem:s12], [sflag:$0x3] =	stream.indirect.gather [hbm4b:s1+s7], $0x80, s9, s7, $0xb8;
	[tilespmem:$0x1F600] =	vst v63  }
0x3d9: {  	_ =	swait.ge [sflag:s14], $0x3000  }
0x3da: {  	[sflag:s14] =	ssyncset.done $0x0  }
0x3db: {  	s11 =	simm.s32 $0x680;
	[sflag:s14] =	ssyncadd.s32 $0xFFFFD000  }
0x3dc: {  	[spmem:s2] =	stream.indirect.scatter.add.f32 [tilespmem:s8], [sflag:$0x5], $0x80, s11, s7, $0xb8;
	[tilespmem:$0x1F600] =	vst v63  }
0x3dd: {  	_ =	swait.ge [sflag:s5], $0x3000  }
0x3de: {  	[sflag:s5] =	ssyncset.done $0x0  }
0x3df: {  	s24 =	simm.s32 $0x900;
	[sflag:s5] =	ssyncadd.s32 $0xFFFFD000  }
0x3e0: {  	[tilespmem:s8], [sflag:$0x1] =	stream.indirect.gather [hbm4b:s1+s7], $0x80, s24, s7, $0xb8;
	[tilespmem:$0x1F600] =	vst v63  }
0x3e1: {  	_ =	swait.ge [sflag:s17], $0x3000  }
0x3e2: {  	[sflag:s17] =	ssyncset.done $0x0  }
0x3e3: {  	s25 =	simm.s32 $0x780;
	[sflag:s17] =	ssyncadd.s32 $0xFFFFD000  }
0x3e4: {  	[spmem:s2] =	stream.indirect.scatter.add.f32 [tilespmem:s10], [sflag:$0x5], $0x80, s25, s7, $0xb8;
	[tilespmem:$0x1F600] =	vst v63  }
0x3e5: {  	_ =	swait.ge [sflag:s5], $0x3000  }
0x3e6: {  	[sflag:s5] =	ssyncset.done $0x0  }
0x3e7: {  	s9 =	simm.s32 $0xA00;
	[sflag:s5] =	ssyncadd.s32 $0xFFFFD000  }
0x3e8: {  	[tilespmem:s10], [sflag:$0x2] =	stream.indirect.gather [hbm4b:s1+s7], $0x80, s9, s7, $0xb8;
	[tilespmem:$0x1F600] =	vst v63  }
0x3e9: {  	_ =	swait.ge [sflag:s20], $0x3000  }
0x3ea: {  	[sflag:s20] =	ssyncset.done $0x0  }
0x3eb: {  	s11 =	simm.s32 $0x880;
	[sflag:s20] =	ssyncadd.s32 $0xFFFFD000  }
0x3ec: {  	[spmem:s2] =	stream.indirect.scatter.add.f32 [tilespmem:s12], [sflag:$0x5], $0x80, s11, s7, $0xb8;
	[tilespmem:$0x1F600] =	vst v63  }
0x3ed: {  	_ =	swait.ge [sflag:s5], $0x3000  }
0x3ee: {  	[sflag:s5] =	ssyncset.done $0x0  }
0x3ef: {  	s24 =	simm.s32 $0xB00;
	[sflag:s5] =	ssyncadd.s32 $0xFFFFD000  }
0x3f0: {  	[tilespmem:s12], [sflag:$0x3] =	stream.indirect.gather [hbm4b:s1+s7], $0x80, s24, s7, $0xb8;
	[tilespmem:$0x1F600] =	vst v63  }
0x3f1: {  	_ =	swait.ge [sflag:s14], $0x3000  }
0x3f2: {  	[sflag:s14] =	ssyncset.done $0x0  }
0x3f3: {  	s25 =	simm.s32 $0x980;
	[sflag:s14] =	ssyncadd.s32 $0xFFFFD000  }
0x3f4: {  	[spmem:s2] =	stream.indirect.scatter.add.f32 [tilespmem:s8], [sflag:$0x5], $0x80, s25, s7, $0xb8;
	[tilespmem:$0x1F600] =	vst v63  }
0x3f5: {  	_ =	swait.ge [sflag:s5], $0x3000  }
0x3f6: {  	[sflag:s5] =	ssyncset.done $0x0  }
0x3f7: {  	s9 =	simm.s32 $0xC00;
	[sflag:s5] =	ssyncadd.s32 $0xFFFFD000  }
0x3f8: {  	[tilespmem:s8], [sflag:$0x1] =	stream.indirect.gather [hbm4b:s1+s7], $0x80, s9, s7, $0xb8;
	[tilespmem:$0x1F600] =	vst v63  }
0x3f9: {  	_ =	swait.ge [sflag:s17], $0x3000  }
0x3fa: {  	[sflag:s17] =	ssyncset.done $0x0  }
0x3fb: {  	s11 =	simm.s32 $0xA80;
	[sflag:s17] =	ssyncadd.s32 $0xFFFFD000  }
0x3fc: {  	[spmem:s2] =	stream.indirect.scatter.add.f32 [tilespmem:s10], [sflag:$0x5], $0x80, s11, s7, $0xb8;
	[tilespmem:$0x1F600] =	vst v63  }
0x3fd: {  	_ =	swait.ge [sflag:s5], $0x3000  }
0x3fe: {  	[sflag:s5] =	ssyncset.done $0x0  }
0x3ff: {  	s24 =	simm.s32 $0xD00;
	[sflag:s5] =	ssyncadd.s32 $0xFFFFD000  }
0x400: {  	[tilespmem:s10], [sflag:$0x2] =	stream.indirect.gather [hbm4b:s1+s7], $0x80, s24, s7, $0xb8;
	[tilespmem:$0x1F600] =	vst v63  }
0x401: {  	_ =	swait.ge [sflag:s20], $0x3000  }
0x402: {  	[sflag:s20] =	ssyncset.done $0x0  }
0x403: {  	s25 =	simm.s32 $0xB80;
	[sflag:s20] =	ssyncadd.s32 $0xFFFFD000  }
0x404: {  	[spmem:s2] =	stream.indirect.scatter.add.f32 [tilespmem:s12], [sflag:$0x5], $0x80, s25, s7, $0xb8;
	[tilespmem:$0x1F600] =	vst v63  }
0x405: {  	_ =	swait.ge [sflag:s5], $0x3000  }
0x406: {  	[sflag:s5] =	ssyncset.done $0x0  }
0x407: {  	s9 =	simm.s32 $0xE00;
	[sflag:s5] =	ssyncadd.s32 $0xFFFFD000  }
0x408: {  	[tilespmem:s12], [sflag:$0x3] =	stream.indirect.gather [hbm4b:s1+s7], $0x80, s9, s7, $0xb8;
	[tilespmem:$0x1F600] =	vst v63  }
0x409: {  	_ =	swait.ge [sflag:s14], $0x3000  }
0x40a: {  	[sflag:s14] =	ssyncset.done $0x0  }
0x40b: {  	s11 =	simm.s32 $0xC80;
	[sflag:s14] =	ssyncadd.s32 $0xFFFFD000  }
0x40c: {  	[spmem:s2] =	stream.indirect.scatter.add.f32 [tilespmem:s8], [sflag:$0x5], $0x80, s11, s7, $0xb8;
	[tilespmem:$0x1F600] =	vst v63  }
0x40d: {  	_ =	swait.ge [sflag:s5], $0x3000  }
0x40e: {  	[sflag:s5] =	ssyncset.done $0x0  }
0x40f: {  	s24 =	simm.s32 $0xF00;
	[sflag:s5] =	ssyncadd.s32 $0xFFFFD000  }
0x410: {  	[tilespmem:s8], [sflag:$0x1] =	stream.indirect.gather [hbm4b:s1+s7], $0x80, s24, s7, $0xb8;
	[tilespmem:$0x1F600] =	vst v63  }
0x411: {  	_ =	swait.ge [sflag:s17], $0x3000  }
0x412: {  	[sflag:s17] =	ssyncset.done $0x0  }
0x413: {  	s25 =	simm.s32 $0xD80;
	[sflag:s17] =	ssyncadd.s32 $0xFFFFD000  }
0x414: {  	[spmem:s2] =	stream.indirect.scatter.add.f32 [tilespmem:s10], [sflag:$0x5], $0x80, s25, s7, $0xb8;
	[tilespmem:$0x1F600] =	vst v63  }
0x415: {  	_ =	swait.ge [sflag:s5], $0x3000  }
0x416: {  	[sflag:s5] =	ssyncset.done $0x0  }
0x417: {  	s9 =	simm.s32 $0x1000;
	[sflag:s5] =	ssyncadd.s32 $0xFFFFD000  }
0x418: {  	[tilespmem:s10], [sflag:$0x2] =	stream.indirect.gather [hbm4b:s1+s7], $0x80, s9, s7, $0xb8;
	[tilespmem:$0x1F600] =	vst v63  }
0x419: {  	_ =	swait.ge [sflag:s20], $0x3000  }
0x41a: {  	[sflag:s20] =	ssyncset.done $0x0  }
0x41b: {  	s11 =	simm.s32 $0xE80;
	[sflag:s20] =	ssyncadd.s32 $0xFFFFD000  }
0x41c: {  	[spmem:s2] =	stream.indirect.scatter.add.f32 [tilespmem:s12], [sflag:$0x5], $0x80, s11, s7, $0xb8;
	[tilespmem:$0x1F600] =	vst v63  }
0x41d: {  	_ =	swait.ge [sflag:s5], $0x3000  }
0x41e: {  	[sflag:s5] =	ssyncset.done $0x0  }
0x41f: {  	s24 =	simm.s32 $0x1100;
	[sflag:s5] =	ssyncadd.s32 $0xFFFFD000  }
0x420: {  	[tilespmem:s12], [sflag:$0x3] =	stream.indirect.gather [hbm4b:s1+s7], $0x80, s24, s7, $0xb8;
	[tilespmem:$0x1F600] =	vst v63  }
0x421: {  	_ =	swait.ge [sflag:s14], $0x3000  }
0x422: {  	[sflag:s14] =	ssyncset.done $0x0  }
0x423: {  	s25 =	simm.s32 $0xF80;
	[sflag:s14] =	ssyncadd.s32 $0xFFFFD000  }
0x424: {  	[spmem:s2] =	stream.indirect.scatter.add.f32 [tilespmem:s8], [sflag:$0x5], $0x80, s25, s7, $0xb8;
	[tilespmem:$0x1F600] =	vst v63  }
0x425: {  	_ =	swait.ge [sflag:s5], $0x3000  }
0x426: {  	[sflag:s5] =	ssyncset.done $0x0  }
0x427: {  	s9 =	simm.s32 $0x1200;
	[sflag:s5] =	ssyncadd.s32 $0xFFFFD000  }
0x428: {  	[tilespmem:s8], [sflag:$0x1] =	stream.indirect.gather [hbm4b:s1+s7], $0x80, s9, s7, $0xb8;
	[tilespmem:$0x1F600] =	vst v63  }
0x429: {  	_ =	swait.ge [sflag:s17], $0x3000  }
0x42a: {  	[sflag:s17] =	ssyncset.done $0x0  }
0x42b: {  	s11 =	simm.s32 $0x1080;
	[sflag:s17] =	ssyncadd.s32 $0xFFFFD000  }
0x42c: {  	[spmem:s2] =	stream.indirect.scatter.add.f32 [tilespmem:s10], [sflag:$0x5], $0x80, s11, s7, $0xb8;
	[tilespmem:$0x1F600] =	vst v63  }
0x42d: {  	_ =	swait.ge [sflag:s5], $0x3000  }
0x42e: {  	[sflag:s5] =	ssyncset.done $0x0  }
0x42f: {  	s24 =	simm.s32 $0x1300;
	[sflag:s5] =	ssyncadd.s32 $0xFFFFD000  }
0x430: {  	[tilespmem:s10], [sflag:$0x2] =	stream.indirect.gather [hbm4b:s1+s7], $0x80, s24, s7, $0xb8;
	[tilespmem:$0x1F600] =	vst v63  }
0x431: {  	_ =	swait.ge [sflag:s20], $0x3000  }
0x432: {  	[sflag:s20] =	ssyncset.done $0x0  }
0x433: {  	s25 =	simm.s32 $0x1180;
	[sflag:s20] =	ssyncadd.s32 $0xFFFFD000  }
0x434: {  	[spmem:s2] =	stream.indirect.scatter.add.f32 [tilespmem:s12], [sflag:$0x5], $0x80, s25, s7, $0xb8;
	[tilespmem:$0x1F600] =	vst v63  }
0x435: {  	_ =	swait.ge [sflag:s5], $0x3000  }
0x436: {  	[sflag:s5] =	ssyncset.done $0x0  }
0x437: {  	s9 =	simm.s32 $0x1400;
	[sflag:s5] =	ssyncadd.s32 $0xFFFFD000  }
0x438: {  	[tilespmem:s12], [sflag:$0x3] =	stream.indirect.gather [hbm4b:s1+s7], $0x80, s9, s7, $0xb8;
	[tilespmem:$0x1F600] =	vst v63  }
0x439: {  	_ =	swait.ge [sflag:s14], $0x3000  }
0x43a: {  	[sflag:s14] =	ssyncset.done $0x0  }
0x43b: {  	s11 =	simm.s32 $0x1280;
	[sflag:s14] =	ssyncadd.s32 $0xFFFFD000  }
0x43c: {  	[spmem:s2] =	stream.indirect.scatter.add.f32 [tilespmem:s8], [sflag:$0x5], $0x80, s11, s7, $0xb8;
	[tilespmem:$0x1F600] =	vst v63  }
0x43d: {  	_ =	swait.ge [sflag:s5], $0x3000  }
0x43e: {  	[sflag:s5] =	ssyncset.done $0x0  }
0x43f: {  	[sflag:s5] =	ssyncadd.s32 $0xFFFFD000  }
0x440: {  	_ =	swait.ge [sflag:s6], $0x1500  }
0x441: {  	[sflag:s6] =	ssyncset.done $0x0  }
0x442: {  	[sflag:s6] =	ssyncadd.s32 $0xFFFFEB00  }
0x443: {  	[tilespmem:s8], [sflag:$0x1] =	stream.indirect.gather [hbm4b:s1+s7], $0x80, s22, s7, $0xb8;
	[tilespmem:$0x1F600] =	vst v63  }
0x444: {  	_ =	swait.ge [sflag:s17], $0x3000  }
0x445: {  	[sflag:s17] =	ssyncset.done $0x0  }
0x446: {  	s24 =	simm.s32 $0x1380;
	[sflag:s17] =	ssyncadd.s32 $0xFFFFD000  }
0x447: {  	[spmem:s2] =	stream.indirect.scatter.add.f32 [tilespmem:s10], [sflag:$0x5], $0x80, s24, s7, $0xb8;
	[tilespmem:$0x1F600] =	vst v63  }
0x448: {  	_ =	swait.ge [sflag:s5], $0x3000  }
0x449: {  	[sflag:s5] =	ssyncset.done $0x0  }
0x44a: {  	s25 =	simm.s32 $0x1600;
	[sflag:s5] =	ssyncadd.s32 $0xFFFFD000  }
0x44b: {  	[tilespmem:s10], [sflag:$0x2] =	stream.indirect.gather [hbm4b:s1+s7], $0x80, s25, s7, $0xb8;
	[tilespmem:$0x1F600] =	vst v63  }
0x44c: {  	_ =	swait.ge [sflag:s20], $0x3000  }
0x44d: {  	[sflag:s20] =	ssyncset.done $0x0  }
0x44e: {  	s9 =	simm.s32 $0x1480;
	[sflag:s20] =	ssyncadd.s32 $0xFFFFD000  }
0x44f: {  	[spmem:s2] =	stream.indirect.scatter.add.f32 [tilespmem:s12], [sflag:$0x5], $0x80, s9, s7, $0xb8;
	[tilespmem:$0x1F600] =	vst v63  }
0x450: {  	_ =	swait.ge [sflag:s5], $0x3000  }
0x451: {  	[sflag:s5] =	ssyncset.done $0x0  }
0x452: {  	s25 =	simm.s32 $0x1700;
	[sflag:s5] =	ssyncadd.s32 $0xFFFFD000  }
0x453: {  	[tilespmem:s12], [sflag:$0x3] =	stream.indirect.gather [hbm4b:s1+s7], $0x80, s25, s7, $0xb8;
	[tilespmem:$0x1F600] =	vst v63  }
0x454: {  	s11 =	rddreg [dreg:$0x7]  }
0x455: {  	[tilespmem:s0], [sflag:$0x4] =	stream.linear.gather [hbm4b:s11+s0], $0x1500, $0x38;
	[tilespmem:$0x1F600] =	vst v63  }
0x456: {  	_ =	swait.ge [sflag:s14], $0x3000  }
0x457: {  	[sflag:s14] =	ssyncset.done $0x0  }
0x458: {  	s9 =	simm.s32 $0x1580;
	[sflag:s14] =	ssyncadd.s32 $0xFFFFD000  }
0x459: {  	[spmem:s2] =	stream.indirect.scatter.add.f32 [tilespmem:s8], [sflag:$0x5], $0x80, s9, s7, $0xb8;
	[tilespmem:$0x1F600] =	vst v63  }
0x45a: {  	_ =	swait.ge [sflag:s5], $0x3000  }
0x45b: {  	[sflag:s5] =	ssyncset.done $0x0  }
0x45c: {  	[sflag:s5] =	ssyncadd.s32 $0xFFFFD000  }
0x45d: {  	[tilespmem:s8], [sflag:$0x1] =	stream.indirect.gather [hbm4b:s1+s7], $0x80, s13, s7, $0xb8;
	[tilespmem:$0x1F600] =	vst v63  }
0x45e: {  	_ =	swait.ge [sflag:s17], $0x3000  }
0x45f: {  	[sflag:s17] =	ssyncset.done $0x0  }
0x460: {  	[sflag:s17] =	ssyncadd.s32 $0xFFFFD000  }
0x461: {  	[spmem:s2] =	stream.indirect.scatter.add.f32 [tilespmem:s10], [sflag:$0x5], $0x80, s15, s7, $0xb8;
	[tilespmem:$0x1F600] =	vst v63  }
0x462: {  	_ =	swait.ge [sflag:s5], $0x3000  }
0x463: {  	[sflag:s5] =	ssyncset.done $0x0  }
0x464: {  	[sflag:s5] =	ssyncadd.s32 $0xFFFFD000  }
0x465: {  	[tilespmem:s10], [sflag:$0x2] =	stream.indirect.gather [hbm4b:s1+s7], $0x80, s16, s7, $0xb8;
	[tilespmem:$0x1F600] =	vst v63  }
0x466: {  	_ =	swait.ge [sflag:s20], $0x3000  }
0x467: {  	[sflag:s20] =	ssyncset.done $0x0  }
0x468: {  	[sflag:s20] =	ssyncadd.s32 $0xFFFFD000  }
0x469: {  	[spmem:s2] =	stream.indirect.scatter.add.f32 [tilespmem:s12], [sflag:$0x5], $0x80, s18, s7, $0xb8;
	[tilespmem:$0x1F600] =	vst v63  }
0x46a: {  	_ =	swait.ge [sflag:s5], $0x3000  }
0x46b: {  	[sflag:s5] =	ssyncset.done $0x0  }
0x46c: {  	[sflag:s5] =	ssyncadd.s32 $0xFFFFD000  }
0x46d: {  	[tilespmem:s12], [sflag:$0x3] =	stream.indirect.gather [hbm4b:s1+s7], $0x80, s19, s7, $0xb8;
	[tilespmem:$0x1F600] =	vst v63  }
0x46e: {  	_ =	swait.ge [sflag:s14], $0x3000  }
0x46f: {  	[sflag:s14] =	ssyncset.done $0x0  }
0x470: {  	[sflag:s14] =	ssyncadd.s32 $0xFFFFD000  }
0x471: {  	[spmem:s2] =	stream.indirect.scatter.add.f32 [tilespmem:s8], [sflag:$0x5], $0x80, s21, s7, $0xb8;
	[tilespmem:$0x1F600] =	vst v63  }
0x472: {  	_ =	swait.ge [sflag:s5], $0x3000  }
0x473: {  	[sflag:s5] =	ssyncset.done $0x0  }
0x474: {  	s25 =	simm.s32 $0x1B00;
	[sflag:s5] =	ssyncadd.s32 $0xFFFFD000  }
0x475: {  	[tilespmem:s8], [sflag:$0x1] =	stream.indirect.gather [hbm4b:s1+s7], $0x80, s25, s7, $0xb8;
	[tilespmem:$0x1F600] =	vst v63  }
0x476: {  	_ =	swait.ge [sflag:s17], $0x3000  }
0x477: {  	[sflag:s17] =	ssyncset.done $0x0  }
0x478: {  	[sflag:s17] =	ssyncadd.s32 $0xFFFFD000  }
0x479: {  	[spmem:s2] =	stream.indirect.scatter.add.f32 [tilespmem:s10], [sflag:$0x5], $0x80, s26, s7, $0xb8;
	[tilespmem:$0x1F600] =	vst v63  }
0x47a: {  	_ =	swait.ge [sflag:s5], $0x3000  }
0x47b: {  	[sflag:s5] =	ssyncset.done $0x0  }
0x47c: {  	[sflag:s5] =	ssyncadd.s32 $0xFFFFD000  }
0x47d: {  	[tilespmem:s10], [sflag:$0x2] =	stream.indirect.gather [hbm4b:s1+s7], $0x80, s28, s7, $0xb8;
	[tilespmem:$0x1F600] =	vst v63  }
0x47e: {  	_ =	swait.ge [sflag:s20], $0x3000  }
0x47f: {  	[sflag:s20] =	ssyncset.done $0x0  }
0x480: {  	[sflag:s20] =	ssyncadd.s32 $0xFFFFD000  }
0x481: {  	[spmem:s2] =	stream.indirect.scatter.add.f32 [tilespmem:s12], [sflag:$0x5], $0x80, s29, s7, $0xb8;
	[tilespmem:$0x1F600] =	vst v63  }
0x482: {  	_ =	swait.ge [sflag:s5], $0x3000  }
0x483: {  	[sflag:s5] =	ssyncset.done $0x0  }
0x484: {  	[sflag:s5] =	ssyncadd.s32 $0xFFFFD000  }
0x485: {  	[tilespmem:s12], [sflag:$0x3] =	stream.indirect.gather [hbm4b:s1+s7], $0x80, s30, s7, $0xb8;
	[tilespmem:$0x1F600] =	vst v63  }
0x486: {  	_ =	swait.ge [sflag:s14], $0x3000  }
0x487: {  	[sflag:s14] =	ssyncset.done $0x0  }
0x488: {  	[sflag:s14] =	ssyncadd.s32 $0xFFFFD000  }
0x489: {  	[spmem:s2] =	stream.indirect.scatter.add.f32 [tilespmem:s8], [sflag:$0x5], $0x80, s31, s7, $0xb8;
	[tilespmem:$0x1F600] =	vst v63  }
0x48a: {  	_ =	swait.ge [sflag:s5], $0x3000  }
0x48b: {  	[sflag:s5] =	ssyncset.done $0x0  }
0x48c: {  	s11 =	simm.s32 $0x1E00;
	[sflag:s5] =	ssyncadd.s32 $0xFFFFD000  }
0x48d: {  	[tilespmem:s8], [sflag:$0x1] =	stream.indirect.gather [hbm4b:s1+s7], $0x80, s11, s7, $0xb8;
	[tilespmem:$0x1F600] =	vst v63  }
0x48e: {  	_ =	swait.ge [sflag:s17], $0x3000  }
0x48f: {  	[sflag:s17] =	ssyncset.done $0x0  }
0x490: {  	s24 =	simm.s32 $0x1C80;
	[sflag:s17] =	ssyncadd.s32 $0xFFFFD000  }
0x491: {  	[spmem:s2] =	stream.indirect.scatter.add.f32 [tilespmem:s10], [sflag:$0x5], $0x80, s24, s7, $0xb8;
	[tilespmem:$0x1F600] =	vst v63  }
0x492: {  	_ =	swait.ge [sflag:s5], $0x3000  }
0x493: {  	[sflag:s5] =	ssyncset.done $0x0  }
0x494: {  	s9 =	simm.s32 $0x1F00;
	[sflag:s5] =	ssyncadd.s32 $0xFFFFD000  }
0x495: {  	[tilespmem:s10], [sflag:$0x2] =	stream.indirect.gather [hbm4b:s1+s7], $0x80, s9, s7, $0xb8;
	[tilespmem:$0x1F600] =	vst v63  }
0x496: {  	_ =	swait.ge [sflag:s20], $0x3000  }
0x497: {  	[sflag:s20] =	ssyncset.done $0x0  }
0x498: {  	s11 =	simm.s32 $0x1D80;
	[sflag:s20] =	ssyncadd.s32 $0xFFFFD000  }
0x499: {  	[spmem:s2] =	stream.indirect.scatter.add.f32 [tilespmem:s12], [sflag:$0x5], $0x80, s11, s7, $0xb8;
	[tilespmem:$0x1F600] =	vst v63  }
0x49a: {  	_ =	swait.ge [sflag:s5], $0x3000  }
0x49b: {  	[sflag:s5] =	ssyncset.done $0x0  }
0x49c: {  	s24 =	simm.s32 $0x2000;
	[sflag:s5] =	ssyncadd.s32 $0xFFFFD000  }
0x49d: {  	[tilespmem:s12], [sflag:$0x3] =	stream.indirect.gather [hbm4b:s1+s7], $0x80, s24, s7, $0xb8;
	[tilespmem:$0x1F600] =	vst v63  }
0x49e: {  	_ =	swait.ge [sflag:s14], $0x3000  }
0x49f: {  	[sflag:s14] =	ssyncset.done $0x0  }
0x4a0: {  	s9 =	simm.s32 $0x1E80;
	[sflag:s14] =	ssyncadd.s32 $0xFFFFD000  }
0x4a1: {  	[spmem:s2] =	stream.indirect.scatter.add.f32 [tilespmem:s8], [sflag:$0x5], $0x80, s9, s7, $0xb8;
	[tilespmem:$0x1F600] =	vst v63  }
0x4a2: {  	_ =	swait.ge [sflag:s5], $0x3000  }
0x4a3: {  	[sflag:s5] =	ssyncset.done $0x0  }
0x4a4: {  	s11 =	simm.s32 $0x2100;
	[sflag:s5] =	ssyncadd.s32 $0xFFFFD000  }
0x4a5: {  	[tilespmem:s8], [sflag:$0x1] =	stream.indirect.gather [hbm4b:s1+s7], $0x80, s11, s7, $0xb8;
	[tilespmem:$0x1F600] =	vst v63  }
0x4a6: {  	_ =	swait.ge [sflag:s17], $0x3000  }
0x4a7: {  	[sflag:s17] =	ssyncset.done $0x0  }
0x4a8: {  	s24 =	simm.s32 $0x1F80;
	[sflag:s17] =	ssyncadd.s32 $0xFFFFD000  }
0x4a9: {  	[spmem:s2] =	stream.indirect.scatter.add.f32 [tilespmem:s10], [sflag:$0x5], $0x80, s24, s7, $0xb8;
	[tilespmem:$0x1F600] =	vst v63  }
0x4aa: {  	_ =	swait.ge [sflag:s5], $0x3000  }
0x4ab: {  	[sflag:s5] =	ssyncset.done $0x0  }
0x4ac: {  	s9 =	simm.s32 $0x2200;
	[sflag:s5] =	ssyncadd.s32 $0xFFFFD000  }
0x4ad: {  	[tilespmem:s10], [sflag:$0x2] =	stream.indirect.gather [hbm4b:s1+s7], $0x80, s9, s7, $0xb8;
	[tilespmem:$0x1F600] =	vst v63  }
0x4ae: {  	_ =	swait.ge [sflag:s20], $0x3000  }
0x4af: {  	[sflag:s20] =	ssyncset.done $0x0  }
0x4b0: {  	s11 =	simm.s32 $0x2080;
	[sflag:s20] =	ssyncadd.s32 $0xFFFFD000  }
0x4b1: {  	[spmem:s2] =	stream.indirect.scatter.add.f32 [tilespmem:s12], [sflag:$0x5], $0x80, s11, s7, $0xb8;
	[tilespmem:$0x1F600] =	vst v63  }
0x4b2: {  	_ =	swait.ge [sflag:s5], $0x3000  }
0x4b3: {  	[sflag:s5] =	ssyncset.done $0x0  }
0x4b4: {  	s24 =	simm.s32 $0x2300;
	[sflag:s5] =	ssyncadd.s32 $0xFFFFD000  }
0x4b5: {  	[tilespmem:s12], [sflag:$0x3] =	stream.indirect.gather [hbm4b:s1+s7], $0x80, s24, s7, $0xb8;
	[tilespmem:$0x1F600] =	vst v63  }
0x4b6: {  	_ =	swait.ge [sflag:s14], $0x3000  }
0x4b7: {  	[sflag:s14] =	ssyncset.done $0x0  }
0x4b8: {  	s9 =	simm.s32 $0x2180;
	[sflag:s14] =	ssyncadd.s32 $0xFFFFD000  }
0x4b9: {  	[spmem:s2] =	stream.indirect.scatter.add.f32 [tilespmem:s8], [sflag:$0x5], $0x80, s9, s7, $0xb8;
	[tilespmem:$0x1F600] =	vst v63  }
0x4ba: {  	_ =	swait.ge [sflag:s5], $0x3000  }
0x4bb: {  	[sflag:s5] =	ssyncset.done $0x0  }
0x4bc: {  	s11 =	simm.s32 $0x2400;
	[sflag:s5] =	ssyncadd.s32 $0xFFFFD000  }
0x4bd: {  	[tilespmem:s8], [sflag:$0x1] =	stream.indirect.gather [hbm4b:s1+s7], $0x80, s11, s7, $0xb8;
	[tilespmem:$0x1F600] =	vst v63  }
0x4be: {  	_ =	swait.ge [sflag:s17], $0x3000  }
0x4bf: {  	[sflag:s17] =	ssyncset.done $0x0  }
0x4c0: {  	s24 =	simm.s32 $0x2280;
	[sflag:s17] =	ssyncadd.s32 $0xFFFFD000  }
0x4c1: {  	[spmem:s2] =	stream.indirect.scatter.add.f32 [tilespmem:s10], [sflag:$0x5], $0x80, s24, s7, $0xb8;
	[tilespmem:$0x1F600] =	vst v63  }
0x4c2: {  	_ =	swait.ge [sflag:s5], $0x3000  }
0x4c3: {  	[sflag:s5] =	ssyncset.done $0x0  }
0x4c4: {  	s9 =	simm.s32 $0x2500;
	[sflag:s5] =	ssyncadd.s32 $0xFFFFD000  }
0x4c5: {  	[tilespmem:s10], [sflag:$0x2] =	stream.indirect.gather [hbm4b:s1+s7], $0x80, s9, s7, $0xb8;
	[tilespmem:$0x1F600] =	vst v63  }
0x4c6: {  	_ =	swait.ge [sflag:s20], $0x3000  }
0x4c7: {  	[sflag:s20] =	ssyncset.done $0x0  }
0x4c8: {  	s11 =	simm.s32 $0x2380;
	[sflag:s20] =	ssyncadd.s32 $0xFFFFD000  }
0x4c9: {  	[spmem:s2] =	stream.indirect.scatter.add.f32 [tilespmem:s12], [sflag:$0x5], $0x80, s11, s7, $0xb8;
	[tilespmem:$0x1F600] =	vst v63  }
0x4ca: {  	_ =	swait.ge [sflag:s5], $0x3000  }
0x4cb: {  	[sflag:s5] =	ssyncset.done $0x0  }
0x4cc: {  	s24 =	simm.s32 $0x2600;
	[sflag:s5] =	ssyncadd.s32 $0xFFFFD000  }
0x4cd: {  	[tilespmem:s12], [sflag:$0x3] =	stream.indirect.gather [hbm4b:s1+s7], $0x80, s24, s7, $0xb8;
	[tilespmem:$0x1F600] =	vst v63  }
0x4ce: {  	_ =	swait.ge [sflag:s14], $0x3000  }
0x4cf: {  	[sflag:s14] =	ssyncset.done $0x0  }
0x4d0: {  	s9 =	simm.s32 $0x2480;
	[sflag:s14] =	ssyncadd.s32 $0xFFFFD000  }
0x4d1: {  	[spmem:s2] =	stream.indirect.scatter.add.f32 [tilespmem:s8], [sflag:$0x5], $0x80, s9, s7, $0xb8;
	[tilespmem:$0x1F600] =	vst v63  }
0x4d2: {  	_ =	swait.ge [sflag:s5], $0x3000  }
0x4d3: {  	[sflag:s5] =	ssyncset.done $0x0  }
0x4d4: {  	s11 =	simm.s32 $0x2700;
	[sflag:s5] =	ssyncadd.s32 $0xFFFFD000  }
0x4d5: {  	[tilespmem:s8], [sflag:$0x1] =	stream.indirect.gather [hbm4b:s1+s7], $0x80, s11, s7, $0xb8;
	[tilespmem:$0x1F600] =	vst v63  }
0x4d6: {  	_ =	swait.ge [sflag:s17], $0x3000  }
0x4d7: {  	[sflag:s17] =	ssyncset.done $0x0  }
0x4d8: {  	s24 =	simm.s32 $0x2580;
	[sflag:s17] =	ssyncadd.s32 $0xFFFFD000  }
0x4d9: {  	[spmem:s2] =	stream.indirect.scatter.add.f32 [tilespmem:s10], [sflag:$0x5], $0x80, s24, s7, $0xb8;
	[tilespmem:$0x1F600] =	vst v63  }
0x4da: {  	_ =	swait.ge [sflag:s5], $0x3000  }
0x4db: {  	[sflag:s5] =	ssyncset.done $0x0  }
0x4dc: {  	s9 =	simm.s32 $0x2800;
	[sflag:s5] =	ssyncadd.s32 $0xFFFFD000  }
0x4dd: {  	[tilespmem:s10], [sflag:$0x2] =	stream.indirect.gather [hbm4b:s1+s7], $0x80, s9, s7, $0xb8;
	[tilespmem:$0x1F600] =	vst v63  }
0x4de: {  	_ =	swait.ge [sflag:s20], $0x3000  }
0x4df: {  	[sflag:s20] =	ssyncset.done $0x0  }
0x4e0: {  	s11 =	simm.s32 $0x2680;
	[sflag:s20] =	ssyncadd.s32 $0xFFFFD000  }
0x4e1: {  	[spmem:s2] =	stream.indirect.scatter.add.f32 [tilespmem:s12], [sflag:$0x5], $0x80, s11, s7, $0xb8;
	[tilespmem:$0x1F600] =	vst v63  }
0x4e2: {  	_ =	swait.ge [sflag:s5], $0x3000  }
0x4e3: {  	[sflag:s5] =	ssyncset.done $0x0  }
0x4e4: {  	s24 =	simm.s32 $0x2900;
	[sflag:s5] =	ssyncadd.s32 $0xFFFFD000  }
0x4e5: {  	[tilespmem:s12], [sflag:$0x3] =	stream.indirect.gather [hbm4b:s1+s7], $0x80, s24, s7, $0xb8;
	[tilespmem:$0x1F600] =	vst v63  }
0x4e6: {  	_ =	swait.ge [sflag:s14], $0x3000  }
0x4e7: {  	[sflag:s14] =	ssyncset.done $0x0  }
0x4e8: {  	s9 =	simm.s32 $0x2780;
	[sflag:s14] =	ssyncadd.s32 $0xFFFFD000  }
0x4e9: {  	[spmem:s2] =	stream.indirect.scatter.add.f32 [tilespmem:s8], [sflag:$0x5], $0x80, s9, s7, $0xb8;
	[tilespmem:$0x1F600] =	vst v63  }
0x4ea: {  	_ =	swait.ge [sflag:s5], $0x3000  }
0x4eb: {  	[sflag:s5] =	ssyncset.done $0x0  }
0x4ec: {  	[sflag:s5] =	ssyncadd.s32 $0xFFFFD000  }
0x4ed: {  	_ =	swait.ge [sflag:s6], $0x1500  }
0x4ee: {  	[sflag:s6] =	ssyncset.done $0x0  }
0x4ef: {  	[sflag:s6] =	ssyncadd.s32 $0xFFFFEB00  }
0x4f0: {  	[tilespmem:s8], [sflag:$0x1] =	stream.indirect.gather [hbm4b:s1+s7], $0x80, s0, s7, $0xb8;
	[tilespmem:$0x1F600] =	vst v63  }
0x4f1: {  	_ =	swait.ge [sflag:s17], $0x3000  }
0x4f2: {  	[sflag:s17] =	ssyncset.done $0x0  }
0x4f3: {  	s11 =	simm.s32 $0x2880;
	[sflag:s17] =	ssyncadd.s32 $0xFFFFD000  }
0x4f4: {  	[spmem:s2] =	stream.indirect.scatter.add.f32 [tilespmem:s10], [sflag:$0x5], $0x80, s11, s7, $0xb8;
	[tilespmem:$0x1F600] =	vst v63  }
0x4f5: {  	_ =	swait.ge [sflag:s5], $0x3000  }
0x4f6: {  	[sflag:s5] =	ssyncset.done $0x0  }
0x4f7: {  	s24 =	simm.s32 $0x100;
	[sflag:s5] =	ssyncadd.s32 $0xFFFFD000  }
0x4f8: {  	[tilespmem:s10], [sflag:$0x2] =	stream.indirect.gather [hbm4b:s1+s7], $0x80, s24, s7, $0xb8;
	[tilespmem:$0x1F600] =	vst v63  }
0x4f9: {  	_ =	swait.ge [sflag:s20], $0x3000  }
0x4fa: {  	[sflag:s20] =	ssyncset.done $0x0  }
0x4fb: {  	s9 =	simm.s32 $0x2980;
	[sflag:s20] =	ssyncadd.s32 $0xFFFFD000  }
0x4fc: {  	[spmem:s2] =	stream.indirect.scatter.add.f32 [tilespmem:s12], [sflag:$0x5], $0x80, s9, s7, $0xb8;
	[tilespmem:$0x1F600] =	vst v63  }
0x4fd: {  	_ =	swait.ge [sflag:s5], $0x3000  }
0x4fe: {  	[sflag:s5] =	ssyncset.done $0x0  }
0x4ff: {  	s9 =	simm.s32 $0x200;
	[sflag:s5] =	ssyncadd.s32 $0xFFFFD000  }
0x500: {  	[tilespmem:s12], [sflag:$0x3] =	stream.indirect.gather [hbm4b:s1+s7], $0x80, s9, s7, $0xb8;
	[tilespmem:$0x1F600] =	vst v63  }
0x501: {  	s11 =	rddreg [dreg:$0x8]  }
0x502: {  	[tilespmem:s22], [sflag:$0x4] =	stream.linear.gather [hbm4b:s11+s0], $0x1500, $0x38;
	[tilespmem:$0x1F600] =	vst v63  }
0x503: {  	_ =	swait.ge [sflag:s14], $0x3000  }
0x504: {  	[sflag:s14] =	ssyncset.done $0x0  }
0x505: {  	s9 =	simm.s32 $0x80;
	[sflag:s14] =	ssyncadd.s32 $0xFFFFD000  }
0x506: {  	[spmem:s2] =	stream.indirect.scatter.add.f32 [tilespmem:s8], [sflag:$0x5], $0x80, s9, s7, $0xb8;
	[tilespmem:$0x1F600] =	vst v63  }
0x507: {  	_ =	swait.ge [sflag:s5], $0x3000  }
0x508: {  	[sflag:s5] =	ssyncset.done $0x0  }
0x509: {  	s11 =	simm.s32 $0x300;
	[sflag:s5] =	ssyncadd.s32 $0xFFFFD000  }
0x50a: {  	[tilespmem:s8], [sflag:$0x1] =	stream.indirect.gather [hbm4b:s1+s7], $0x80, s11, s7, $0xb8;
	[tilespmem:$0x1F600] =	vst v63  }
0x50b: {  	_ =	swait.ge [sflag:s17], $0x3000  }
0x50c: {  	[sflag:s17] =	ssyncset.done $0x0  }
0x50d: {  	s4 =	simm.s32 $0x180;
	[sflag:s17] =	ssyncadd.s32 $0xFFFFD000  }
0x50e: {  	[spmem:s2] =	stream.indirect.scatter.add.f32 [tilespmem:s10], [sflag:$0x5], $0x80, s4, s7, $0xb8;
	[tilespmem:$0x1F600] =	vst v63  }
0x50f: {  	_ =	swait.ge [sflag:s5], $0x3000  }
0x510: {  	[sflag:s5] =	ssyncset.done $0x0  }
0x511: {  	s11 =	simm.s32 $0x400;
	[sflag:s5] =	ssyncadd.s32 $0xFFFFD000  }
0x512: {  	[tilespmem:s10], [sflag:$0x2] =	stream.indirect.gather [hbm4b:s1+s7], $0x80, s11, s7, $0xb8;
	[tilespmem:$0x1F600] =	vst v63  }
0x513: {  	_ =	swait.ge [sflag:s20], $0x3000  }
0x514: {  	[sflag:s20] =	ssyncset.done $0x0  }
0x515: {  	s4 =	simm.s32 $0x280;
	[sflag:s20] =	ssyncadd.s32 $0xFFFFD000  }
0x516: {  	[spmem:s2] =	stream.indirect.scatter.add.f32 [tilespmem:s12], [sflag:$0x5], $0x80, s4, s7, $0xb8;
	[tilespmem:$0x1F600] =	vst v63  }
0x517: {  	_ =	swait.ge [sflag:s5], $0x3000  }
0x518: {  	[sflag:s5] =	ssyncset.done $0x0  }
0x519: {  	s11 =	simm.s32 $0x500;
	[sflag:s5] =	ssyncadd.s32 $0xFFFFD000  }
0x51a: {  	[tilespmem:s12], [sflag:$0x3] =	stream.indirect.gather [hbm4b:s1+s7], $0x80, s11, s7, $0xb8;
	[tilespmem:$0x1F600] =	vst v63  }
0x51b: {  	_ =	swait.ge [sflag:s14], $0x3000  }
0x51c: {  	[sflag:s14] =	ssyncset.done $0x0  }
0x51d: {  	s4 =	simm.s32 $0x380;
	[sflag:s14] =	ssyncadd.s32 $0xFFFFD000  }
0x51e: {  	[spmem:s2] =	stream.indirect.scatter.add.f32 [tilespmem:s8], [sflag:$0x5], $0x80, s4, s7, $0xb8;
	[tilespmem:$0x1F600] =	vst v63  }
0x51f: {  	_ =	swait.ge [sflag:s5], $0x3000  }
0x520: {  	[sflag:s5] =	ssyncset.done $0x0  }
0x521: {  	s11 =	simm.s32 $0x600;
	[sflag:s5] =	ssyncadd.s32 $0xFFFFD000  }
0x522: {  	[tilespmem:s8], [sflag:$0x1] =	stream.indirect.gather [hbm4b:s1+s7], $0x80, s11, s7, $0xb8;
	[tilespmem:$0x1F600] =	vst v63  }
0x523: {  	_ =	swait.ge [sflag:s17], $0x3000  }
0x524: {  	[sflag:s17] =	ssyncset.done $0x0  }
0x525: {  	s4 =	simm.s32 $0x480;
	[sflag:s17] =	ssyncadd.s32 $0xFFFFD000  }
0x526: {  	[spmem:s2] =	stream.indirect.scatter.add.f32 [tilespmem:s10], [sflag:$0x5], $0x80, s4, s7, $0xb8;
	[tilespmem:$0x1F600] =	vst v63  }
0x527: {  	_ =	swait.ge [sflag:s5], $0x3000  }
0x528: {  	[sflag:s5] =	ssyncset.done $0x0  }
0x529: {  	s11 =	simm.s32 $0x700;
	[sflag:s5] =	ssyncadd.s32 $0xFFFFD000  }
0x52a: {  	[tilespmem:s10], [sflag:$0x2] =	stream.indirect.gather [hbm4b:s1+s7], $0x80, s11, s7, $0xb8;
	[tilespmem:$0x1F600] =	vst v63  }
0x52b: {  	_ =	swait.ge [sflag:s20], $0x3000  }
0x52c: {  	[sflag:s20] =	ssyncset.done $0x0  }
0x52d: {  	s4 =	simm.s32 $0x580;
	[sflag:s20] =	ssyncadd.s32 $0xFFFFD000  }
0x52e: {  	[spmem:s2] =	stream.indirect.scatter.add.f32 [tilespmem:s12], [sflag:$0x5], $0x80, s4, s7, $0xb8;
	[tilespmem:$0x1F600] =	vst v63  }
0x52f: {  	_ =	swait.ge [sflag:s5], $0x3000  }
0x530: {  	[sflag:s5] =	ssyncset.done $0x0  }
0x531: {  	s11 =	simm.s32 $0x800;
	[sflag:s5] =	ssyncadd.s32 $0xFFFFD000  }
0x532: {  	[tilespmem:s12], [sflag:$0x3] =	stream.indirect.gather [hbm4b:s1+s7], $0x80, s11, s7, $0xb8;
	[tilespmem:$0x1F600] =	vst v63  }
0x533: {  	_ =	swait.ge [sflag:s14], $0x3000  }
0x534: {  	[sflag:s14] =	ssyncset.done $0x0  }
0x535: {  	s4 =	simm.s32 $0x680;
	[sflag:s14] =	ssyncadd.s32 $0xFFFFD000  }
0x536: {  	[spmem:s2] =	stream.indirect.scatter.add.f32 [tilespmem:s8], [sflag:$0x5], $0x80, s4, s7, $0xb8;
	[tilespmem:$0x1F600] =	vst v63  }
0x537: {  	_ =	swait.ge [sflag:s5], $0x3000  }
0x538: {  	[sflag:s5] =	ssyncset.done $0x0  }
0x539: {  	s11 =	simm.s32 $0x900;
	[sflag:s5] =	ssyncadd.s32 $0xFFFFD000  }
0x53a: {  	[tilespmem:s8], [sflag:$0x1] =	stream.indirect.gather [hbm4b:s1+s7], $0x80, s11, s7, $0xb8;
	[tilespmem:$0x1F600] =	vst v63  }
0x53b: {  	_ =	swait.ge [sflag:s17], $0x3000  }
0x53c: {  	[sflag:s17] =	ssyncset.done $0x0  }
0x53d: {  	s4 =	simm.s32 $0x780;
	[sflag:s17] =	ssyncadd.s32 $0xFFFFD000  }
0x53e: {  	[spmem:s2] =	stream.indirect.scatter.add.f32 [tilespmem:s10], [sflag:$0x5], $0x80, s4, s7, $0xb8;
	[tilespmem:$0x1F600] =	vst v63  }
0x53f: {  	_ =	swait.ge [sflag:s5], $0x3000  }
0x540: {  	[sflag:s5] =	ssyncset.done $0x0  }
0x541: {  	s11 =	simm.s32 $0xA00;
	[sflag:s5] =	ssyncadd.s32 $0xFFFFD000  }
0x542: {  	[tilespmem:s10], [sflag:$0x2] =	stream.indirect.gather [hbm4b:s1+s7], $0x80, s11, s7, $0xb8;
	[tilespmem:$0x1F600] =	vst v63  }
0x543: {  	_ =	swait.ge [sflag:s20], $0x3000  }
0x544: {  	[sflag:s20] =	ssyncset.done $0x0  }
0x545: {  	s4 =	simm.s32 $0x880;
	[sflag:s20] =	ssyncadd.s32 $0xFFFFD000  }
0x546: {  	[spmem:s2] =	stream.indirect.scatter.add.f32 [tilespmem:s12], [sflag:$0x5], $0x80, s4, s7, $0xb8;
	[tilespmem:$0x1F600] =	vst v63  }
0x547: {  	_ =	swait.ge [sflag:s5], $0x3000  }
0x548: {  	[sflag:s5] =	ssyncset.done $0x0  }
0x549: {  	s11 =	simm.s32 $0xB00;
	[sflag:s5] =	ssyncadd.s32 $0xFFFFD000  }
0x54a: {  	[tilespmem:s12], [sflag:$0x3] =	stream.indirect.gather [hbm4b:s1+s7], $0x80, s11, s7, $0xb8;
	[tilespmem:$0x1F600] =	vst v63  }
0x54b: {  	_ =	swait.ge [sflag:s14], $0x3000  }
0x54c: {  	[sflag:s14] =	ssyncset.done $0x0  }
0x54d: {  	s4 =	simm.s32 $0x980;
	[sflag:s14] =	ssyncadd.s32 $0xFFFFD000  }
0x54e: {  	[spmem:s2] =	stream.indirect.scatter.add.f32 [tilespmem:s8], [sflag:$0x5], $0x80, s4, s7, $0xb8;
	[tilespmem:$0x1F600] =	vst v63  }
0x54f: {  	_ =	swait.ge [sflag:s5], $0x3000  }
0x550: {  	[sflag:s5] =	ssyncset.done $0x0  }
0x551: {  	s11 =	simm.s32 $0xC00;
	[sflag:s5] =	ssyncadd.s32 $0xFFFFD000  }
0x552: {  	[tilespmem:s8], [sflag:$0x1] =	stream.indirect.gather [hbm4b:s1+s7], $0x80, s11, s7, $0xb8;
	[tilespmem:$0x1F600] =	vst v63  }
0x553: {  	_ =	swait.ge [sflag:s17], $0x3000  }
0x554: {  	[sflag:s17] =	ssyncset.done $0x0  }
0x555: {  	s4 =	simm.s32 $0xA80;
	[sflag:s17] =	ssyncadd.s32 $0xFFFFD000  }
0x556: {  	[spmem:s2] =	stream.indirect.scatter.add.f32 [tilespmem:s10], [sflag:$0x5], $0x80, s4, s7, $0xb8;
	[tilespmem:$0x1F600] =	vst v63  }
0x557: {  	_ =	swait.ge [sflag:s5], $0x3000  }
0x558: {  	[sflag:s5] =	ssyncset.done $0x0  }
0x559: {  	s11 =	simm.s32 $0xD00;
	[sflag:s5] =	ssyncadd.s32 $0xFFFFD000  }
0x55a: {  	[tilespmem:s10], [sflag:$0x2] =	stream.indirect.gather [hbm4b:s1+s7], $0x80, s11, s7, $0xb8;
	[tilespmem:$0x1F600] =	vst v63  }
0x55b: {  	_ =	swait.ge [sflag:s20], $0x3000  }
0x55c: {  	[sflag:s20] =	ssyncset.done $0x0  }
0x55d: {  	s4 =	simm.s32 $0xB80;
	[sflag:s20] =	ssyncadd.s32 $0xFFFFD000  }
0x55e: {  	[spmem:s2] =	stream.indirect.scatter.add.f32 [tilespmem:s12], [sflag:$0x5], $0x80, s4, s7, $0xb8;
	[tilespmem:$0x1F600] =	vst v63  }
0x55f: {  	_ =	swait.ge [sflag:s5], $0x3000  }
0x560: {  	[sflag:s5] =	ssyncset.done $0x0  }
0x561: {  	s11 =	simm.s32 $0xE00;
	[sflag:s5] =	ssyncadd.s32 $0xFFFFD000  }
0x562: {  	[tilespmem:s12], [sflag:$0x3] =	stream.indirect.gather [hbm4b:s1+s7], $0x80, s11, s7, $0xb8;
	[tilespmem:$0x1F600] =	vst v63  }
0x563: {  	_ =	swait.ge [sflag:s14], $0x3000  }
0x564: {  	[sflag:s14] =	ssyncset.done $0x0  }
0x565: {  	s4 =	simm.s32 $0xC80;
	[sflag:s14] =	ssyncadd.s32 $0xFFFFD000  }
0x566: {  	[spmem:s2] =	stream.indirect.scatter.add.f32 [tilespmem:s8], [sflag:$0x5], $0x80, s4, s7, $0xb8;
	[tilespmem:$0x1F600] =	vst v63  }
0x567: {  	_ =	swait.ge [sflag:s5], $0x3000  }
0x568: {  	[sflag:s5] =	ssyncset.done $0x0  }
0x569: {  	s11 =	simm.s32 $0xF00;
	[sflag:s5] =	ssyncadd.s32 $0xFFFFD000  }
0x56a: {  	[tilespmem:s8], [sflag:$0x1] =	stream.indirect.gather [hbm4b:s1+s7], $0x80, s11, s7, $0xb8;
	[tilespmem:$0x1F600] =	vst v63  }
0x56b: {  	_ =	swait.ge [sflag:s17], $0x3000  }
0x56c: {  	[sflag:s17] =	ssyncset.done $0x0  }
0x56d: {  	s4 =	simm.s32 $0xD80;
	[sflag:s17] =	ssyncadd.s32 $0xFFFFD000  }
0x56e: {  	[spmem:s2] =	stream.indirect.scatter.add.f32 [tilespmem:s10], [sflag:$0x5], $0x80, s4, s7, $0xb8;
	[tilespmem:$0x1F600] =	vst v63  }
0x56f: {  	_ =	swait.ge [sflag:s5], $0x3000  }
0x570: {  	[sflag:s5] =	ssyncset.done $0x0  }
0x571: {  	s11 =	simm.s32 $0x1000;
	[sflag:s5] =	ssyncadd.s32 $0xFFFFD000  }
0x572: {  	[tilespmem:s10], [sflag:$0x2] =	stream.indirect.gather [hbm4b:s1+s7], $0x80, s11, s7, $0xb8;
	[tilespmem:$0x1F600] =	vst v63  }
0x573: {  	_ =	swait.ge [sflag:s20], $0x3000  }
0x574: {  	[sflag:s20] =	ssyncset.done $0x0  }
0x575: {  	s4 =	simm.s32 $0xE80;
	[sflag:s20] =	ssyncadd.s32 $0xFFFFD000  }
0x576: {  	[spmem:s2] =	stream.indirect.scatter.add.f32 [tilespmem:s12], [sflag:$0x5], $0x80, s4, s7, $0xb8;
	[tilespmem:$0x1F600] =	vst v63  }
0x577: {  	_ =	swait.ge [sflag:s5], $0x3000  }
0x578: {  	[sflag:s5] =	ssyncset.done $0x0  }
0x579: {  	s11 =	simm.s32 $0x1100;
	[sflag:s5] =	ssyncadd.s32 $0xFFFFD000  }
0x57a: {  	[tilespmem:s12], [sflag:$0x3] =	stream.indirect.gather [hbm4b:s1+s7], $0x80, s11, s7, $0xb8;
	[tilespmem:$0x1F600] =	vst v63  }
0x57b: {  	_ =	swait.ge [sflag:s14], $0x3000  }
0x57c: {  	[sflag:s14] =	ssyncset.done $0x0  }
0x57d: {  	s4 =	simm.s32 $0xF80;
	[sflag:s14] =	ssyncadd.s32 $0xFFFFD000  }
0x57e: {  	[spmem:s2] =	stream.indirect.scatter.add.f32 [tilespmem:s8], [sflag:$0x5], $0x80, s4, s7, $0xb8;
	[tilespmem:$0x1F600] =	vst v63  }
0x57f: {  	_ =	swait.ge [sflag:s5], $0x3000  }
0x580: {  	[sflag:s5] =	ssyncset.done $0x0  }
0x581: {  	s11 =	simm.s32 $0x1200;
	[sflag:s5] =	ssyncadd.s32 $0xFFFFD000  }
0x582: {  	[tilespmem:s8], [sflag:$0x1] =	stream.indirect.gather [hbm4b:s1+s7], $0x80, s11, s7, $0xb8;
	[tilespmem:$0x1F600] =	vst v63  }
0x583: {  	_ =	swait.ge [sflag:s17], $0x3000  }
0x584: {  	[sflag:s17] =	ssyncset.done $0x0  }
0x585: {  	s4 =	simm.s32 $0x1080;
	[sflag:s17] =	ssyncadd.s32 $0xFFFFD000  }
0x586: {  	[spmem:s2] =	stream.indirect.scatter.add.f32 [tilespmem:s10], [sflag:$0x5], $0x80, s4, s7, $0xb8;
	[tilespmem:$0x1F600] =	vst v63  }
0x587: {  	_ =	swait.ge [sflag:s5], $0x3000  }
0x588: {  	[sflag:s5] =	ssyncset.done $0x0  }
0x589: {  	s11 =	simm.s32 $0x1300;
	[sflag:s5] =	ssyncadd.s32 $0xFFFFD000  }
0x58a: {  	[tilespmem:s10], [sflag:$0x2] =	stream.indirect.gather [hbm4b:s1+s7], $0x80, s11, s7, $0xb8;
	[tilespmem:$0x1F600] =	vst v63  }
0x58b: {  	_ =	swait.ge [sflag:s20], $0x3000  }
0x58c: {  	[sflag:s20] =	ssyncset.done $0x0  }
0x58d: {  	s4 =	simm.s32 $0x1180;
	[sflag:s20] =	ssyncadd.s32 $0xFFFFD000  }
0x58e: {  	[spmem:s2] =	stream.indirect.scatter.add.f32 [tilespmem:s12], [sflag:$0x5], $0x80, s4, s7, $0xb8;
	[tilespmem:$0x1F600] =	vst v63  }
0x58f: {  	_ =	swait.ge [sflag:s5], $0x3000  }
0x590: {  	[sflag:s5] =	ssyncset.done $0x0  }
0x591: {  	s11 =	simm.s32 $0x1400;
	[sflag:s5] =	ssyncadd.s32 $0xFFFFD000  }
0x592: {  	[tilespmem:s12], [sflag:$0x3] =	stream.indirect.gather [hbm4b:s1+s7], $0x80, s11, s7, $0xb8;
	[tilespmem:$0x1F600] =	vst v63  }
0x593: {  	_ =	swait.ge [sflag:s14], $0x3000  }
0x594: {  	[sflag:s14] =	ssyncset.done $0x0  }
0x595: {  	s4 =	simm.s32 $0x1280;
	[sflag:s14] =	ssyncadd.s32 $0xFFFFD000  }
0x596: {  	[spmem:s2] =	stream.indirect.scatter.add.f32 [tilespmem:s8], [sflag:$0x5], $0x80, s4, s7, $0xb8;
	[tilespmem:$0x1F600] =	vst v63  }
0x597: {  	_ =	swait.ge [sflag:s5], $0x3000  }
0x598: {  	[sflag:s5] =	ssyncset.done $0x0  }
0x599: {  	[sflag:s5] =	ssyncadd.s32 $0xFFFFD000  }
0x59a: {  	_ =	swait.ge [sflag:s6], $0x1500  }
0x59b: {  	[sflag:s6] =	ssyncset.done $0x0  }
0x59c: {  	[sflag:s6] =	ssyncadd.s32 $0xFFFFEB00  }
0x59d: {  	[tilespmem:s8], [sflag:$0x1] =	stream.indirect.gather [hbm4b:s1+s7], $0x80, s22, s7, $0xb8;
	[tilespmem:$0x1F600] =	vst v63  }
0x59e: {  	_ =	swait.ge [sflag:s17], $0x3000  }
0x59f: {  	[sflag:s17] =	ssyncset.done $0x0  }
0x5a0: {  	s22 =	simm.s32 $0x1380;
	[sflag:s17] =	ssyncadd.s32 $0xFFFFD000  }
0x5a1: {  	[spmem:s2] =	stream.indirect.scatter.add.f32 [tilespmem:s10], [sflag:$0x5], $0x80, s22, s7, $0xb8;
	[tilespmem:$0x1F600] =	vst v63  }
0x5a2: {  	_ =	swait.ge [sflag:s5], $0x3000  }
0x5a3: {  	[sflag:s5] =	ssyncset.done $0x0  }
0x5a4: {  	s11 =	simm.s32 $0x1600;
	[sflag:s5] =	ssyncadd.s32 $0xFFFFD000  }
0x5a5: {  	[tilespmem:s10], [sflag:$0x2] =	stream.indirect.gather [hbm4b:s1+s7], $0x80, s11, s7, $0xb8;
	[tilespmem:$0x1F600] =	vst v63  }
0x5a6: {  	_ =	swait.ge [sflag:s20], $0x3000  }
0x5a7: {  	[sflag:s20] =	ssyncset.done $0x0  }
0x5a8: {  	s4 =	simm.s32 $0x1480;
	[sflag:s20] =	ssyncadd.s32 $0xFFFFD000  }
0x5a9: {  	[spmem:s2] =	stream.indirect.scatter.add.f32 [tilespmem:s12], [sflag:$0x5], $0x80, s4, s7, $0xb8;
	[tilespmem:$0x1F600] =	vst v63  }
0x5aa: {  	_ =	swait.ge [sflag:s5], $0x3000  }
0x5ab: {  	[sflag:s5] =	ssyncset.done $0x0  }
0x5ac: {  	s11 =	simm.s32 $0x1700;
	[sflag:s5] =	ssyncadd.s32 $0xFFFFD000  }
0x5ad: {  	[tilespmem:s12], [sflag:$0x3] =	stream.indirect.gather [hbm4b:s1+s7], $0x80, s11, s7, $0xb8;
	[tilespmem:$0x1F600] =	vst v63  }
0x5ae: {  	s24 =	rddreg [dreg:$0x9]  }
0x5af: {  	[tilespmem:s0], [sflag:$0x4] =	stream.linear.gather [hbm4b:s24+s0], $0x1500, $0x38;
	[tilespmem:$0x1F600] =	vst v63  }
0x5b0: {  	_ =	swait.ge [sflag:s14], $0x3000  }
0x5b1: {  	[sflag:s14] =	ssyncset.done $0x0  }
0x5b2: {  	s24 =	simm.s32 $0x1580;
	[sflag:s14] =	ssyncadd.s32 $0xFFFFD000  }
0x5b3: {  	[spmem:s2] =	stream.indirect.scatter.add.f32 [tilespmem:s8], [sflag:$0x5], $0x80, s24, s7, $0xb8;
	[tilespmem:$0x1F600] =	vst v63  }
0x5b4: {  	_ =	swait.ge [sflag:s5], $0x3000  }
0x5b5: {  	[sflag:s5] =	ssyncset.done $0x0  }
0x5b6: {  	[sflag:s5] =	ssyncadd.s32 $0xFFFFD000  }
0x5b7: {  	[tilespmem:s8], [sflag:$0x1] =	stream.indirect.gather [hbm4b:s1+s7], $0x80, s13, s7, $0xb8;
	[tilespmem:$0x1F600] =	vst v63  }
0x5b8: {  	_ =	swait.ge [sflag:s17], $0x3000  }
0x5b9: {  	[sflag:s17] =	ssyncset.done $0x0  }
0x5ba: {  	[sflag:s17] =	ssyncadd.s32 $0xFFFFD000  }
0x5bb: {  	[spmem:s2] =	stream.indirect.scatter.add.f32 [tilespmem:s10], [sflag:$0x5], $0x80, s15, s7, $0xb8;
	[tilespmem:$0x1F600] =	vst v63  }
0x5bc: {  	_ =	swait.ge [sflag:s5], $0x3000  }
0x5bd: {  	[sflag:s5] =	ssyncset.done $0x0  }
0x5be: {  	[sflag:s5] =	ssyncadd.s32 $0xFFFFD000  }
0x5bf: {  	[tilespmem:s10], [sflag:$0x2] =	stream.indirect.gather [hbm4b:s1+s7], $0x80, s16, s7, $0xb8;
	[tilespmem:$0x1F600] =	vst v63  }
0x5c0: {  	_ =	swait.ge [sflag:s20], $0x3000  }
0x5c1: {  	[sflag:s20] =	ssyncset.done $0x0  }
0x5c2: {  	[sflag:s20] =	ssyncadd.s32 $0xFFFFD000  }
0x5c3: {  	[spmem:s2] =	stream.indirect.scatter.add.f32 [tilespmem:s12], [sflag:$0x5], $0x80, s18, s7, $0xb8;
	[tilespmem:$0x1F600] =	vst v63  }
0x5c4: {  	_ =	swait.ge [sflag:s5], $0x3000  }
0x5c5: {  	[sflag:s5] =	ssyncset.done $0x0  }
0x5c6: {  	[sflag:s5] =	ssyncadd.s32 $0xFFFFD000  }
0x5c7: {  	[tilespmem:s12], [sflag:$0x3] =	stream.indirect.gather [hbm4b:s1+s7], $0x80, s19, s7, $0xb8;
	[tilespmem:$0x1F600] =	vst v63  }
0x5c8: {  	_ =	swait.ge [sflag:s14], $0x3000  }
0x5c9: {  	[sflag:s14] =	ssyncset.done $0x0  }
0x5ca: {  	[sflag:s14] =	ssyncadd.s32 $0xFFFFD000  }
0x5cb: {  	[spmem:s2] =	stream.indirect.scatter.add.f32 [tilespmem:s8], [sflag:$0x5], $0x80, s21, s7, $0xb8;
	[tilespmem:$0x1F600] =	vst v63  }
0x5cc: {  	_ =	swait.ge [sflag:s5], $0x3000  }
0x5cd: {  	[sflag:s5] =	ssyncset.done $0x0  }
0x5ce: {  	[sflag:s5] =	ssyncadd.s32 $0xFFFFD000  }
0x5cf: {  	[tilespmem:s8], [sflag:$0x1] =	stream.indirect.gather [hbm4b:s1+s7], $0x80, s25, s7, $0xb8;
	[tilespmem:$0x1F600] =	vst v63  }
0x5d0: {  	_ =	swait.ge [sflag:s17], $0x3000  }
0x5d1: {  	[sflag:s17] =	ssyncset.done $0x0  }
0x5d2: {  	[sflag:s17] =	ssyncadd.s32 $0xFFFFD000  }
0x5d3: {  	[spmem:s2] =	stream.indirect.scatter.add.f32 [tilespmem:s10], [sflag:$0x5], $0x80, s26, s7, $0xb8;
	[tilespmem:$0x1F600] =	vst v63  }
0x5d4: {  	_ =	swait.ge [sflag:s5], $0x3000  }
0x5d5: {  	[sflag:s5] =	ssyncset.done $0x0  }
0x5d6: {  	[sflag:s5] =	ssyncadd.s32 $0xFFFFD000  }
0x5d7: {  	[tilespmem:s10], [sflag:$0x2] =	stream.indirect.gather [hbm4b:s1+s7], $0x80, s28, s7, $0xb8;
	[tilespmem:$0x1F600] =	vst v63  }
0x5d8: {  	_ =	swait.ge [sflag:s20], $0x3000  }
0x5d9: {  	[sflag:s20] =	ssyncset.done $0x0  }
0x5da: {  	[sflag:s20] =	ssyncadd.s32 $0xFFFFD000  }
0x5db: {  	[spmem:s2] =	stream.indirect.scatter.add.f32 [tilespmem:s12], [sflag:$0x5], $0x80, s29, s7, $0xb8;
	[tilespmem:$0x1F600] =	vst v63  }
0x5dc: {  	_ =	swait.ge [sflag:s5], $0x3000  }
0x5dd: {  	[sflag:s5] =	ssyncset.done $0x0  }
0x5de: {  	[sflag:s5] =	ssyncadd.s32 $0xFFFFD000  }
0x5df: {  	[tilespmem:s12], [sflag:$0x3] =	stream.indirect.gather [hbm4b:s1+s7], $0x80, s30, s7, $0xb8;
	[tilespmem:$0x1F600] =	vst v63  }
0x5e0: {  	_ =	swait.ge [sflag:s14], $0x3000  }
0x5e1: {  	[sflag:s14] =	ssyncset.done $0x0  }
0x5e2: {  	[sflag:s14] =	ssyncadd.s32 $0xFFFFD000  }
0x5e3: {  	[spmem:s2] =	stream.indirect.scatter.add.f32 [tilespmem:s8], [sflag:$0x5], $0x80, s31, s7, $0xb8;
	[tilespmem:$0x1F600] =	vst v63  }
0x5e4: {  	_ =	swait.ge [sflag:s5], $0x3000  }
0x5e5: {  	[sflag:s5] =	ssyncset.done $0x0  }
0x5e6: {  	s24 =	simm.s32 $0x1E00;
	[sflag:s5] =	ssyncadd.s32 $0xFFFFD000  }
0x5e7: {  	[tilespmem:s8], [sflag:$0x1] =	stream.indirect.gather [hbm4b:s1+s7], $0x80, s24, s7, $0xb8;
	[tilespmem:$0x1F600] =	vst v63  }
0x5e8: {  	_ =	swait.ge [sflag:s17], $0x3000  }
0x5e9: {  	[sflag:s17] =	ssyncset.done $0x0  }
0x5ea: {  	s25 =	simm.s32 $0x1C80;
	[sflag:s17] =	ssyncadd.s32 $0xFFFFD000  }
0x5eb: {  	[spmem:s2] =	stream.indirect.scatter.add.f32 [tilespmem:s10], [sflag:$0x5], $0x80, s25, s7, $0xb8;
	[tilespmem:$0x1F600] =	vst v63  }
0x5ec: {  	_ =	swait.ge [sflag:s5], $0x3000  }
0x5ed: {  	[sflag:s5] =	ssyncset.done $0x0  }
0x5ee: {  	s24 =	simm.s32 $0x1F00;
	[sflag:s5] =	ssyncadd.s32 $0xFFFFD000  }
0x5ef: {  	[tilespmem:s10], [sflag:$0x2] =	stream.indirect.gather [hbm4b:s1+s7], $0x80, s24, s7, $0xb8;
	[tilespmem:$0x1F600] =	vst v63  }
0x5f0: {  	_ =	swait.ge [sflag:s20], $0x3000  }
0x5f1: {  	[sflag:s20] =	ssyncset.done $0x0  }
0x5f2: {  	s25 =	simm.s32 $0x1D80;
	[sflag:s20] =	ssyncadd.s32 $0xFFFFD000  }
0x5f3: {  	[spmem:s2] =	stream.indirect.scatter.add.f32 [tilespmem:s12], [sflag:$0x5], $0x80, s25, s7, $0xb8;
	[tilespmem:$0x1F600] =	vst v63  }
0x5f4: {  	_ =	swait.ge [sflag:s5], $0x3000  }
0x5f5: {  	[sflag:s5] =	ssyncset.done $0x0  }
0x5f6: {  	s24 =	simm.s32 $0x2000;
	[sflag:s5] =	ssyncadd.s32 $0xFFFFD000  }
0x5f7: {  	[tilespmem:s12], [sflag:$0x3] =	stream.indirect.gather [hbm4b:s1+s7], $0x80, s24, s7, $0xb8;
	[tilespmem:$0x1F600] =	vst v63  }
0x5f8: {  	_ =	swait.ge [sflag:s14], $0x3000  }
0x5f9: {  	[sflag:s14] =	ssyncset.done $0x0  }
0x5fa: {  	s25 =	simm.s32 $0x1E80;
	[sflag:s14] =	ssyncadd.s32 $0xFFFFD000  }
0x5fb: {  	[spmem:s2] =	stream.indirect.scatter.add.f32 [tilespmem:s8], [sflag:$0x5], $0x80, s25, s7, $0xb8;
	[tilespmem:$0x1F600] =	vst v63  }
0x5fc: {  	_ =	swait.ge [sflag:s5], $0x3000  }
0x5fd: {  	[sflag:s5] =	ssyncset.done $0x0  }
0x5fe: {  	s24 =	simm.s32 $0x2100;
	[sflag:s5] =	ssyncadd.s32 $0xFFFFD000  }
0x5ff: {  	[tilespmem:s8], [sflag:$0x1] =	stream.indirect.gather [hbm4b:s1+s7], $0x80, s24, s7, $0xb8;
	[tilespmem:$0x1F600] =	vst v63  }
0x600: {  	_ =	swait.ge [sflag:s17], $0x3000  }
0x601: {  	[sflag:s17] =	ssyncset.done $0x0  }
0x602: {  	s25 =	simm.s32 $0x1F80;
	[sflag:s17] =	ssyncadd.s32 $0xFFFFD000  }
0x603: {  	[spmem:s2] =	stream.indirect.scatter.add.f32 [tilespmem:s10], [sflag:$0x5], $0x80, s25, s7, $0xb8;
	[tilespmem:$0x1F600] =	vst v63  }
0x604: {  	_ =	swait.ge [sflag:s5], $0x3000  }
0x605: {  	[sflag:s5] =	ssyncset.done $0x0  }
0x606: {  	s24 =	simm.s32 $0x2200;
	[sflag:s5] =	ssyncadd.s32 $0xFFFFD000  }
0x607: {  	[tilespmem:s10], [sflag:$0x2] =	stream.indirect.gather [hbm4b:s1+s7], $0x80, s24, s7, $0xb8;
	[tilespmem:$0x1F600] =	vst v63  }
0x608: {  	_ =	swait.ge [sflag:s20], $0x3000  }
0x609: {  	[sflag:s20] =	ssyncset.done $0x0  }
0x60a: {  	s25 =	simm.s32 $0x2080;
	[sflag:s20] =	ssyncadd.s32 $0xFFFFD000  }
0x60b: {  	[spmem:s2] =	stream.indirect.scatter.add.f32 [tilespmem:s12], [sflag:$0x5], $0x80, s25, s7, $0xb8;
	[tilespmem:$0x1F600] =	vst v63  }
0x60c: {  	_ =	swait.ge [sflag:s5], $0x3000  }
0x60d: {  	[sflag:s5] =	ssyncset.done $0x0  }
0x60e: {  	s24 =	simm.s32 $0x2300;
	[sflag:s5] =	ssyncadd.s32 $0xFFFFD000  }
0x60f: {  	[tilespmem:s12], [sflag:$0x3] =	stream.indirect.gather [hbm4b:s1+s7], $0x80, s24, s7, $0xb8;
	[tilespmem:$0x1F600] =	vst v63  }
0x610: {  	_ =	swait.ge [sflag:s14], $0x3000  }
0x611: {  	[sflag:s14] =	ssyncset.done $0x0  }
0x612: {  	s25 =	simm.s32 $0x2180;
	[sflag:s14] =	ssyncadd.s32 $0xFFFFD000  }
0x613: {  	[spmem:s2] =	stream.indirect.scatter.add.f32 [tilespmem:s8], [sflag:$0x5], $0x80, s25, s7, $0xb8;
	[tilespmem:$0x1F600] =	vst v63  }
0x614: {  	_ =	swait.ge [sflag:s5], $0x3000  }
0x615: {  	[sflag:s5] =	ssyncset.done $0x0  }
0x616: {  	s24 =	simm.s32 $0x2400;
	[sflag:s5] =	ssyncadd.s32 $0xFFFFD000  }
0x617: {  	[tilespmem:s8], [sflag:$0x1] =	stream.indirect.gather [hbm4b:s1+s7], $0x80, s24, s7, $0xb8;
	[tilespmem:$0x1F600] =	vst v63  }
0x618: {  	_ =	swait.ge [sflag:s17], $0x3000  }
0x619: {  	[sflag:s17] =	ssyncset.done $0x0  }
0x61a: {  	s25 =	simm.s32 $0x2280;
	[sflag:s17] =	ssyncadd.s32 $0xFFFFD000  }
0x61b: {  	[spmem:s2] =	stream.indirect.scatter.add.f32 [tilespmem:s10], [sflag:$0x5], $0x80, s25, s7, $0xb8;
	[tilespmem:$0x1F600] =	vst v63  }
0x61c: {  	_ =	swait.ge [sflag:s5], $0x3000  }
0x61d: {  	[sflag:s5] =	ssyncset.done $0x0  }
0x61e: {  	s24 =	simm.s32 $0x2500;
	[sflag:s5] =	ssyncadd.s32 $0xFFFFD000  }
0x61f: {  	[tilespmem:s10], [sflag:$0x2] =	stream.indirect.gather [hbm4b:s1+s7], $0x80, s24, s7, $0xb8;
	[tilespmem:$0x1F600] =	vst v63  }
0x620: {  	_ =	swait.ge [sflag:s20], $0x3000  }
0x621: {  	[sflag:s20] =	ssyncset.done $0x0  }
0x622: {  	s25 =	simm.s32 $0x2380;
	[sflag:s20] =	ssyncadd.s32 $0xFFFFD000  }
0x623: {  	[spmem:s2] =	stream.indirect.scatter.add.f32 [tilespmem:s12], [sflag:$0x5], $0x80, s25, s7, $0xb8;
	[tilespmem:$0x1F600] =	vst v63  }
0x624: {  	_ =	swait.ge [sflag:s5], $0x3000  }
0x625: {  	[sflag:s5] =	ssyncset.done $0x0  }
0x626: {  	s24 =	simm.s32 $0x2600;
	[sflag:s5] =	ssyncadd.s32 $0xFFFFD000  }
0x627: {  	[tilespmem:s12], [sflag:$0x3] =	stream.indirect.gather [hbm4b:s1+s7], $0x80, s24, s7, $0xb8;
	[tilespmem:$0x1F600] =	vst v63  }
0x628: {  	_ =	swait.ge [sflag:s14], $0x3000  }
0x629: {  	[sflag:s14] =	ssyncset.done $0x0  }
0x62a: {  	s25 =	simm.s32 $0x2480;
	[sflag:s14] =	ssyncadd.s32 $0xFFFFD000  }
0x62b: {  	[spmem:s2] =	stream.indirect.scatter.add.f32 [tilespmem:s8], [sflag:$0x5], $0x80, s25, s7, $0xb8;
	[tilespmem:$0x1F600] =	vst v63  }
0x62c: {  	_ =	swait.ge [sflag:s5], $0x3000  }
0x62d: {  	[sflag:s5] =	ssyncset.done $0x0  }
0x62e: {  	s24 =	simm.s32 $0x2700;
	[sflag:s5] =	ssyncadd.s32 $0xFFFFD000  }
0x62f: {  	[tilespmem:s8], [sflag:$0x1] =	stream.indirect.gather [hbm4b:s1+s7], $0x80, s24, s7, $0xb8;
	[tilespmem:$0x1F600] =	vst v63  }
0x630: {  	_ =	swait.ge [sflag:s17], $0x3000  }
0x631: {  	[sflag:s17] =	ssyncset.done $0x0  }
0x632: {  	s25 =	simm.s32 $0x2580;
	[sflag:s17] =	ssyncadd.s32 $0xFFFFD000  }
0x633: {  	[spmem:s2] =	stream.indirect.scatter.add.f32 [tilespmem:s10], [sflag:$0x5], $0x80, s25, s7, $0xb8;
	[tilespmem:$0x1F600] =	vst v63  }
0x634: {  	_ =	swait.ge [sflag:s5], $0x3000  }
0x635: {  	[sflag:s5] =	ssyncset.done $0x0  }
0x636: {  	s24 =	simm.s32 $0x2800;
	[sflag:s5] =	ssyncadd.s32 $0xFFFFD000  }
0x637: {  	[tilespmem:s10], [sflag:$0x2] =	stream.indirect.gather [hbm4b:s1+s7], $0x80, s24, s7, $0xb8;
	[tilespmem:$0x1F600] =	vst v63  }
0x638: {  	_ =	swait.ge [sflag:s20], $0x3000  }
0x639: {  	[sflag:s20] =	ssyncset.done $0x0  }
0x63a: {  	s25 =	simm.s32 $0x2680;
	[sflag:s20] =	ssyncadd.s32 $0xFFFFD000  }
0x63b: {  	[spmem:s2] =	stream.indirect.scatter.add.f32 [tilespmem:s12], [sflag:$0x5], $0x80, s25, s7, $0xb8;
	[tilespmem:$0x1F600] =	vst v63  }
0x63c: {  	_ =	swait.ge [sflag:s5], $0x3000  }
0x63d: {  	[sflag:s5] =	ssyncset.done $0x0  }
0x63e: {  	s24 =	simm.s32 $0x2900;
	[sflag:s5] =	ssyncadd.s32 $0xFFFFD000  }
0x63f: {  	[tilespmem:s12], [sflag:$0x3] =	stream.indirect.gather [hbm4b:s1+s7], $0x80, s24, s7, $0xb8;
	[tilespmem:$0x1F600] =	vst v63  }
0x640: {  	_ =	swait.ge [sflag:s14], $0x3000  }
0x641: {  	[sflag:s14] =	ssyncset.done $0x0  }
0x642: {  	s25 =	simm.s32 $0x2780;
	[sflag:s14] =	ssyncadd.s32 $0xFFFFD000  }
0x643: {  	[spmem:s2] =	stream.indirect.scatter.add.f32 [tilespmem:s8], [sflag:$0x5], $0x80, s25, s7, $0xb8;
	[tilespmem:$0x1F600] =	vst v63  }
0x644: {  	_ =	swait.ge [sflag:s5], $0x3000  }
0x645: {  	[sflag:s5] =	ssyncset.done $0x0  }
0x646: {  	[sflag:s5] =	ssyncadd.s32 $0xFFFFD000  }
0x647: {  	_ =	swait.ge [sflag:s6], $0x1500  }
0x648: {  	[sflag:s6] =	ssyncset.done $0x0  }
0x649: {  	[sflag:s6] =	ssyncadd.s32 $0xFFFFEB00  }
0x64a: {  	[tilespmem:s8], [sflag:$0x1] =	stream.indirect.gather [hbm4b:s1+s7], $0x80, s0, s7, $0xb8;
	[tilespmem:$0x1F600] =	vst v63  }
0x64b: {  	_ =	swait.ge [sflag:s17], $0x3000  }
0x64c: {  	[sflag:s17] =	ssyncset.done $0x0  }
0x64d: {  	s24 =	simm.s32 $0x2880;
	[sflag:s17] =	ssyncadd.s32 $0xFFFFD000  }
0x64e: {  	[spmem:s2] =	stream.indirect.scatter.add.f32 [tilespmem:s10], [sflag:$0x5], $0x80, s24, s7, $0xb8;
	[tilespmem:$0x1F600] =	vst v63  }
0x64f: {  	_ =	swait.ge [sflag:s5], $0x3000  }
0x650: {  	[sflag:s5] =	ssyncset.done $0x0  }
0x651: {  	s25 =	simm.s32 $0x100;
	[sflag:s5] =	ssyncadd.s32 $0xFFFFD000  }
0x652: {  	[tilespmem:s10], [sflag:$0x2] =	stream.indirect.gather [hbm4b:s1+s7], $0x80, s25, s7, $0xb8;
	[tilespmem:$0x1F600] =	vst v63  }
0x653: {  	_ =	swait.ge [sflag:s20], $0x3000  }
0x654: {  	[sflag:s20] =	ssyncset.done $0x0  }
0x655: {  	s24 =	simm.s32 $0x2980;
	[sflag:s20] =	ssyncadd.s32 $0xFFFFD000  }
0x656: {  	[spmem:s2] =	stream.indirect.scatter.add.f32 [tilespmem:s12], [sflag:$0x5], $0x80, s24, s7, $0xb8;
	[tilespmem:$0x1F600] =	vst v63  }
0x657: {  	_ =	swait.ge [sflag:s5], $0x3000  }
0x658: {  	[sflag:s5] =	ssyncset.done $0x0  }
0x659: {  	s25 =	simm.s32 $0x200;
	[sflag:s5] =	ssyncadd.s32 $0xFFFFD000  }
0x65a: {  	[tilespmem:s12], [sflag:$0x3] =	stream.indirect.gather [hbm4b:s1+s7], $0x80, s25, s7, $0xb8;
	[tilespmem:$0x1F600] =	vst v63  }
0x65b: {  	_ =	swait.ge [sflag:s14], $0x3000  }
0x65c: {  	[sflag:s14] =	ssyncset.done $0x0  }
0x65d: {  	[sflag:s14] =	ssyncadd.s32 $0xFFFFD000  }
0x65e: {  	[spmem:s2] =	stream.indirect.scatter.add.f32 [tilespmem:s8], [sflag:$0x5], $0x80, s9, s7, $0xb8;
	[tilespmem:$0x1F600] =	vst v63  }
0x65f: {  	_ =	swait.ge [sflag:s5], $0x3000  }
0x660: {  	[sflag:s5] =	ssyncset.done $0x0  }
0x661: {  	s11 =	simm.s32 $0x300;
	[sflag:s5] =	ssyncadd.s32 $0xFFFFD000  }
0x662: {  	[tilespmem:s8], [sflag:$0x1] =	stream.indirect.gather [hbm4b:s1+s7], $0x80, s11, s7, $0xb8;
	[tilespmem:$0x1F600] =	vst v63  }
0x663: {  	_ =	swait.ge [sflag:s17], $0x3000  }
0x664: {  	[sflag:s17] =	ssyncset.done $0x0  }
0x665: {  	s24 =	simm.s32 $0x180;
	[sflag:s17] =	ssyncadd.s32 $0xFFFFD000  }
0x666: {  	[spmem:s2] =	stream.indirect.scatter.add.f32 [tilespmem:s10], [sflag:$0x5], $0x80, s24, s7, $0xb8;
	[tilespmem:$0x1F600] =	vst v63  }
0x667: {  	_ =	swait.ge [sflag:s5], $0x3000  }
0x668: {  	[sflag:s5] =	ssyncset.done $0x0  }
0x669: {  	s25 =	simm.s32 $0x400;
	[sflag:s5] =	ssyncadd.s32 $0xFFFFD000  }
0x66a: {  	[tilespmem:s10], [sflag:$0x2] =	stream.indirect.gather [hbm4b:s1+s7], $0x80, s25, s7, $0xb8;
	[tilespmem:$0x1F600] =	vst v63  }
0x66b: {  	_ =	swait.ge [sflag:s20], $0x3000  }
0x66c: {  	[sflag:s20] =	ssyncset.done $0x0  }
0x66d: {  	s11 =	simm.s32 $0x280;
	[sflag:s20] =	ssyncadd.s32 $0xFFFFD000  }
0x66e: {  	[spmem:s2] =	stream.indirect.scatter.add.f32 [tilespmem:s12], [sflag:$0x5], $0x80, s11, s7, $0xb8;
	[tilespmem:$0x1F600] =	vst v63  }
0x66f: {  	_ =	swait.ge [sflag:s5], $0x3000  }
0x670: {  	[sflag:s5] =	ssyncset.done $0x0  }
0x671: {  	s24 =	simm.s32 $0x500;
	[sflag:s5] =	ssyncadd.s32 $0xFFFFD000  }
0x672: {  	[tilespmem:s12], [sflag:$0x3] =	stream.indirect.gather [hbm4b:s1+s7], $0x80, s24, s7, $0xb8;
	[tilespmem:$0x1F600] =	vst v63  }
0x673: {  	_ =	swait.ge [sflag:s14], $0x3000  }
0x674: {  	[sflag:s14] =	ssyncset.done $0x0  }
0x675: {  	s25 =	simm.s32 $0x380;
	[sflag:s14] =	ssyncadd.s32 $0xFFFFD000  }
0x676: {  	[spmem:s2] =	stream.indirect.scatter.add.f32 [tilespmem:s8], [sflag:$0x5], $0x80, s25, s7, $0xb8;
	[tilespmem:$0x1F600] =	vst v63  }
0x677: {  	_ =	swait.ge [sflag:s5], $0x3000  }
0x678: {  	[sflag:s5] =	ssyncset.done $0x0  }
0x679: {  	s11 =	simm.s32 $0x600;
	[sflag:s5] =	ssyncadd.s32 $0xFFFFD000  }
0x67a: {  	[tilespmem:s8], [sflag:$0x1] =	stream.indirect.gather [hbm4b:s1+s7], $0x80, s11, s7, $0xb8;
	[tilespmem:$0x1F600] =	vst v63  }
0x67b: {  	_ =	swait.ge [sflag:s17], $0x3000  }
0x67c: {  	[sflag:s17] =	ssyncset.done $0x0  }
0x67d: {  	s24 =	simm.s32 $0x480;
	[sflag:s17] =	ssyncadd.s32 $0xFFFFD000  }
0x67e: {  	[spmem:s2] =	stream.indirect.scatter.add.f32 [tilespmem:s10], [sflag:$0x5], $0x80, s24, s7, $0xb8;
	[tilespmem:$0x1F600] =	vst v63  }
0x67f: {  	_ =	swait.ge [sflag:s5], $0x3000  }
0x680: {  	[sflag:s5] =	ssyncset.done $0x0  }
0x681: {  	s25 =	simm.s32 $0x700;
	[sflag:s5] =	ssyncadd.s32 $0xFFFFD000  }
0x682: {  	[tilespmem:s10], [sflag:$0x2] =	stream.indirect.gather [hbm4b:s1+s7], $0x80, s25, s7, $0xb8;
	[tilespmem:$0x1F600] =	vst v63  }
0x683: {  	_ =	swait.ge [sflag:s20], $0x3000  }
0x684: {  	[sflag:s20] =	ssyncset.done $0x0  }
0x685: {  	s11 =	simm.s32 $0x580;
	[sflag:s20] =	ssyncadd.s32 $0xFFFFD000  }
0x686: {  	[spmem:s2] =	stream.indirect.scatter.add.f32 [tilespmem:s12], [sflag:$0x5], $0x80, s11, s7, $0xb8;
	[tilespmem:$0x1F600] =	vst v63  }
0x687: {  	_ =	swait.ge [sflag:s5], $0x3000  }
0x688: {  	[sflag:s5] =	ssyncset.done $0x0  }
0x689: {  	s24 =	simm.s32 $0x800;
	[sflag:s5] =	ssyncadd.s32 $0xFFFFD000  }
0x68a: {  	[tilespmem:s12], [sflag:$0x3] =	stream.indirect.gather [hbm4b:s1+s7], $0x80, s24, s7, $0xb8;
	[tilespmem:$0x1F600] =	vst v63  }
0x68b: {  	_ =	swait.ge [sflag:s14], $0x3000  }
0x68c: {  	[sflag:s14] =	ssyncset.done $0x0  }
0x68d: {  	s25 =	simm.s32 $0x680;
	[sflag:s14] =	ssyncadd.s32 $0xFFFFD000  }
0x68e: {  	[spmem:s2] =	stream.indirect.scatter.add.f32 [tilespmem:s8], [sflag:$0x5], $0x80, s25, s7, $0xb8;
	[tilespmem:$0x1F600] =	vst v63  }
0x68f: {  	_ =	swait.ge [sflag:s5], $0x3000  }
0x690: {  	[sflag:s5] =	ssyncset.done $0x0  }
0x691: {  	s11 =	simm.s32 $0x900;
	[sflag:s5] =	ssyncadd.s32 $0xFFFFD000  }
0x692: {  	[tilespmem:s8], [sflag:$0x1] =	stream.indirect.gather [hbm4b:s1+s7], $0x80, s11, s7, $0xb8;
	[tilespmem:$0x1F600] =	vst v63  }
0x693: {  	_ =	swait.ge [sflag:s17], $0x3000  }
0x694: {  	[sflag:s17] =	ssyncset.done $0x0  }
0x695: {  	s24 =	simm.s32 $0x780;
	[sflag:s17] =	ssyncadd.s32 $0xFFFFD000  }
0x696: {  	[spmem:s2] =	stream.indirect.scatter.add.f32 [tilespmem:s10], [sflag:$0x5], $0x80, s24, s7, $0xb8;
	[tilespmem:$0x1F600] =	vst v63  }
0x697: {  	_ =	swait.ge [sflag:s5], $0x3000  }
0x698: {  	[sflag:s5] =	ssyncset.done $0x0  }
0x699: {  	s25 =	simm.s32 $0xA00;
	[sflag:s5] =	ssyncadd.s32 $0xFFFFD000  }
0x69a: {  	[tilespmem:s10], [sflag:$0x2] =	stream.indirect.gather [hbm4b:s1+s7], $0x80, s25, s7, $0xb8;
	[tilespmem:$0x1F600] =	vst v63  }
0x69b: {  	_ =	swait.ge [sflag:s20], $0x3000  }
0x69c: {  	[sflag:s20] =	ssyncset.done $0x0  }
0x69d: {  	s11 =	simm.s32 $0x880;
	[sflag:s20] =	ssyncadd.s32 $0xFFFFD000  }
0x69e: {  	[spmem:s2] =	stream.indirect.scatter.add.f32 [tilespmem:s12], [sflag:$0x5], $0x80, s11, s7, $0xb8;
	[tilespmem:$0x1F600] =	vst v63  }
0x69f: {  	_ =	swait.ge [sflag:s5], $0x3000  }
0x6a0: {  	[sflag:s5] =	ssyncset.done $0x0  }
0x6a1: {  	s24 =	simm.s32 $0xB00;
	[sflag:s5] =	ssyncadd.s32 $0xFFFFD000  }
0x6a2: {  	[tilespmem:s12], [sflag:$0x3] =	stream.indirect.gather [hbm4b:s1+s7], $0x80, s24, s7, $0xb8;
	[tilespmem:$0x1F600] =	vst v63  }
0x6a3: {  	_ =	swait.ge [sflag:s14], $0x3000  }
0x6a4: {  	[sflag:s14] =	ssyncset.done $0x0  }
0x6a5: {  	s25 =	simm.s32 $0x980;
	[sflag:s14] =	ssyncadd.s32 $0xFFFFD000  }
0x6a6: {  	[spmem:s2] =	stream.indirect.scatter.add.f32 [tilespmem:s8], [sflag:$0x5], $0x80, s25, s7, $0xb8;
	[tilespmem:$0x1F600] =	vst v63  }
0x6a7: {  	_ =	swait.ge [sflag:s5], $0x3000  }
0x6a8: {  	[sflag:s5] =	ssyncset.done $0x0  }
0x6a9: {  	s11 =	simm.s32 $0xC00;
	[sflag:s5] =	ssyncadd.s32 $0xFFFFD000  }
0x6aa: {  	[tilespmem:s8], [sflag:$0x1] =	stream.indirect.gather [hbm4b:s1+s7], $0x80, s11, s7, $0xb8;
	[tilespmem:$0x1F600] =	vst v63  }
0x6ab: {  	_ =	swait.ge [sflag:s17], $0x3000  }
0x6ac: {  	[sflag:s17] =	ssyncset.done $0x0  }
0x6ad: {  	s24 =	simm.s32 $0xA80;
	[sflag:s17] =	ssyncadd.s32 $0xFFFFD000  }
0x6ae: {  	[spmem:s2] =	stream.indirect.scatter.add.f32 [tilespmem:s10], [sflag:$0x5], $0x80, s24, s7, $0xb8;
	[tilespmem:$0x1F600] =	vst v63  }
0x6af: {  	_ =	swait.ge [sflag:s5], $0x3000  }
0x6b0: {  	[sflag:s5] =	ssyncset.done $0x0  }
0x6b1: {  	s25 =	simm.s32 $0xD00;
	[sflag:s5] =	ssyncadd.s32 $0xFFFFD000  }
0x6b2: {  	[tilespmem:s10], [sflag:$0x2] =	stream.indirect.gather [hbm4b:s1+s7], $0x80, s25, s7, $0xb8;
	[tilespmem:$0x1F600] =	vst v63  }
0x6b3: {  	_ =	swait.ge [sflag:s20], $0x3000  }
0x6b4: {  	[sflag:s20] =	ssyncset.done $0x0  }
0x6b5: {  	s11 =	simm.s32 $0xB80;
	[sflag:s20] =	ssyncadd.s32 $0xFFFFD000  }
0x6b6: {  	[spmem:s2] =	stream.indirect.scatter.add.f32 [tilespmem:s12], [sflag:$0x5], $0x80, s11, s7, $0xb8;
	[tilespmem:$0x1F600] =	vst v63  }
0x6b7: {  	_ =	swait.ge [sflag:s5], $0x3000  }
0x6b8: {  	[sflag:s5] =	ssyncset.done $0x0  }
0x6b9: {  	s24 =	simm.s32 $0xE00;
	[sflag:s5] =	ssyncadd.s32 $0xFFFFD000  }
0x6ba: {  	[tilespmem:s12], [sflag:$0x3] =	stream.indirect.gather [hbm4b:s1+s7], $0x80, s24, s7, $0xb8;
	[tilespmem:$0x1F600] =	vst v63  }
0x6bb: {  	_ =	swait.ge [sflag:s14], $0x3000  }
0x6bc: {  	[sflag:s14] =	ssyncset.done $0x0  }
0x6bd: {  	s25 =	simm.s32 $0xC80;
	[sflag:s14] =	ssyncadd.s32 $0xFFFFD000  }
0x6be: {  	[spmem:s2] =	stream.indirect.scatter.add.f32 [tilespmem:s8], [sflag:$0x5], $0x80, s25, s7, $0xb8;
	[tilespmem:$0x1F600] =	vst v63  }
0x6bf: {  	_ =	swait.ge [sflag:s5], $0x3000  }
0x6c0: {  	[sflag:s5] =	ssyncset.done $0x0  }
0x6c1: {  	s11 =	simm.s32 $0xF00;
	[sflag:s5] =	ssyncadd.s32 $0xFFFFD000  }
0x6c2: {  	[tilespmem:s8], [sflag:$0x1] =	stream.indirect.gather [hbm4b:s1+s7], $0x80, s11, s7, $0xb8;
	[tilespmem:$0x1F600] =	vst v63  }
0x6c3: {  	_ =	swait.ge [sflag:s17], $0x3000  }
0x6c4: {  	[sflag:s17] =	ssyncset.done $0x0  }
0x6c5: {  	s24 =	simm.s32 $0xD80;
	[sflag:s17] =	ssyncadd.s32 $0xFFFFD000  }
0x6c6: {  	[spmem:s2] =	stream.indirect.scatter.add.f32 [tilespmem:s10], [sflag:$0x5], $0x80, s24, s7, $0xb8;
	[tilespmem:$0x1F600] =	vst v63  }
0x6c7: {  	_ =	swait.ge [sflag:s5], $0x3000  }
0x6c8: {  	[sflag:s5] =	ssyncset.done $0x0  }
0x6c9: {  	s25 =	simm.s32 $0x1000;
	[sflag:s5] =	ssyncadd.s32 $0xFFFFD000  }
0x6ca: {  	[tilespmem:s10], [sflag:$0x2] =	stream.indirect.gather [hbm4b:s1+s7], $0x80, s25, s7, $0xb8;
	[tilespmem:$0x1F600] =	vst v63  }
0x6cb: {  	_ =	swait.ge [sflag:s20], $0x3000  }
0x6cc: {  	[sflag:s20] =	ssyncset.done $0x0  }
0x6cd: {  	s11 =	simm.s32 $0xE80;
	[sflag:s20] =	ssyncadd.s32 $0xFFFFD000  }
0x6ce: {  	[spmem:s2] =	stream.indirect.scatter.add.f32 [tilespmem:s12], [sflag:$0x5], $0x80, s11, s7, $0xb8;
	[tilespmem:$0x1F600] =	vst v63  }
0x6cf: {  	_ =	swait.ge [sflag:s5], $0x3000  }
0x6d0: {  	[sflag:s5] =	ssyncset.done $0x0  }
0x6d1: {  	s24 =	simm.s32 $0x1100;
	[sflag:s5] =	ssyncadd.s32 $0xFFFFD000  }
0x6d2: {  	[tilespmem:s12], [sflag:$0x3] =	stream.indirect.gather [hbm4b:s1+s7], $0x80, s24, s7, $0xb8;
	[tilespmem:$0x1F600] =	vst v63  }
0x6d3: {  	_ =	swait.ge [sflag:s14], $0x3000  }
0x6d4: {  	[sflag:s14] =	ssyncset.done $0x0  }
0x6d5: {  	s25 =	simm.s32 $0xF80;
	[sflag:s14] =	ssyncadd.s32 $0xFFFFD000  }
0x6d6: {  	[spmem:s2] =	stream.indirect.scatter.add.f32 [tilespmem:s8], [sflag:$0x5], $0x80, s25, s7, $0xb8;
	[tilespmem:$0x1F600] =	vst v63  }
0x6d7: {  	_ =	swait.ge [sflag:s5], $0x3000  }
0x6d8: {  	[sflag:s5] =	ssyncset.done $0x0  }
0x6d9: {  	s11 =	simm.s32 $0x1200;
	[sflag:s5] =	ssyncadd.s32 $0xFFFFD000  }
0x6da: {  	[tilespmem:s8], [sflag:$0x1] =	stream.indirect.gather [hbm4b:s1+s7], $0x80, s11, s7, $0xb8;
	[tilespmem:$0x1F600] =	vst v63  }
0x6db: {  	_ =	swait.ge [sflag:s17], $0x3000  }
0x6dc: {  	[sflag:s17] =	ssyncset.done $0x0  }
0x6dd: {  	s24 =	simm.s32 $0x1080;
	[sflag:s17] =	ssyncadd.s32 $0xFFFFD000  }
0x6de: {  	[spmem:s2] =	stream.indirect.scatter.add.f32 [tilespmem:s10], [sflag:$0x5], $0x80, s24, s7, $0xb8;
	[tilespmem:$0x1F600] =	vst v63  }
0x6df: {  	_ =	swait.ge [sflag:s5], $0x3000  }
0x6e0: {  	[sflag:s5] =	ssyncset.done $0x0  }
0x6e1: {  	s25 =	simm.s32 $0x1300;
	[sflag:s5] =	ssyncadd.s32 $0xFFFFD000  }
0x6e2: {  	[tilespmem:s10], [sflag:$0x2] =	stream.indirect.gather [hbm4b:s1+s7], $0x80, s25, s7, $0xb8;
	[tilespmem:$0x1F600] =	vst v63  }
0x6e3: {  	_ =	swait.ge [sflag:s20], $0x3000  }
0x6e4: {  	[sflag:s20] =	ssyncset.done $0x0  }
0x6e5: {  	s11 =	simm.s32 $0x1180;
	[sflag:s20] =	ssyncadd.s32 $0xFFFFD000  }
0x6e6: {  	[spmem:s2] =	stream.indirect.scatter.add.f32 [tilespmem:s12], [sflag:$0x5], $0x80, s11, s7, $0xb8;
	[tilespmem:$0x1F600] =	vst v63  }
0x6e7: {  	_ =	swait.ge [sflag:s5], $0x3000  }
0x6e8: {  	[sflag:s5] =	ssyncset.done $0x0  }
0x6e9: {  	s24 =	simm.s32 $0x1400;
	[sflag:s5] =	ssyncadd.s32 $0xFFFFD000  }
0x6ea: {  	[tilespmem:s12], [sflag:$0x3] =	stream.indirect.gather [hbm4b:s1+s7], $0x80, s24, s7, $0xb8;
	[tilespmem:$0x1F600] =	vst v63  }
0x6eb: {  	_ =	swait.ge [sflag:s14], $0x3000  }
0x6ec: {  	[sflag:s14] =	ssyncset.done $0x0  }
0x6ed: {  	s25 =	simm.s32 $0x1280;
	[sflag:s14] =	ssyncadd.s32 $0xFFFFD000  }
0x6ee: {  	[spmem:s2] =	stream.indirect.scatter.add.f32 [tilespmem:s8], [sflag:$0x5], $0x80, s25, s7, $0xb8;
	[tilespmem:$0x1F600] =	vst v63  }
0x6ef: {  	_ =	swait.ge [sflag:s5], $0x3000  }
0x6f0: {  	[sflag:s5] =	ssyncset.done $0x0  }
0x6f1: {  	[sflag:s5] =	ssyncadd.s32 $0xFFFFD000  }
0x6f2: {  	_ =	swait.ge [sflag:s17], $0x3000  }
0x6f3: {  	[sflag:s17] =	ssyncset.done $0x0  }
0x6f4: {  	[sflag:s17] =	ssyncadd.s32 $0xFFFFD000  }
0x6f5: {  	[spmem:s2] =	stream.indirect.scatter.add.f32 [tilespmem:s10], [sflag:$0x5], $0x80, s22, s7, $0xb8;
	[tilespmem:$0x1F600] =	vst v63  }
0x6f6: {  	_ =	swait.ge [sflag:s5], $0x3000  }
0x6f7: {  	[sflag:s5] =	ssyncset.done $0x0  }
0x6f8: {  	[sflag:s5] =	ssyncadd.s32 $0xFFFFD000  }
0x6f9: {  	_ =	swait.ge [sflag:s20], $0x3000  }
0x6fa: {  	[sflag:s20] =	ssyncset.done $0x0  }
0x6fb: {  	[sflag:s20] =	ssyncadd.s32 $0xFFFFD000  }
0x6fc: {  	[spmem:s2] =	stream.indirect.scatter.add.f32 [tilespmem:s12], [sflag:$0x5], $0x80, s4, s7, $0xb8;
	[tilespmem:$0x1F600] =	vst v63  }
0x6fd: {  	_ =	swait.ge [sflag:s5], $0x3000  }
0x6fe: {  	[sflag:s5] =	ssyncset.done $0x0  }
0x6ff: {  	[sflag:s5] =	ssyncadd.s32 $0xFFFFD000  }
0x700: {  	[bflag:$0x0] =	sbarrier.arrive $0xFFFF  }
0x701: {  	s23 =	sadd.s32 $0xFFFFFFFF, s23;
	s11 =	rddreg [dreg:$0xa]  }
0x702: {  	p1 =	sne.s32 s23, $0x0;
	s22 =	rddreg [dreg:$0xd]  }
0x703: {  	[hbm:s11], [sflag:s3] =	dma.local [spmem:s22], $0x2700  }
.Ltmp1:
0x704: {  	_ =	swait.ge [sflag:s5], $0x2700;
	(pc) =	sbr.rel @p1 .LBB2_2-.Ltmp1, $4  }
0x705: {  	[sflag:s5] =	ssyncset.done $0x0;
	s24 =	rddreg [dreg:$0xb]  }
0x706: {  	s0 =	simm.s32 @!p0 $0x5;
	s25 =	rddreg [dreg:$0xe];
	[sflag:s5] =	ssyncadd.s32 $0xFFFFD900  }
0x707: {  	[hbm:s24], [sflag:s3] =	dma.local @!p0 [spmem:s25], $0x100  }
0x708: {  	_ =	swait.ge @!p0 [sflag:s0], $0x100  }
.LBB2_3:
0x709: {  	[sflag:s0] =	ssyncset.done @!p0 $0x0  }
0x70a: {  	[sflag:s0] =	ssyncadd.s32 @!p0 $0xFFFFFF00  }
0x70b: {  	_ =	sfence.sel $0x180000  }
0x70c: {  	[bflag:$0x0] =	sbarrier.arrive $0xFFFF  }
0x70d: {  	_ =	strace $0x90000047  }
0x70e: {  	[bflag:$0x2] =	sbarrier.arrive $0xFFFF  }
0x70f: {  	s0 =	rddreg [dreg:$0x3]  }
0x710: {  	s0 =	sadd.s32 @!p0 $0x100000, s0  }
0x711: {  	[sflag:s0] =	ssyncadd.tile.s32 @!p0 $0x1;
	_ =	shalt  }
.Lfunc_end2:
_tile_overlayer_lowered:
.L_overlay_start_2:
0x712: {  	(tag) =	ssettag $0x2  }
0x713: {  	s0 =	rddreg [dreg:$0x0];
	s2 =	stileid.u32  }
0x714: {  	s1 =	rddreg [dreg:$0x1];
	p0 =	sne.s32 s2, $0x0  }
0x715: {  	s3 =	rddreg [dreg:$0x2];
	[bflag:$0x3] =	sbarrier.arrive $0xFFFF;
	s2 =	simm.s32 @!p0 $0x1C05  }
0x716: {  	[timem:s3], [sflag:s2] =	dma.local @!p0 [hbm:s0], s1  }
0x717: {  	s0 =	simm.s32 @!p0 $0x5  }
0x718: {  	_ =	swait.ge @!p0 [sflag:s0], s1  }
0x719: {  	s1 =	ssub.s32 @!p0 $0x0, s1;
	[sflag:s0] =	ssyncset.done @!p0 $0x0  }
0x71a: {  	[sflag:s0] =	ssyncadd.s32 @!p0 s1  }
0x71b: {  	[bflag:$0x3] =	sbarrier.arrive $0xFFFF  }
0x71c: {  	_ =	shalt  }

</sc_bundles>
